<compile_context>
chip_gen: v7x
topology: tpu7x:2x2x1
jax: 0.10.2.dev20260603
libtpu: 0.0.44.dev20260713+nightly
codegen_flags: <defaults>
</compile_context>

<pallas_src>
import dataclasses
import functools

import jax
import jax.numpy as jnp
from jax import lax
from jax.experimental import pallas as pl
from jax.experimental.pallas import tpu as pltpu
from jax.experimental.pallas import tpu_sc as plsc

B, T, D, E, K, H, OUT = 32, 196, 768, 16, 2, 128, 18
N = B * T
TILE = 128
NT = N // TILE
GT = 896
NGT = N // GT
RCAP = (N * K // TILE + E) * TILE
NRT = RCAP // TILE
G = 64
NG = N // G
NSUB = 32
F32 = jnp.float32
I32 = jnp.int32

_SC_PARAMS = pltpu.CompilerParams()
if "needs_layout_passes" in pltpu.CompilerParams.__dataclass_fields__:
    _SC_PARAMS = dataclasses.replace(_SC_PARAMS, needs_layout_passes=False)


def _gate_body(x_ref, gw_ref, gb_ref, code_ref, w_ref,
               po_ref, eot_ref, c0_ref, c1_ref):
    i = pl.program_id(0)

    @pl.when(i == 0)
    def _():
        c0_ref[...] = jnp.zeros_like(c0_ref)
        c1_ref[...] = jnp.zeros_like(c1_ref)

    x = x_ref[...]
    logits = jnp.dot(x, gw_ref[...], preferred_element_type=F32)
    logits = logits + gb_ref[...]
    m = jnp.max(logits, axis=1, keepdims=True)
    ex = jnp.exp(logits - m)
    probs = ex / jnp.sum(ex, axis=1, keepdims=True)

    idx = lax.broadcasted_iota(I32, (GT, E), 1)
    m0 = jnp.max(probs, axis=1, keepdims=True)
    e0 = jnp.min(jnp.where(probs >= m0, idx, E + 1), axis=1)
    oh0 = (idx == e0[:, None]).astype(F32)
    probs2 = jnp.where(oh0 > 0, -1.0, probs)
    m1 = jnp.max(probs2, axis=1, keepdims=True)
    e1 = jnp.min(jnp.where(probs2 >= m1, idx, E + 1), axis=1)
    oh1 = (idx == e1[:, None]).astype(F32)

    r = lax.broadcasted_iota(I32, (GT, GT), 0)
    c = lax.broadcasted_iota(I32, (GT, GT), 1)
    lt = (r > c).astype(F32)
    ex0 = jnp.dot(lt, oh0, preferred_element_type=F32)
    ex1 = jnp.dot(lt, oh1, preferred_element_type=F32)
    rank0 = jnp.sum(ex0 * oh0, axis=1) + jnp.sum(oh0 * c0_ref[...], axis=1)
    rank1 = jnp.sum(ex1 * oh1, axis=1) + jnp.sum(oh1 * c1_ref[...], axis=1)
    c0_ref[...] = c0_ref[...] + jnp.sum(oh0, axis=0, keepdims=True)
    c1_ref[...] = c1_ref[...] + jnp.sum(oh1, axis=0, keepdims=True)

    col = lax.broadcasted_iota(I32, (GT, 2), 1)
    code0 = (rank0.astype(I32) << 4) | e0
    code1 = (rank1.astype(I32) << 4) | e1
    code_ref[...] = jnp.where(col == 0, code0[:, None], code1[:, None])
    w_ref[...] = jnp.where(col == 0, probs[:, 0:1], probs[:, 1:2])

    @pl.when(i == NGT - 1)
    def _():
        h0 = c0_ref[...]
        ht = c0_ref[...] + c1_ref[...]
        padded = jnp.ceil(ht / TILE) * TILE
        rr = lax.broadcasted_iota(I32, (E, E), 0)
        cc = lax.broadcasted_iota(I32, (E, E), 1)
        su = (rr < cc).astype(F32)
        po = jnp.dot(padded, su, preferred_element_type=F32)
        prow = lax.broadcasted_iota(I32, (8, E), 0)
        po_ref[...] = jnp.where(prow == 1, po + h0, po).astype(I32)
        tpos = lax.broadcasted_iota(I32, (TILE, E), 0).astype(F32) * TILE
        eot = jnp.sum((tpos >= po).astype(I32), axis=1) - 1
        eot = jnp.clip(eot, 0, E - 1)
        eot_ref[...] = jnp.broadcast_to(eot[None, :], (8, TILE))


def _gate(x2d, gate_w, gate_b):
    return pl.pallas_call(
        _gate_body,
        grid=(NGT,),
        in_specs=[
            pl.BlockSpec((GT, D), lambda i: (i, 0)),
            pl.BlockSpec((D, E), lambda i: (0, 0)),
            pl.BlockSpec((1, E), lambda i: (0, 0)),
        ],
        out_specs=[
            pl.BlockSpec((GT, 2), lambda i: (i, 0)),
            pl.BlockSpec((GT, 2), lambda i: (i, 0)),
            pl.BlockSpec((8, E), lambda i: (0, 0)),
            pl.BlockSpec((8, TILE), lambda i: (0, 0)),
        ],
        out_shape=[
            jax.ShapeDtypeStruct((N, 2), I32),
            jax.ShapeDtypeStruct((N, 2), F32),
            jax.ShapeDtypeStruct((8, E), I32),
            jax.ShapeDtypeStruct((8, TILE), I32),
        ],
        scratch_shapes=[pltpu.VMEM((1, E), F32), pltpu.VMEM((1, E), F32)],
        compiler_params=pltpu.CompilerParams(
            dimension_semantics=("arbitrary",)),
    )(x2d, gate_w, gate_b.reshape(1, E))


def _dispatch(xb, code, po2):
    @functools.partial(
        pl.kernel,
        mesh=plsc.VectorSubcoreMesh(core_axis_name="c", subcore_axis_name="s"),
        out_type=[jax.ShapeDtypeStruct((RCAP, D), F32),
                  jax.ShapeDtypeStruct((2, N), I32)],
        scratch_types=[pltpu.VMEM((2, G, D), F32),
                       pltpu.VMEM((G, 2), I32),
                       pltpu.VMEM((4, 2, G), I32),
                       pltpu.VMEM((2, E), I32),
                       pltpu.SemaphoreType.DMA,
                       pltpu.SemaphoreType.DMA,
                       pltpu.SemaphoreType.DMA,
                       pltpu.SemaphoreType.DMA],
        compiler_params=_SC_PARAMS,
    )
    def s1(x_hbm, code_hbm, po_hbm, xs_hbm, dest_hbm,
           rows_v, cd_v, dscr_v, po_v, sl0, sl1, ss0, ss1):
        wid = lax.axis_index("s") * 2 + lax.axis_index("c")
        base0 = wid * G
        base1 = (wid + NSUB) * G
        base2 = (wid + 2 * NSUB) * G
        ld0 = pltpu.make_async_copy(x_hbm.at[pl.ds(base0, G), :],
                                    rows_v.at[0], sl0)
        ld0.start()
        ld1 = pltpu.make_async_copy(x_hbm.at[pl.ds(base1, G), :],
                                    rows_v.at[1], sl1)
        ld1.start()
        pltpu.sync_copy(po_hbm.at[pl.ds(0, 2), :], po_v)

        def compute_dest(base, j):
            pltpu.sync_copy(code_hbm.at[pl.ds(base, G), :], cd_v)
            for k in range(2):
                kf = jnp.full((16,), k, I32)
                for jj in range(G // 16):
                    ridx = lax.iota(I32, 16) + 16 * jj
                    cd = plsc.load_gather(cd_v, [ridx, kf])
                    e = jnp.bitwise_and(cd, E - 1)
                    rk = lax.shift_right_logical(cd, 4)
                    dscr_v[j, k, pl.ds(16 * jj, 16)] = (
                        plsc.load_gather(po_v, [kf, e]) + rk)
            for k in range(2):
                pltpu.sync_copy(dscr_v.at[j, k], dest_hbm.at[k, pl.ds(base, G)])

        compute_dest(base0, 0)
        compute_dest(base1, 1)
        compute_dest(base2, 2)

        def scatter(j, buf, sem):
            hs = [pltpu.make_async_copy(rows_v.at[buf],
                                        xs_hbm.at[dscr_v.at[j, k]], sem)
                  for k in range(2)]
            for h in hs:
                h.start()
            return hs

        ld0.wait()
        sc0 = scatter(0, 0, ss0)
        ld1.wait()
        sc1 = scatter(1, 1, ss1)
        for h in sc0:
            h.wait()
        ld2 = pltpu.make_async_copy(x_hbm.at[pl.ds(base2, G), :],
                                    rows_v.at[0], sl0)
        ld2.start()
        ld2.wait()
        sc2 = scatter(2, 0, ss0)
        for h in sc1:
            h.wait()

        @pl.when(wid < NG - 3 * NSUB)
        def _():
            base3 = (wid + 3 * NSUB) * G
            pltpu.sync_copy(x_hbm.at[pl.ds(base3, G), :], rows_v.at[1])
            compute_dest(base3, 3)
            for k in range(2):
                pltpu.sync_copy(rows_v.at[1], xs_hbm.at[dscr_v.at[3, k]])

        for h in sc2:
            h.wait()

    return s1(xb, code, po2)


def _mlp_body(eot_ref, xs_ref, w1_ref, b1_ref, w2_ref, b2_ref, w3_ref, b3_ref,
              y_ref):
    x = xs_ref[...].astype(jnp.bfloat16)
    h = jnp.dot(x, w1_ref[0], preferred_element_type=F32) + b1_ref[0]
    h = jnp.maximum(h, 0.0).astype(jnp.bfloat16)
    h = jnp.dot(h, w2_ref[0], preferred_element_type=F32) + b2_ref[0]
    h = jnp.maximum(h, 0.0).astype(jnp.bfloat16)
    h = jnp.dot(h, w3_ref[0], preferred_element_type=F32) + b3_ref[0]
    y_ref[...] = jnp.maximum(h, 0.0)


def _moe_mlp(eot, xs, ew1, eb1, ew2, eb2, ew3, eb3):
    grid_spec = pltpu.PrefetchScalarGridSpec(
        num_scalar_prefetch=1,
        grid=(NRT,),
        in_specs=[
            pl.BlockSpec((TILE, D), lambda i, eot: (i, 0)),
            pl.BlockSpec((1, D, H), lambda i, eot: (eot[0, i], 0, 0)),
            pl.BlockSpec((1, 1, H), lambda i, eot: (eot[0, i], 0, 0)),
            pl.BlockSpec((1, H, H), lambda i, eot: (eot[0, i], 0, 0)),
            pl.BlockSpec((1, 1, H), lambda i, eot: (eot[0, i], 0, 0)),
            pl.BlockSpec((1, H, H), lambda i, eot: (eot[0, i], 0, 0)),
            pl.BlockSpec((1, 1, H), lambda i, eot: (eot[0, i], 0, 0)),
        ],
        out_specs=pl.BlockSpec((TILE, H), lambda i, eot: (i, 0)),
    )
    return pl.pallas_call(
        _mlp_body,
        grid_spec=grid_spec,
        out_shape=jax.ShapeDtypeStruct((RCAP, H), F32),
        compiler_params=pltpu.CompilerParams(
            dimension_semantics=("arbitrary",)),
    )(eot, xs, ew1.astype(jnp.bfloat16), eb1.reshape(E, 1, H),
      ew2.astype(jnp.bfloat16), eb2.reshape(E, 1, H),
      ew3.astype(jnp.bfloat16), eb3.reshape(E, 1, H))


def _gather_pairs(dest, y):
    @functools.partial(
        pl.kernel,
        mesh=plsc.VectorSubcoreMesh(core_axis_name="c", subcore_axis_name="s"),
        out_type=jax.ShapeDtypeStruct((2, N, H), F32),
        scratch_types=[pltpu.VMEM((8, G, H), F32),
                       pltpu.VMEM((4, 2, G), I32),
                       pltpu.SemaphoreType.DMA,
                       pltpu.SemaphoreType.DMA],
        compiler_params=_SC_PARAMS,
    )
    def s2(dest_hbm, y_hbm, z_hbm, z_v, d_v, sg, sw):
        wid = lax.axis_index("s") * 2 + lax.axis_index("c")
        gathers = []
        for j in range(3):
            base = (wid + NSUB * j) * G
            for k in range(2):
                pltpu.sync_copy(dest_hbm.at[k, pl.ds(base, G)], d_v.at[j, k])
                gathers.append(pltpu.make_async_copy(
                    y_hbm.at[d_v.at[j, k]], z_v.at[2 * j + k], sg))
                gathers[-1].start()
        for h in gathers:
            h.wait()
        writes = []
        for j in range(3):
            base = (wid + NSUB * j) * G
            for k in range(2):
                writes.append(pltpu.make_async_copy(
                    z_v.at[2 * j + k], z_hbm.at[k, pl.ds(base, G), :], sw))
                writes[-1].start()

        @pl.when(wid < NG - 3 * NSUB)
        def _():
            base = (wid + 3 * NSUB) * G
            for k in range(2):
                pltpu.sync_copy(dest_hbm.at[k, pl.ds(base, G)], d_v.at[3, k])
                pltpu.sync_copy(y_hbm.at[d_v.at[3, k]], z_v.at[6 + k])
                pltpu.sync_copy(z_v.at[6 + k], z_hbm.at[k, pl.ds(base, G), :])

        for h in writes:
            h.wait()

    return s2(dest, y)


TK = 28
NKC = T // TK
TB = TK * B


def _cd_body(z_ref, w_ref, w2_ref, b2_ref, w3_ref, b3_ref,
             w4_ref, b4_ref, w5_ref, b5_ref, w6_ref, b6_ref,
             o_ref, acc_ref):
    i = pl.program_id(0)

    @pl.when(i == 0)
    def _():
        acc_ref[...] = jnp.zeros_like(acc_ref)

    w = w_ref[...]
    a = w[:, 0:1] * z_ref[0] + w[:, 1:2] * z_ref[1]
    a = jnp.maximum(a, 0.0).astype(jnp.bfloat16)
    y = jnp.dot(a, w2_ref[...], preferred_element_type=F32) + b2_ref[...]
    y = jnp.maximum(y, 0.0).astype(jnp.bfloat16)
    y = jnp.dot(y, w3_ref[...], preferred_element_type=F32) + b3_ref[...]
    y = jnp.maximum(y, 0.0).astype(jnp.bfloat16)
    y = y.reshape(TK, B, H)
    acc = acc_ref[...]
    for tk in range(TK):
        acc += jnp.dot(y[tk], w4_ref[tk].astype(jnp.bfloat16),
                       preferred_element_type=F32)
    acc_ref[...] = acc

    @pl.when(i == NKC - 1)
    def _():
        zz = jnp.maximum(acc_ref[...] + b4_ref[...], 0.0).astype(jnp.bfloat16)
        zz = jnp.dot(zz, w5_ref[...].astype(jnp.bfloat16),
                     preferred_element_type=F32) + b5_ref[...]
        zz = jnp.maximum(zz, 0.0).astype(jnp.bfloat16)
        o_ref[...] = jnp.dot(zz, w6_ref[...].astype(jnp.bfloat16),
                             preferred_element_type=F32) + b6_ref[...]


def _cd(z, wco, fc2_w, fc2_b, fc3_w, fc3_b, fc4_w, fc4_b,
        fc5_w, fc5_b, fc6_w, fc6_b):
    return pl.pallas_call(
        _cd_body,
        grid=(NKC,),
        in_specs=[
            pl.BlockSpec((2, TB, H), lambda i: (0, i, 0)),
            pl.BlockSpec((TB, 2), lambda i: (i, 0)),
            pl.BlockSpec((H, H), lambda i: (0, 0)),
            pl.BlockSpec((1, H), lambda i: (0, 0)),
            pl.BlockSpec((H, H), lambda i: (0, 0)),
            pl.BlockSpec((1, H), lambda i: (0, 0)),
            pl.BlockSpec((TK, H, H), lambda i: (i, 0, 0)),
            pl.BlockSpec((1, H), lambda i: (0, 0)),
            pl.BlockSpec((H, H), lambda i: (0, 0)),
            pl.BlockSpec((1, H), lambda i: (0, 0)),
            pl.BlockSpec((H, OUT), lambda i: (0, 0)),
            pl.BlockSpec((1, OUT), lambda i: (0, 0)),
        ],
        out_specs=pl.BlockSpec((B, OUT), lambda i: (0, 0)),
        out_shape=jax.ShapeDtypeStruct((B, OUT), F32),
        scratch_shapes=[pltpu.VMEM((B, H), F32)],
        compiler_params=pltpu.CompilerParams(
            dimension_semantics=("arbitrary",)),
    )(z, wco, fc2_w.astype(jnp.bfloat16), fc2_b.reshape(1, H),
      fc3_w.astype(jnp.bfloat16), fc3_b.reshape(1, H),
      fc4_w.reshape(T, H, H), fc4_b.reshape(1, H),
      fc5_w, fc5_b.reshape(1, H), fc6_w, fc6_b.reshape(1, OUT))


def kernel(x, gate_w, gate_b, ew1, eb1, ew2, eb2, ew3, eb3,
           fc2_w, fc2_b, fc3_w, fc3_b, fc4_w, fc4_b,
           fc5_w, fc5_b, fc6_w, fc6_b):
    x2d = jnp.transpose(x, (1, 0, 2)).reshape(N, D)
    code, wco, po2, eot_pad = _gate(x2d, gate_w, gate_b)
    xs, dest = _dispatch(x2d, code, po2)
    y = _moe_mlp(eot_pad, xs, ew1, eb1, ew2, eb2, ew3, eb3)
    z = _gather_pairs(dest, y)
    return _cd(z, wco, fc2_w, fc2_b, fc3_w, fc3_b, fc4_w, fc4_b,
               fc5_w, fc5_b, fc6_w, fc6_b)

# --- scband reference (transcript-rebuilt; emitter-appended) ---
"""Pipeline reference for scband-mo-e-58162447122836 (READ-ONLY COPY).

The authoritative reference and input builder live on the scoring server;
editing this copy changes nothing except your own understanding.
"""

import jax, jax.numpy as jnp
import numpy as np

B, T, D, E, K, H, OUT = 32, 196, 768, 16, 2, 128, 18


def setup_inputs(seed: int = 0) -> dict:
    key = jax.random.key(seed)
    ks = jax.random.split(key, 24)
    s = 0.02
    inp = {
        'x': jax.random.normal(ks[0], (B, T, D), dtype=jnp.float32),
        'gate_w': jax.random.normal(ks[1], (D, E), dtype=jnp.float32) * s,
        'gate_b': jnp.zeros((E,), dtype=jnp.float32),
        'ew1': jax.random.normal(ks[2], (E, D, H), dtype=jnp.float32) * s,
        'eb1': jnp.zeros((E, H), dtype=jnp.float32),
        'ew2': jax.random.normal(ks[3], (E, H, H), dtype=jnp.float32) * s,
        'eb2': jnp.zeros((E, H), dtype=jnp.float32),
        'ew3': jax.random.normal(ks[4], (E, H, H), dtype=jnp.float32) * s,
        'eb3': jnp.zeros((E, H), dtype=jnp.float32),
        'fc2_w': jax.random.normal(ks[5], (H, H), dtype=jnp.float32) * s,
        'fc2_b': jnp.zeros((H,), dtype=jnp.float32),
        'fc3_w': jax.random.normal(ks[6], (H, H), dtype=jnp.float32) * s,
        'fc3_b': jnp.zeros((H,), dtype=jnp.float32),
        'fc4_w': jax.random.normal(ks[7], (T * H, H), dtype=jnp.float32) * s,
        'fc4_b': jnp.zeros((H,), dtype=jnp.float32),
        'fc5_w': jax.random.normal(ks[8], (H, H), dtype=jnp.float32) * s,
        'fc5_b': jnp.zeros((H,), dtype=jnp.float32),
        'fc6_w': jax.random.normal(ks[9], (H, OUT), dtype=jnp.float32) * s,
        'fc6_b': jnp.zeros((OUT,), dtype=jnp.float32),
    }
    return inp


def reference(x, gate_w, gate_b, ew1, eb1, ew2, eb2, ew3, eb3,
              fc2_w, fc2_b, fc3_w, fc3_b, fc4_w, fc4_b,
              fc5_w, fc5_b, fc6_w, fc6_b):
    # MoeFc gate: softmax over experts (last dim)
    logits = jnp.einsum('btd,de->bte', x, gate_w) + gate_b
    probs = jax.nn.softmax(logits, axis=-1)  # [B,T,E]
    topv, topi = jax.lax.top_k(probs, K)     # [B,T,K]
    # NOTE: the original torch code indexes gateProbabilities[b, t, slot]
    # (slot in [0,K)) rather than at the expert index -- reproduce faithfully.
    slot_probs = probs[..., :K]              # [B,T,K]
    # per-token, per-expert combine weight (topk indices unique per token)
    onehot = jax.nn.one_hot(topi, E, dtype=x.dtype)       # [B,T,K,E]
    w = jnp.einsum('btke,btk->bte', onehot, slot_probs)   # [B,T,E]
    # expert MLPs (3x linear+relu) computed densely, masked by w
    h1 = jax.nn.relu(jnp.einsum('btd,edh->bteh', x, ew1) + eb1)
    h2 = jax.nn.relu(jnp.einsum('bteh,ehg->bteg', h1, ew2) + eb2)
    h3 = jax.nn.relu(jnp.einsum('bteg,ego->bteo', h2, ew3) + eb3)
    outputs = jnp.einsum('bteo,bte->bto', h3, w)          # [B,T,H]
    y = jax.nn.relu(outputs)
    y = jax.nn.relu(y @ fc2_w + fc2_b)
    y = jax.nn.relu(y @ fc3_w + fc3_b)
    y = y.reshape(y.shape[0], -1)
    y = jax.nn.relu(y @ fc4_w + fc4_b)
    y = jax.nn.relu(y @ fc5_w + fc5_b)
    y = y @ fc6_w + fc6_b
    return y

if __name__ == "__main__":
    import jax
    _d = setup_inputs()
    print(jax.jit(kernel)(*tuple(_d.values())))

</pallas_src>

<mosaic_0001>
#map = affine_map<(d0, d1) -> (0, 0)>
module attributes {stable_mosaic.version = 14 : i64} {
  func.func @s1(%arg0: i32, %arg1: i32, %arg2: memref<6272x768xf32, #tpu.memory_space<hbm>>, %arg3: memref<6272x2xi32, #tpu.memory_space<hbm>>, %arg4: memref<8x16xi32, #tpu.memory_space<hbm>>, %arg5: memref<14592x768xf32, #tpu.memory_space<hbm>>, %arg6: memref<2x6272xi32, #tpu.memory_space<hbm>>, %arg7: memref<2x64x768xf32, #tpu.memory_space<vmem>>, %arg8: memref<64x2xi32, #tpu.memory_space<vmem>>, %arg9: memref<4x2x64xi32, #tpu.memory_space<vmem>>, %arg10: memref<2x16xi32, #tpu.memory_space<vmem>>, %arg11: memref<!tpu.dma_semaphore, #tpu.memory_space<semaphore_mem>>, %arg12: memref<!tpu.dma_semaphore, #tpu.memory_space<semaphore_mem>>, %arg13: memref<!tpu.dma_semaphore, #tpu.memory_space<semaphore_mem>>, %arg14: memref<!tpu.dma_semaphore, #tpu.memory_space<semaphore_mem>>) attributes {dimension_semantics = [#tpu.dimension_semantics<core_parallel>, #tpu.dimension_semantics<subcore_parallel>], iteration_bounds = array<i64: 2, 16>, scalar_prefetch = 0 : i64, scratch_operands = 8 : i64, tpu.core_type = #tpu.core_type<sc_vector_subcore>, window_params = [{transform_indices = #map}, {transform_indices = #map}, {transform_indices = #map}, {transform_indices = #map}, {transform_indices = #map}]} {
    %mul3A = arith.constant 2 : i32
    %mul3A_0 = arith.muli %arg1, %mul3A : i32
    %add3A = arith.addi %mul3A_0, %arg0 : i32
    %mul3A_1 = arith.constant 64 : i32
    %mul3A_2 = arith.muli %add3A, %mul3A_1 : i32
    %add3A_3 = arith.constant 32 : i32
    %add3A_4 = arith.addi %add3A, %add3A_3 : i32
    %mul3A_5 = arith.constant 64 : i32
    %mul3A_6 = arith.muli %add3A_4, %mul3A_5 : i32
    %add3A_7 = arith.constant 64 : i32
    %add3A_8 = arith.addi %add3A, %add3A_7 : i32
    %mul3A_9 = arith.constant 64 : i32
    %mul3A_10 = arith.muli %add3A_8, %mul3A_9 : i32
    %dma_start3A = arith.constant 0 : i32
    %dma_start3A_11 = arith.constant 0 : i32
    %dma_start3A_12 = arith.constant 0 : i32
    %dma_start3A_13 = tpu.memref_slice %arg7[%dma_start3A, %dma_start3A_11, %dma_start3A_12] : memref<2x64x768xf32, #tpu.memory_space<vmem>> -> memref<1x64x768xf32, #tpu.memory_space<vmem>>
    %dma_start3A_14 = tpu.memref_squeeze %dma_start3A_13 : memref<1x64x768xf32, #tpu.memory_space<vmem>> -> memref<64x768xf32, #tpu.memory_space<vmem>>
    %dma_start3A_15 = arith.constant 0 : i32
    %dma_start3A_16 = tpu.memref_slice %arg2[%mul3A_2, %dma_start3A_15] : memref<6272x768xf32, #tpu.memory_space<hbm>> -> memref<64x768xf32, #tpu.memory_space<hbm>>
    %dma_start3A_17 = arith.constant 0 : i32
    %dma_start3A_18 = arith.constant 0 : i32
    %dma_start3A_19 = tpu.memref_slice %arg7[%dma_start3A, %dma_start3A_17, %dma_start3A_18] : memref<2x64x768xf32, #tpu.memory_space<vmem>> -> memref<1x64x768xf32, #tpu.memory_space<vmem>>
    %dma_start3A_20 = tpu.memref_squeeze %dma_start3A_19 : memref<1x64x768xf32, #tpu.memory_space<vmem>> -> memref<64x768xf32, #tpu.memory_space<vmem>>
    %dma_start3A_21 = arith.constant 0 : i32
    %dma_start3A_22 = tpu.memref_slice %arg2[%mul3A_2, %dma_start3A_21] : memref<6272x768xf32, #tpu.memory_space<hbm>> -> memref<64x768xf32, #tpu.memory_space<hbm>>
    tpu.enqueue_dma source(%dma_start3A_22 : memref<64x768xf32, #tpu.memory_space<hbm>>) target(%dma_start3A_20 : memref<64x768xf32, #tpu.memory_space<vmem>>) target_semaphore(%arg11 : memref<!tpu.dma_semaphore, #tpu.memory_space<semaphore_mem>>)
    %dma_start3A_23 = arith.constant 1 : i32
    %dma_start3A_24 = arith.constant 0 : i32
    %dma_start3A_25 = arith.constant 0 : i32
    %dma_start3A_26 = tpu.memref_slice %arg7[%dma_start3A_23, %dma_start3A_24, %dma_start3A_25] : memref<2x64x768xf32, #tpu.memory_space<vmem>> -> memref<1x64x768xf32, #tpu.memory_space<vmem>>
    %dma_start3A_27 = tpu.memref_squeeze %dma_start3A_26 : memref<1x64x768xf32, #tpu.memory_space<vmem>> -> memref<64x768xf32, #tpu.memory_space<vmem>>
    %dma_start3A_28 = arith.constant 0 : i32
    %dma_start3A_29 = tpu.memref_slice %arg2[%mul3A_6, %dma_start3A_28] : memref<6272x768xf32, #tpu.memory_space<hbm>> -> memref<64x768xf32, #tpu.memory_space<hbm>>
    %dma_start3A_30 = arith.constant 0 : i32
    %dma_start3A_31 = arith.constant 0 : i32
    %dma_start3A_32 = tpu.memref_slice %arg7[%dma_start3A_23, %dma_start3A_30, %dma_start3A_31] : memref<2x64x768xf32, #tpu.memory_space<vmem>> -> memref<1x64x768xf32, #tpu.memory_space<vmem>>
    %dma_start3A_33 = tpu.memref_squeeze %dma_start3A_32 : memref<1x64x768xf32, #tpu.memory_space<vmem>> -> memref<64x768xf32, #tpu.memory_space<vmem>>
    %dma_start3A_34 = arith.constant 0 : i32
    %dma_start3A_35 = tpu.memref_slice %arg2[%mul3A_6, %dma_start3A_34] : memref<6272x768xf32, #tpu.memory_space<hbm>> -> memref<64x768xf32, #tpu.memory_space<hbm>>
    tpu.enqueue_dma source(%dma_start3A_35 : memref<64x768xf32, #tpu.memory_space<hbm>>) target(%dma_start3A_33 : memref<64x768xf32, #tpu.memory_space<vmem>>) target_semaphore(%arg12 : memref<!tpu.dma_semaphore, #tpu.memory_space<semaphore_mem>>)
    "tpu.region"() ({
      %run_scoped3A_724 = tpu.sem_alloc : memref<!tpu.dma_semaphore, #tpu.memory_space<semaphore_mem>>
      %dma_start3A_725 = arith.constant 0 : i32
      %dma_start3A_726 = arith.constant 0 : i32
      %dma_start3A_727 = tpu.memref_slice %arg4[%dma_start3A_725, %dma_start3A_726] : memref<8x16xi32, #tpu.memory_space<hbm>> -> memref<2x16xi32, #tpu.memory_space<hbm>>
      %dma_start3A_728 = arith.constant 0 : i32
      %dma_start3A_729 = arith.constant 0 : i32
      %dma_start3A_730 = tpu.memref_slice %arg4[%dma_start3A_728, %dma_start3A_729] : memref<8x16xi32, #tpu.memory_space<hbm>> -> memref<2x16xi32, #tpu.memory_space<hbm>>
      tpu.enqueue_dma source(%dma_start3A_730 : memref<2x16xi32, #tpu.memory_space<hbm>>) target(%arg10 : memref<2x16xi32, #tpu.memory_space<vmem>>) target_semaphore(%run_scoped3A_724 : memref<!tpu.dma_semaphore, #tpu.memory_space<semaphore_mem>>)
      %dma_wait3A_731 = arith.constant 0 : i32
      %dma_wait3A_732 = arith.constant 0 : i32
      %dma_wait3A_733 = tpu.memref_slice %arg4[%dma_wait3A_731, %dma_wait3A_732] : memref<8x16xi32, #tpu.memory_space<hbm>> -> memref<2x16xi32, #tpu.memory_space<hbm>>
      %dma_wait3A_734 = arith.constant 0 : i32
      %dma_wait3A_735 = arith.constant 0 : i32
      %dma_wait3A_736 = tpu.memref_slice %arg4[%dma_wait3A_734, %dma_wait3A_735] : memref<8x16xi32, #tpu.memory_space<hbm>> -> memref<2x16xi32, #tpu.memory_space<hbm>>
      tpu.wait_dma2 semaphore(%run_scoped3A_724 : memref<!tpu.dma_semaphore, #tpu.memory_space<semaphore_mem>>) src(%dma_wait3A_736 : memref<2x16xi32, #tpu.memory_space<hbm>>) dst(%arg10 : memref<2x16xi32, #tpu.memory_space<vmem>>)
      tpu.yield
    }) : () -> ()
    "tpu.region"() ({
      %run_scoped3A_724 = tpu.sem_alloc : memref<!tpu.dma_semaphore, #tpu.memory_space<semaphore_mem>>
      %dma_start3A_725 = arith.constant 0 : i32
      %dma_start3A_726 = tpu.memref_slice %arg3[%mul3A_2, %dma_start3A_725] : memref<6272x2xi32, #tpu.memory_space<hbm>> -> memref<64x2xi32, #tpu.memory_space<hbm>>
      %dma_start3A_727 = arith.constant 0 : i32
      %dma_start3A_728 = tpu.memref_slice %arg3[%mul3A_2, %dma_start3A_727] : memref<6272x2xi32, #tpu.memory_space<hbm>> -> memref<64x2xi32, #tpu.memory_space<hbm>>
      tpu.enqueue_dma source(%dma_start3A_728 : memref<64x2xi32, #tpu.memory_space<hbm>>) target(%arg8 : memref<64x2xi32, #tpu.memory_space<vmem>>) target_semaphore(%run_scoped3A_724 : memref<!tpu.dma_semaphore, #tpu.memory_space<semaphore_mem>>)
      %dma_wait3A_729 = arith.constant 0 : i32
      %dma_wait3A_730 = tpu.memref_slice %arg3[%mul3A_2, %dma_wait3A_729] : memref<6272x2xi32, #tpu.memory_space<hbm>> -> memref<64x2xi32, #tpu.memory_space<hbm>>
      %dma_wait3A_731 = arith.constant 0 : i32
      %dma_wait3A_732 = tpu.memref_slice %arg3[%mul3A_2, %dma_wait3A_731] : memref<6272x2xi32, #tpu.memory_space<hbm>> -> memref<64x2xi32, #tpu.memory_space<hbm>>
      tpu.wait_dma2 semaphore(%run_scoped3A_724 : memref<!tpu.dma_semaphore, #tpu.memory_space<semaphore_mem>>) src(%dma_wait3A_732 : memref<64x2xi32, #tpu.memory_space<hbm>>) dst(%arg8 : memref<64x2xi32, #tpu.memory_space<vmem>>)
      tpu.yield
    }) : () -> ()
    %broadcast_in_dim3A = arith.constant 0 : i32
    %broadcast_in_dim3A_36 = vector.broadcast %broadcast_in_dim3A : i32 to vector<16xi32>
    %iota3A = tpu.iota {dimensions = array<i32: 0>} : vector<16xi32>
    %add3A_37 = arith.constant 0 : i32
    %add3A_38 = vector.broadcast %add3A_37 : i32 to vector<16xi32>
    %add3A_39 = arith.addi %iota3A, %add3A_38 : vector<16xi32>
    %gather3A = tpu.vector_load_idx %arg8[%add3A_39, %broadcast_in_dim3A_36] : memref<64x2xi32, #tpu.memory_space<vmem>>[vector<16xi32>, vector<16xi32>], vector<16xi32>,
    %and3A = arith.constant 15 : i32
    %and3A_40 = vector.broadcast %and3A : i32 to vector<16xi32>
    %and3A_41 = arith.andi %gather3A, %and3A_40 : vector<16xi32>
    %shift_right_logical3A = arith.constant 4 : i32
    %shift_right_logical3A_42 = vector.broadcast %shift_right_logical3A : i32 to vector<16xi32>
    %shift_right_logical3A_43 = arith.shrui %gather3A, %shift_right_logical3A_42 : vector<16xi32>
    %gather3A_44 = tpu.vector_load_idx %arg10[%broadcast_in_dim3A_36, %and3A_41] : memref<2x16xi32, #tpu.memory_space<vmem>>[vector<16xi32>, vector<16xi32>], vector<16xi32>,
    %add3A_45 = arith.addi %gather3A_44, %shift_right_logical3A_43 : vector<16xi32>
    %swap3A = arith.constant 0 : i32
    %swap3A_46 = arith.constant 0 : i32
    %swap3A_47 = arith.index_cast %swap3A : i32 to index
    %swap3A_48 = arith.index_cast %swap3A_46 : i32 to index
    %swap3A_49 = arith.constant 0 : index
    %swap3A_50 = tpu.vector_load %arg9[%swap3A_47, %swap3A_48, %swap3A_49] {strides = array<i32>} : memref<4x2x64xi32, #tpu.memory_space<vmem>>, vector<16xi32>,
    tpu.vector_store %arg9[%swap3A_47, %swap3A_48, %swap3A_49], %add3A_45 {strides = array<i32>} : memref<4x2x64xi32, #tpu.memory_space<vmem>>, vector<16xi32>,
    %iota3A_51 = tpu.iota {dimensions = array<i32: 0>} : vector<16xi32>
    %add3A_52 = arith.constant 16 : i32
    %add3A_53 = vector.broadcast %add3A_52 : i32 to vector<16xi32>
    %add3A_54 = arith.addi %iota3A_51, %add3A_53 : vector<16xi32>
    %gather3A_55 = tpu.vector_load_idx %arg8[%add3A_54, %broadcast_in_dim3A_36] : memref<64x2xi32, #tpu.memory_space<vmem>>[vector<16xi32>, vector<16xi32>], vector<16xi32>,
    %and3A_56 = arith.constant 15 : i32
    %and3A_57 = vector.broadcast %and3A_56 : i32 to vector<16xi32>
    %and3A_58 = arith.andi %gather3A_55, %and3A_57 : vector<16xi32>
    %shift_right_logical3A_59 = arith.constant 4 : i32
    %shift_right_logical3A_60 = vector.broadcast %shift_right_logical3A_59 : i32 to vector<16xi32>
    %shift_right_logical3A_61 = arith.shrui %gather3A_55, %shift_right_logical3A_60 : vector<16xi32>
    %gather3A_62 = tpu.vector_load_idx %arg10[%broadcast_in_dim3A_36, %and3A_58] : memref<2x16xi32, #tpu.memory_space<vmem>>[vector<16xi32>, vector<16xi32>], vector<16xi32>,
    %add3A_63 = arith.addi %gather3A_62, %shift_right_logical3A_61 : vector<16xi32>
    %swap3A_64 = arith.constant 0 : i32
    %swap3A_65 = arith.constant 0 : i32
    %swap3A_66 = arith.index_cast %swap3A_64 : i32 to index
    %swap3A_67 = arith.index_cast %swap3A_65 : i32 to index
    %swap3A_68 = arith.constant 16 : index
    %swap3A_69 = tpu.vector_load %arg9[%swap3A_66, %swap3A_67, %swap3A_68] {strides = array<i32>} : memref<4x2x64xi32, #tpu.memory_space<vmem>>, vector<16xi32>,
    tpu.vector_store %arg9[%swap3A_66, %swap3A_67, %swap3A_68], %add3A_63 {strides = array<i32>} : memref<4x2x64xi32, #tpu.memory_space<vmem>>, vector<16xi32>,
    %iota3A_70 = tpu.iota {dimensions = array<i32: 0>} : vector<16xi32>
    %add3A_71 = arith.constant 32 : i32
    %add3A_72 = vector.broadcast %add3A_71 : i32 to vector<16xi32>
    %add3A_73 = arith.addi %iota3A_70, %add3A_72 : vector<16xi32>
    %gather3A_74 = tpu.vector_load_idx %arg8[%add3A_73, %broadcast_in_dim3A_36] : memref<64x2xi32, #tpu.memory_space<vmem>>[vector<16xi32>, vector<16xi32>], vector<16xi32>,
    %and3A_75 = arith.constant 15 : i32
    %and3A_76 = vector.broadcast %and3A_75 : i32 to vector<16xi32>
    %and3A_77 = arith.andi %gather3A_74, %and3A_76 : vector<16xi32>
    %shift_right_logical3A_78 = arith.constant 4 : i32
    %shift_right_logical3A_79 = vector.broadcast %shift_right_logical3A_78 : i32 to vector<16xi32>
    %shift_right_logical3A_80 = arith.shrui %gather3A_74, %shift_right_logical3A_79 : vector<16xi32>
    %gather3A_81 = tpu.vector_load_idx %arg10[%broadcast_in_dim3A_36, %and3A_77] : memref<2x16xi32, #tpu.memory_space<vmem>>[vector<16xi32>, vector<16xi32>], vector<16xi32>,
    %add3A_82 = arith.addi %gather3A_81, %shift_right_logical3A_80 : vector<16xi32>
    %swap3A_83 = arith.constant 0 : i32
    %swap3A_84 = arith.constant 0 : i32
    %swap3A_85 = arith.index_cast %swap3A_83 : i32 to index
    %swap3A_86 = arith.index_cast %swap3A_84 : i32 to index
    %swap3A_87 = arith.constant 32 : index
    %swap3A_88 = tpu.vector_load %arg9[%swap3A_85, %swap3A_86, %swap3A_87] {strides = array<i32>} : memref<4x2x64xi32, #tpu.memory_space<vmem>>, vector<16xi32>,
    tpu.vector_store %arg9[%swap3A_85, %swap3A_86, %swap3A_87], %add3A_82 {strides = array<i32>} : memref<4x2x64xi32, #tpu.memory_space<vmem>>, vector<16xi32>,
    %iota3A_89 = tpu.iota {dimensions = array<i32: 0>} : vector<16xi32>
    %add3A_90 = arith.constant 48 : i32
    %add3A_91 = vector.broadcast %add3A_90 : i32 to vector<16xi32>
    %add3A_92 = arith.addi %iota3A_89, %add3A_91 : vector<16xi32>
    %gather3A_93 = tpu.vector_load_idx %arg8[%add3A_92, %broadcast_in_dim3A_36] : memref<64x2xi32, #tpu.memory_space<vmem>>[vector<16xi32>, vector<16xi32>], vector<16xi32>,
    %and3A_94 = arith.constant 15 : i32
    %and3A_95 = vector.broadcast %and3A_94 : i32 to vector<16xi32>
    %and3A_96 = arith.andi %gather3A_93, %and3A_95 : vector<16xi32>
    %shift_right_logical3A_97 = arith.constant 4 : i32
    %shift_right_logical3A_98 = vector.broadcast %shift_right_logical3A_97 : i32 to vector<16xi32>
    %shift_right_logical3A_99 = arith.shrui %gather3A_93, %shift_right_logical3A_98 : vector<16xi32>
    %gather3A_100 = tpu.vector_load_idx %arg10[%broadcast_in_dim3A_36, %and3A_96] : memref<2x16xi32, #tpu.memory_space<vmem>>[vector<16xi32>, vector<16xi32>], vector<16xi32>,
    %add3A_101 = arith.addi %gather3A_100, %shift_right_logical3A_99 : vector<16xi32>
    %swap3A_102 = arith.constant 0 : i32
    %swap3A_103 = arith.constant 0 : i32
    %swap3A_104 = arith.index_cast %swap3A_102 : i32 to index
    %swap3A_105 = arith.index_cast %swap3A_103 : i32 to index
    %swap3A_106 = arith.constant 48 : index
    %swap3A_107 = tpu.vector_load %arg9[%swap3A_104, %swap3A_105, %swap3A_106] {strides = array<i32>} : memref<4x2x64xi32, #tpu.memory_space<vmem>>, vector<16xi32>,
    tpu.vector_store %arg9[%swap3A_104, %swap3A_105, %swap3A_106], %add3A_101 {strides = array<i32>} : memref<4x2x64xi32, #tpu.memory_space<vmem>>, vector<16xi32>,
    %broadcast_in_dim3A_108 = arith.constant 1 : i32
    %broadcast_in_dim3A_109 = vector.broadcast %broadcast_in_dim3A_108 : i32 to vector<16xi32>
    %iota3A_110 = tpu.iota {dimensions = array<i32: 0>} : vector<16xi32>
    %add3A_111 = arith.constant 0 : i32
    %add3A_112 = vector.broadcast %add3A_111 : i32 to vector<16xi32>
    %add3A_113 = arith.addi %iota3A_110, %add3A_112 : vector<16xi32>
    %gather3A_114 = tpu.vector_load_idx %arg8[%add3A_113, %broadcast_in_dim3A_109] : memref<64x2xi32, #tpu.memory_space<vmem>>[vector<16xi32>, vector<16xi32>], vector<16xi32>,
    %and3A_115 = arith.constant 15 : i32
    %and3A_116 = vector.broadcast %and3A_115 : i32 to vector<16xi32>
    %and3A_117 = arith.andi %gather3A_114, %and3A_116 : vector<16xi32>
    %shift_right_logical3A_118 = arith.constant 4 : i32
    %shift_right_logical3A_119 = vector.broadcast %shift_right_logical3A_118 : i32 to vector<16xi32>
    %shift_right_logical3A_120 = arith.shrui %gather3A_114, %shift_right_logical3A_119 : vector<16xi32>
    %gather3A_121 = tpu.vector_load_idx %arg10[%broadcast_in_dim3A_109, %and3A_117] : memref<2x16xi32, #tpu.memory_space<vmem>>[vector<16xi32>, vector<16xi32>], vector<16xi32>,
    %add3A_122 = arith.addi %gather3A_121, %shift_right_logical3A_120 : vector<16xi32>
    %swap3A_123 = arith.constant 0 : i32
    %swap3A_124 = arith.constant 1 : i32
    %swap3A_125 = arith.index_cast %swap3A_123 : i32 to index
    %swap3A_126 = arith.index_cast %swap3A_124 : i32 to index
    %swap3A_127 = arith.constant 0 : index
    %swap3A_128 = tpu.vector_load %arg9[%swap3A_125, %swap3A_126, %swap3A_127] {strides = array<i32>} : memref<4x2x64xi32, #tpu.memory_space<vmem>>, vector<16xi32>,
    tpu.vector_store %arg9[%swap3A_125, %swap3A_126, %swap3A_127], %add3A_122 {strides = array<i32>} : memref<4x2x64xi32, #tpu.memory_space<vmem>>, vector<16xi32>,
    %iota3A_129 = tpu.iota {dimensions = array<i32: 0>} : vector<16xi32>
    %add3A_130 = arith.constant 16 : i32
    %add3A_131 = vector.broadcast %add3A_130 : i32 to vector<16xi32>
    %add3A_132 = arith.addi %iota3A_129, %add3A_131 : vector<16xi32>
    %gather3A_133 = tpu.vector_load_idx %arg8[%add3A_132, %broadcast_in_dim3A_109] : memref<64x2xi32, #tpu.memory_space<vmem>>[vector<16xi32>, vector<16xi32>], vector<16xi32>,
    %and3A_134 = arith.constant 15 : i32
    %and3A_135 = vector.broadcast %and3A_134 : i32 to vector<16xi32>
    %and3A_136 = arith.andi %gather3A_133, %and3A_135 : vector<16xi32>
    %shift_right_logical3A_137 = arith.constant 4 : i32
    %shift_right_logical3A_138 = vector.broadcast %shift_right_logical3A_137 : i32 to vector<16xi32>
    %shift_right_logical3A_139 = arith.shrui %gather3A_133, %shift_right_logical3A_138 : vector<16xi32>
    %gather3A_140 = tpu.vector_load_idx %arg10[%broadcast_in_dim3A_109, %and3A_136] : memref<2x16xi32, #tpu.memory_space<vmem>>[vector<16xi32>, vector<16xi32>], vector<16xi32>,
    %add3A_141 = arith.addi %gather3A_140, %shift_right_logical3A_139 : vector<16xi32>
    %swap3A_142 = arith.constant 0 : i32
    %swap3A_143 = arith.constant 1 : i32
    %swap3A_144 = arith.index_cast %swap3A_142 : i32 to index
    %swap3A_145 = arith.index_cast %swap3A_143 : i32 to index
    %swap3A_146 = arith.constant 16 : index
    %swap3A_147 = tpu.vector_load %arg9[%swap3A_144, %swap3A_145, %swap3A_146] {strides = array<i32>} : memref<4x2x64xi32, #tpu.memory_space<vmem>>, vector<16xi32>,
    tpu.vector_store %arg9[%swap3A_144, %swap3A_145, %swap3A_146], %add3A_141 {strides = array<i32>} : memref<4x2x64xi32, #tpu.memory_space<vmem>>, vector<16xi32>,
    %iota3A_148 = tpu.iota {dimensions = array<i32: 0>} : vector<16xi32>
    %add3A_149 = arith.constant 32 : i32
    %add3A_150 = vector.broadcast %add3A_149 : i32 to vector<16xi32>
    %add3A_151 = arith.addi %iota3A_148, %add3A_150 : vector<16xi32>
    %gather3A_152 = tpu.vector_load_idx %arg8[%add3A_151, %broadcast_in_dim3A_109] : memref<64x2xi32, #tpu.memory_space<vmem>>[vector<16xi32>, vector<16xi32>], vector<16xi32>,
    %and3A_153 = arith.constant 15 : i32
    %and3A_154 = vector.broadcast %and3A_153 : i32 to vector<16xi32>
    %and3A_155 = arith.andi %gather3A_152, %and3A_154 : vector<16xi32>
    %shift_right_logical3A_156 = arith.constant 4 : i32
    %shift_right_logical3A_157 = vector.broadcast %shift_right_logical3A_156 : i32 to vector<16xi32>
    %shift_right_logical3A_158 = arith.shrui %gather3A_152, %shift_right_logical3A_157 : vector<16xi32>
    %gather3A_159 = tpu.vector_load_idx %arg10[%broadcast_in_dim3A_109, %and3A_155] : memref<2x16xi32, #tpu.memory_space<vmem>>[vector<16xi32>, vector<16xi32>], vector<16xi32>,
    %add3A_160 = arith.addi %gather3A_159, %shift_right_logical3A_158 : vector<16xi32>
    %swap3A_161 = arith.constant 0 : i32
    %swap3A_162 = arith.constant 1 : i32
    %swap3A_163 = arith.index_cast %swap3A_161 : i32 to index
    %swap3A_164 = arith.index_cast %swap3A_162 : i32 to index
    %swap3A_165 = arith.constant 32 : index
    %swap3A_166 = tpu.vector_load %arg9[%swap3A_163, %swap3A_164, %swap3A_165] {strides = array<i32>} : memref<4x2x64xi32, #tpu.memory_space<vmem>>, vector<16xi32>,
    tpu.vector_store %arg9[%swap3A_163, %swap3A_164, %swap3A_165], %add3A_160 {strides = array<i32>} : memref<4x2x64xi32, #tpu.memory_space<vmem>>, vector<16xi32>,
    %iota3A_167 = tpu.iota {dimensions = array<i32: 0>} : vector<16xi32>
    %add3A_168 = arith.constant 48 : i32
    %add3A_169 = vector.broadcast %add3A_168 : i32 to vector<16xi32>
    %add3A_170 = arith.addi %iota3A_167, %add3A_169 : vector<16xi32>
    %gather3A_171 = tpu.vector_load_idx %arg8[%add3A_170, %broadcast_in_dim3A_109] : memref<64x2xi32, #tpu.memory_space<vmem>>[vector<16xi32>, vector<16xi32>], vector<16xi32>,
    %and3A_172 = arith.constant 15 : i32
    %and3A_173 = vector.broadcast %and3A_172 : i32 to vector<16xi32>
    %and3A_174 = arith.andi %gather3A_171, %and3A_173 : vector<16xi32>
    %shift_right_logical3A_175 = arith.constant 4 : i32
    %shift_right_logical3A_176 = vector.broadcast %shift_right_logical3A_175 : i32 to vector<16xi32>
    %shift_right_logical3A_177 = arith.shrui %gather3A_171, %shift_right_logical3A_176 : vector<16xi32>
    %gather3A_178 = tpu.vector_load_idx %arg10[%broadcast_in_dim3A_109, %and3A_174] : memref<2x16xi32, #tpu.memory_space<vmem>>[vector<16xi32>, vector<16xi32>], vector<16xi32>,
    %add3A_179 = arith.addi %gather3A_178, %shift_right_logical3A_177 : vector<16xi32>
    %swap3A_180 = arith.constant 0 : i32
    %swap3A_181 = arith.constant 1 : i32
    %swap3A_182 = arith.index_cast %swap3A_180 : i32 to index
    %swap3A_183 = arith.index_cast %swap3A_181 : i32 to index
    %swap3A_184 = arith.constant 48 : index
    %swap3A_185 = tpu.vector_load %arg9[%swap3A_182, %swap3A_183, %swap3A_184] {strides = array<i32>} : memref<4x2x64xi32, #tpu.memory_space<vmem>>, vector<16xi32>,
    tpu.vector_store %arg9[%swap3A_182, %swap3A_183, %swap3A_184], %add3A_179 {strides = array<i32>} : memref<4x2x64xi32, #tpu.memory_space<vmem>>, vector<16xi32>,
    %run_scoped3A = arith.constant 0 : i32
    %run_scoped3A_186 = arith.constant 0 : i32
    %run_scoped3A_187 = arith.constant 0 : i32
    "tpu.region"() ({
      %run_scoped3A_724 = tpu.sem_alloc : memref<!tpu.dma_semaphore, #tpu.memory_space<semaphore_mem>>
      %dma_start3A_725 = arith.constant 0 : i32
      %dma_start3A_726 = tpu.memref_slice %arg9[%run_scoped3A, %run_scoped3A_186, %dma_start3A_725] : memref<4x2x64xi32, #tpu.memory_space<vmem>> -> memref<1x1x64xi32, #tpu.memory_space<vmem>>
      %dma_start3A_727 = tpu.memref_squeeze %dma_start3A_726 : memref<1x1x64xi32, #tpu.memory_space<vmem>> -> memref<64xi32, #tpu.memory_space<vmem>>
      %dma_start3A_728 = tpu.memref_slice %arg6[%run_scoped3A_187, %mul3A_2] : memref<2x6272xi32, #tpu.memory_space<hbm>> -> memref<1x64xi32, #tpu.memory_space<hbm>>
      %dma_start3A_729 = tpu.memref_squeeze %dma_start3A_728 : memref<1x64xi32, #tpu.memory_space<hbm>> -> memref<64xi32, #tpu.memory_space<hbm>>
      %dma_start3A_730 = tpu.memref_slice %arg6[%run_scoped3A_187, %mul3A_2] : memref<2x6272xi32, #tpu.memory_space<hbm>> -> memref<1x64xi32, #tpu.memory_space<hbm>>
      %dma_start3A_731 = tpu.memref_squeeze %dma_start3A_730 : memref<1x64xi32, #tpu.memory_space<hbm>> -> memref<64xi32, #tpu.memory_space<hbm>>
      %dma_start3A_732 = arith.constant 0 : i32
      %dma_start3A_733 = tpu.memref_slice %arg9[%run_scoped3A, %run_scoped3A_186, %dma_start3A_732] : memref<4x2x64xi32, #tpu.memory_space<vmem>> -> memref<1x1x64xi32, #tpu.memory_space<vmem>>
      %dma_start3A_734 = tpu.memref_squeeze %dma_start3A_733 : memref<1x1x64xi32, #tpu.memory_space<vmem>> -> memref<64xi32, #tpu.memory_space<vmem>>
      tpu.enqueue_dma source(%dma_start3A_734 : memref<64xi32, #tpu.memory_space<vmem>>) target(%dma_start3A_731 : memref<64xi32, #tpu.memory_space<hbm>>) target_semaphore(%run_scoped3A_724 : memref<!tpu.dma_semaphore, #tpu.memory_space<semaphore_mem>>)
      %dma_wait3A_735 = arith.constant 0 : i32
      %dma_wait3A_736 = tpu.memref_slice %arg9[%run_scoped3A, %run_scoped3A_186, %dma_wait3A_735] : memref<4x2x64xi32, #tpu.memory_space<vmem>> -> memref<1x1x64xi32, #tpu.memory_space<vmem>>
      %dma_wait3A_737 = tpu.memref_squeeze %dma_wait3A_736 : memref<1x1x64xi32, #tpu.memory_space<vmem>> -> memref<64xi32, #tpu.memory_space<vmem>>
      %dma_wait3A_738 = tpu.memref_slice %arg6[%run_scoped3A_187, %mul3A_2] : memref<2x6272xi32, #tpu.memory_space<hbm>> -> memref<1x64xi32, #tpu.memory_space<hbm>>
      %dma_wait3A_739 = tpu.memref_squeeze %dma_wait3A_738 : memref<1x64xi32, #tpu.memory_space<hbm>> -> memref<64xi32, #tpu.memory_space<hbm>>
      %dma_wait3A_740 = tpu.memref_slice %arg6[%run_scoped3A_187, %mul3A_2] : memref<2x6272xi32, #tpu.memory_space<hbm>> -> memref<1x64xi32, #tpu.memory_space<hbm>>
      %dma_wait3A_741 = tpu.memref_squeeze %dma_wait3A_740 : memref<1x64xi32, #tpu.memory_space<hbm>> -> memref<64xi32, #tpu.memory_space<hbm>>
      %dma_wait3A_742 = arith.constant 0 : i32
      %dma_wait3A_743 = tpu.memref_slice %arg9[%run_scoped3A, %run_scoped3A_186, %dma_wait3A_742] : memref<4x2x64xi32, #tpu.memory_space<vmem>> -> memref<1x1x64xi32, #tpu.memory_space<vmem>>
      %dma_wait3A_744 = tpu.memref_squeeze %dma_wait3A_743 : memref<1x1x64xi32, #tpu.memory_space<vmem>> -> memref<64xi32, #tpu.memory_space<vmem>>
      tpu.wait_dma2 semaphore(%run_scoped3A_724 : memref<!tpu.dma_semaphore, #tpu.memory_space<semaphore_mem>>) src(%dma_wait3A_744 : memref<64xi32, #tpu.memory_space<vmem>>) dst(%dma_wait3A_741 : memref<64xi32, #tpu.memory_space<hbm>>)
      tpu.yield
    }) : () -> ()
    %run_scoped3A_188 = arith.constant 0 : i32
    %run_scoped3A_189 = arith.constant 1 : i32
    %run_scoped3A_190 = arith.constant 1 : i32
    "tpu.region"() ({
      %run_scoped3A_724 = tpu.sem_alloc : memref<!tpu.dma_semaphore, #tpu.memory_space<semaphore_mem>>
      %dma_start3A_725 = arith.constant 0 : i32
      %dma_start3A_726 = tpu.memref_slice %arg9[%run_scoped3A_188, %run_scoped3A_189, %dma_start3A_725] : memref<4x2x64xi32, #tpu.memory_space<vmem>> -> memref<1x1x64xi32, #tpu.memory_space<vmem>>
      %dma_start3A_727 = tpu.memref_squeeze %dma_start3A_726 : memref<1x1x64xi32, #tpu.memory_space<vmem>> -> memref<64xi32, #tpu.memory_space<vmem>>
      %dma_start3A_728 = tpu.memref_slice %arg6[%run_scoped3A_190, %mul3A_2] : memref<2x6272xi32, #tpu.memory_space<hbm>> -> memref<1x64xi32, #tpu.memory_space<hbm>>
      %dma_start3A_729 = tpu.memref_squeeze %dma_start3A_728 : memref<1x64xi32, #tpu.memory_space<hbm>> -> memref<64xi32, #tpu.memory_space<hbm>>
      %dma_start3A_730 = tpu.memref_slice %arg6[%run_scoped3A_190, %mul3A_2] : memref<2x6272xi32, #tpu.memory_space<hbm>> -> memref<1x64xi32, #tpu.memory_space<hbm>>
      %dma_start3A_731 = tpu.memref_squeeze %dma_start3A_730 : memref<1x64xi32, #tpu.memory_space<hbm>> -> memref<64xi32, #tpu.memory_space<hbm>>
      %dma_start3A_732 = arith.constant 0 : i32
      %dma_start3A_733 = tpu.memref_slice %arg9[%run_scoped3A_188, %run_scoped3A_189, %dma_start3A_732] : memref<4x2x64xi32, #tpu.memory_space<vmem>> -> memref<1x1x64xi32, #tpu.memory_space<vmem>>
      %dma_start3A_734 = tpu.memref_squeeze %dma_start3A_733 : memref<1x1x64xi32, #tpu.memory_space<vmem>> -> memref<64xi32, #tpu.memory_space<vmem>>
      tpu.enqueue_dma source(%dma_start3A_734 : memref<64xi32, #tpu.memory_space<vmem>>) target(%dma_start3A_731 : memref<64xi32, #tpu.memory_space<hbm>>) target_semaphore(%run_scoped3A_724 : memref<!tpu.dma_semaphore, #tpu.memory_space<semaphore_mem>>)
      %dma_wait3A_735 = arith.constant 0 : i32
      %dma_wait3A_736 = tpu.memref_slice %arg9[%run_scoped3A_188, %run_scoped3A_189, %dma_wait3A_735] : memref<4x2x64xi32, #tpu.memory_space<vmem>> -> memref<1x1x64xi32, #tpu.memory_space<vmem>>
      %dma_wait3A_737 = tpu.memref_squeeze %dma_wait3A_736 : memref<1x1x64xi32, #tpu.memory_space<vmem>> -> memref<64xi32, #tpu.memory_space<vmem>>
      %dma_wait3A_738 = tpu.memref_slice %arg6[%run_scoped3A_190, %mul3A_2] : memref<2x6272xi32, #tpu.memory_space<hbm>> -> memref<1x64xi32, #tpu.memory_space<hbm>>
      %dma_wait3A_739 = tpu.memref_squeeze %dma_wait3A_738 : memref<1x64xi32, #tpu.memory_space<hbm>> -> memref<64xi32, #tpu.memory_space<hbm>>
      %dma_wait3A_740 = tpu.memref_slice %arg6[%run_scoped3A_190, %mul3A_2] : memref<2x6272xi32, #tpu.memory_space<hbm>> -> memref<1x64xi32, #tpu.memory_space<hbm>>
      %dma_wait3A_741 = tpu.memref_squeeze %dma_wait3A_740 : memref<1x64xi32, #tpu.memory_space<hbm>> -> memref<64xi32, #tpu.memory_space<hbm>>
      %dma_wait3A_742 = arith.constant 0 : i32
      %dma_wait3A_743 = tpu.memref_slice %arg9[%run_scoped3A_188, %run_scoped3A_189, %dma_wait3A_742] : memref<4x2x64xi32, #tpu.memory_space<vmem>> -> memref<1x1x64xi32, #tpu.memory_space<vmem>>
      %dma_wait3A_744 = tpu.memref_squeeze %dma_wait3A_743 : memref<1x1x64xi32, #tpu.memory_space<vmem>> -> memref<64xi32, #tpu.memory_space<vmem>>
      tpu.wait_dma2 semaphore(%run_scoped3A_724 : memref<!tpu.dma_semaphore, #tpu.memory_space<semaphore_mem>>) src(%dma_wait3A_744 : memref<64xi32, #tpu.memory_space<vmem>>) dst(%dma_wait3A_741 : memref<64xi32, #tpu.memory_space<hbm>>)
      tpu.yield
    }) : () -> ()
    "tpu.region"() ({
      %run_scoped3A_724 = tpu.sem_alloc : memref<!tpu.dma_semaphore, #tpu.memory_space<semaphore_mem>>
      %dma_start3A_725 = arith.constant 0 : i32
      %dma_start3A_726 = tpu.memref_slice %arg3[%mul3A_6, %dma_start3A_725] : memref<6272x2xi32, #tpu.memory_space<hbm>> -> memref<64x2xi32, #tpu.memory_space<hbm>>
      %dma_start3A_727 = arith.constant 0 : i32
      %dma_start3A_728 = tpu.memref_slice %arg3[%mul3A_6, %dma_start3A_727] : memref<6272x2xi32, #tpu.memory_space<hbm>> -> memref<64x2xi32, #tpu.memory_space<hbm>>
      tpu.enqueue_dma source(%dma_start3A_728 : memref<64x2xi32, #tpu.memory_space<hbm>>) target(%arg8 : memref<64x2xi32, #tpu.memory_space<vmem>>) target_semaphore(%run_scoped3A_724 : memref<!tpu.dma_semaphore, #tpu.memory_space<semaphore_mem>>)
      %dma_wait3A_729 = arith.constant 0 : i32
      %dma_wait3A_730 = tpu.memref_slice %arg3[%mul3A_6, %dma_wait3A_729] : memref<6272x2xi32, #tpu.memory_space<hbm>> -> memref<64x2xi32, #tpu.memory_space<hbm>>
      %dma_wait3A_731 = arith.constant 0 : i32
      %dma_wait3A_732 = tpu.memref_slice %arg3[%mul3A_6, %dma_wait3A_731] : memref<6272x2xi32, #tpu.memory_space<hbm>> -> memref<64x2xi32, #tpu.memory_space<hbm>>
      tpu.wait_dma2 semaphore(%run_scoped3A_724 : memref<!tpu.dma_semaphore, #tpu.memory_space<semaphore_mem>>) src(%dma_wait3A_732 : memref<64x2xi32, #tpu.memory_space<hbm>>) dst(%arg8 : memref<64x2xi32, #tpu.memory_space<vmem>>)
      tpu.yield
    }) : () -> ()
    %broadcast_in_dim3A_191 = arith.constant 0 : i32
    %broadcast_in_dim3A_192 = vector.broadcast %broadcast_in_dim3A_191 : i32 to vector<16xi32>
    %iota3A_193 = tpu.iota {dimensions = array<i32: 0>} : vector<16xi32>
    %add3A_194 = arith.constant 0 : i32
    %add3A_195 = vector.broadcast %add3A_194 : i32 to vector<16xi32>
    %add3A_196 = arith.addi %iota3A_193, %add3A_195 : vector<16xi32>
    %gather3A_197 = tpu.vector_load_idx %arg8[%add3A_196, %broadcast_in_dim3A_192] : memref<64x2xi32, #tpu.memory_space<vmem>>[vector<16xi32>, vector<16xi32>], vector<16xi32>,
    %and3A_198 = arith.constant 15 : i32
    %and3A_199 = vector.broadcast %and3A_198 : i32 to vector<16xi32>
    %and3A_200 = arith.andi %gather3A_197, %and3A_199 : vector<16xi32>
    %shift_right_logical3A_201 = arith.constant 4 : i32
    %shift_right_logical3A_202 = vector.broadcast %shift_right_logical3A_201 : i32 to vector<16xi32>
    %shift_right_logical3A_203 = arith.shrui %gather3A_197, %shift_right_logical3A_202 : vector<16xi32>
    %gather3A_204 = tpu.vector_load_idx %arg10[%broadcast_in_dim3A_192, %and3A_200] : memref<2x16xi32, #tpu.memory_space<vmem>>[vector<16xi32>, vector<16xi32>], vector<16xi32>,
    %add3A_205 = arith.addi %gather3A_204, %shift_right_logical3A_203 : vector<16xi32>
    %swap3A_206 = arith.constant 1 : i32
    %swap3A_207 = arith.constant 0 : i32
    %swap3A_208 = arith.index_cast %swap3A_206 : i32 to index
    %swap3A_209 = arith.index_cast %swap3A_207 : i32 to index
    %swap3A_210 = arith.constant 0 : index
    %swap3A_211 = tpu.vector_load %arg9[%swap3A_208, %swap3A_209, %swap3A_210] {strides = array<i32>} : memref<4x2x64xi32, #tpu.memory_space<vmem>>, vector<16xi32>,
    tpu.vector_store %arg9[%swap3A_208, %swap3A_209, %swap3A_210], %add3A_205 {strides = array<i32>} : memref<4x2x64xi32, #tpu.memory_space<vmem>>, vector<16xi32>,
    %iota3A_212 = tpu.iota {dimensions = array<i32: 0>} : vector<16xi32>
    %add3A_213 = arith.constant 16 : i32
    %add3A_214 = vector.broadcast %add3A_213 : i32 to vector<16xi32>
    %add3A_215 = arith.addi %iota3A_212, %add3A_214 : vector<16xi32>
    %gather3A_216 = tpu.vector_load_idx %arg8[%add3A_215, %broadcast_in_dim3A_192] : memref<64x2xi32, #tpu.memory_space<vmem>>[vector<16xi32>, vector<16xi32>], vector<16xi32>,
    %and3A_217 = arith.constant 15 : i32
    %and3A_218 = vector.broadcast %and3A_217 : i32 to vector<16xi32>
    %and3A_219 = arith.andi %gather3A_216, %and3A_218 : vector<16xi32>
    %shift_right_logical3A_220 = arith.constant 4 : i32
    %shift_right_logical3A_221 = vector.broadcast %shift_right_logical3A_220 : i32 to vector<16xi32>
    %shift_right_logical3A_222 = arith.shrui %gather3A_216, %shift_right_logical3A_221 : vector<16xi32>
    %gather3A_223 = tpu.vector_load_idx %arg10[%broadcast_in_dim3A_192, %and3A_219] : memref<2x16xi32, #tpu.memory_space<vmem>>[vector<16xi32>, vector<16xi32>], vector<16xi32>,
    %add3A_224 = arith.addi %gather3A_223, %shift_right_logical3A_222 : vector<16xi32>
    %swap3A_225 = arith.constant 1 : i32
    %swap3A_226 = arith.constant 0 : i32
    %swap3A_227 = arith.index_cast %swap3A_225 : i32 to index
    %swap3A_228 = arith.index_cast %swap3A_226 : i32 to index
    %swap3A_229 = arith.constant 16 : index
    %swap3A_230 = tpu.vector_load %arg9[%swap3A_227, %swap3A_228, %swap3A_229] {strides = array<i32>} : memref<4x2x64xi32, #tpu.memory_space<vmem>>, vector<16xi32>,
    tpu.vector_store %arg9[%swap3A_227, %swap3A_228, %swap3A_229], %add3A_224 {strides = array<i32>} : memref<4x2x64xi32, #tpu.memory_space<vmem>>, vector<16xi32>,
    %iota3A_231 = tpu.iota {dimensions = array<i32: 0>} : vector<16xi32>
    %add3A_232 = arith.constant 32 : i32
    %add3A_233 = vector.broadcast %add3A_232 : i32 to vector<16xi32>
    %add3A_234 = arith.addi %iota3A_231, %add3A_233 : vector<16xi32>
    %gather3A_235 = tpu.vector_load_idx %arg8[%add3A_234, %broadcast_in_dim3A_192] : memref<64x2xi32, #tpu.memory_space<vmem>>[vector<16xi32>, vector<16xi32>], vector<16xi32>,
    %and3A_236 = arith.constant 15 : i32
    %and3A_237 = vector.broadcast %and3A_236 : i32 to vector<16xi32>
    %and3A_238 = arith.andi %gather3A_235, %and3A_237 : vector<16xi32>
    %shift_right_logical3A_239 = arith.constant 4 : i32
    %shift_right_logical3A_240 = vector.broadcast %shift_right_logical3A_239 : i32 to vector<16xi32>
    %shift_right_logical3A_241 = arith.shrui %gather3A_235, %shift_right_logical3A_240 : vector<16xi32>
    %gather3A_242 = tpu.vector_load_idx %arg10[%broadcast_in_dim3A_192, %and3A_238] : memref<2x16xi32, #tpu.memory_space<vmem>>[vector<16xi32>, vector<16xi32>], vector<16xi32>,
    %add3A_243 = arith.addi %gather3A_242, %shift_right_logical3A_241 : vector<16xi32>
    %swap3A_244 = arith.constant 1 : i32
    %swap3A_245 = arith.constant 0 : i32
    %swap3A_246 = arith.index_cast %swap3A_244 : i32 to index
    %swap3A_247 = arith.index_cast %swap3A_245 : i32 to index
    %swap3A_248 = arith.constant 32 : index
    %swap3A_249 = tpu.vector_load %arg9[%swap3A_246, %swap3A_247, %swap3A_248] {strides = array<i32>} : memref<4x2x64xi32, #tpu.memory_space<vmem>>, vector<16xi32>,
    tpu.vector_store %arg9[%swap3A_246, %swap3A_247, %swap3A_248], %add3A_243 {strides = array<i32>} : memref<4x2x64xi32, #tpu.memory_space<vmem>>, vector<16xi32>,
    %iota3A_250 = tpu.iota {dimensions = array<i32: 0>} : vector<16xi32>
    %add3A_251 = arith.constant 48 : i32
    %add3A_252 = vector.broadcast %add3A_251 : i32 to vector<16xi32>
    %add3A_253 = arith.addi %iota3A_250, %add3A_252 : vector<16xi32>
    %gather3A_254 = tpu.vector_load_idx %arg8[%add3A_253, %broadcast_in_dim3A_192] : memref<64x2xi32, #tpu.memory_space<vmem>>[vector<16xi32>, vector<16xi32>], vector<16xi32>,
    %and3A_255 = arith.constant 15 : i32
    %and3A_256 = vector.broadcast %and3A_255 : i32 to vector<16xi32>
    %and3A_257 = arith.andi %gather3A_254, %and3A_256 : vector<16xi32>
    %shift_right_logical3A_258 = arith.constant 4 : i32
    %shift_right_logical3A_259 = vector.broadcast %shift_right_logical3A_258 : i32 to vector<16xi32>
    %shift_right_logical3A_260 = arith.shrui %gather3A_254, %shift_right_logical3A_259 : vector<16xi32>
    %gather3A_261 = tpu.vector_load_idx %arg10[%broadcast_in_dim3A_192, %and3A_257] : memref<2x16xi32, #tpu.memory_space<vmem>>[vector<16xi32>, vector<16xi32>], vector<16xi32>,
    %add3A_262 = arith.addi %gather3A_261, %shift_right_logical3A_260 : vector<16xi32>
    %swap3A_263 = arith.constant 1 : i32
    %swap3A_264 = arith.constant 0 : i32
    %swap3A_265 = arith.index_cast %swap3A_263 : i32 to index
    %swap3A_266 = arith.index_cast %swap3A_264 : i32 to index
    %swap3A_267 = arith.constant 48 : index
    %swap3A_268 = tpu.vector_load %arg9[%swap3A_265, %swap3A_266, %swap3A_267] {strides = array<i32>} : memref<4x2x64xi32, #tpu.memory_space<vmem>>, vector<16xi32>,
    tpu.vector_store %arg9[%swap3A_265, %swap3A_266, %swap3A_267], %add3A_262 {strides = array<i32>} : memref<4x2x64xi32, #tpu.memory_space<vmem>>, vector<16xi32>,
    %broadcast_in_dim3A_269 = arith.constant 1 : i32
    %broadcast_in_dim3A_270 = vector.broadcast %broadcast_in_dim3A_269 : i32 to vector<16xi32>
    %iota3A_271 = tpu.iota {dimensions = array<i32: 0>} : vector<16xi32>
    %add3A_272 = arith.constant 0 : i32
    %add3A_273 = vector.broadcast %add3A_272 : i32 to vector<16xi32>
    %add3A_274 = arith.addi %iota3A_271, %add3A_273 : vector<16xi32>
    %gather3A_275 = tpu.vector_load_idx %arg8[%add3A_274, %broadcast_in_dim3A_270] : memref<64x2xi32, #tpu.memory_space<vmem>>[vector<16xi32>, vector<16xi32>], vector<16xi32>,
    %and3A_276 = arith.constant 15 : i32
    %and3A_277 = vector.broadcast %and3A_276 : i32 to vector<16xi32>
    %and3A_278 = arith.andi %gather3A_275, %and3A_277 : vector<16xi32>
    %shift_right_logical3A_279 = arith.constant 4 : i32
    %shift_right_logical3A_280 = vector.broadcast %shift_right_logical3A_279 : i32 to vector<16xi32>
    %shift_right_logical3A_281 = arith.shrui %gather3A_275, %shift_right_logical3A_280 : vector<16xi32>
    %gather3A_282 = tpu.vector_load_idx %arg10[%broadcast_in_dim3A_270, %and3A_278] : memref<2x16xi32, #tpu.memory_space<vmem>>[vector<16xi32>, vector<16xi32>], vector<16xi32>,
    %add3A_283 = arith.addi %gather3A_282, %shift_right_logical3A_281 : vector<16xi32>
    %swap3A_284 = arith.constant 1 : i32
    %swap3A_285 = arith.constant 1 : i32
    %swap3A_286 = arith.index_cast %swap3A_284 : i32 to index
    %swap3A_287 = arith.index_cast %swap3A_285 : i32 to index
    %swap3A_288 = arith.constant 0 : index
    %swap3A_289 = tpu.vector_load %arg9[%swap3A_286, %swap3A_287, %swap3A_288] {strides = array<i32>} : memref<4x2x64xi32, #tpu.memory_space<vmem>>, vector<16xi32>,
    tpu.vector_store %arg9[%swap3A_286, %swap3A_287, %swap3A_288], %add3A_283 {strides = array<i32>} : memref<4x2x64xi32, #tpu.memory_space<vmem>>, vector<16xi32>,
    %iota3A_290 = tpu.iota {dimensions = array<i32: 0>} : vector<16xi32>
    %add3A_291 = arith.constant 16 : i32
    %add3A_292 = vector.broadcast %add3A_291 : i32 to vector<16xi32>
    %add3A_293 = arith.addi %iota3A_290, %add3A_292 : vector<16xi32>
    %gather3A_294 = tpu.vector_load_idx %arg8[%add3A_293, %broadcast_in_dim3A_270] : memref<64x2xi32, #tpu.memory_space<vmem>>[vector<16xi32>, vector<16xi32>], vector<16xi32>,
    %and3A_295 = arith.constant 15 : i32
    %and3A_296 = vector.broadcast %and3A_295 : i32 to vector<16xi32>
    %and3A_297 = arith.andi %gather3A_294, %and3A_296 : vector<16xi32>
    %shift_right_logical3A_298 = arith.constant 4 : i32
    %shift_right_logical3A_299 = vector.broadcast %shift_right_logical3A_298 : i32 to vector<16xi32>
    %shift_right_logical3A_300 = arith.shrui %gather3A_294, %shift_right_logical3A_299 : vector<16xi32>
    %gather3A_301 = tpu.vector_load_idx %arg10[%broadcast_in_dim3A_270, %and3A_297] : memref<2x16xi32, #tpu.memory_space<vmem>>[vector<16xi32>, vector<16xi32>], vector<16xi32>,
    %add3A_302 = arith.addi %gather3A_301, %shift_right_logical3A_300 : vector<16xi32>
    %swap3A_303 = arith.constant 1 : i32
    %swap3A_304 = arith.constant 1 : i32
    %swap3A_305 = arith.index_cast %swap3A_303 : i32 to index
    %swap3A_306 = arith.index_cast %swap3A_304 : i32 to index
    %swap3A_307 = arith.constant 16 : index
    %swap3A_308 = tpu.vector_load %arg9[%swap3A_305, %swap3A_306, %swap3A_307] {strides = array<i32>} : memref<4x2x64xi32, #tpu.memory_space<vmem>>, vector<16xi32>,
    tpu.vector_store %arg9[%swap3A_305, %swap3A_306, %swap3A_307], %add3A_302 {strides = array<i32>} : memref<4x2x64xi32, #tpu.memory_space<vmem>>, vector<16xi32>,
    %iota3A_309 = tpu.iota {dimensions = array<i32: 0>} : vector<16xi32>
    %add3A_310 = arith.constant 32 : i32
    %add3A_311 = vector.broadcast %add3A_310 : i32 to vector<16xi32>
    %add3A_312 = arith.addi %iota3A_309, %add3A_311 : vector<16xi32>
    %gather3A_313 = tpu.vector_load_idx %arg8[%add3A_312, %broadcast_in_dim3A_270] : memref<64x2xi32, #tpu.memory_space<vmem>>[vector<16xi32>, vector<16xi32>], vector<16xi32>,
    %and3A_314 = arith.constant 15 : i32
    %and3A_315 = vector.broadcast %and3A_314 : i32 to vector<16xi32>
    %and3A_316 = arith.andi %gather3A_313, %and3A_315 : vector<16xi32>
    %shift_right_logical3A_317 = arith.constant 4 : i32
    %shift_right_logical3A_318 = vector.broadcast %shift_right_logical3A_317 : i32 to vector<16xi32>
    %shift_right_logical3A_319 = arith.shrui %gather3A_313, %shift_right_logical3A_318 : vector<16xi32>
    %gather3A_320 = tpu.vector_load_idx %arg10[%broadcast_in_dim3A_270, %and3A_316] : memref<2x16xi32, #tpu.memory_space<vmem>>[vector<16xi32>, vector<16xi32>], vector<16xi32>,
    %add3A_321 = arith.addi %gather3A_320, %shift_right_logical3A_319 : vector<16xi32>
    %swap3A_322 = arith.constant 1 : i32
    %swap3A_323 = arith.constant 1 : i32
    %swap3A_324 = arith.index_cast %swap3A_322 : i32 to index
    %swap3A_325 = arith.index_cast %swap3A_323 : i32 to index
    %swap3A_326 = arith.constant 32 : index
    %swap3A_327 = tpu.vector_load %arg9[%swap3A_324, %swap3A_325, %swap3A_326] {strides = array<i32>} : memref<4x2x64xi32, #tpu.memory_space<vmem>>, vector<16xi32>,
    tpu.vector_store %arg9[%swap3A_324, %swap3A_325, %swap3A_326], %add3A_321 {strides = array<i32>} : memref<4x2x64xi32, #tpu.memory_space<vmem>>, vector<16xi32>,
    %iota3A_328 = tpu.iota {dimensions = array<i32: 0>} : vector<16xi32>
    %add3A_329 = arith.constant 48 : i32
    %add3A_330 = vector.broadcast %add3A_329 : i32 to vector<16xi32>
    %add3A_331 = arith.addi %iota3A_328, %add3A_330 : vector<16xi32>
    %gather3A_332 = tpu.vector_load_idx %arg8[%add3A_331, %broadcast_in_dim3A_270] : memref<64x2xi32, #tpu.memory_space<vmem>>[vector<16xi32>, vector<16xi32>], vector<16xi32>,
    %and3A_333 = arith.constant 15 : i32
    %and3A_334 = vector.broadcast %and3A_333 : i32 to vector<16xi32>
    %and3A_335 = arith.andi %gather3A_332, %and3A_334 : vector<16xi32>
    %shift_right_logical3A_336 = arith.constant 4 : i32
    %shift_right_logical3A_337 = vector.broadcast %shift_right_logical3A_336 : i32 to vector<16xi32>
    %shift_right_logical3A_338 = arith.shrui %gather3A_332, %shift_right_logical3A_337 : vector<16xi32>
    %gather3A_339 = tpu.vector_load_idx %arg10[%broadcast_in_dim3A_270, %and3A_335] : memref<2x16xi32, #tpu.memory_space<vmem>>[vector<16xi32>, vector<16xi32>], vector<16xi32>,
    %add3A_340 = arith.addi %gather3A_339, %shift_right_logical3A_338 : vector<16xi32>
    %swap3A_341 = arith.constant 1 : i32
    %swap3A_342 = arith.constant 1 : i32
    %swap3A_343 = arith.index_cast %swap3A_341 : i32 to index
    %swap3A_344 = arith.index_cast %swap3A_342 : i32 to index
    %swap3A_345 = arith.constant 48 : index
    %swap3A_346 = tpu.vector_load %arg9[%swap3A_343, %swap3A_344, %swap3A_345] {strides = array<i32>} : memref<4x2x64xi32, #tpu.memory_space<vmem>>, vector<16xi32>,
    tpu.vector_store %arg9[%swap3A_343, %swap3A_344, %swap3A_345], %add3A_340 {strides = array<i32>} : memref<4x2x64xi32, #tpu.memory_space<vmem>>, vector<16xi32>,
    %run_scoped3A_347 = arith.constant 1 : i32
    %run_scoped3A_348 = arith.constant 0 : i32
    %run_scoped3A_349 = arith.constant 0 : i32
    "tpu.region"() ({
      %run_scoped3A_724 = tpu.sem_alloc : memref<!tpu.dma_semaphore, #tpu.memory_space<semaphore_mem>>
      %dma_start3A_725 = arith.constant 0 : i32
      %dma_start3A_726 = tpu.memref_slice %arg9[%run_scoped3A_347, %run_scoped3A_348, %dma_start3A_725] : memref<4x2x64xi32, #tpu.memory_space<vmem>> -> memref<1x1x64xi32, #tpu.memory_space<vmem>>
      %dma_start3A_727 = tpu.memref_squeeze %dma_start3A_726 : memref<1x1x64xi32, #tpu.memory_space<vmem>> -> memref<64xi32, #tpu.memory_space<vmem>>
      %dma_start3A_728 = tpu.memref_slice %arg6[%run_scoped3A_349, %mul3A_6] : memref<2x6272xi32, #tpu.memory_space<hbm>> -> memref<1x64xi32, #tpu.memory_space<hbm>>
      %dma_start3A_729 = tpu.memref_squeeze %dma_start3A_728 : memref<1x64xi32, #tpu.memory_space<hbm>> -> memref<64xi32, #tpu.memory_space<hbm>>
      %dma_start3A_730 = tpu.memref_slice %arg6[%run_scoped3A_349, %mul3A_6] : memref<2x6272xi32, #tpu.memory_space<hbm>> -> memref<1x64xi32, #tpu.memory_space<hbm>>
      %dma_start3A_731 = tpu.memref_squeeze %dma_start3A_730 : memref<1x64xi32, #tpu.memory_space<hbm>> -> memref<64xi32, #tpu.memory_space<hbm>>
      %dma_start3A_732 = arith.constant 0 : i32
      %dma_start3A_733 = tpu.memref_slice %arg9[%run_scoped3A_347, %run_scoped3A_348, %dma_start3A_732] : memref<4x2x64xi32, #tpu.memory_space<vmem>> -> memref<1x1x64xi32, #tpu.memory_space<vmem>>
      %dma_start3A_734 = tpu.memref_squeeze %dma_start3A_733 : memref<1x1x64xi32, #tpu.memory_space<vmem>> -> memref<64xi32, #tpu.memory_space<vmem>>
      tpu.enqueue_dma source(%dma_start3A_734 : memref<64xi32, #tpu.memory_space<vmem>>) target(%dma_start3A_731 : memref<64xi32, #tpu.memory_space<hbm>>) target_semaphore(%run_scoped3A_724 : memref<!tpu.dma_semaphore, #tpu.memory_space<semaphore_mem>>)
      %dma_wait3A_735 = arith.constant 0 : i32
      %dma_wait3A_736 = tpu.memref_slice %arg9[%run_scoped3A_347, %run_scoped3A_348, %dma_wait3A_735] : memref<4x2x64xi32, #tpu.memory_space<vmem>> -> memref<1x1x64xi32, #tpu.memory_space<vmem>>
      %dma_wait3A_737 = tpu.memref_squeeze %dma_wait3A_736 : memref<1x1x64xi32, #tpu.memory_space<vmem>> -> memref<64xi32, #tpu.memory_space<vmem>>
      %dma_wait3A_738 = tpu.memref_slice %arg6[%run_scoped3A_349, %mul3A_6] : memref<2x6272xi32, #tpu.memory_space<hbm>> -> memref<1x64xi32, #tpu.memory_space<hbm>>
      %dma_wait3A_739 = tpu.memref_squeeze %dma_wait3A_738 : memref<1x64xi32, #tpu.memory_space<hbm>> -> memref<64xi32, #tpu.memory_space<hbm>>
      %dma_wait3A_740 = tpu.memref_slice %arg6[%run_scoped3A_349, %mul3A_6] : memref<2x6272xi32, #tpu.memory_space<hbm>> -> memref<1x64xi32, #tpu.memory_space<hbm>>
      %dma_wait3A_741 = tpu.memref_squeeze %dma_wait3A_740 : memref<1x64xi32, #tpu.memory_space<hbm>> -> memref<64xi32, #tpu.memory_space<hbm>>
      %dma_wait3A_742 = arith.constant 0 : i32
      %dma_wait3A_743 = tpu.memref_slice %arg9[%run_scoped3A_347, %run_scoped3A_348, %dma_wait3A_742] : memref<4x2x64xi32, #tpu.memory_space<vmem>> -> memref<1x1x64xi32, #tpu.memory_space<vmem>>
      %dma_wait3A_744 = tpu.memref_squeeze %dma_wait3A_743 : memref<1x1x64xi32, #tpu.memory_space<vmem>> -> memref<64xi32, #tpu.memory_space<vmem>>
      tpu.wait_dma2 semaphore(%run_scoped3A_724 : memref<!tpu.dma_semaphore, #tpu.memory_space<semaphore_mem>>) src(%dma_wait3A_744 : memref<64xi32, #tpu.memory_space<vmem>>) dst(%dma_wait3A_741 : memref<64xi32, #tpu.memory_space<hbm>>)
      tpu.yield
    }) : () -> ()
    %run_scoped3A_350 = arith.constant 1 : i32
    %run_scoped3A_351 = arith.constant 1 : i32
    %run_scoped3A_352 = arith.constant 1 : i32
    "tpu.region"() ({
      %run_scoped3A_724 = tpu.sem_alloc : memref<!tpu.dma_semaphore, #tpu.memory_space<semaphore_mem>>
      %dma_start3A_725 = arith.constant 0 : i32
      %dma_start3A_726 = tpu.memref_slice %arg9[%run_scoped3A_350, %run_scoped3A_351, %dma_start3A_725] : memref<4x2x64xi32, #tpu.memory_space<vmem>> -> memref<1x1x64xi32, #tpu.memory_space<vmem>>
      %dma_start3A_727 = tpu.memref_squeeze %dma_start3A_726 : memref<1x1x64xi32, #tpu.memory_space<vmem>> -> memref<64xi32, #tpu.memory_space<vmem>>
      %dma_start3A_728 = tpu.memref_slice %arg6[%run_scoped3A_352, %mul3A_6] : memref<2x6272xi32, #tpu.memory_space<hbm>> -> memref<1x64xi32, #tpu.memory_space<hbm>>
      %dma_start3A_729 = tpu.memref_squeeze %dma_start3A_728 : memref<1x64xi32, #tpu.memory_space<hbm>> -> memref<64xi32, #tpu.memory_space<hbm>>
      %dma_start3A_730 = tpu.memref_slice %arg6[%run_scoped3A_352, %mul3A_6] : memref<2x6272xi32, #tpu.memory_space<hbm>> -> memref<1x64xi32, #tpu.memory_space<hbm>>
      %dma_start3A_731 = tpu.memref_squeeze %dma_start3A_730 : memref<1x64xi32, #tpu.memory_space<hbm>> -> memref<64xi32, #tpu.memory_space<hbm>>
      %dma_start3A_732 = arith.constant 0 : i32
      %dma_start3A_733 = tpu.memref_slice %arg9[%run_scoped3A_350, %run_scoped3A_351, %dma_start3A_732] : memref<4x2x64xi32, #tpu.memory_space<vmem>> -> memref<1x1x64xi32, #tpu.memory_space<vmem>>
      %dma_start3A_734 = tpu.memref_squeeze %dma_start3A_733 : memref<1x1x64xi32, #tpu.memory_space<vmem>> -> memref<64xi32, #tpu.memory_space<vmem>>
      tpu.enqueue_dma source(%dma_start3A_734 : memref<64xi32, #tpu.memory_space<vmem>>) target(%dma_start3A_731 : memref<64xi32, #tpu.memory_space<hbm>>) target_semaphore(%run_scoped3A_724 : memref<!tpu.dma_semaphore, #tpu.memory_space<semaphore_mem>>)
      %dma_wait3A_735 = arith.constant 0 : i32
      %dma_wait3A_736 = tpu.memref_slice %arg9[%run_scoped3A_350, %run_scoped3A_351, %dma_wait3A_735] : memref<4x2x64xi32, #tpu.memory_space<vmem>> -> memref<1x1x64xi32, #tpu.memory_space<vmem>>
      %dma_wait3A_737 = tpu.memref_squeeze %dma_wait3A_736 : memref<1x1x64xi32, #tpu.memory_space<vmem>> -> memref<64xi32, #tpu.memory_space<vmem>>
      %dma_wait3A_738 = tpu.memref_slice %arg6[%run_scoped3A_352, %mul3A_6] : memref<2x6272xi32, #tpu.memory_space<hbm>> -> memref<1x64xi32, #tpu.memory_space<hbm>>
      %dma_wait3A_739 = tpu.memref_squeeze %dma_wait3A_738 : memref<1x64xi32, #tpu.memory_space<hbm>> -> memref<64xi32, #tpu.memory_space<hbm>>
      %dma_wait3A_740 = tpu.memref_slice %arg6[%run_scoped3A_352, %mul3A_6] : memref<2x6272xi32, #tpu.memory_space<hbm>> -> memref<1x64xi32, #tpu.memory_space<hbm>>
      %dma_wait3A_741 = tpu.memref_squeeze %dma_wait3A_740 : memref<1x64xi32, #tpu.memory_space<hbm>> -> memref<64xi32, #tpu.memory_space<hbm>>
      %dma_wait3A_742 = arith.constant 0 : i32
      %dma_wait3A_743 = tpu.memref_slice %arg9[%run_scoped3A_350, %run_scoped3A_351, %dma_wait3A_742] : memref<4x2x64xi32, #tpu.memory_space<vmem>> -> memref<1x1x64xi32, #tpu.memory_space<vmem>>
      %dma_wait3A_744 = tpu.memref_squeeze %dma_wait3A_743 : memref<1x1x64xi32, #tpu.memory_space<vmem>> -> memref<64xi32, #tpu.memory_space<vmem>>
      tpu.wait_dma2 semaphore(%run_scoped3A_724 : memref<!tpu.dma_semaphore, #tpu.memory_space<semaphore_mem>>) src(%dma_wait3A_744 : memref<64xi32, #tpu.memory_space<vmem>>) dst(%dma_wait3A_741 : memref<64xi32, #tpu.memory_space<hbm>>)
      tpu.yield
    }) : () -> ()
    "tpu.region"() ({
      %run_scoped3A_724 = tpu.sem_alloc : memref<!tpu.dma_semaphore, #tpu.memory_space<semaphore_mem>>
      %dma_start3A_725 = arith.constant 0 : i32
      %dma_start3A_726 = tpu.memref_slice %arg3[%mul3A_10, %dma_start3A_725] : memref<6272x2xi32, #tpu.memory_space<hbm>> -> memref<64x2xi32, #tpu.memory_space<hbm>>
      %dma_start3A_727 = arith.constant 0 : i32
      %dma_start3A_728 = tpu.memref_slice %arg3[%mul3A_10, %dma_start3A_727] : memref<6272x2xi32, #tpu.memory_space<hbm>> -> memref<64x2xi32, #tpu.memory_space<hbm>>
      tpu.enqueue_dma source(%dma_start3A_728 : memref<64x2xi32, #tpu.memory_space<hbm>>) target(%arg8 : memref<64x2xi32, #tpu.memory_space<vmem>>) target_semaphore(%run_scoped3A_724 : memref<!tpu.dma_semaphore, #tpu.memory_space<semaphore_mem>>)
      %dma_wait3A_729 = arith.constant 0 : i32
      %dma_wait3A_730 = tpu.memref_slice %arg3[%mul3A_10, %dma_wait3A_729] : memref<6272x2xi32, #tpu.memory_space<hbm>> -> memref<64x2xi32, #tpu.memory_space<hbm>>
      %dma_wait3A_731 = arith.constant 0 : i32
      %dma_wait3A_732 = tpu.memref_slice %arg3[%mul3A_10, %dma_wait3A_731] : memref<6272x2xi32, #tpu.memory_space<hbm>> -> memref<64x2xi32, #tpu.memory_space<hbm>>
      tpu.wait_dma2 semaphore(%run_scoped3A_724 : memref<!tpu.dma_semaphore, #tpu.memory_space<semaphore_mem>>) src(%dma_wait3A_732 : memref<64x2xi32, #tpu.memory_space<hbm>>) dst(%arg8 : memref<64x2xi32, #tpu.memory_space<vmem>>)
      tpu.yield
    }) : () -> ()
    %broadcast_in_dim3A_353 = arith.constant 0 : i32
    %broadcast_in_dim3A_354 = vector.broadcast %broadcast_in_dim3A_353 : i32 to vector<16xi32>
    %iota3A_355 = tpu.iota {dimensions = array<i32: 0>} : vector<16xi32>
    %add3A_356 = arith.constant 0 : i32
    %add3A_357 = vector.broadcast %add3A_356 : i32 to vector<16xi32>
    %add3A_358 = arith.addi %iota3A_355, %add3A_357 : vector<16xi32>
    %gather3A_359 = tpu.vector_load_idx %arg8[%add3A_358, %broadcast_in_dim3A_354] : memref<64x2xi32, #tpu.memory_space<vmem>>[vector<16xi32>, vector<16xi32>], vector<16xi32>,
    %and3A_360 = arith.constant 15 : i32
    %and3A_361 = vector.broadcast %and3A_360 : i32 to vector<16xi32>
    %and3A_362 = arith.andi %gather3A_359, %and3A_361 : vector<16xi32>
    %shift_right_logical3A_363 = arith.constant 4 : i32
    %shift_right_logical3A_364 = vector.broadcast %shift_right_logical3A_363 : i32 to vector<16xi32>
    %shift_right_logical3A_365 = arith.shrui %gather3A_359, %shift_right_logical3A_364 : vector<16xi32>
    %gather3A_366 = tpu.vector_load_idx %arg10[%broadcast_in_dim3A_354, %and3A_362] : memref<2x16xi32, #tpu.memory_space<vmem>>[vector<16xi32>, vector<16xi32>], vector<16xi32>,
    %add3A_367 = arith.addi %gather3A_366, %shift_right_logical3A_365 : vector<16xi32>
    %swap3A_368 = arith.constant 2 : i32
    %swap3A_369 = arith.constant 0 : i32
    %swap3A_370 = arith.index_cast %swap3A_368 : i32 to index
    %swap3A_371 = arith.index_cast %swap3A_369 : i32 to index
    %swap3A_372 = arith.constant 0 : index
    %swap3A_373 = tpu.vector_load %arg9[%swap3A_370, %swap3A_371, %swap3A_372] {strides = array<i32>} : memref<4x2x64xi32, #tpu.memory_space<vmem>>, vector<16xi32>,
    tpu.vector_store %arg9[%swap3A_370, %swap3A_371, %swap3A_372], %add3A_367 {strides = array<i32>} : memref<4x2x64xi32, #tpu.memory_space<vmem>>, vector<16xi32>,
    %iota3A_374 = tpu.iota {dimensions = array<i32: 0>} : vector<16xi32>
    %add3A_375 = arith.constant 16 : i32
    %add3A_376 = vector.broadcast %add3A_375 : i32 to vector<16xi32>
    %add3A_377 = arith.addi %iota3A_374, %add3A_376 : vector<16xi32>
    %gather3A_378 = tpu.vector_load_idx %arg8[%add3A_377, %broadcast_in_dim3A_354] : memref<64x2xi32, #tpu.memory_space<vmem>>[vector<16xi32>, vector<16xi32>], vector<16xi32>,
    %and3A_379 = arith.constant 15 : i32
    %and3A_380 = vector.broadcast %and3A_379 : i32 to vector<16xi32>
    %and3A_381 = arith.andi %gather3A_378, %and3A_380 : vector<16xi32>
    %shift_right_logical3A_382 = arith.constant 4 : i32
    %shift_right_logical3A_383 = vector.broadcast %shift_right_logical3A_382 : i32 to vector<16xi32>
    %shift_right_logical3A_384 = arith.shrui %gather3A_378, %shift_right_logical3A_383 : vector<16xi32>
    %gather3A_385 = tpu.vector_load_idx %arg10[%broadcast_in_dim3A_354, %and3A_381] : memref<2x16xi32, #tpu.memory_space<vmem>>[vector<16xi32>, vector<16xi32>], vector<16xi32>,
    %add3A_386 = arith.addi %gather3A_385, %shift_right_logical3A_384 : vector<16xi32>
    %swap3A_387 = arith.constant 2 : i32
    %swap3A_388 = arith.constant 0 : i32
    %swap3A_389 = arith.index_cast %swap3A_387 : i32 to index
    %swap3A_390 = arith.index_cast %swap3A_388 : i32 to index
    %swap3A_391 = arith.constant 16 : index
    %swap3A_392 = tpu.vector_load %arg9[%swap3A_389, %swap3A_390, %swap3A_391] {strides = array<i32>} : memref<4x2x64xi32, #tpu.memory_space<vmem>>, vector<16xi32>,
    tpu.vector_store %arg9[%swap3A_389, %swap3A_390, %swap3A_391], %add3A_386 {strides = array<i32>} : memref<4x2x64xi32, #tpu.memory_space<vmem>>, vector<16xi32>,
    %iota3A_393 = tpu.iota {dimensions = array<i32: 0>} : vector<16xi32>
    %add3A_394 = arith.constant 32 : i32
    %add3A_395 = vector.broadcast %add3A_394 : i32 to vector<16xi32>
    %add3A_396 = arith.addi %iota3A_393, %add3A_395 : vector<16xi32>
    %gather3A_397 = tpu.vector_load_idx %arg8[%add3A_396, %broadcast_in_dim3A_354] : memref<64x2xi32, #tpu.memory_space<vmem>>[vector<16xi32>, vector<16xi32>], vector<16xi32>,
    %and3A_398 = arith.constant 15 : i32
    %and3A_399 = vector.broadcast %and3A_398 : i32 to vector<16xi32>
    %and3A_400 = arith.andi %gather3A_397, %and3A_399 : vector<16xi32>
    %shift_right_logical3A_401 = arith.constant 4 : i32
    %shift_right_logical3A_402 = vector.broadcast %shift_right_logical3A_401 : i32 to vector<16xi32>
    %shift_right_logical3A_403 = arith.shrui %gather3A_397, %shift_right_logical3A_402 : vector<16xi32>
    %gather3A_404 = tpu.vector_load_idx %arg10[%broadcast_in_dim3A_354, %and3A_400] : memref<2x16xi32, #tpu.memory_space<vmem>>[vector<16xi32>, vector<16xi32>], vector<16xi32>,
    %add3A_405 = arith.addi %gather3A_404, %shift_right_logical3A_403 : vector<16xi32>
    %swap3A_406 = arith.constant 2 : i32
    %swap3A_407 = arith.constant 0 : i32
    %swap3A_408 = arith.index_cast %swap3A_406 : i32 to index
    %swap3A_409 = arith.index_cast %swap3A_407 : i32 to index
    %swap3A_410 = arith.constant 32 : index
    %swap3A_411 = tpu.vector_load %arg9[%swap3A_408, %swap3A_409, %swap3A_410] {strides = array<i32>} : memref<4x2x64xi32, #tpu.memory_space<vmem>>, vector<16xi32>,
    tpu.vector_store %arg9[%swap3A_408, %swap3A_409, %swap3A_410], %add3A_405 {strides = array<i32>} : memref<4x2x64xi32, #tpu.memory_space<vmem>>, vector<16xi32>,
    %iota3A_412 = tpu.iota {dimensions = array<i32: 0>} : vector<16xi32>
    %add3A_413 = arith.constant 48 : i32
    %add3A_414 = vector.broadcast %add3A_413 : i32 to vector<16xi32>
    %add3A_415 = arith.addi %iota3A_412, %add3A_414 : vector<16xi32>
    %gather3A_416 = tpu.vector_load_idx %arg8[%add3A_415, %broadcast_in_dim3A_354] : memref<64x2xi32, #tpu.memory_space<vmem>>[vector<16xi32>, vector<16xi32>], vector<16xi32>,
    %and3A_417 = arith.constant 15 : i32
    %and3A_418 = vector.broadcast %and3A_417 : i32 to vector<16xi32>
    %and3A_419 = arith.andi %gather3A_416, %and3A_418 : vector<16xi32>
    %shift_right_logical3A_420 = arith.constant 4 : i32
    %shift_right_logical3A_421 = vector.broadcast %shift_right_logical3A_420 : i32 to vector<16xi32>
    %shift_right_logical3A_422 = arith.shrui %gather3A_416, %shift_right_logical3A_421 : vector<16xi32>
    %gather3A_423 = tpu.vector_load_idx %arg10[%broadcast_in_dim3A_354, %and3A_419] : memref<2x16xi32, #tpu.memory_space<vmem>>[vector<16xi32>, vector<16xi32>], vector<16xi32>,
    %add3A_424 = arith.addi %gather3A_423, %shift_right_logical3A_422 : vector<16xi32>
    %swap3A_425 = arith.constant 2 : i32
    %swap3A_426 = arith.constant 0 : i32
    %swap3A_427 = arith.index_cast %swap3A_425 : i32 to index
    %swap3A_428 = arith.index_cast %swap3A_426 : i32 to index
    %swap3A_429 = arith.constant 48 : index
    %swap3A_430 = tpu.vector_load %arg9[%swap3A_427, %swap3A_428, %swap3A_429] {strides = array<i32>} : memref<4x2x64xi32, #tpu.memory_space<vmem>>, vector<16xi32>,
    tpu.vector_store %arg9[%swap3A_427, %swap3A_428, %swap3A_429], %add3A_424 {strides = array<i32>} : memref<4x2x64xi32, #tpu.memory_space<vmem>>, vector<16xi32>,
    %broadcast_in_dim3A_431 = arith.constant 1 : i32
    %broadcast_in_dim3A_432 = vector.broadcast %broadcast_in_dim3A_431 : i32 to vector<16xi32>
    %iota3A_433 = tpu.iota {dimensions = array<i32: 0>} : vector<16xi32>
    %add3A_434 = arith.constant 0 : i32
    %add3A_435 = vector.broadcast %add3A_434 : i32 to vector<16xi32>
    %add3A_436 = arith.addi %iota3A_433, %add3A_435 : vector<16xi32>
    %gather3A_437 = tpu.vector_load_idx %arg8[%add3A_436, %broadcast_in_dim3A_432] : memref<64x2xi32, #tpu.memory_space<vmem>>[vector<16xi32>, vector<16xi32>], vector<16xi32>,
    %and3A_438 = arith.constant 15 : i32
    %and3A_439 = vector.broadcast %and3A_438 : i32 to vector<16xi32>
    %and3A_440 = arith.andi %gather3A_437, %and3A_439 : vector<16xi32>
    %shift_right_logical3A_441 = arith.constant 4 : i32
    %shift_right_logical3A_442 = vector.broadcast %shift_right_logical3A_441 : i32 to vector<16xi32>
    %shift_right_logical3A_443 = arith.shrui %gather3A_437, %shift_right_logical3A_442 : vector<16xi32>
    %gather3A_444 = tpu.vector_load_idx %arg10[%broadcast_in_dim3A_432, %and3A_440] : memref<2x16xi32, #tpu.memory_space<vmem>>[vector<16xi32>, vector<16xi32>], vector<16xi32>,
    %add3A_445 = arith.addi %gather3A_444, %shift_right_logical3A_443 : vector<16xi32>
    %swap3A_446 = arith.constant 2 : i32
    %swap3A_447 = arith.constant 1 : i32
    %swap3A_448 = arith.index_cast %swap3A_446 : i32 to index
    %swap3A_449 = arith.index_cast %swap3A_447 : i32 to index
    %swap3A_450 = arith.constant 0 : index
    %swap3A_451 = tpu.vector_load %arg9[%swap3A_448, %swap3A_449, %swap3A_450] {strides = array<i32>} : memref<4x2x64xi32, #tpu.memory_space<vmem>>, vector<16xi32>,
    tpu.vector_store %arg9[%swap3A_448, %swap3A_449, %swap3A_450], %add3A_445 {strides = array<i32>} : memref<4x2x64xi32, #tpu.memory_space<vmem>>, vector<16xi32>,
    %iota3A_452 = tpu.iota {dimensions = array<i32: 0>} : vector<16xi32>
    %add3A_453 = arith.constant 16 : i32
    %add3A_454 = vector.broadcast %add3A_453 : i32 to vector<16xi32>
    %add3A_455 = arith.addi %iota3A_452, %add3A_454 : vector<16xi32>
    %gather3A_456 = tpu.vector_load_idx %arg8[%add3A_455, %broadcast_in_dim3A_432] : memref<64x2xi32, #tpu.memory_space<vmem>>[vector<16xi32>, vector<16xi32>], vector<16xi32>,
    %and3A_457 = arith.constant 15 : i32
    %and3A_458 = vector.broadcast %and3A_457 : i32 to vector<16xi32>
    %and3A_459 = arith.andi %gather3A_456, %and3A_458 : vector<16xi32>
    %shift_right_logical3A_460 = arith.constant 4 : i32
    %shift_right_logical3A_461 = vector.broadcast %shift_right_logical3A_460 : i32 to vector<16xi32>
    %shift_right_logical3A_462 = arith.shrui %gather3A_456, %shift_right_logical3A_461 : vector<16xi32>
    %gather3A_463 = tpu.vector_load_idx %arg10[%broadcast_in_dim3A_432, %and3A_459] : memref<2x16xi32, #tpu.memory_space<vmem>>[vector<16xi32>, vector<16xi32>], vector<16xi32>,
    %add3A_464 = arith.addi %gather3A_463, %shift_right_logical3A_462 : vector<16xi32>
    %swap3A_465 = arith.constant 2 : i32
    %swap3A_466 = arith.constant 1 : i32
    %swap3A_467 = arith.index_cast %swap3A_465 : i32 to index
    %swap3A_468 = arith.index_cast %swap3A_466 : i32 to index
    %swap3A_469 = arith.constant 16 : index
    %swap3A_470 = tpu.vector_load %arg9[%swap3A_467, %swap3A_468, %swap3A_469] {strides = array<i32>} : memref<4x2x64xi32, #tpu.memory_space<vmem>>, vector<16xi32>,
    tpu.vector_store %arg9[%swap3A_467, %swap3A_468, %swap3A_469], %add3A_464 {strides = array<i32>} : memref<4x2x64xi32, #tpu.memory_space<vmem>>, vector<16xi32>,
    %iota3A_471 = tpu.iota {dimensions = array<i32: 0>} : vector<16xi32>
    %add3A_472 = arith.constant 32 : i32
    %add3A_473 = vector.broadcast %add3A_472 : i32 to vector<16xi32>
    %add3A_474 = arith.addi %iota3A_471, %add3A_473 : vector<16xi32>
    %gather3A_475 = tpu.vector_load_idx %arg8[%add3A_474, %broadcast_in_dim3A_432] : memref<64x2xi32, #tpu.memory_space<vmem>>[vector<16xi32>, vector<16xi32>], vector<16xi32>,
    %and3A_476 = arith.constant 15 : i32
    %and3A_477 = vector.broadcast %and3A_476 : i32 to vector<16xi32>
    %and3A_478 = arith.andi %gather3A_475, %and3A_477 : vector<16xi32>
    %shift_right_logical3A_479 = arith.constant 4 : i32
    %shift_right_logical3A_480 = vector.broadcast %shift_right_logical3A_479 : i32 to vector<16xi32>
    %shift_right_logical3A_481 = arith.shrui %gather3A_475, %shift_right_logical3A_480 : vector<16xi32>
    %gather3A_482 = tpu.vector_load_idx %arg10[%broadcast_in_dim3A_432, %and3A_478] : memref<2x16xi32, #tpu.memory_space<vmem>>[vector<16xi32>, vector<16xi32>], vector<16xi32>,
    %add3A_483 = arith.addi %gather3A_482, %shift_right_logical3A_481 : vector<16xi32>
    %swap3A_484 = arith.constant 2 : i32
    %swap3A_485 = arith.constant 1 : i32
    %swap3A_486 = arith.index_cast %swap3A_484 : i32 to index
    %swap3A_487 = arith.index_cast %swap3A_485 : i32 to index
    %swap3A_488 = arith.constant 32 : index
    %swap3A_489 = tpu.vector_load %arg9[%swap3A_486, %swap3A_487, %swap3A_488] {strides = array<i32>} : memref<4x2x64xi32, #tpu.memory_space<vmem>>, vector<16xi32>,
    tpu.vector_store %arg9[%swap3A_486, %swap3A_487, %swap3A_488], %add3A_483 {strides = array<i32>} : memref<4x2x64xi32, #tpu.memory_space<vmem>>, vector<16xi32>,
    %iota3A_490 = tpu.iota {dimensions = array<i32: 0>} : vector<16xi32>
    %add3A_491 = arith.constant 48 : i32
    %add3A_492 = vector.broadcast %add3A_491 : i32 to vector<16xi32>
    %add3A_493 = arith.addi %iota3A_490, %add3A_492 : vector<16xi32>
    %gather3A_494 = tpu.vector_load_idx %arg8[%add3A_493, %broadcast_in_dim3A_432] : memref<64x2xi32, #tpu.memory_space<vmem>>[vector<16xi32>, vector<16xi32>], vector<16xi32>,
    %and3A_495 = arith.constant 15 : i32
    %and3A_496 = vector.broadcast %and3A_495 : i32 to vector<16xi32>
    %and3A_497 = arith.andi %gather3A_494, %and3A_496 : vector<16xi32>
    %shift_right_logical3A_498 = arith.constant 4 : i32
    %shift_right_logical3A_499 = vector.broadcast %shift_right_logical3A_498 : i32 to vector<16xi32>
    %shift_right_logical3A_500 = arith.shrui %gather3A_494, %shift_right_logical3A_499 : vector<16xi32>
    %gather3A_501 = tpu.vector_load_idx %arg10[%broadcast_in_dim3A_432, %and3A_497] : memref<2x16xi32, #tpu.memory_space<vmem>>[vector<16xi32>, vector<16xi32>], vector<16xi32>,
    %add3A_502 = arith.addi %gather3A_501, %shift_right_logical3A_500 : vector<16xi32>
    %swap3A_503 = arith.constant 2 : i32
    %swap3A_504 = arith.constant 1 : i32
    %swap3A_505 = arith.index_cast %swap3A_503 : i32 to index
    %swap3A_506 = arith.index_cast %swap3A_504 : i32 to index
    %swap3A_507 = arith.constant 48 : index
    %swap3A_508 = tpu.vector_load %arg9[%swap3A_505, %swap3A_506, %swap3A_507] {strides = array<i32>} : memref<4x2x64xi32, #tpu.memory_space<vmem>>, vector<16xi32>,
    tpu.vector_store %arg9[%swap3A_505, %swap3A_506, %swap3A_507], %add3A_502 {strides = array<i32>} : memref<4x2x64xi32, #tpu.memory_space<vmem>>, vector<16xi32>,
    %run_scoped3A_509 = arith.constant 2 : i32
    %run_scoped3A_510 = arith.constant 0 : i32
    %run_scoped3A_511 = arith.constant 0 : i32
    "tpu.region"() ({
      %run_scoped3A_724 = tpu.sem_alloc : memref<!tpu.dma_semaphore, #tpu.memory_space<semaphore_mem>>
      %dma_start3A_725 = arith.constant 0 : i32
      %dma_start3A_726 = tpu.memref_slice %arg9[%run_scoped3A_509, %run_scoped3A_510, %dma_start3A_725] : memref<4x2x64xi32, #tpu.memory_space<vmem>> -> memref<1x1x64xi32, #tpu.memory_space<vmem>>
      %dma_start3A_727 = tpu.memref_squeeze %dma_start3A_726 : memref<1x1x64xi32, #tpu.memory_space<vmem>> -> memref<64xi32, #tpu.memory_space<vmem>>
      %dma_start3A_728 = tpu.memref_slice %arg6[%run_scoped3A_511, %mul3A_10] : memref<2x6272xi32, #tpu.memory_space<hbm>> -> memref<1x64xi32, #tpu.memory_space<hbm>>
      %dma_start3A_729 = tpu.memref_squeeze %dma_start3A_728 : memref<1x64xi32, #tpu.memory_space<hbm>> -> memref<64xi32, #tpu.memory_space<hbm>>
      %dma_start3A_730 = tpu.memref_slice %arg6[%run_scoped3A_511, %mul3A_10] : memref<2x6272xi32, #tpu.memory_space<hbm>> -> memref<1x64xi32, #tpu.memory_space<hbm>>
      %dma_start3A_731 = tpu.memref_squeeze %dma_start3A_730 : memref<1x64xi32, #tpu.memory_space<hbm>> -> memref<64xi32, #tpu.memory_space<hbm>>
      %dma_start3A_732 = arith.constant 0 : i32
      %dma_start3A_733 = tpu.memref_slice %arg9[%run_scoped3A_509, %run_scoped3A_510, %dma_start3A_732] : memref<4x2x64xi32, #tpu.memory_space<vmem>> -> memref<1x1x64xi32, #tpu.memory_space<vmem>>
      %dma_start3A_734 = tpu.memref_squeeze %dma_start3A_733 : memref<1x1x64xi32, #tpu.memory_space<vmem>> -> memref<64xi32, #tpu.memory_space<vmem>>
      tpu.enqueue_dma source(%dma_start3A_734 : memref<64xi32, #tpu.memory_space<vmem>>) target(%dma_start3A_731 : memref<64xi32, #tpu.memory_space<hbm>>) target_semaphore(%run_scoped3A_724 : memref<!tpu.dma_semaphore, #tpu.memory_space<semaphore_mem>>)
      %dma_wait3A_735 = arith.constant 0 : i32
      %dma_wait3A_736 = tpu.memref_slice %arg9[%run_scoped3A_509, %run_scoped3A_510, %dma_wait3A_735] : memref<4x2x64xi32, #tpu.memory_space<vmem>> -> memref<1x1x64xi32, #tpu.memory_space<vmem>>
      %dma_wait3A_737 = tpu.memref_squeeze %dma_wait3A_736 : memref<1x1x64xi32, #tpu.memory_space<vmem>> -> memref<64xi32, #tpu.memory_space<vmem>>
      %dma_wait3A_738 = tpu.memref_slice %arg6[%run_scoped3A_511, %mul3A_10] : memref<2x6272xi32, #tpu.memory_space<hbm>> -> memref<1x64xi32, #tpu.memory_space<hbm>>
      %dma_wait3A_739 = tpu.memref_squeeze %dma_wait3A_738 : memref<1x64xi32, #tpu.memory_space<hbm>> -> memref<64xi32, #tpu.memory_space<hbm>>
      %dma_wait3A_740 = tpu.memref_slice %arg6[%run_scoped3A_511, %mul3A_10] : memref<2x6272xi32, #tpu.memory_space<hbm>> -> memref<1x64xi32, #tpu.memory_space<hbm>>
      %dma_wait3A_741 = tpu.memref_squeeze %dma_wait3A_740 : memref<1x64xi32, #tpu.memory_space<hbm>> -> memref<64xi32, #tpu.memory_space<hbm>>
      %dma_wait3A_742 = arith.constant 0 : i32
      %dma_wait3A_743 = tpu.memref_slice %arg9[%run_scoped3A_509, %run_scoped3A_510, %dma_wait3A_742] : memref<4x2x64xi32, #tpu.memory_space<vmem>> -> memref<1x1x64xi32, #tpu.memory_space<vmem>>
      %dma_wait3A_744 = tpu.memref_squeeze %dma_wait3A_743 : memref<1x1x64xi32, #tpu.memory_space<vmem>> -> memref<64xi32, #tpu.memory_space<vmem>>
      tpu.wait_dma2 semaphore(%run_scoped3A_724 : memref<!tpu.dma_semaphore, #tpu.memory_space<semaphore_mem>>) src(%dma_wait3A_744 : memref<64xi32, #tpu.memory_space<vmem>>) dst(%dma_wait3A_741 : memref<64xi32, #tpu.memory_space<hbm>>)
      tpu.yield
    }) : () -> ()
    %run_scoped3A_512 = arith.constant 2 : i32
    %run_scoped3A_513 = arith.constant 1 : i32
    %run_scoped3A_514 = arith.constant 1 : i32
    "tpu.region"() ({
      %run_scoped3A_724 = tpu.sem_alloc : memref<!tpu.dma_semaphore, #tpu.memory_space<semaphore_mem>>
      %dma_start3A_725 = arith.constant 0 : i32
      %dma_start3A_726 = tpu.memref_slice %arg9[%run_scoped3A_512, %run_scoped3A_513, %dma_start3A_725] : memref<4x2x64xi32, #tpu.memory_space<vmem>> -> memref<1x1x64xi32, #tpu.memory_space<vmem>>
      %dma_start3A_727 = tpu.memref_squeeze %dma_start3A_726 : memref<1x1x64xi32, #tpu.memory_space<vmem>> -> memref<64xi32, #tpu.memory_space<vmem>>
      %dma_start3A_728 = tpu.memref_slice %arg6[%run_scoped3A_514, %mul3A_10] : memref<2x6272xi32, #tpu.memory_space<hbm>> -> memref<1x64xi32, #tpu.memory_space<hbm>>
      %dma_start3A_729 = tpu.memref_squeeze %dma_start3A_728 : memref<1x64xi32, #tpu.memory_space<hbm>> -> memref<64xi32, #tpu.memory_space<hbm>>
      %dma_start3A_730 = tpu.memref_slice %arg6[%run_scoped3A_514, %mul3A_10] : memref<2x6272xi32, #tpu.memory_space<hbm>> -> memref<1x64xi32, #tpu.memory_space<hbm>>
      %dma_start3A_731 = tpu.memref_squeeze %dma_start3A_730 : memref<1x64xi32, #tpu.memory_space<hbm>> -> memref<64xi32, #tpu.memory_space<hbm>>
      %dma_start3A_732 = arith.constant 0 : i32
      %dma_start3A_733 = tpu.memref_slice %arg9[%run_scoped3A_512, %run_scoped3A_513, %dma_start3A_732] : memref<4x2x64xi32, #tpu.memory_space<vmem>> -> memref<1x1x64xi32, #tpu.memory_space<vmem>>
      %dma_start3A_734 = tpu.memref_squeeze %dma_start3A_733 : memref<1x1x64xi32, #tpu.memory_space<vmem>> -> memref<64xi32, #tpu.memory_space<vmem>>
      tpu.enqueue_dma source(%dma_start3A_734 : memref<64xi32, #tpu.memory_space<vmem>>) target(%dma_start3A_731 : memref<64xi32, #tpu.memory_space<hbm>>) target_semaphore(%run_scoped3A_724 : memref<!tpu.dma_semaphore, #tpu.memory_space<semaphore_mem>>)
      %dma_wait3A_735 = arith.constant 0 : i32
      %dma_wait3A_736 = tpu.memref_slice %arg9[%run_scoped3A_512, %run_scoped3A_513, %dma_wait3A_735] : memref<4x2x64xi32, #tpu.memory_space<vmem>> -> memref<1x1x64xi32, #tpu.memory_space<vmem>>
      %dma_wait3A_737 = tpu.memref_squeeze %dma_wait3A_736 : memref<1x1x64xi32, #tpu.memory_space<vmem>> -> memref<64xi32, #tpu.memory_space<vmem>>
      %dma_wait3A_738 = tpu.memref_slice %arg6[%run_scoped3A_514, %mul3A_10] : memref<2x6272xi32, #tpu.memory_space<hbm>> -> memref<1x64xi32, #tpu.memory_space<hbm>>
      %dma_wait3A_739 = tpu.memref_squeeze %dma_wait3A_738 : memref<1x64xi32, #tpu.memory_space<hbm>> -> memref<64xi32, #tpu.memory_space<hbm>>
      %dma_wait3A_740 = tpu.memref_slice %arg6[%run_scoped3A_514, %mul3A_10] : memref<2x6272xi32, #tpu.memory_space<hbm>> -> memref<1x64xi32, #tpu.memory_space<hbm>>
      %dma_wait3A_741 = tpu.memref_squeeze %dma_wait3A_740 : memref<1x64xi32, #tpu.memory_space<hbm>> -> memref<64xi32, #tpu.memory_space<hbm>>
      %dma_wait3A_742 = arith.constant 0 : i32
      %dma_wait3A_743 = tpu.memref_slice %arg9[%run_scoped3A_512, %run_scoped3A_513, %dma_wait3A_742] : memref<4x2x64xi32, #tpu.memory_space<vmem>> -> memref<1x1x64xi32, #tpu.memory_space<vmem>>
      %dma_wait3A_744 = tpu.memref_squeeze %dma_wait3A_743 : memref<1x1x64xi32, #tpu.memory_space<vmem>> -> memref<64xi32, #tpu.memory_space<vmem>>
      tpu.wait_dma2 semaphore(%run_scoped3A_724 : memref<!tpu.dma_semaphore, #tpu.memory_space<semaphore_mem>>) src(%dma_wait3A_744 : memref<64xi32, #tpu.memory_space<vmem>>) dst(%dma_wait3A_741 : memref<64xi32, #tpu.memory_space<hbm>>)
      tpu.yield
    }) : () -> ()
    %dma_wait3A = arith.constant 0 : i32
    %dma_wait3A_515 = arith.constant 0 : i32
    %dma_wait3A_516 = arith.constant 0 : i32
    %dma_wait3A_517 = tpu.memref_slice %arg7[%dma_wait3A, %dma_wait3A_515, %dma_wait3A_516] : memref<2x64x768xf32, #tpu.memory_space<vmem>> -> memref<1x64x768xf32, #tpu.memory_space<vmem>>
    %dma_wait3A_518 = tpu.memref_squeeze %dma_wait3A_517 : memref<1x64x768xf32, #tpu.memory_space<vmem>> -> memref<64x768xf32, #tpu.memory_space<vmem>>
    %dma_wait3A_519 = arith.constant 0 : i32
    %dma_wait3A_520 = tpu.memref_slice %arg2[%mul3A_2, %dma_wait3A_519] : memref<6272x768xf32, #tpu.memory_space<hbm>> -> memref<64x768xf32, #tpu.memory_space<hbm>>
    %dma_wait3A_521 = arith.constant 0 : i32
    %dma_wait3A_522 = arith.constant 0 : i32
    %dma_wait3A_523 = tpu.memref_slice %arg7[%dma_wait3A, %dma_wait3A_521, %dma_wait3A_522] : memref<2x64x768xf32, #tpu.memory_space<vmem>> -> memref<1x64x768xf32, #tpu.memory_space<vmem>>
    %dma_wait3A_524 = tpu.memref_squeeze %dma_wait3A_523 : memref<1x64x768xf32, #tpu.memory_space<vmem>> -> memref<64x768xf32, #tpu.memory_space<vmem>>
    %dma_wait3A_525 = arith.constant 0 : i32
    %dma_wait3A_526 = tpu.memref_slice %arg2[%mul3A_2, %dma_wait3A_525] : memref<6272x768xf32, #tpu.memory_space<hbm>> -> memref<64x768xf32, #tpu.memory_space<hbm>>
    tpu.wait_dma2 semaphore(%arg11 : memref<!tpu.dma_semaphore, #tpu.memory_space<semaphore_mem>>) src(%dma_wait3A_526 : memref<64x768xf32, #tpu.memory_space<hbm>>) dst(%dma_wait3A_524 : memref<64x768xf32, #tpu.memory_space<vmem>>)
    %dma_start3A_527 = arith.constant 0 : i32
    %dma_start3A_528 = arith.constant 0 : i32
    %dma_start3A_529 = arith.constant 0 : i32
    %dma_start3A_530 = arith.constant 0 : i32
    %dma_start3A_531 = arith.constant 0 : i32
    %dma_start3A_532 = tpu.memref_slice %arg7[%dma_start3A_527, %dma_start3A_530, %dma_start3A_531] : memref<2x64x768xf32, #tpu.memory_space<vmem>> -> memref<1x64x768xf32, #tpu.memory_space<vmem>>
    %dma_start3A_533 = tpu.memref_squeeze %dma_start3A_532 : memref<1x64x768xf32, #tpu.memory_space<vmem>> -> memref<64x768xf32, #tpu.memory_space<vmem>>
    %dma_start3A_534 = arith.constant 0 : i32
    %dma_start3A_535 = tpu.memref_slice %arg9[%dma_start3A_528, %dma_start3A_529, %dma_start3A_534] : memref<4x2x64xi32, #tpu.memory_space<vmem>> -> memref<1x1x64xi32, #tpu.memory_space<vmem>>
    %dma_start3A_536 = tpu.memref_squeeze %dma_start3A_535 : memref<1x1x64xi32, #tpu.memory_space<vmem>> -> memref<64xi32, #tpu.memory_space<vmem>>
    %dma_start3A_537 = arith.constant 0 : i32
    %dma_start3A_538 = arith.constant 0 : i32
    %dma_start3A_539 = tpu.memref_slice %arg5[%dma_start3A_537, %dma_start3A_538] : memref<14592x768xf32, #tpu.memory_space<hbm>> -> memref<14592x768xf32, #tpu.memory_space<hbm>>
    tpu.enqueue_indirect_dma source(%dma_start3A_533 : memref<64x768xf32, #tpu.memory_space<vmem>>) target(%dma_start3A_539 : memref<14592x768xf32, #tpu.memory_space<hbm>>) offsets(%dma_start3A_536 : memref<64xi32, #tpu.memory_space<vmem>>) semaphore(%arg13 : memref<!tpu.dma_semaphore, #tpu.memory_space<semaphore_mem>>)
    %dma_start3A_540 = arith.constant 0 : i32
    %dma_start3A_541 = arith.constant 0 : i32
    %dma_start3A_542 = arith.constant 1 : i32
    %dma_start3A_543 = arith.constant 0 : i32
    %dma_start3A_544 = arith.constant 0 : i32
    %dma_start3A_545 = tpu.memref_slice %arg7[%dma_start3A_540, %dma_start3A_543, %dma_start3A_544] : memref<2x64x768xf32, #tpu.memory_space<vmem>> -> memref<1x64x768xf32, #tpu.memory_space<vmem>>
    %dma_start3A_546 = tpu.memref_squeeze %dma_start3A_545 : memref<1x64x768xf32, #tpu.memory_space<vmem>> -> memref<64x768xf32, #tpu.memory_space<vmem>>
    %dma_start3A_547 = arith.constant 0 : i32
    %dma_start3A_548 = tpu.memref_slice %arg9[%dma_start3A_541, %dma_start3A_542, %dma_start3A_547] : memref<4x2x64xi32, #tpu.memory_space<vmem>> -> memref<1x1x64xi32, #tpu.memory_space<vmem>>
    %dma_start3A_549 = tpu.memref_squeeze %dma_start3A_548 : memref<1x1x64xi32, #tpu.memory_space<vmem>> -> memref<64xi32, #tpu.memory_space<vmem>>
    %dma_start3A_550 = arith.constant 0 : i32
    %dma_start3A_551 = arith.constant 0 : i32
    %dma_start3A_552 = tpu.memref_slice %arg5[%dma_start3A_550, %dma_start3A_551] : memref<14592x768xf32, #tpu.memory_space<hbm>> -> memref<14592x768xf32, #tpu.memory_space<hbm>>
    tpu.enqueue_indirect_dma source(%dma_start3A_546 : memref<64x768xf32, #tpu.memory_space<vmem>>) target(%dma_start3A_552 : memref<14592x768xf32, #tpu.memory_space<hbm>>) offsets(%dma_start3A_549 : memref<64xi32, #tpu.memory_space<vmem>>) semaphore(%arg13 : memref<!tpu.dma_semaphore, #tpu.memory_space<semaphore_mem>>)
    %dma_wait3A_553 = arith.constant 1 : i32
    %dma_wait3A_554 = arith.constant 0 : i32
    %dma_wait3A_555 = arith.constant 0 : i32
    %dma_wait3A_556 = tpu.memref_slice %arg7[%dma_wait3A_553, %dma_wait3A_554, %dma_wait3A_555] : memref<2x64x768xf32, #tpu.memory_space<vmem>> -> memref<1x64x768xf32, #tpu.memory_space<vmem>>
    %dma_wait3A_557 = tpu.memref_squeeze %dma_wait3A_556 : memref<1x64x768xf32, #tpu.memory_space<vmem>> -> memref<64x768xf32, #tpu.memory_space<vmem>>
    %dma_wait3A_558 = arith.constant 0 : i32
    %dma_wait3A_559 = tpu.memref_slice %arg2[%mul3A_6, %dma_wait3A_558] : memref<6272x768xf32, #tpu.memory_space<hbm>> -> memref<64x768xf32, #tpu.memory_space<hbm>>
    %dma_wait3A_560 = arith.constant 0 : i32
    %dma_wait3A_561 = arith.constant 0 : i32
    %dma_wait3A_562 = tpu.memref_slice %arg7[%dma_wait3A_553, %dma_wait3A_560, %dma_wait3A_561] : memref<2x64x768xf32, #tpu.memory_space<vmem>> -> memref<1x64x768xf32, #tpu.memory_space<vmem>>
    %dma_wait3A_563 = tpu.memref_squeeze %dma_wait3A_562 : memref<1x64x768xf32, #tpu.memory_space<vmem>> -> memref<64x768xf32, #tpu.memory_space<vmem>>
    %dma_wait3A_564 = arith.constant 0 : i32
    %dma_wait3A_565 = tpu.memref_slice %arg2[%mul3A_6, %dma_wait3A_564] : memref<6272x768xf32, #tpu.memory_space<hbm>> -> memref<64x768xf32, #tpu.memory_space<hbm>>
    tpu.wait_dma2 semaphore(%arg12 : memref<!tpu.dma_semaphore, #tpu.memory_space<semaphore_mem>>) src(%dma_wait3A_565 : memref<64x768xf32, #tpu.memory_space<hbm>>) dst(%dma_wait3A_563 : memref<64x768xf32, #tpu.memory_space<vmem>>)
    %dma_start3A_566 = arith.constant 1 : i32
    %dma_start3A_567 = arith.constant 1 : i32
    %dma_start3A_568 = arith.constant 0 : i32
    %dma_start3A_569 = arith.constant 0 : i32
    %dma_start3A_570 = arith.constant 0 : i32
    %dma_start3A_571 = tpu.memref_slice %arg7[%dma_start3A_566, %dma_start3A_569, %dma_start3A_570] : memref<2x64x768xf32, #tpu.memory_space<vmem>> -> memref<1x64x768xf32, #tpu.memory_space<vmem>>
    %dma_start3A_572 = tpu.memref_squeeze %dma_start3A_571 : memref<1x64x768xf32, #tpu.memory_space<vmem>> -> memref<64x768xf32, #tpu.memory_space<vmem>>
    %dma_start3A_573 = arith.constant 0 : i32
    %dma_start3A_574 = tpu.memref_slice %arg9[%dma_start3A_567, %dma_start3A_568, %dma_start3A_573] : memref<4x2x64xi32, #tpu.memory_space<vmem>> -> memref<1x1x64xi32, #tpu.memory_space<vmem>>
    %dma_start3A_575 = tpu.memref_squeeze %dma_start3A_574 : memref<1x1x64xi32, #tpu.memory_space<vmem>> -> memref<64xi32, #tpu.memory_space<vmem>>
    %dma_start3A_576 = arith.constant 0 : i32
    %dma_start3A_577 = arith.constant 0 : i32
    %dma_start3A_578 = tpu.memref_slice %arg5[%dma_start3A_576, %dma_start3A_577] : memref<14592x768xf32, #tpu.memory_space<hbm>> -> memref<14592x768xf32, #tpu.memory_space<hbm>>
    tpu.enqueue_indirect_dma source(%dma_start3A_572 : memref<64x768xf32, #tpu.memory_space<vmem>>) target(%dma_start3A_578 : memref<14592x768xf32, #tpu.memory_space<hbm>>) offsets(%dma_start3A_575 : memref<64xi32, #tpu.memory_space<vmem>>) semaphore(%arg14 : memref<!tpu.dma_semaphore, #tpu.memory_space<semaphore_mem>>)
    %dma_start3A_579 = arith.constant 1 : i32
    %dma_start3A_580 = arith.constant 1 : i32
    %dma_start3A_581 = arith.constant 1 : i32
    %dma_start3A_582 = arith.constant 0 : i32
    %dma_start3A_583 = arith.constant 0 : i32
    %dma_start3A_584 = tpu.memref_slice %arg7[%dma_start3A_579, %dma_start3A_582, %dma_start3A_583] : memref<2x64x768xf32, #tpu.memory_space<vmem>> -> memref<1x64x768xf32, #tpu.memory_space<vmem>>
    %dma_start3A_585 = tpu.memref_squeeze %dma_start3A_584 : memref<1x64x768xf32, #tpu.memory_space<vmem>> -> memref<64x768xf32, #tpu.memory_space<vmem>>
    %dma_start3A_586 = arith.constant 0 : i32
    %dma_start3A_587 = tpu.memref_slice %arg9[%dma_start3A_580, %dma_start3A_581, %dma_start3A_586] : memref<4x2x64xi32, #tpu.memory_space<vmem>> -> memref<1x1x64xi32, #tpu.memory_space<vmem>>
    %dma_start3A_588 = tpu.memref_squeeze %dma_start3A_587 : memref<1x1x64xi32, #tpu.memory_space<vmem>> -> memref<64xi32, #tpu.memory_space<vmem>>
    %dma_start3A_589 = arith.constant 0 : i32
    %dma_start3A_590 = arith.constant 0 : i32
    %dma_start3A_591 = tpu.memref_slice %arg5[%dma_start3A_589, %dma_start3A_590] : memref<14592x768xf32, #tpu.memory_space<hbm>> -> memref<14592x768xf32, #tpu.memory_space<hbm>>
    tpu.enqueue_indirect_dma source(%dma_start3A_585 : memref<64x768xf32, #tpu.memory_space<vmem>>) target(%dma_start3A_591 : memref<14592x768xf32, #tpu.memory_space<hbm>>) offsets(%dma_start3A_588 : memref<64xi32, #tpu.memory_space<vmem>>) semaphore(%arg14 : memref<!tpu.dma_semaphore, #tpu.memory_space<semaphore_mem>>)
    %dma_wait3A_592 = arith.constant 0 : i32
    %dma_wait3A_593 = arith.constant 0 : i32
    %dma_wait3A_594 = arith.constant 0 : i32
    %dma_wait3A_595 = arith.constant 0 : i32
    %dma_wait3A_596 = arith.constant 0 : i32
    %dma_wait3A_597 = tpu.memref_slice %arg7[%dma_wait3A_592, %dma_wait3A_595, %dma_wait3A_596] : memref<2x64x768xf32, #tpu.memory_space<vmem>> -> memref<1x64x768xf32, #tpu.memory_space<vmem>>
    %dma_wait3A_598 = tpu.memref_squeeze %dma_wait3A_597 : memref<1x64x768xf32, #tpu.memory_space<vmem>> -> memref<64x768xf32, #tpu.memory_space<vmem>>
    %dma_wait3A_599 = arith.constant 0 : i32
    %dma_wait3A_600 = tpu.memref_slice %arg9[%dma_wait3A_593, %dma_wait3A_594, %dma_wait3A_599] : memref<4x2x64xi32, #tpu.memory_space<vmem>> -> memref<1x1x64xi32, #tpu.memory_space<vmem>>
    %dma_wait3A_601 = tpu.memref_squeeze %dma_wait3A_600 : memref<1x1x64xi32, #tpu.memory_space<vmem>> -> memref<64xi32, #tpu.memory_space<vmem>>
    %dma_wait3A_602 = arith.constant 0 : i32
    %dma_wait3A_603 = arith.constant 0 : i32
    %dma_wait3A_604 = tpu.memref_slice %arg5[%dma_wait3A_602, %dma_wait3A_603] : memref<14592x768xf32, #tpu.memory_space<hbm>> -> memref<14592x768xf32, #tpu.memory_space<hbm>>
    tpu.wait_indirect_dma semaphore(%arg13 : memref<!tpu.dma_semaphore, #tpu.memory_space<semaphore_mem>>) src(%dma_wait3A_598 : memref<64x768xf32, #tpu.memory_space<vmem>>) dst(%dma_wait3A_604 : memref<14592x768xf32, #tpu.memory_space<hbm>>)
    %dma_wait3A_605 = arith.constant 0 : i32
    %dma_wait3A_606 = arith.constant 0 : i32
    %dma_wait3A_607 = arith.constant 1 : i32
    %dma_wait3A_608 = arith.constant 0 : i32
    %dma_wait3A_609 = arith.constant 0 : i32
    %dma_wait3A_610 = tpu.memref_slice %arg7[%dma_wait3A_605, %dma_wait3A_608, %dma_wait3A_609] : memref<2x64x768xf32, #tpu.memory_space<vmem>> -> memref<1x64x768xf32, #tpu.memory_space<vmem>>
    %dma_wait3A_611 = tpu.memref_squeeze %dma_wait3A_610 : memref<1x64x768xf32, #tpu.memory_space<vmem>> -> memref<64x768xf32, #tpu.memory_space<vmem>>
    %dma_wait3A_612 = arith.constant 0 : i32
    %dma_wait3A_613 = tpu.memref_slice %arg9[%dma_wait3A_606, %dma_wait3A_607, %dma_wait3A_612] : memref<4x2x64xi32, #tpu.memory_space<vmem>> -> memref<1x1x64xi32, #tpu.memory_space<vmem>>
    %dma_wait3A_614 = tpu.memref_squeeze %dma_wait3A_613 : memref<1x1x64xi32, #tpu.memory_space<vmem>> -> memref<64xi32, #tpu.memory_space<vmem>>
    %dma_wait3A_615 = arith.constant 0 : i32
    %dma_wait3A_616 = arith.constant 0 : i32
    %dma_wait3A_617 = tpu.memref_slice %arg5[%dma_wait3A_615, %dma_wait3A_616] : memref<14592x768xf32, #tpu.memory_space<hbm>> -> memref<14592x768xf32, #tpu.memory_space<hbm>>
    tpu.wait_indirect_dma semaphore(%arg13 : memref<!tpu.dma_semaphore, #tpu.memory_space<semaphore_mem>>) src(%dma_wait3A_611 : memref<64x768xf32, #tpu.memory_space<vmem>>) dst(%dma_wait3A_617 : memref<14592x768xf32, #tpu.memory_space<hbm>>)
    %dma_start3A_618 = arith.constant 0 : i32
    %dma_start3A_619 = arith.constant 0 : i32
    %dma_start3A_620 = arith.constant 0 : i32
    %dma_start3A_621 = tpu.memref_slice %arg7[%dma_start3A_618, %dma_start3A_619, %dma_start3A_620] : memref<2x64x768xf32, #tpu.memory_space<vmem>> -> memref<1x64x768xf32, #tpu.memory_space<vmem>>
    %dma_start3A_622 = tpu.memref_squeeze %dma_start3A_621 : memref<1x64x768xf32, #tpu.memory_space<vmem>> -> memref<64x768xf32, #tpu.memory_space<vmem>>
    %dma_start3A_623 = arith.constant 0 : i32
    %dma_start3A_624 = tpu.memref_slice %arg2[%mul3A_10, %dma_start3A_623] : memref<6272x768xf32, #tpu.memory_space<hbm>> -> memref<64x768xf32, #tpu.memory_space<hbm>>
    %dma_start3A_625 = arith.constant 0 : i32
    %dma_start3A_626 = arith.constant 0 : i32
    %dma_start3A_627 = tpu.memref_slice %arg7[%dma_start3A_618, %dma_start3A_625, %dma_start3A_626] : memref<2x64x768xf32, #tpu.memory_space<vmem>> -> memref<1x64x768xf32, #tpu.memory_space<vmem>>
    %dma_start3A_628 = tpu.memref_squeeze %dma_start3A_627 : memref<1x64x768xf32, #tpu.memory_space<vmem>> -> memref<64x768xf32, #tpu.memory_space<vmem>>
    %dma_start3A_629 = arith.constant 0 : i32
    %dma_start3A_630 = tpu.memref_slice %arg2[%mul3A_10, %dma_start3A_629] : memref<6272x768xf32, #tpu.memory_space<hbm>> -> memref<64x768xf32, #tpu.memory_space<hbm>>
    tpu.enqueue_dma source(%dma_start3A_630 : memref<64x768xf32, #tpu.memory_space<hbm>>) target(%dma_start3A_628 : memref<64x768xf32, #tpu.memory_space<vmem>>) target_semaphore(%arg11 : memref<!tpu.dma_semaphore, #tpu.memory_space<semaphore_mem>>)
    %dma_wait3A_631 = arith.constant 0 : i32
    %dma_wait3A_632 = arith.constant 0 : i32
    %dma_wait3A_633 = arith.constant 0 : i32
    %dma_wait3A_634 = tpu.memref_slice %arg7[%dma_wait3A_631, %dma_wait3A_632, %dma_wait3A_633] : memref<2x64x768xf32, #tpu.memory_space<vmem>> -> memref<1x64x768xf32, #tpu.memory_space<vmem>>
    %dma_wait3A_635 = tpu.memref_squeeze %dma_wait3A_634 : memref<1x64x768xf32, #tpu.memory_space<vmem>> -> memref<64x768xf32, #tpu.memory_space<vmem>>
    %dma_wait3A_636 = arith.constant 0 : i32
    %dma_wait3A_637 = tpu.memref_slice %arg2[%mul3A_10, %dma_wait3A_636] : memref<6272x768xf32, #tpu.memory_space<hbm>> -> memref<64x768xf32, #tpu.memory_space<hbm>>
    %dma_wait3A_638 = arith.constant 0 : i32
    %dma_wait3A_639 = arith.constant 0 : i32
    %dma_wait3A_640 = tpu.memref_slice %arg7[%dma_wait3A_631, %dma_wait3A_638, %dma_wait3A_639] : memref<2x64x768xf32, #tpu.memory_space<vmem>> -> memref<1x64x768xf32, #tpu.memory_space<vmem>>
    %dma_wait3A_641 = tpu.memref_squeeze %dma_wait3A_640 : memref<1x64x768xf32, #tpu.memory_space<vmem>> -> memref<64x768xf32, #tpu.memory_space<vmem>>
    %dma_wait3A_642 = arith.constant 0 : i32
    %dma_wait3A_643 = tpu.memref_slice %arg2[%mul3A_10, %dma_wait3A_642] : memref<6272x768xf32, #tpu.memory_space<hbm>> -> memref<64x768xf32, #tpu.memory_space<hbm>>
    tpu.wait_dma2 semaphore(%arg11 : memref<!tpu.dma_semaphore, #tpu.memory_space<semaphore_mem>>) src(%dma_wait3A_643 : memref<64x768xf32, #tpu.memory_space<hbm>>) dst(%dma_wait3A_641 : memref<64x768xf32, #tpu.memory_space<vmem>>)
    %dma_start3A_644 = arith.constant 0 : i32
    %dma_start3A_645 = arith.constant 2 : i32
    %dma_start3A_646 = arith.constant 0 : i32
    %dma_start3A_647 = arith.constant 0 : i32
    %dma_start3A_648 = arith.constant 0 : i32
    %dma_start3A_649 = tpu.memref_slice %arg7[%dma_start3A_644, %dma_start3A_647, %dma_start3A_648] : memref<2x64x768xf32, #tpu.memory_space<vmem>> -> memref<1x64x768xf32, #tpu.memory_space<vmem>>
    %dma_start3A_650 = tpu.memref_squeeze %dma_start3A_649 : memref<1x64x768xf32, #tpu.memory_space<vmem>> -> memref<64x768xf32, #tpu.memory_space<vmem>>
    %dma_start3A_651 = arith.constant 0 : i32
    %dma_start3A_652 = tpu.memref_slice %arg9[%dma_start3A_645, %dma_start3A_646, %dma_start3A_651] : memref<4x2x64xi32, #tpu.memory_space<vmem>> -> memref<1x1x64xi32, #tpu.memory_space<vmem>>
    %dma_start3A_653 = tpu.memref_squeeze %dma_start3A_652 : memref<1x1x64xi32, #tpu.memory_space<vmem>> -> memref<64xi32, #tpu.memory_space<vmem>>
    %dma_start3A_654 = arith.constant 0 : i32
    %dma_start3A_655 = arith.constant 0 : i32
    %dma_start3A_656 = tpu.memref_slice %arg5[%dma_start3A_654, %dma_start3A_655] : memref<14592x768xf32, #tpu.memory_space<hbm>> -> memref<14592x768xf32, #tpu.memory_space<hbm>>
    tpu.enqueue_indirect_dma source(%dma_start3A_650 : memref<64x768xf32, #tpu.memory_space<vmem>>) target(%dma_start3A_656 : memref<14592x768xf32, #tpu.memory_space<hbm>>) offsets(%dma_start3A_653 : memref<64xi32, #tpu.memory_space<vmem>>) semaphore(%arg13 : memref<!tpu.dma_semaphore, #tpu.memory_space<semaphore_mem>>)
    %dma_start3A_657 = arith.constant 0 : i32
    %dma_start3A_658 = arith.constant 2 : i32
    %dma_start3A_659 = arith.constant 1 : i32
    %dma_start3A_660 = arith.constant 0 : i32
    %dma_start3A_661 = arith.constant 0 : i32
    %dma_start3A_662 = tpu.memref_slice %arg7[%dma_start3A_657, %dma_start3A_660, %dma_start3A_661] : memref<2x64x768xf32, #tpu.memory_space<vmem>> -> memref<1x64x768xf32, #tpu.memory_space<vmem>>
    %dma_start3A_663 = tpu.memref_squeeze %dma_start3A_662 : memref<1x64x768xf32, #tpu.memory_space<vmem>> -> memref<64x768xf32, #tpu.memory_space<vmem>>
    %dma_start3A_664 = arith.constant 0 : i32
    %dma_start3A_665 = tpu.memref_slice %arg9[%dma_start3A_658, %dma_start3A_659, %dma_start3A_664] : memref<4x2x64xi32, #tpu.memory_space<vmem>> -> memref<1x1x64xi32, #tpu.memory_space<vmem>>
    %dma_start3A_666 = tpu.memref_squeeze %dma_start3A_665 : memref<1x1x64xi32, #tpu.memory_space<vmem>> -> memref<64xi32, #tpu.memory_space<vmem>>
    %dma_start3A_667 = arith.constant 0 : i32
    %dma_start3A_668 = arith.constant 0 : i32
    %dma_start3A_669 = tpu.memref_slice %arg5[%dma_start3A_667, %dma_start3A_668] : memref<14592x768xf32, #tpu.memory_space<hbm>> -> memref<14592x768xf32, #tpu.memory_space<hbm>>
    tpu.enqueue_indirect_dma source(%dma_start3A_663 : memref<64x768xf32, #tpu.memory_space<vmem>>) target(%dma_start3A_669 : memref<14592x768xf32, #tpu.memory_space<hbm>>) offsets(%dma_start3A_666 : memref<64xi32, #tpu.memory_space<vmem>>) semaphore(%arg13 : memref<!tpu.dma_semaphore, #tpu.memory_space<semaphore_mem>>)
    %dma_wait3A_670 = arith.constant 1 : i32
    %dma_wait3A_671 = arith.constant 1 : i32
    %dma_wait3A_672 = arith.constant 0 : i32
    %dma_wait3A_673 = arith.constant 0 : i32
    %dma_wait3A_674 = arith.constant 0 : i32
    %dma_wait3A_675 = tpu.memref_slice %arg7[%dma_wait3A_670, %dma_wait3A_673, %dma_wait3A_674] : memref<2x64x768xf32, #tpu.memory_space<vmem>> -> memref<1x64x768xf32, #tpu.memory_space<vmem>>
    %dma_wait3A_676 = tpu.memref_squeeze %dma_wait3A_675 : memref<1x64x768xf32, #tpu.memory_space<vmem>> -> memref<64x768xf32, #tpu.memory_space<vmem>>
    %dma_wait3A_677 = arith.constant 0 : i32
    %dma_wait3A_678 = tpu.memref_slice %arg9[%dma_wait3A_671, %dma_wait3A_672, %dma_wait3A_677] : memref<4x2x64xi32, #tpu.memory_space<vmem>> -> memref<1x1x64xi32, #tpu.memory_space<vmem>>
    %dma_wait3A_679 = tpu.memref_squeeze %dma_wait3A_678 : memref<1x1x64xi32, #tpu.memory_space<vmem>> -> memref<64xi32, #tpu.memory_space<vmem>>
    %dma_wait3A_680 = arith.constant 0 : i32
    %dma_wait3A_681 = arith.constant 0 : i32
    %dma_wait3A_682 = tpu.memref_slice %arg5[%dma_wait3A_680, %dma_wait3A_681] : memref<14592x768xf32, #tpu.memory_space<hbm>> -> memref<14592x768xf32, #tpu.memory_space<hbm>>
    tpu.wait_indirect_dma semaphore(%arg14 : memref<!tpu.dma_semaphore, #tpu.memory_space<semaphore_mem>>) src(%dma_wait3A_676 : memref<64x768xf32, #tpu.memory_space<vmem>>) dst(%dma_wait3A_682 : memref<14592x768xf32, #tpu.memory_space<hbm>>)
    %dma_wait3A_683 = arith.constant 1 : i32
    %dma_wait3A_684 = arith.constant 1 : i32
    %dma_wait3A_685 = arith.constant 1 : i32
    %dma_wait3A_686 = arith.constant 0 : i32
    %dma_wait3A_687 = arith.constant 0 : i32
    %dma_wait3A_688 = tpu.memref_slice %arg7[%dma_wait3A_683, %dma_wait3A_686, %dma_wait3A_687] : memref<2x64x768xf32, #tpu.memory_space<vmem>> -> memref<1x64x768xf32, #tpu.memory_space<vmem>>
    %dma_wait3A_689 = tpu.memref_squeeze %dma_wait3A_688 : memref<1x64x768xf32, #tpu.memory_space<vmem>> -> memref<64x768xf32, #tpu.memory_space<vmem>>
    %dma_wait3A_690 = arith.constant 0 : i32
    %dma_wait3A_691 = tpu.memref_slice %arg9[%dma_wait3A_684, %dma_wait3A_685, %dma_wait3A_690] : memref<4x2x64xi32, #tpu.memory_space<vmem>> -> memref<1x1x64xi32, #tpu.memory_space<vmem>>
    %dma_wait3A_692 = tpu.memref_squeeze %dma_wait3A_691 : memref<1x1x64xi32, #tpu.memory_space<vmem>> -> memref<64xi32, #tpu.memory_space<vmem>>
    %dma_wait3A_693 = arith.constant 0 : i32
    %dma_wait3A_694 = arith.constant 0 : i32
    %dma_wait3A_695 = tpu.memref_slice %arg5[%dma_wait3A_693, %dma_wait3A_694] : memref<14592x768xf32, #tpu.memory_space<hbm>> -> memref<14592x768xf32, #tpu.memory_space<hbm>>
    tpu.wait_indirect_dma semaphore(%arg14 : memref<!tpu.dma_semaphore, #tpu.memory_space<semaphore_mem>>) src(%dma_wait3A_689 : memref<64x768xf32, #tpu.memory_space<vmem>>) dst(%dma_wait3A_695 : memref<14592x768xf32, #tpu.memory_space<hbm>>)
    %lt3A = arith.constant 2 : i32
    %lt3A_696 = arith.cmpi slt, %add3A, %lt3A : i32
    %convert_element_type3A = arith.extui %lt3A_696 : i1 to i32
    %cond3A = arith.constant 0 : i32
    %cond3A_697 = arith.cmpi ne, %convert_element_type3A, %cond3A : i32
    scf.if %cond3A_697 {
      %add3A_724 = arith.constant 96 : i32
      %add3A_725 = arith.addi %add3A, %add3A_724 : i32
      %mul3A_726 = arith.constant 64 : i32
      %mul3A_727 = arith.muli %add3A_725, %mul3A_726 : i32
      %run_scoped3A_728 = arith.constant 1 : i32
      "tpu.region"() ({
        %run_scoped3A_897 = tpu.sem_alloc : memref<!tpu.dma_semaphore, #tpu.memory_space<semaphore_mem>>
        %dma_start3A_898 = arith.constant 0 : i32
        %dma_start3A_899 = arith.constant 0 : i32
        %dma_start3A_900 = tpu.memref_slice %arg7[%run_scoped3A_728, %dma_start3A_898, %dma_start3A_899] : memref<2x64x768xf32, #tpu.memory_space<vmem>> -> memref<1x64x768xf32, #tpu.memory_space<vmem>>
        %dma_start3A_901 = tpu.memref_squeeze %dma_start3A_900 : memref<1x64x768xf32, #tpu.memory_space<vmem>> -> memref<64x768xf32, #tpu.memory_space<vmem>>
        %dma_start3A_902 = arith.constant 0 : i32
        %dma_start3A_903 = tpu.memref_slice %arg2[%mul3A_727, %dma_start3A_902] : memref<6272x768xf32, #tpu.memory_space<hbm>> -> memref<64x768xf32, #tpu.memory_space<hbm>>
        %dma_start3A_904 = arith.constant 0 : i32
        %dma_start3A_905 = arith.constant 0 : i32
        %dma_start3A_906 = tpu.memref_slice %arg7[%run_scoped3A_728, %dma_start3A_904, %dma_start3A_905] : memref<2x64x768xf32, #tpu.memory_space<vmem>> -> memref<1x64x768xf32, #tpu.memory_space<vmem>>
        %dma_start3A_907 = tpu.memref_squeeze %dma_start3A_906 : memref<1x64x768xf32, #tpu.memory_space<vmem>> -> memref<64x768xf32, #tpu.memory_space<vmem>>
        %dma_start3A_908 = arith.constant 0 : i32
        %dma_start3A_909 = tpu.memref_slice %arg2[%mul3A_727, %dma_start3A_908] : memref<6272x768xf32, #tpu.memory_space<hbm>> -> memref<64x768xf32, #tpu.memory_space<hbm>>
        tpu.enqueue_dma source(%dma_start3A_909 : memref<64x768xf32, #tpu.memory_space<hbm>>) target(%dma_start3A_907 : memref<64x768xf32, #tpu.memory_space<vmem>>) target_semaphore(%run_scoped3A_897 : memref<!tpu.dma_semaphore, #tpu.memory_space<semaphore_mem>>)
        %dma_wait3A_910 = arith.constant 0 : i32
        %dma_wait3A_911 = arith.constant 0 : i32
        %dma_wait3A_912 = tpu.memref_slice %arg7[%run_scoped3A_728, %dma_wait3A_910, %dma_wait3A_911] : memref<2x64x768xf32, #tpu.memory_space<vmem>> -> memref<1x64x768xf32, #tpu.memory_space<vmem>>
        %dma_wait3A_913 = tpu.memref_squeeze %dma_wait3A_912 : memref<1x64x768xf32, #tpu.memory_space<vmem>> -> memref<64x768xf32, #tpu.memory_space<vmem>>
        %dma_wait3A_914 = arith.constant 0 : i32
        %dma_wait3A_915 = tpu.memref_slice %arg2[%mul3A_727, %dma_wait3A_914] : memref<6272x768xf32, #tpu.memory_space<hbm>> -> memref<64x768xf32, #tpu.memory_space<hbm>>
        %dma_wait3A_916 = arith.constant 0 : i32
        %dma_wait3A_917 = arith.constant 0 : i32
        %dma_wait3A_918 = tpu.memref_slice %arg7[%run_scoped3A_728, %dma_wait3A_916, %dma_wait3A_917] : memref<2x64x768xf32, #tpu.memory_space<vmem>> -> memref<1x64x768xf32, #tpu.memory_space<vmem>>
        %dma_wait3A_919 = tpu.memref_squeeze %dma_wait3A_918 : memref<1x64x768xf32, #tpu.memory_space<vmem>> -> memref<64x768xf32, #tpu.memory_space<vmem>>
        %dma_wait3A_920 = arith.constant 0 : i32
        %dma_wait3A_921 = tpu.memref_slice %arg2[%mul3A_727, %dma_wait3A_920] : memref<6272x768xf32, #tpu.memory_space<hbm>> -> memref<64x768xf32, #tpu.memory_space<hbm>>
        tpu.wait_dma2 semaphore(%run_scoped3A_897 : memref<!tpu.dma_semaphore, #tpu.memory_space<semaphore_mem>>) src(%dma_wait3A_921 : memref<64x768xf32, #tpu.memory_space<hbm>>) dst(%dma_wait3A_919 : memref<64x768xf32, #tpu.memory_space<vmem>>)
        tpu.yield
      }) : () -> ()
      "tpu.region"() ({
        %run_scoped3A_897 = tpu.sem_alloc : memref<!tpu.dma_semaphore, #tpu.memory_space<semaphore_mem>>
        %dma_start3A_898 = arith.constant 0 : i32
        %dma_start3A_899 = tpu.memref_slice %arg3[%mul3A_727, %dma_start3A_898] : memref<6272x2xi32, #tpu.memory_space<hbm>> -> memref<64x2xi32, #tpu.memory_space<hbm>>
        %dma_start3A_900 = arith.constant 0 : i32
        %dma_start3A_901 = tpu.memref_slice %arg3[%mul3A_727, %dma_start3A_900] : memref<6272x2xi32, #tpu.memory_space<hbm>> -> memref<64x2xi32, #tpu.memory_space<hbm>>
        tpu.enqueue_dma source(%dma_start3A_901 : memref<64x2xi32, #tpu.memory_space<hbm>>) target(%arg8 : memref<64x2xi32, #tpu.memory_space<vmem>>) target_semaphore(%run_scoped3A_897 : memref<!tpu.dma_semaphore, #tpu.memory_space<semaphore_mem>>)
        %dma_wait3A_902 = arith.constant 0 : i32
        %dma_wait3A_903 = tpu.memref_slice %arg3[%mul3A_727, %dma_wait3A_902] : memref<6272x2xi32, #tpu.memory_space<hbm>> -> memref<64x2xi32, #tpu.memory_space<hbm>>
        %dma_wait3A_904 = arith.constant 0 : i32
        %dma_wait3A_905 = tpu.memref_slice %arg3[%mul3A_727, %dma_wait3A_904] : memref<6272x2xi32, #tpu.memory_space<hbm>> -> memref<64x2xi32, #tpu.memory_space<hbm>>
        tpu.wait_dma2 semaphore(%run_scoped3A_897 : memref<!tpu.dma_semaphore, #tpu.memory_space<semaphore_mem>>) src(%dma_wait3A_905 : memref<64x2xi32, #tpu.memory_space<hbm>>) dst(%arg8 : memref<64x2xi32, #tpu.memory_space<vmem>>)
        tpu.yield
      }) : () -> ()
      %broadcast_in_dim3A_729 = arith.constant 0 : i32
      %broadcast_in_dim3A_730 = vector.broadcast %broadcast_in_dim3A_729 : i32 to vector<16xi32>
      %iota3A_731 = tpu.iota {dimensions = array<i32: 0>} : vector<16xi32>
      %add3A_732 = arith.constant 0 : i32
      %add3A_733 = vector.broadcast %add3A_732 : i32 to vector<16xi32>
      %add3A_734 = arith.addi %iota3A_731, %add3A_733 : vector<16xi32>
      %gather3A_735 = tpu.vector_load_idx %arg8[%add3A_734, %broadcast_in_dim3A_730] : memref<64x2xi32, #tpu.memory_space<vmem>>[vector<16xi32>, vector<16xi32>], vector<16xi32>,
      %and3A_736 = arith.constant 15 : i32
      %and3A_737 = vector.broadcast %and3A_736 : i32 to vector<16xi32>
      %and3A_738 = arith.andi %gather3A_735, %and3A_737 : vector<16xi32>
      %shift_right_logical3A_739 = arith.constant 4 : i32
      %shift_right_logical3A_740 = vector.broadcast %shift_right_logical3A_739 : i32 to vector<16xi32>
      %shift_right_logical3A_741 = arith.shrui %gather3A_735, %shift_right_logical3A_740 : vector<16xi32>
      %gather3A_742 = tpu.vector_load_idx %arg10[%broadcast_in_dim3A_730, %and3A_738] : memref<2x16xi32, #tpu.memory_space<vmem>>[vector<16xi32>, vector<16xi32>], vector<16xi32>,
      %add3A_743 = arith.addi %gather3A_742, %shift_right_logical3A_741 : vector<16xi32>
      %swap3A_744 = arith.constant 3 : i32
      %swap3A_745 = arith.constant 0 : i32
      %swap3A_746 = arith.index_cast %swap3A_744 : i32 to index
      %swap3A_747 = arith.index_cast %swap3A_745 : i32 to index
      %swap3A_748 = arith.constant 0 : index
      %swap3A_749 = tpu.vector_load %arg9[%swap3A_746, %swap3A_747, %swap3A_748] {strides = array<i32>} : memref<4x2x64xi32, #tpu.memory_space<vmem>>, vector<16xi32>,
      tpu.vector_store %arg9[%swap3A_746, %swap3A_747, %swap3A_748], %add3A_743 {strides = array<i32>} : memref<4x2x64xi32, #tpu.memory_space<vmem>>, vector<16xi32>,
      %iota3A_750 = tpu.iota {dimensions = array<i32: 0>} : vector<16xi32>
      %add3A_751 = arith.constant 16 : i32
      %add3A_752 = vector.broadcast %add3A_751 : i32 to vector<16xi32>
      %add3A_753 = arith.addi %iota3A_750, %add3A_752 : vector<16xi32>
      %gather3A_754 = tpu.vector_load_idx %arg8[%add3A_753, %broadcast_in_dim3A_730] : memref<64x2xi32, #tpu.memory_space<vmem>>[vector<16xi32>, vector<16xi32>], vector<16xi32>,
      %and3A_755 = arith.constant 15 : i32
      %and3A_756 = vector.broadcast %and3A_755 : i32 to vector<16xi32>
      %and3A_757 = arith.andi %gather3A_754, %and3A_756 : vector<16xi32>
      %shift_right_logical3A_758 = arith.constant 4 : i32
      %shift_right_logical3A_759 = vector.broadcast %shift_right_logical3A_758 : i32 to vector<16xi32>
      %shift_right_logical3A_760 = arith.shrui %gather3A_754, %shift_right_logical3A_759 : vector<16xi32>
      %gather3A_761 = tpu.vector_load_idx %arg10[%broadcast_in_dim3A_730, %and3A_757] : memref<2x16xi32, #tpu.memory_space<vmem>>[vector<16xi32>, vector<16xi32>], vector<16xi32>,
      %add3A_762 = arith.addi %gather3A_761, %shift_right_logical3A_760 : vector<16xi32>
      %swap3A_763 = arith.constant 3 : i32
      %swap3A_764 = arith.constant 0 : i32
      %swap3A_765 = arith.index_cast %swap3A_763 : i32 to index
      %swap3A_766 = arith.index_cast %swap3A_764 : i32 to index
      %swap3A_767 = arith.constant 16 : index
      %swap3A_768 = tpu.vector_load %arg9[%swap3A_765, %swap3A_766, %swap3A_767] {strides = array<i32>} : memref<4x2x64xi32, #tpu.memory_space<vmem>>, vector<16xi32>,
      tpu.vector_store %arg9[%swap3A_765, %swap3A_766, %swap3A_767], %add3A_762 {strides = array<i32>} : memref<4x2x64xi32, #tpu.memory_space<vmem>>, vector<16xi32>,
      %iota3A_769 = tpu.iota {dimensions = array<i32: 0>} : vector<16xi32>
      %add3A_770 = arith.constant 32 : i32
      %add3A_771 = vector.broadcast %add3A_770 : i32 to vector<16xi32>
      %add3A_772 = arith.addi %iota3A_769, %add3A_771 : vector<16xi32>
      %gather3A_773 = tpu.vector_load_idx %arg8[%add3A_772, %broadcast_in_dim3A_730] : memref<64x2xi32, #tpu.memory_space<vmem>>[vector<16xi32>, vector<16xi32>], vector<16xi32>,
      %and3A_774 = arith.constant 15 : i32
      %and3A_775 = vector.broadcast %and3A_774 : i32 to vector<16xi32>
      %and3A_776 = arith.andi %gather3A_773, %and3A_775 : vector<16xi32>
      %shift_right_logical3A_777 = arith.constant 4 : i32
      %shift_right_logical3A_778 = vector.broadcast %shift_right_logical3A_777 : i32 to vector<16xi32>
      %shift_right_logical3A_779 = arith.shrui %gather3A_773, %shift_right_logical3A_778 : vector<16xi32>
      %gather3A_780 = tpu.vector_load_idx %arg10[%broadcast_in_dim3A_730, %and3A_776] : memref<2x16xi32, #tpu.memory_space<vmem>>[vector<16xi32>, vector<16xi32>], vector<16xi32>,
      %add3A_781 = arith.addi %gather3A_780, %shift_right_logical3A_779 : vector<16xi32>
      %swap3A_782 = arith.constant 3 : i32
      %swap3A_783 = arith.constant 0 : i32
      %swap3A_784 = arith.index_cast %swap3A_782 : i32 to index
      %swap3A_785 = arith.index_cast %swap3A_783 : i32 to index
      %swap3A_786 = arith.constant 32 : index
      %swap3A_787 = tpu.vector_load %arg9[%swap3A_784, %swap3A_785, %swap3A_786] {strides = array<i32>} : memref<4x2x64xi32, #tpu.memory_space<vmem>>, vector<16xi32>,
      tpu.vector_store %arg9[%swap3A_784, %swap3A_785, %swap3A_786], %add3A_781 {strides = array<i32>} : memref<4x2x64xi32, #tpu.memory_space<vmem>>, vector<16xi32>,
      %iota3A_788 = tpu.iota {dimensions = array<i32: 0>} : vector<16xi32>
      %add3A_789 = arith.constant 48 : i32
      %add3A_790 = vector.broadcast %add3A_789 : i32 to vector<16xi32>
      %add3A_791 = arith.addi %iota3A_788, %add3A_790 : vector<16xi32>
      %gather3A_792 = tpu.vector_load_idx %arg8[%add3A_791, %broadcast_in_dim3A_730] : memref<64x2xi32, #tpu.memory_space<vmem>>[vector<16xi32>, vector<16xi32>], vector<16xi32>,
      %and3A_793 = arith.constant 15 : i32
      %and3A_794 = vector.broadcast %and3A_793 : i32 to vector<16xi32>
      %and3A_795 = arith.andi %gather3A_792, %and3A_794 : vector<16xi32>
      %shift_right_logical3A_796 = arith.constant 4 : i32
      %shift_right_logical3A_797 = vector.broadcast %shift_right_logical3A_796 : i32 to vector<16xi32>
      %shift_right_logical3A_798 = arith.shrui %gather3A_792, %shift_right_logical3A_797 : vector<16xi32>
      %gather3A_799 = tpu.vector_load_idx %arg10[%broadcast_in_dim3A_730, %and3A_795] : memref<2x16xi32, #tpu.memory_space<vmem>>[vector<16xi32>, vector<16xi32>], vector<16xi32>,
      %add3A_800 = arith.addi %gather3A_799, %shift_right_logical3A_798 : vector<16xi32>
      %swap3A_801 = arith.constant 3 : i32
      %swap3A_802 = arith.constant 0 : i32
      %swap3A_803 = arith.index_cast %swap3A_801 : i32 to index
      %swap3A_804 = arith.index_cast %swap3A_802 : i32 to index
      %swap3A_805 = arith.constant 48 : index
      %swap3A_806 = tpu.vector_load %arg9[%swap3A_803, %swap3A_804, %swap3A_805] {strides = array<i32>} : memref<4x2x64xi32, #tpu.memory_space<vmem>>, vector<16xi32>,
      tpu.vector_store %arg9[%swap3A_803, %swap3A_804, %swap3A_805], %add3A_800 {strides = array<i32>} : memref<4x2x64xi32, #tpu.memory_space<vmem>>, vector<16xi32>,
      %broadcast_in_dim3A_807 = arith.constant 1 : i32
      %broadcast_in_dim3A_808 = vector.broadcast %broadcast_in_dim3A_807 : i32 to vector<16xi32>
      %iota3A_809 = tpu.iota {dimensions = array<i32: 0>} : vector<16xi32>
      %add3A_810 = arith.constant 0 : i32
      %add3A_811 = vector.broadcast %add3A_810 : i32 to vector<16xi32>
      %add3A_812 = arith.addi %iota3A_809, %add3A_811 : vector<16xi32>
      %gather3A_813 = tpu.vector_load_idx %arg8[%add3A_812, %broadcast_in_dim3A_808] : memref<64x2xi32, #tpu.memory_space<vmem>>[vector<16xi32>, vector<16xi32>], vector<16xi32>,
      %and3A_814 = arith.constant 15 : i32
      %and3A_815 = vector.broadcast %and3A_814 : i32 to vector<16xi32>
      %and3A_816 = arith.andi %gather3A_813, %and3A_815 : vector<16xi32>
      %shift_right_logical3A_817 = arith.constant 4 : i32
      %shift_right_logical3A_818 = vector.broadcast %shift_right_logical3A_817 : i32 to vector<16xi32>
      %shift_right_logical3A_819 = arith.shrui %gather3A_813, %shift_right_logical3A_818 : vector<16xi32>
      %gather3A_820 = tpu.vector_load_idx %arg10[%broadcast_in_dim3A_808, %and3A_816] : memref<2x16xi32, #tpu.memory_space<vmem>>[vector<16xi32>, vector<16xi32>], vector<16xi32>,
      %add3A_821 = arith.addi %gather3A_820, %shift_right_logical3A_819 : vector<16xi32>
      %swap3A_822 = arith.constant 3 : i32
      %swap3A_823 = arith.constant 1 : i32
      %swap3A_824 = arith.index_cast %swap3A_822 : i32 to index
      %swap3A_825 = arith.index_cast %swap3A_823 : i32 to index
      %swap3A_826 = arith.constant 0 : index
      %swap3A_827 = tpu.vector_load %arg9[%swap3A_824, %swap3A_825, %swap3A_826] {strides = array<i32>} : memref<4x2x64xi32, #tpu.memory_space<vmem>>, vector<16xi32>,
      tpu.vector_store %arg9[%swap3A_824, %swap3A_825, %swap3A_826], %add3A_821 {strides = array<i32>} : memref<4x2x64xi32, #tpu.memory_space<vmem>>, vector<16xi32>,
      %iota3A_828 = tpu.iota {dimensions = array<i32: 0>} : vector<16xi32>
      %add3A_829 = arith.constant 16 : i32
      %add3A_830 = vector.broadcast %add3A_829 : i32 to vector<16xi32>
      %add3A_831 = arith.addi %iota3A_828, %add3A_830 : vector<16xi32>
      %gather3A_832 = tpu.vector_load_idx %arg8[%add3A_831, %broadcast_in_dim3A_808] : memref<64x2xi32, #tpu.memory_space<vmem>>[vector<16xi32>, vector<16xi32>], vector<16xi32>,
      %and3A_833 = arith.constant 15 : i32
      %and3A_834 = vector.broadcast %and3A_833 : i32 to vector<16xi32>
      %and3A_835 = arith.andi %gather3A_832, %and3A_834 : vector<16xi32>
      %shift_right_logical3A_836 = arith.constant 4 : i32
      %shift_right_logical3A_837 = vector.broadcast %shift_right_logical3A_836 : i32 to vector<16xi32>
      %shift_right_logical3A_838 = arith.shrui %gather3A_832, %shift_right_logical3A_837 : vector<16xi32>
      %gather3A_839 = tpu.vector_load_idx %arg10[%broadcast_in_dim3A_808, %and3A_835] : memref<2x16xi32, #tpu.memory_space<vmem>>[vector<16xi32>, vector<16xi32>], vector<16xi32>,
      %add3A_840 = arith.addi %gather3A_839, %shift_right_logical3A_838 : vector<16xi32>
      %swap3A_841 = arith.constant 3 : i32
      %swap3A_842 = arith.constant 1 : i32
      %swap3A_843 = arith.index_cast %swap3A_841 : i32 to index
      %swap3A_844 = arith.index_cast %swap3A_842 : i32 to index
      %swap3A_845 = arith.constant 16 : index
      %swap3A_846 = tpu.vector_load %arg9[%swap3A_843, %swap3A_844, %swap3A_845] {strides = array<i32>} : memref<4x2x64xi32, #tpu.memory_space<vmem>>, vector<16xi32>,
      tpu.vector_store %arg9[%swap3A_843, %swap3A_844, %swap3A_845], %add3A_840 {strides = array<i32>} : memref<4x2x64xi32, #tpu.memory_space<vmem>>, vector<16xi32>,
      %iota3A_847 = tpu.iota {dimensions = array<i32: 0>} : vector<16xi32>
      %add3A_848 = arith.constant 32 : i32
      %add3A_849 = vector.broadcast %add3A_848 : i32 to vector<16xi32>
      %add3A_850 = arith.addi %iota3A_847, %add3A_849 : vector<16xi32>
      %gather3A_851 = tpu.vector_load_idx %arg8[%add3A_850, %broadcast_in_dim3A_808] : memref<64x2xi32, #tpu.memory_space<vmem>>[vector<16xi32>, vector<16xi32>], vector<16xi32>,
      %and3A_852 = arith.constant 15 : i32
      %and3A_853 = vector.broadcast %and3A_852 : i32 to vector<16xi32>
      %and3A_854 = arith.andi %gather3A_851, %and3A_853 : vector<16xi32>
      %shift_right_logical3A_855 = arith.constant 4 : i32
      %shift_right_logical3A_856 = vector.broadcast %shift_right_logical3A_855 : i32 to vector<16xi32>
      %shift_right_logical3A_857 = arith.shrui %gather3A_851, %shift_right_logical3A_856 : vector<16xi32>
      %gather3A_858 = tpu.vector_load_idx %arg10[%broadcast_in_dim3A_808, %and3A_854] : memref<2x16xi32, #tpu.memory_space<vmem>>[vector<16xi32>, vector<16xi32>], vector<16xi32>,
      %add3A_859 = arith.addi %gather3A_858, %shift_right_logical3A_857 : vector<16xi32>
      %swap3A_860 = arith.constant 3 : i32
      %swap3A_861 = arith.constant 1 : i32
      %swap3A_862 = arith.index_cast %swap3A_860 : i32 to index
      %swap3A_863 = arith.index_cast %swap3A_861 : i32 to index
      %swap3A_864 = arith.constant 32 : index
      %swap3A_865 = tpu.vector_load %arg9[%swap3A_862, %swap3A_863, %swap3A_864] {strides = array<i32>} : memref<4x2x64xi32, #tpu.memory_space<vmem>>, vector<16xi32>,
      tpu.vector_store %arg9[%swap3A_862, %swap3A_863, %swap3A_864], %add3A_859 {strides = array<i32>} : memref<4x2x64xi32, #tpu.memory_space<vmem>>, vector<16xi32>,
      %iota3A_866 = tpu.iota {dimensions = array<i32: 0>} : vector<16xi32>
      %add3A_867 = arith.constant 48 : i32
      %add3A_868 = vector.broadcast %add3A_867 : i32 to vector<16xi32>
      %add3A_869 = arith.addi %iota3A_866, %add3A_868 : vector<16xi32>
      %gather3A_870 = tpu.vector_load_idx %arg8[%add3A_869, %broadcast_in_dim3A_808] : memref<64x2xi32, #tpu.memory_space<vmem>>[vector<16xi32>, vector<16xi32>], vector<16xi32>,
      %and3A_871 = arith.constant 15 : i32
      %and3A_872 = vector.broadcast %and3A_871 : i32 to vector<16xi32>
      %and3A_873 = arith.andi %gather3A_870, %and3A_872 : vector<16xi32>
      %shift_right_logical3A_874 = arith.constant 4 : i32
      %shift_right_logical3A_875 = vector.broadcast %shift_right_logical3A_874 : i32 to vector<16xi32>
      %shift_right_logical3A_876 = arith.shrui %gather3A_870, %shift_right_logical3A_875 : vector<16xi32>
      %gather3A_877 = tpu.vector_load_idx %arg10[%broadcast_in_dim3A_808, %and3A_873] : memref<2x16xi32, #tpu.memory_space<vmem>>[vector<16xi32>, vector<16xi32>], vector<16xi32>,
      %add3A_878 = arith.addi %gather3A_877, %shift_right_logical3A_876 : vector<16xi32>
      %swap3A_879 = arith.constant 3 : i32
      %swap3A_880 = arith.constant 1 : i32
      %swap3A_881 = arith.index_cast %swap3A_879 : i32 to index
      %swap3A_882 = arith.index_cast %swap3A_880 : i32 to index
      %swap3A_883 = arith.constant 48 : index
      %swap3A_884 = tpu.vector_load %arg9[%swap3A_881, %swap3A_882, %swap3A_883] {strides = array<i32>} : memref<4x2x64xi32, #tpu.memory_space<vmem>>, vector<16xi32>,
      tpu.vector_store %arg9[%swap3A_881, %swap3A_882, %swap3A_883], %add3A_878 {strides = array<i32>} : memref<4x2x64xi32, #tpu.memory_space<vmem>>, vector<16xi32>,
      %run_scoped3A_885 = arith.constant 3 : i32
      %run_scoped3A_886 = arith.constant 0 : i32
      %run_scoped3A_887 = arith.constant 0 : i32
      "tpu.region"() ({
        %run_scoped3A_897 = tpu.sem_alloc : memref<!tpu.dma_semaphore, #tpu.memory_space<semaphore_mem>>
        %dma_start3A_898 = arith.constant 0 : i32
        %dma_start3A_899 = tpu.memref_slice %arg9[%run_scoped3A_885, %run_scoped3A_886, %dma_start3A_898] : memref<4x2x64xi32, #tpu.memory_space<vmem>> -> memref<1x1x64xi32, #tpu.memory_space<vmem>>
        %dma_start3A_900 = tpu.memref_squeeze %dma_start3A_899 : memref<1x1x64xi32, #tpu.memory_space<vmem>> -> memref<64xi32, #tpu.memory_space<vmem>>
        %dma_start3A_901 = tpu.memref_slice %arg6[%run_scoped3A_887, %mul3A_727] : memref<2x6272xi32, #tpu.memory_space<hbm>> -> memref<1x64xi32, #tpu.memory_space<hbm>>
        %dma_start3A_902 = tpu.memref_squeeze %dma_start3A_901 : memref<1x64xi32, #tpu.memory_space<hbm>> -> memref<64xi32, #tpu.memory_space<hbm>>
        %dma_start3A_903 = tpu.memref_slice %arg6[%run_scoped3A_887, %mul3A_727] : memref<2x6272xi32, #tpu.memory_space<hbm>> -> memref<1x64xi32, #tpu.memory_space<hbm>>
        %dma_start3A_904 = tpu.memref_squeeze %dma_start3A_903 : memref<1x64xi32, #tpu.memory_space<hbm>> -> memref<64xi32, #tpu.memory_space<hbm>>
        %dma_start3A_905 = arith.constant 0 : i32
        %dma_start3A_906 = tpu.memref_slice %arg9[%run_scoped3A_885, %run_scoped3A_886, %dma_start3A_905] : memref<4x2x64xi32, #tpu.memory_space<vmem>> -> memref<1x1x64xi32, #tpu.memory_space<vmem>>
        %dma_start3A_907 = tpu.memref_squeeze %dma_start3A_906 : memref<1x1x64xi32, #tpu.memory_space<vmem>> -> memref<64xi32, #tpu.memory_space<vmem>>
        tpu.enqueue_dma source(%dma_start3A_907 : memref<64xi32, #tpu.memory_space<vmem>>) target(%dma_start3A_904 : memref<64xi32, #tpu.memory_space<hbm>>) target_semaphore(%run_scoped3A_897 : memref<!tpu.dma_semaphore, #tpu.memory_space<semaphore_mem>>)
        %dma_wait3A_908 = arith.constant 0 : i32
        %dma_wait3A_909 = tpu.memref_slice %arg9[%run_scoped3A_885, %run_scoped3A_886, %dma_wait3A_908] : memref<4x2x64xi32, #tpu.memory_space<vmem>> -> memref<1x1x64xi32, #tpu.memory_space<vmem>>
        %dma_wait3A_910 = tpu.memref_squeeze %dma_wait3A_909 : memref<1x1x64xi32, #tpu.memory_space<vmem>> -> memref<64xi32, #tpu.memory_space<vmem>>
        %dma_wait3A_911 = tpu.memref_slice %arg6[%run_scoped3A_887, %mul3A_727] : memref<2x6272xi32, #tpu.memory_space<hbm>> -> memref<1x64xi32, #tpu.memory_space<hbm>>
        %dma_wait3A_912 = tpu.memref_squeeze %dma_wait3A_911 : memref<1x64xi32, #tpu.memory_space<hbm>> -> memref<64xi32, #tpu.memory_space<hbm>>
        %dma_wait3A_913 = tpu.memref_slice %arg6[%run_scoped3A_887, %mul3A_727] : memref<2x6272xi32, #tpu.memory_space<hbm>> -> memref<1x64xi32, #tpu.memory_space<hbm>>
        %dma_wait3A_914 = tpu.memref_squeeze %dma_wait3A_913 : memref<1x64xi32, #tpu.memory_space<hbm>> -> memref<64xi32, #tpu.memory_space<hbm>>
        %dma_wait3A_915 = arith.constant 0 : i32
        %dma_wait3A_916 = tpu.memref_slice %arg9[%run_scoped3A_885, %run_scoped3A_886, %dma_wait3A_915] : memref<4x2x64xi32, #tpu.memory_space<vmem>> -> memref<1x1x64xi32, #tpu.memory_space<vmem>>
        %dma_wait3A_917 = tpu.memref_squeeze %dma_wait3A_916 : memref<1x1x64xi32, #tpu.memory_space<vmem>> -> memref<64xi32, #tpu.memory_space<vmem>>
        tpu.wait_dma2 semaphore(%run_scoped3A_897 : memref<!tpu.dma_semaphore, #tpu.memory_space<semaphore_mem>>) src(%dma_wait3A_917 : memref<64xi32, #tpu.memory_space<vmem>>) dst(%dma_wait3A_914 : memref<64xi32, #tpu.memory_space<hbm>>)
        tpu.yield
      }) : () -> ()
      %run_scoped3A_888 = arith.constant 3 : i32
      %run_scoped3A_889 = arith.constant 1 : i32
      %run_scoped3A_890 = arith.constant 1 : i32
      "tpu.region"() ({
        %run_scoped3A_897 = tpu.sem_alloc : memref<!tpu.dma_semaphore, #tpu.memory_space<semaphore_mem>>
        %dma_start3A_898 = arith.constant 0 : i32
        %dma_start3A_899 = tpu.memref_slice %arg9[%run_scoped3A_888, %run_scoped3A_889, %dma_start3A_898] : memref<4x2x64xi32, #tpu.memory_space<vmem>> -> memref<1x1x64xi32, #tpu.memory_space<vmem>>
        %dma_start3A_900 = tpu.memref_squeeze %dma_start3A_899 : memref<1x1x64xi32, #tpu.memory_space<vmem>> -> memref<64xi32, #tpu.memory_space<vmem>>
        %dma_start3A_901 = tpu.memref_slice %arg6[%run_scoped3A_890, %mul3A_727] : memref<2x6272xi32, #tpu.memory_space<hbm>> -> memref<1x64xi32, #tpu.memory_space<hbm>>
        %dma_start3A_902 = tpu.memref_squeeze %dma_start3A_901 : memref<1x64xi32, #tpu.memory_space<hbm>> -> memref<64xi32, #tpu.memory_space<hbm>>
        %dma_start3A_903 = tpu.memref_slice %arg6[%run_scoped3A_890, %mul3A_727] : memref<2x6272xi32, #tpu.memory_space<hbm>> -> memref<1x64xi32, #tpu.memory_space<hbm>>
        %dma_start3A_904 = tpu.memref_squeeze %dma_start3A_903 : memref<1x64xi32, #tpu.memory_space<hbm>> -> memref<64xi32, #tpu.memory_space<hbm>>
        %dma_start3A_905 = arith.constant 0 : i32
        %dma_start3A_906 = tpu.memref_slice %arg9[%run_scoped3A_888, %run_scoped3A_889, %dma_start3A_905] : memref<4x2x64xi32, #tpu.memory_space<vmem>> -> memref<1x1x64xi32, #tpu.memory_space<vmem>>
        %dma_start3A_907 = tpu.memref_squeeze %dma_start3A_906 : memref<1x1x64xi32, #tpu.memory_space<vmem>> -> memref<64xi32, #tpu.memory_space<vmem>>
        tpu.enqueue_dma source(%dma_start3A_907 : memref<64xi32, #tpu.memory_space<vmem>>) target(%dma_start3A_904 : memref<64xi32, #tpu.memory_space<hbm>>) target_semaphore(%run_scoped3A_897 : memref<!tpu.dma_semaphore, #tpu.memory_space<semaphore_mem>>)
        %dma_wait3A_908 = arith.constant 0 : i32
        %dma_wait3A_909 = tpu.memref_slice %arg9[%run_scoped3A_888, %run_scoped3A_889, %dma_wait3A_908] : memref<4x2x64xi32, #tpu.memory_space<vmem>> -> memref<1x1x64xi32, #tpu.memory_space<vmem>>
        %dma_wait3A_910 = tpu.memref_squeeze %dma_wait3A_909 : memref<1x1x64xi32, #tpu.memory_space<vmem>> -> memref<64xi32, #tpu.memory_space<vmem>>
        %dma_wait3A_911 = tpu.memref_slice %arg6[%run_scoped3A_890, %mul3A_727] : memref<2x6272xi32, #tpu.memory_space<hbm>> -> memref<1x64xi32, #tpu.memory_space<hbm>>
        %dma_wait3A_912 = tpu.memref_squeeze %dma_wait3A_911 : memref<1x64xi32, #tpu.memory_space<hbm>> -> memref<64xi32, #tpu.memory_space<hbm>>
        %dma_wait3A_913 = tpu.memref_slice %arg6[%run_scoped3A_890, %mul3A_727] : memref<2x6272xi32, #tpu.memory_space<hbm>> -> memref<1x64xi32, #tpu.memory_space<hbm>>
        %dma_wait3A_914 = tpu.memref_squeeze %dma_wait3A_913 : memref<1x64xi32, #tpu.memory_space<hbm>> -> memref<64xi32, #tpu.memory_space<hbm>>
        %dma_wait3A_915 = arith.constant 0 : i32
        %dma_wait3A_916 = tpu.memref_slice %arg9[%run_scoped3A_888, %run_scoped3A_889, %dma_wait3A_915] : memref<4x2x64xi32, #tpu.memory_space<vmem>> -> memref<1x1x64xi32, #tpu.memory_space<vmem>>
        %dma_wait3A_917 = tpu.memref_squeeze %dma_wait3A_916 : memref<1x1x64xi32, #tpu.memory_space<vmem>> -> memref<64xi32, #tpu.memory_space<vmem>>
        tpu.wait_dma2 semaphore(%run_scoped3A_897 : memref<!tpu.dma_semaphore, #tpu.memory_space<semaphore_mem>>) src(%dma_wait3A_917 : memref<64xi32, #tpu.memory_space<vmem>>) dst(%dma_wait3A_914 : memref<64xi32, #tpu.memory_space<hbm>>)
        tpu.yield
      }) : () -> ()
      %run_scoped3A_891 = arith.constant 1 : i32
      %run_scoped3A_892 = arith.constant 3 : i32
      %run_scoped3A_893 = arith.constant 0 : i32
      "tpu.region"() ({
        %run_scoped3A_897 = tpu.sem_alloc : memref<!tpu.dma_semaphore, #tpu.memory_space<semaphore_mem>>
        %dma_start3A_898 = arith.constant 0 : i32
        %dma_start3A_899 = arith.constant 0 : i32
        %dma_start3A_900 = tpu.memref_slice %arg7[%run_scoped3A_891, %dma_start3A_898, %dma_start3A_899] : memref<2x64x768xf32, #tpu.memory_space<vmem>> -> memref<1x64x768xf32, #tpu.memory_space<vmem>>
        %dma_start3A_901 = tpu.memref_squeeze %dma_start3A_900 : memref<1x64x768xf32, #tpu.memory_space<vmem>> -> memref<64x768xf32, #tpu.memory_space<vmem>>
        %dma_start3A_902 = arith.constant 0 : i32
        %dma_start3A_903 = tpu.memref_slice %arg9[%run_scoped3A_892, %run_scoped3A_893, %dma_start3A_902] : memref<4x2x64xi32, #tpu.memory_space<vmem>> -> memref<1x1x64xi32, #tpu.memory_space<vmem>>
        %dma_start3A_904 = tpu.memref_squeeze %dma_start3A_903 : memref<1x1x64xi32, #tpu.memory_space<vmem>> -> memref<64xi32, #tpu.memory_space<vmem>>
        %dma_start3A_905 = arith.constant 0 : i32
        %dma_start3A_906 = arith.constant 0 : i32
        %dma_start3A_907 = tpu.memref_slice %arg5[%dma_start3A_905, %dma_start3A_906] : memref<14592x768xf32, #tpu.memory_space<hbm>> -> memref<14592x768xf32, #tpu.memory_space<hbm>>
        tpu.enqueue_indirect_dma source(%dma_start3A_901 : memref<64x768xf32, #tpu.memory_space<vmem>>) target(%dma_start3A_907 : memref<14592x768xf32, #tpu.memory_space<hbm>>) offsets(%dma_start3A_904 : memref<64xi32, #tpu.memory_space<vmem>>) semaphore(%run_scoped3A_897 : memref<!tpu.dma_semaphore, #tpu.memory_space<semaphore_mem>>)
        %dma_wait3A_908 = arith.constant 0 : i32
        %dma_wait3A_909 = arith.constant 0 : i32
        %dma_wait3A_910 = tpu.memref_slice %arg7[%run_scoped3A_891, %dma_wait3A_908, %dma_wait3A_909] : memref<2x64x768xf32, #tpu.memory_space<vmem>> -> memref<1x64x768xf32, #tpu.memory_space<vmem>>
        %dma_wait3A_911 = tpu.memref_squeeze %dma_wait3A_910 : memref<1x64x768xf32, #tpu.memory_space<vmem>> -> memref<64x768xf32, #tpu.memory_space<vmem>>
        %dma_wait3A_912 = arith.constant 0 : i32
        %dma_wait3A_913 = tpu.memref_slice %arg9[%run_scoped3A_892, %run_scoped3A_893, %dma_wait3A_912] : memref<4x2x64xi32, #tpu.memory_space<vmem>> -> memref<1x1x64xi32, #tpu.memory_space<vmem>>
        %dma_wait3A_914 = tpu.memref_squeeze %dma_wait3A_913 : memref<1x1x64xi32, #tpu.memory_space<vmem>> -> memref<64xi32, #tpu.memory_space<vmem>>
        %dma_wait3A_915 = arith.constant 0 : i32
        %dma_wait3A_916 = arith.constant 0 : i32
        %dma_wait3A_917 = tpu.memref_slice %arg5[%dma_wait3A_915, %dma_wait3A_916] : memref<14592x768xf32, #tpu.memory_space<hbm>> -> memref<14592x768xf32, #tpu.memory_space<hbm>>
        tpu.wait_indirect_dma semaphore(%run_scoped3A_897 : memref<!tpu.dma_semaphore, #tpu.memory_space<semaphore_mem>>) src(%dma_wait3A_911 : memref<64x768xf32, #tpu.memory_space<vmem>>) dst(%dma_wait3A_917 : memref<14592x768xf32, #tpu.memory_space<hbm>>)
        tpu.yield
      }) : () -> ()
      %run_scoped3A_894 = arith.constant 1 : i32
      %run_scoped3A_895 = arith.constant 3 : i32
      %run_scoped3A_896 = arith.constant 1 : i32
      "tpu.region"() ({
        %run_scoped3A_897 = tpu.sem_alloc : memref<!tpu.dma_semaphore, #tpu.memory_space<semaphore_mem>>
        %dma_start3A_898 = arith.constant 0 : i32
        %dma_start3A_899 = arith.constant 0 : i32
        %dma_start3A_900 = tpu.memref_slice %arg7[%run_scoped3A_894, %dma_start3A_898, %dma_start3A_899] : memref<2x64x768xf32, #tpu.memory_space<vmem>> -> memref<1x64x768xf32, #tpu.memory_space<vmem>>
        %dma_start3A_901 = tpu.memref_squeeze %dma_start3A_900 : memref<1x64x768xf32, #tpu.memory_space<vmem>> -> memref<64x768xf32, #tpu.memory_space<vmem>>
        %dma_start3A_902 = arith.constant 0 : i32
        %dma_start3A_903 = tpu.memref_slice %arg9[%run_scoped3A_895, %run_scoped3A_896, %dma_start3A_902] : memref<4x2x64xi32, #tpu.memory_space<vmem>> -> memref<1x1x64xi32, #tpu.memory_space<vmem>>
        %dma_start3A_904 = tpu.memref_squeeze %dma_start3A_903 : memref<1x1x64xi32, #tpu.memory_space<vmem>> -> memref<64xi32, #tpu.memory_space<vmem>>
        %dma_start3A_905 = arith.constant 0 : i32
        %dma_start3A_906 = arith.constant 0 : i32
        %dma_start3A_907 = tpu.memref_slice %arg5[%dma_start3A_905, %dma_start3A_906] : memref<14592x768xf32, #tpu.memory_space<hbm>> -> memref<14592x768xf32, #tpu.memory_space<hbm>>
        tpu.enqueue_indirect_dma source(%dma_start3A_901 : memref<64x768xf32, #tpu.memory_space<vmem>>) target(%dma_start3A_907 : memref<14592x768xf32, #tpu.memory_space<hbm>>) offsets(%dma_start3A_904 : memref<64xi32, #tpu.memory_space<vmem>>) semaphore(%run_scoped3A_897 : memref<!tpu.dma_semaphore, #tpu.memory_space<semaphore_mem>>)
        %dma_wait3A_908 = arith.constant 0 : i32
        %dma_wait3A_909 = arith.constant 0 : i32
        %dma_wait3A_910 = tpu.memref_slice %arg7[%run_scoped3A_894, %dma_wait3A_908, %dma_wait3A_909] : memref<2x64x768xf32, #tpu.memory_space<vmem>> -> memref<1x64x768xf32, #tpu.memory_space<vmem>>
        %dma_wait3A_911 = tpu.memref_squeeze %dma_wait3A_910 : memref<1x64x768xf32, #tpu.memory_space<vmem>> -> memref<64x768xf32, #tpu.memory_space<vmem>>
        %dma_wait3A_912 = arith.constant 0 : i32
        %dma_wait3A_913 = tpu.memref_slice %arg9[%run_scoped3A_895, %run_scoped3A_896, %dma_wait3A_912] : memref<4x2x64xi32, #tpu.memory_space<vmem>> -> memref<1x1x64xi32, #tpu.memory_space<vmem>>
        %dma_wait3A_914 = tpu.memref_squeeze %dma_wait3A_913 : memref<1x1x64xi32, #tpu.memory_space<vmem>> -> memref<64xi32, #tpu.memory_space<vmem>>
        %dma_wait3A_915 = arith.constant 0 : i32
        %dma_wait3A_916 = arith.constant 0 : i32
        %dma_wait3A_917 = tpu.memref_slice %arg5[%dma_wait3A_915, %dma_wait3A_916] : memref<14592x768xf32, #tpu.memory_space<hbm>> -> memref<14592x768xf32, #tpu.memory_space<hbm>>
        tpu.wait_indirect_dma semaphore(%run_scoped3A_897 : memref<!tpu.dma_semaphore, #tpu.memory_space<semaphore_mem>>) src(%dma_wait3A_911 : memref<64x768xf32, #tpu.memory_space<vmem>>) dst(%dma_wait3A_917 : memref<14592x768xf32, #tpu.memory_space<hbm>>)
        tpu.yield
      }) : () -> ()
    } else {
    }
    %dma_wait3A_698 = arith.constant 0 : i32
    %dma_wait3A_699 = arith.constant 2 : i32
    %dma_wait3A_700 = arith.constant 0 : i32
    %dma_wait3A_701 = arith.constant 0 : i32
    %dma_wait3A_702 = arith.constant 0 : i32
    %dma_wait3A_703 = tpu.memref_slice %arg7[%dma_wait3A_698, %dma_wait3A_701, %dma_wait3A_702] : memref<2x64x768xf32, #tpu.memory_space<vmem>> -> memref<1x64x768xf32, #tpu.memory_space<vmem>>
    %dma_wait3A_704 = tpu.memref_squeeze %dma_wait3A_703 : memref<1x64x768xf32, #tpu.memory_space<vmem>> -> memref<64x768xf32, #tpu.memory_space<vmem>>
    %dma_wait3A_705 = arith.constant 0 : i32
    %dma_wait3A_706 = tpu.memref_slice %arg9[%dma_wait3A_699, %dma_wait3A_700, %dma_wait3A_705] : memref<4x2x64xi32, #tpu.memory_space<vmem>> -> memref<1x1x64xi32, #tpu.memory_space<vmem>>
    %dma_wait3A_707 = tpu.memref_squeeze %dma_wait3A_706 : memref<1x1x64xi32, #tpu.memory_space<vmem>> -> memref<64xi32, #tpu.memory_space<vmem>>
    %dma_wait3A_708 = arith.constant 0 : i32
    %dma_wait3A_709 = arith.constant 0 : i32
    %dma_wait3A_710 = tpu.memref_slice %arg5[%dma_wait3A_708, %dma_wait3A_709] : memref<14592x768xf32, #tpu.memory_space<hbm>> -> memref<14592x768xf32, #tpu.memory_space<hbm>>
    tpu.wait_indirect_dma semaphore(%arg13 : memref<!tpu.dma_semaphore, #tpu.memory_space<semaphore_mem>>) src(%dma_wait3A_704 : memref<64x768xf32, #tpu.memory_space<vmem>>) dst(%dma_wait3A_710 : memref<14592x768xf32, #tpu.memory_space<hbm>>)
    %dma_wait3A_711 = arith.constant 0 : i32
    %dma_wait3A_712 = arith.constant 2 : i32
    %dma_wait3A_713 = arith.constant 1 : i32
    %dma_wait3A_714 = arith.constant 0 : i32
    %dma_wait3A_715 = arith.constant 0 : i32
    %dma_wait3A_716 = tpu.memref_slice %arg7[%dma_wait3A_711, %dma_wait3A_714, %dma_wait3A_715] : memref<2x64x768xf32, #tpu.memory_space<vmem>> -> memref<1x64x768xf32, #tpu.memory_space<vmem>>
    %dma_wait3A_717 = tpu.memref_squeeze %dma_wait3A_716 : memref<1x64x768xf32, #tpu.memory_space<vmem>> -> memref<64x768xf32, #tpu.memory_space<vmem>>
    %dma_wait3A_718 = arith.constant 0 : i32
    %dma_wait3A_719 = tpu.memref_slice %arg9[%dma_wait3A_712, %dma_wait3A_713, %dma_wait3A_718] : memref<4x2x64xi32, #tpu.memory_space<vmem>> -> memref<1x1x64xi32, #tpu.memory_space<vmem>>
    %dma_wait3A_720 = tpu.memref_squeeze %dma_wait3A_719 : memref<1x1x64xi32, #tpu.memory_space<vmem>> -> memref<64xi32, #tpu.memory_space<vmem>>
    %dma_wait3A_721 = arith.constant 0 : i32
    %dma_wait3A_722 = arith.constant 0 : i32
    %dma_wait3A_723 = tpu.memref_slice %arg5[%dma_wait3A_721, %dma_wait3A_722] : memref<14592x768xf32, #tpu.memory_space<hbm>> -> memref<14592x768xf32, #tpu.memory_space<hbm>>
    tpu.wait_indirect_dma semaphore(%arg13 : memref<!tpu.dma_semaphore, #tpu.memory_space<semaphore_mem>>) src(%dma_wait3A_717 : memref<64x768xf32, #tpu.memory_space<vmem>>) dst(%dma_wait3A_723 : memref<14592x768xf32, #tpu.memory_space<hbm>>)
    return
  }
}

#map = affine_map<(d0, d1) -> (0, 0)>
#map1 = affine_map<(d0, d1) -> (0, 0, 0)>
module attributes {stable_mosaic.version = 14 : i64} {
  func.func @s2(%arg0: i32, %arg1: i32, %arg2: memref<2x6272xi32, #tpu.memory_space<hbm>>, %arg3: memref<14592x128xf32, #tpu.memory_space<hbm>>, %arg4: memref<2x6272x128xf32, #tpu.memory_space<hbm>>, %arg5: memref<8x64x128xf32, #tpu.memory_space<vmem>>, %arg6: memref<4x2x64xi32, #tpu.memory_space<vmem>>, %arg7: memref<!tpu.dma_semaphore, #tpu.memory_space<semaphore_mem>>, %arg8: memref<!tpu.dma_semaphore, #tpu.memory_space<semaphore_mem>>) attributes {dimension_semantics = [#tpu.dimension_semantics<core_parallel>, #tpu.dimension_semantics<subcore_parallel>], iteration_bounds = array<i64: 2, 16>, scalar_prefetch = 0 : i64, scratch_operands = 4 : i64, tpu.core_type = #tpu.core_type<sc_vector_subcore>, window_params = [{transform_indices = #map}, {transform_indices = #map}, {transform_indices = #map1}]} {
    %mul3A = arith.constant 2 : i32
    %mul3A_0 = arith.muli %arg1, %mul3A : i32
    %add3A = arith.addi %mul3A_0, %arg0 : i32
    %add3A_1 = arith.constant 0 : i32
    %add3A_2 = arith.addi %add3A, %add3A_1 : i32
    %mul3A_3 = arith.constant 64 : i32
    %mul3A_4 = arith.muli %add3A_2, %mul3A_3 : i32
    %run_scoped3A = arith.constant 0 : i32
    %run_scoped3A_5 = arith.constant 0 : i32
    %run_scoped3A_6 = arith.constant 0 : i32
    "tpu.region"() ({
      %run_scoped3A_390 = tpu.sem_alloc : memref<!tpu.dma_semaphore, #tpu.memory_space<semaphore_mem>>
      %dma_start3A_391 = arith.constant 0 : i32
      %dma_start3A_392 = tpu.memref_slice %arg6[%run_scoped3A_5, %run_scoped3A_6, %dma_start3A_391] : memref<4x2x64xi32, #tpu.memory_space<vmem>> -> memref<1x1x64xi32, #tpu.memory_space<vmem>>
      %dma_start3A_393 = tpu.memref_squeeze %dma_start3A_392 : memref<1x1x64xi32, #tpu.memory_space<vmem>> -> memref<64xi32, #tpu.memory_space<vmem>>
      %dma_start3A_394 = tpu.memref_slice %arg2[%run_scoped3A, %mul3A_4] : memref<2x6272xi32, #tpu.memory_space<hbm>> -> memref<1x64xi32, #tpu.memory_space<hbm>>
      %dma_start3A_395 = tpu.memref_squeeze %dma_start3A_394 : memref<1x64xi32, #tpu.memory_space<hbm>> -> memref<64xi32, #tpu.memory_space<hbm>>
      %dma_start3A_396 = arith.constant 0 : i32
      %dma_start3A_397 = tpu.memref_slice %arg6[%run_scoped3A_5, %run_scoped3A_6, %dma_start3A_396] : memref<4x2x64xi32, #tpu.memory_space<vmem>> -> memref<1x1x64xi32, #tpu.memory_space<vmem>>
      %dma_start3A_398 = tpu.memref_squeeze %dma_start3A_397 : memref<1x1x64xi32, #tpu.memory_space<vmem>> -> memref<64xi32, #tpu.memory_space<vmem>>
      %dma_start3A_399 = tpu.memref_slice %arg2[%run_scoped3A, %mul3A_4] : memref<2x6272xi32, #tpu.memory_space<hbm>> -> memref<1x64xi32, #tpu.memory_space<hbm>>
      %dma_start3A_400 = tpu.memref_squeeze %dma_start3A_399 : memref<1x64xi32, #tpu.memory_space<hbm>> -> memref<64xi32, #tpu.memory_space<hbm>>
      tpu.enqueue_dma source(%dma_start3A_400 : memref<64xi32, #tpu.memory_space<hbm>>) target(%dma_start3A_398 : memref<64xi32, #tpu.memory_space<vmem>>) target_semaphore(%run_scoped3A_390 : memref<!tpu.dma_semaphore, #tpu.memory_space<semaphore_mem>>)
      %dma_wait3A_401 = arith.constant 0 : i32
      %dma_wait3A_402 = tpu.memref_slice %arg6[%run_scoped3A_5, %run_scoped3A_6, %dma_wait3A_401] : memref<4x2x64xi32, #tpu.memory_space<vmem>> -> memref<1x1x64xi32, #tpu.memory_space<vmem>>
      %dma_wait3A_403 = tpu.memref_squeeze %dma_wait3A_402 : memref<1x1x64xi32, #tpu.memory_space<vmem>> -> memref<64xi32, #tpu.memory_space<vmem>>
      %dma_wait3A_404 = tpu.memref_slice %arg2[%run_scoped3A, %mul3A_4] : memref<2x6272xi32, #tpu.memory_space<hbm>> -> memref<1x64xi32, #tpu.memory_space<hbm>>
      %dma_wait3A_405 = tpu.memref_squeeze %dma_wait3A_404 : memref<1x64xi32, #tpu.memory_space<hbm>> -> memref<64xi32, #tpu.memory_space<hbm>>
      %dma_wait3A_406 = arith.constant 0 : i32
      %dma_wait3A_407 = tpu.memref_slice %arg6[%run_scoped3A_5, %run_scoped3A_6, %dma_wait3A_406] : memref<4x2x64xi32, #tpu.memory_space<vmem>> -> memref<1x1x64xi32, #tpu.memory_space<vmem>>
      %dma_wait3A_408 = tpu.memref_squeeze %dma_wait3A_407 : memref<1x1x64xi32, #tpu.memory_space<vmem>> -> memref<64xi32, #tpu.memory_space<vmem>>
      %dma_wait3A_409 = tpu.memref_slice %arg2[%run_scoped3A, %mul3A_4] : memref<2x6272xi32, #tpu.memory_space<hbm>> -> memref<1x64xi32, #tpu.memory_space<hbm>>
      %dma_wait3A_410 = tpu.memref_squeeze %dma_wait3A_409 : memref<1x64xi32, #tpu.memory_space<hbm>> -> memref<64xi32, #tpu.memory_space<hbm>>
      tpu.wait_dma2 semaphore(%run_scoped3A_390 : memref<!tpu.dma_semaphore, #tpu.memory_space<semaphore_mem>>) src(%dma_wait3A_410 : memref<64xi32, #tpu.memory_space<hbm>>) dst(%dma_wait3A_408 : memref<64xi32, #tpu.memory_space<vmem>>)
      tpu.yield
    }) : () -> ()
    %dma_start3A = arith.constant 0 : i32
    %dma_start3A_7 = arith.constant 0 : i32
    %dma_start3A_8 = arith.constant 0 : i32
    %dma_start3A_9 = arith.constant 0 : i32
    %dma_start3A_10 = arith.constant 0 : i32
    %dma_start3A_11 = tpu.memref_slice %arg5[%dma_start3A_8, %dma_start3A_9, %dma_start3A_10] : memref<8x64x128xf32, #tpu.memory_space<vmem>> -> memref<1x64x128xf32, #tpu.memory_space<vmem>>
    %dma_start3A_12 = tpu.memref_squeeze %dma_start3A_11 : memref<1x64x128xf32, #tpu.memory_space<vmem>> -> memref<64x128xf32, #tpu.memory_space<vmem>>
    %dma_start3A_13 = arith.constant 0 : i32
    %dma_start3A_14 = tpu.memref_slice %arg6[%dma_start3A, %dma_start3A_7, %dma_start3A_13] : memref<4x2x64xi32, #tpu.memory_space<vmem>> -> memref<1x1x64xi32, #tpu.memory_space<vmem>>
    %dma_start3A_15 = tpu.memref_squeeze %dma_start3A_14 : memref<1x1x64xi32, #tpu.memory_space<vmem>> -> memref<64xi32, #tpu.memory_space<vmem>>
    %dma_start3A_16 = arith.constant 0 : i32
    %dma_start3A_17 = arith.constant 0 : i32
    %dma_start3A_18 = tpu.memref_slice %arg3[%dma_start3A_16, %dma_start3A_17] : memref<14592x128xf32, #tpu.memory_space<hbm>> -> memref<14592x128xf32, #tpu.memory_space<hbm>>
    tpu.enqueue_indirect_dma source(%dma_start3A_18 : memref<14592x128xf32, #tpu.memory_space<hbm>>) target(%dma_start3A_12 : memref<64x128xf32, #tpu.memory_space<vmem>>) offsets(%dma_start3A_15 : memref<64xi32, #tpu.memory_space<vmem>>) semaphore(%arg7 : memref<!tpu.dma_semaphore, #tpu.memory_space<semaphore_mem>>)
    %run_scoped3A_19 = arith.constant 1 : i32
    %run_scoped3A_20 = arith.constant 0 : i32
    %run_scoped3A_21 = arith.constant 1 : i32
    "tpu.region"() ({
      %run_scoped3A_390 = tpu.sem_alloc : memref<!tpu.dma_semaphore, #tpu.memory_space<semaphore_mem>>
      %dma_start3A_391 = arith.constant 0 : i32
      %dma_start3A_392 = tpu.memref_slice %arg6[%run_scoped3A_20, %run_scoped3A_21, %dma_start3A_391] : memref<4x2x64xi32, #tpu.memory_space<vmem>> -> memref<1x1x64xi32, #tpu.memory_space<vmem>>
      %dma_start3A_393 = tpu.memref_squeeze %dma_start3A_392 : memref<1x1x64xi32, #tpu.memory_space<vmem>> -> memref<64xi32, #tpu.memory_space<vmem>>
      %dma_start3A_394 = tpu.memref_slice %arg2[%run_scoped3A_19, %mul3A_4] : memref<2x6272xi32, #tpu.memory_space<hbm>> -> memref<1x64xi32, #tpu.memory_space<hbm>>
      %dma_start3A_395 = tpu.memref_squeeze %dma_start3A_394 : memref<1x64xi32, #tpu.memory_space<hbm>> -> memref<64xi32, #tpu.memory_space<hbm>>
      %dma_start3A_396 = arith.constant 0 : i32
      %dma_start3A_397 = tpu.memref_slice %arg6[%run_scoped3A_20, %run_scoped3A_21, %dma_start3A_396] : memref<4x2x64xi32, #tpu.memory_space<vmem>> -> memref<1x1x64xi32, #tpu.memory_space<vmem>>
      %dma_start3A_398 = tpu.memref_squeeze %dma_start3A_397 : memref<1x1x64xi32, #tpu.memory_space<vmem>> -> memref<64xi32, #tpu.memory_space<vmem>>
      %dma_start3A_399 = tpu.memref_slice %arg2[%run_scoped3A_19, %mul3A_4] : memref<2x6272xi32, #tpu.memory_space<hbm>> -> memref<1x64xi32, #tpu.memory_space<hbm>>
      %dma_start3A_400 = tpu.memref_squeeze %dma_start3A_399 : memref<1x64xi32, #tpu.memory_space<hbm>> -> memref<64xi32, #tpu.memory_space<hbm>>
      tpu.enqueue_dma source(%dma_start3A_400 : memref<64xi32, #tpu.memory_space<hbm>>) target(%dma_start3A_398 : memref<64xi32, #tpu.memory_space<vmem>>) target_semaphore(%run_scoped3A_390 : memref<!tpu.dma_semaphore, #tpu.memory_space<semaphore_mem>>)
      %dma_wait3A_401 = arith.constant 0 : i32
      %dma_wait3A_402 = tpu.memref_slice %arg6[%run_scoped3A_20, %run_scoped3A_21, %dma_wait3A_401] : memref<4x2x64xi32, #tpu.memory_space<vmem>> -> memref<1x1x64xi32, #tpu.memory_space<vmem>>
      %dma_wait3A_403 = tpu.memref_squeeze %dma_wait3A_402 : memref<1x1x64xi32, #tpu.memory_space<vmem>> -> memref<64xi32, #tpu.memory_space<vmem>>
      %dma_wait3A_404 = tpu.memref_slice %arg2[%run_scoped3A_19, %mul3A_4] : memref<2x6272xi32, #tpu.memory_space<hbm>> -> memref<1x64xi32, #tpu.memory_space<hbm>>
      %dma_wait3A_405 = tpu.memref_squeeze %dma_wait3A_404 : memref<1x64xi32, #tpu.memory_space<hbm>> -> memref<64xi32, #tpu.memory_space<hbm>>
      %dma_wait3A_406 = arith.constant 0 : i32
      %dma_wait3A_407 = tpu.memref_slice %arg6[%run_scoped3A_20, %run_scoped3A_21, %dma_wait3A_406] : memref<4x2x64xi32, #tpu.memory_space<vmem>> -> memref<1x1x64xi32, #tpu.memory_space<vmem>>
      %dma_wait3A_408 = tpu.memref_squeeze %dma_wait3A_407 : memref<1x1x64xi32, #tpu.memory_space<vmem>> -> memref<64xi32, #tpu.memory_space<vmem>>
      %dma_wait3A_409 = tpu.memref_slice %arg2[%run_scoped3A_19, %mul3A_4] : memref<2x6272xi32, #tpu.memory_space<hbm>> -> memref<1x64xi32, #tpu.memory_space<hbm>>
      %dma_wait3A_410 = tpu.memref_squeeze %dma_wait3A_409 : memref<1x64xi32, #tpu.memory_space<hbm>> -> memref<64xi32, #tpu.memory_space<hbm>>
      tpu.wait_dma2 semaphore(%run_scoped3A_390 : memref<!tpu.dma_semaphore, #tpu.memory_space<semaphore_mem>>) src(%dma_wait3A_410 : memref<64xi32, #tpu.memory_space<hbm>>) dst(%dma_wait3A_408 : memref<64xi32, #tpu.memory_space<vmem>>)
      tpu.yield
    }) : () -> ()
    %dma_start3A_22 = arith.constant 0 : i32
    %dma_start3A_23 = arith.constant 1 : i32
    %dma_start3A_24 = arith.constant 1 : i32
    %dma_start3A_25 = arith.constant 0 : i32
    %dma_start3A_26 = arith.constant 0 : i32
    %dma_start3A_27 = tpu.memref_slice %arg5[%dma_start3A_24, %dma_start3A_25, %dma_start3A_26] : memref<8x64x128xf32, #tpu.memory_space<vmem>> -> memref<1x64x128xf32, #tpu.memory_space<vmem>>
    %dma_start3A_28 = tpu.memref_squeeze %dma_start3A_27 : memref<1x64x128xf32, #tpu.memory_space<vmem>> -> memref<64x128xf32, #tpu.memory_space<vmem>>
    %dma_start3A_29 = arith.constant 0 : i32
    %dma_start3A_30 = tpu.memref_slice %arg6[%dma_start3A_22, %dma_start3A_23, %dma_start3A_29] : memref<4x2x64xi32, #tpu.memory_space<vmem>> -> memref<1x1x64xi32, #tpu.memory_space<vmem>>
    %dma_start3A_31 = tpu.memref_squeeze %dma_start3A_30 : memref<1x1x64xi32, #tpu.memory_space<vmem>> -> memref<64xi32, #tpu.memory_space<vmem>>
    %dma_start3A_32 = arith.constant 0 : i32
    %dma_start3A_33 = arith.constant 0 : i32
    %dma_start3A_34 = tpu.memref_slice %arg3[%dma_start3A_32, %dma_start3A_33] : memref<14592x128xf32, #tpu.memory_space<hbm>> -> memref<14592x128xf32, #tpu.memory_space<hbm>>
    tpu.enqueue_indirect_dma source(%dma_start3A_34 : memref<14592x128xf32, #tpu.memory_space<hbm>>) target(%dma_start3A_28 : memref<64x128xf32, #tpu.memory_space<vmem>>) offsets(%dma_start3A_31 : memref<64xi32, #tpu.memory_space<vmem>>) semaphore(%arg7 : memref<!tpu.dma_semaphore, #tpu.memory_space<semaphore_mem>>)
    %add3A_35 = arith.constant 32 : i32
    %add3A_36 = arith.addi %add3A, %add3A_35 : i32
    %mul3A_37 = arith.constant 64 : i32
    %mul3A_38 = arith.muli %add3A_36, %mul3A_37 : i32
    %run_scoped3A_39 = arith.constant 0 : i32
    %run_scoped3A_40 = arith.constant 1 : i32
    %run_scoped3A_41 = arith.constant 0 : i32
    "tpu.region"() ({
      %run_scoped3A_390 = tpu.sem_alloc : memref<!tpu.dma_semaphore, #tpu.memory_space<semaphore_mem>>
      %dma_start3A_391 = arith.constant 0 : i32
      %dma_start3A_392 = tpu.memref_slice %arg6[%run_scoped3A_40, %run_scoped3A_41, %dma_start3A_391] : memref<4x2x64xi32, #tpu.memory_space<vmem>> -> memref<1x1x64xi32, #tpu.memory_space<vmem>>
      %dma_start3A_393 = tpu.memref_squeeze %dma_start3A_392 : memref<1x1x64xi32, #tpu.memory_space<vmem>> -> memref<64xi32, #tpu.memory_space<vmem>>
      %dma_start3A_394 = tpu.memref_slice %arg2[%run_scoped3A_39, %mul3A_38] : memref<2x6272xi32, #tpu.memory_space<hbm>> -> memref<1x64xi32, #tpu.memory_space<hbm>>
      %dma_start3A_395 = tpu.memref_squeeze %dma_start3A_394 : memref<1x64xi32, #tpu.memory_space<hbm>> -> memref<64xi32, #tpu.memory_space<hbm>>
      %dma_start3A_396 = arith.constant 0 : i32
      %dma_start3A_397 = tpu.memref_slice %arg6[%run_scoped3A_40, %run_scoped3A_41, %dma_start3A_396] : memref<4x2x64xi32, #tpu.memory_space<vmem>> -> memref<1x1x64xi32, #tpu.memory_space<vmem>>
      %dma_start3A_398 = tpu.memref_squeeze %dma_start3A_397 : memref<1x1x64xi32, #tpu.memory_space<vmem>> -> memref<64xi32, #tpu.memory_space<vmem>>
      %dma_start3A_399 = tpu.memref_slice %arg2[%run_scoped3A_39, %mul3A_38] : memref<2x6272xi32, #tpu.memory_space<hbm>> -> memref<1x64xi32, #tpu.memory_space<hbm>>
      %dma_start3A_400 = tpu.memref_squeeze %dma_start3A_399 : memref<1x64xi32, #tpu.memory_space<hbm>> -> memref<64xi32, #tpu.memory_space<hbm>>
      tpu.enqueue_dma source(%dma_start3A_400 : memref<64xi32, #tpu.memory_space<hbm>>) target(%dma_start3A_398 : memref<64xi32, #tpu.memory_space<vmem>>) target_semaphore(%run_scoped3A_390 : memref<!tpu.dma_semaphore, #tpu.memory_space<semaphore_mem>>)
      %dma_wait3A_401 = arith.constant 0 : i32
      %dma_wait3A_402 = tpu.memref_slice %arg6[%run_scoped3A_40, %run_scoped3A_41, %dma_wait3A_401] : memref<4x2x64xi32, #tpu.memory_space<vmem>> -> memref<1x1x64xi32, #tpu.memory_space<vmem>>
      %dma_wait3A_403 = tpu.memref_squeeze %dma_wait3A_402 : memref<1x1x64xi32, #tpu.memory_space<vmem>> -> memref<64xi32, #tpu.memory_space<vmem>>
      %dma_wait3A_404 = tpu.memref_slice %arg2[%run_scoped3A_39, %mul3A_38] : memref<2x6272xi32, #tpu.memory_space<hbm>> -> memref<1x64xi32, #tpu.memory_space<hbm>>
      %dma_wait3A_405 = tpu.memref_squeeze %dma_wait3A_404 : memref<1x64xi32, #tpu.memory_space<hbm>> -> memref<64xi32, #tpu.memory_space<hbm>>
      %dma_wait3A_406 = arith.constant 0 : i32
      %dma_wait3A_407 = tpu.memref_slice %arg6[%run_scoped3A_40, %run_scoped3A_41, %dma_wait3A_406] : memref<4x2x64xi32, #tpu.memory_space<vmem>> -> memref<1x1x64xi32, #tpu.memory_space<vmem>>
      %dma_wait3A_408 = tpu.memref_squeeze %dma_wait3A_407 : memref<1x1x64xi32, #tpu.memory_space<vmem>> -> memref<64xi32, #tpu.memory_space<vmem>>
      %dma_wait3A_409 = tpu.memref_slice %arg2[%run_scoped3A_39, %mul3A_38] : memref<2x6272xi32, #tpu.memory_space<hbm>> -> memref<1x64xi32, #tpu.memory_space<hbm>>
      %dma_wait3A_410 = tpu.memref_squeeze %dma_wait3A_409 : memref<1x64xi32, #tpu.memory_space<hbm>> -> memref<64xi32, #tpu.memory_space<hbm>>
      tpu.wait_dma2 semaphore(%run_scoped3A_390 : memref<!tpu.dma_semaphore, #tpu.memory_space<semaphore_mem>>) src(%dma_wait3A_410 : memref<64xi32, #tpu.memory_space<hbm>>) dst(%dma_wait3A_408 : memref<64xi32, #tpu.memory_space<vmem>>)
      tpu.yield
    }) : () -> ()
    %dma_start3A_42 = arith.constant 1 : i32
    %dma_start3A_43 = arith.constant 0 : i32
    %dma_start3A_44 = arith.constant 2 : i32
    %dma_start3A_45 = arith.constant 0 : i32
    %dma_start3A_46 = arith.constant 0 : i32
    %dma_start3A_47 = tpu.memref_slice %arg5[%dma_start3A_44, %dma_start3A_45, %dma_start3A_46] : memref<8x64x128xf32, #tpu.memory_space<vmem>> -> memref<1x64x128xf32, #tpu.memory_space<vmem>>
    %dma_start3A_48 = tpu.memref_squeeze %dma_start3A_47 : memref<1x64x128xf32, #tpu.memory_space<vmem>> -> memref<64x128xf32, #tpu.memory_space<vmem>>
    %dma_start3A_49 = arith.constant 0 : i32
    %dma_start3A_50 = tpu.memref_slice %arg6[%dma_start3A_42, %dma_start3A_43, %dma_start3A_49] : memref<4x2x64xi32, #tpu.memory_space<vmem>> -> memref<1x1x64xi32, #tpu.memory_space<vmem>>
    %dma_start3A_51 = tpu.memref_squeeze %dma_start3A_50 : memref<1x1x64xi32, #tpu.memory_space<vmem>> -> memref<64xi32, #tpu.memory_space<vmem>>
    %dma_start3A_52 = arith.constant 0 : i32
    %dma_start3A_53 = arith.constant 0 : i32
    %dma_start3A_54 = tpu.memref_slice %arg3[%dma_start3A_52, %dma_start3A_53] : memref<14592x128xf32, #tpu.memory_space<hbm>> -> memref<14592x128xf32, #tpu.memory_space<hbm>>
    tpu.enqueue_indirect_dma source(%dma_start3A_54 : memref<14592x128xf32, #tpu.memory_space<hbm>>) target(%dma_start3A_48 : memref<64x128xf32, #tpu.memory_space<vmem>>) offsets(%dma_start3A_51 : memref<64xi32, #tpu.memory_space<vmem>>) semaphore(%arg7 : memref<!tpu.dma_semaphore, #tpu.memory_space<semaphore_mem>>)
    %run_scoped3A_55 = arith.constant 1 : i32
    %run_scoped3A_56 = arith.constant 1 : i32
    %run_scoped3A_57 = arith.constant 1 : i32
    "tpu.region"() ({
      %run_scoped3A_390 = tpu.sem_alloc : memref<!tpu.dma_semaphore, #tpu.memory_space<semaphore_mem>>
      %dma_start3A_391 = arith.constant 0 : i32
      %dma_start3A_392 = tpu.memref_slice %arg6[%run_scoped3A_56, %run_scoped3A_57, %dma_start3A_391] : memref<4x2x64xi32, #tpu.memory_space<vmem>> -> memref<1x1x64xi32, #tpu.memory_space<vmem>>
      %dma_start3A_393 = tpu.memref_squeeze %dma_start3A_392 : memref<1x1x64xi32, #tpu.memory_space<vmem>> -> memref<64xi32, #tpu.memory_space<vmem>>
      %dma_start3A_394 = tpu.memref_slice %arg2[%run_scoped3A_55, %mul3A_38] : memref<2x6272xi32, #tpu.memory_space<hbm>> -> memref<1x64xi32, #tpu.memory_space<hbm>>
      %dma_start3A_395 = tpu.memref_squeeze %dma_start3A_394 : memref<1x64xi32, #tpu.memory_space<hbm>> -> memref<64xi32, #tpu.memory_space<hbm>>
      %dma_start3A_396 = arith.constant 0 : i32
      %dma_start3A_397 = tpu.memref_slice %arg6[%run_scoped3A_56, %run_scoped3A_57, %dma_start3A_396] : memref<4x2x64xi32, #tpu.memory_space<vmem>> -> memref<1x1x64xi32, #tpu.memory_space<vmem>>
      %dma_start3A_398 = tpu.memref_squeeze %dma_start3A_397 : memref<1x1x64xi32, #tpu.memory_space<vmem>> -> memref<64xi32, #tpu.memory_space<vmem>>
      %dma_start3A_399 = tpu.memref_slice %arg2[%run_scoped3A_55, %mul3A_38] : memref<2x6272xi32, #tpu.memory_space<hbm>> -> memref<1x64xi32, #tpu.memory_space<hbm>>
      %dma_start3A_400 = tpu.memref_squeeze %dma_start3A_399 : memref<1x64xi32, #tpu.memory_space<hbm>> -> memref<64xi32, #tpu.memory_space<hbm>>
      tpu.enqueue_dma source(%dma_start3A_400 : memref<64xi32, #tpu.memory_space<hbm>>) target(%dma_start3A_398 : memref<64xi32, #tpu.memory_space<vmem>>) target_semaphore(%run_scoped3A_390 : memref<!tpu.dma_semaphore, #tpu.memory_space<semaphore_mem>>)
      %dma_wait3A_401 = arith.constant 0 : i32
      %dma_wait3A_402 = tpu.memref_slice %arg6[%run_scoped3A_56, %run_scoped3A_57, %dma_wait3A_401] : memref<4x2x64xi32, #tpu.memory_space<vmem>> -> memref<1x1x64xi32, #tpu.memory_space<vmem>>
      %dma_wait3A_403 = tpu.memref_squeeze %dma_wait3A_402 : memref<1x1x64xi32, #tpu.memory_space<vmem>> -> memref<64xi32, #tpu.memory_space<vmem>>
      %dma_wait3A_404 = tpu.memref_slice %arg2[%run_scoped3A_55, %mul3A_38] : memref<2x6272xi32, #tpu.memory_space<hbm>> -> memref<1x64xi32, #tpu.memory_space<hbm>>
      %dma_wait3A_405 = tpu.memref_squeeze %dma_wait3A_404 : memref<1x64xi32, #tpu.memory_space<hbm>> -> memref<64xi32, #tpu.memory_space<hbm>>
      %dma_wait3A_406 = arith.constant 0 : i32
      %dma_wait3A_407 = tpu.memref_slice %arg6[%run_scoped3A_56, %run_scoped3A_57, %dma_wait3A_406] : memref<4x2x64xi32, #tpu.memory_space<vmem>> -> memref<1x1x64xi32, #tpu.memory_space<vmem>>
      %dma_wait3A_408 = tpu.memref_squeeze %dma_wait3A_407 : memref<1x1x64xi32, #tpu.memory_space<vmem>> -> memref<64xi32, #tpu.memory_space<vmem>>
      %dma_wait3A_409 = tpu.memref_slice %arg2[%run_scoped3A_55, %mul3A_38] : memref<2x6272xi32, #tpu.memory_space<hbm>> -> memref<1x64xi32, #tpu.memory_space<hbm>>
      %dma_wait3A_410 = tpu.memref_squeeze %dma_wait3A_409 : memref<1x64xi32, #tpu.memory_space<hbm>> -> memref<64xi32, #tpu.memory_space<hbm>>
      tpu.wait_dma2 semaphore(%run_scoped3A_390 : memref<!tpu.dma_semaphore, #tpu.memory_space<semaphore_mem>>) src(%dma_wait3A_410 : memref<64xi32, #tpu.memory_space<hbm>>) dst(%dma_wait3A_408 : memref<64xi32, #tpu.memory_space<vmem>>)
      tpu.yield
    }) : () -> ()
    %dma_start3A_58 = arith.constant 1 : i32
    %dma_start3A_59 = arith.constant 1 : i32
    %dma_start3A_60 = arith.constant 3 : i32
    %dma_start3A_61 = arith.constant 0 : i32
    %dma_start3A_62 = arith.constant 0 : i32
    %dma_start3A_63 = tpu.memref_slice %arg5[%dma_start3A_60, %dma_start3A_61, %dma_start3A_62] : memref<8x64x128xf32, #tpu.memory_space<vmem>> -> memref<1x64x128xf32, #tpu.memory_space<vmem>>
    %dma_start3A_64 = tpu.memref_squeeze %dma_start3A_63 : memref<1x64x128xf32, #tpu.memory_space<vmem>> -> memref<64x128xf32, #tpu.memory_space<vmem>>
    %dma_start3A_65 = arith.constant 0 : i32
    %dma_start3A_66 = tpu.memref_slice %arg6[%dma_start3A_58, %dma_start3A_59, %dma_start3A_65] : memref<4x2x64xi32, #tpu.memory_space<vmem>> -> memref<1x1x64xi32, #tpu.memory_space<vmem>>
    %dma_start3A_67 = tpu.memref_squeeze %dma_start3A_66 : memref<1x1x64xi32, #tpu.memory_space<vmem>> -> memref<64xi32, #tpu.memory_space<vmem>>
    %dma_start3A_68 = arith.constant 0 : i32
    %dma_start3A_69 = arith.constant 0 : i32
    %dma_start3A_70 = tpu.memref_slice %arg3[%dma_start3A_68, %dma_start3A_69] : memref<14592x128xf32, #tpu.memory_space<hbm>> -> memref<14592x128xf32, #tpu.memory_space<hbm>>
    tpu.enqueue_indirect_dma source(%dma_start3A_70 : memref<14592x128xf32, #tpu.memory_space<hbm>>) target(%dma_start3A_64 : memref<64x128xf32, #tpu.memory_space<vmem>>) offsets(%dma_start3A_67 : memref<64xi32, #tpu.memory_space<vmem>>) semaphore(%arg7 : memref<!tpu.dma_semaphore, #tpu.memory_space<semaphore_mem>>)
    %add3A_71 = arith.constant 64 : i32
    %add3A_72 = arith.addi %add3A, %add3A_71 : i32
    %mul3A_73 = arith.constant 64 : i32
    %mul3A_74 = arith.muli %add3A_72, %mul3A_73 : i32
    %run_scoped3A_75 = arith.constant 0 : i32
    %run_scoped3A_76 = arith.constant 2 : i32
    %run_scoped3A_77 = arith.constant 0 : i32
    "tpu.region"() ({
      %run_scoped3A_390 = tpu.sem_alloc : memref<!tpu.dma_semaphore, #tpu.memory_space<semaphore_mem>>
      %dma_start3A_391 = arith.constant 0 : i32
      %dma_start3A_392 = tpu.memref_slice %arg6[%run_scoped3A_76, %run_scoped3A_77, %dma_start3A_391] : memref<4x2x64xi32, #tpu.memory_space<vmem>> -> memref<1x1x64xi32, #tpu.memory_space<vmem>>
      %dma_start3A_393 = tpu.memref_squeeze %dma_start3A_392 : memref<1x1x64xi32, #tpu.memory_space<vmem>> -> memref<64xi32, #tpu.memory_space<vmem>>
      %dma_start3A_394 = tpu.memref_slice %arg2[%run_scoped3A_75, %mul3A_74] : memref<2x6272xi32, #tpu.memory_space<hbm>> -> memref<1x64xi32, #tpu.memory_space<hbm>>
      %dma_start3A_395 = tpu.memref_squeeze %dma_start3A_394 : memref<1x64xi32, #tpu.memory_space<hbm>> -> memref<64xi32, #tpu.memory_space<hbm>>
      %dma_start3A_396 = arith.constant 0 : i32
      %dma_start3A_397 = tpu.memref_slice %arg6[%run_scoped3A_76, %run_scoped3A_77, %dma_start3A_396] : memref<4x2x64xi32, #tpu.memory_space<vmem>> -> memref<1x1x64xi32, #tpu.memory_space<vmem>>
      %dma_start3A_398 = tpu.memref_squeeze %dma_start3A_397 : memref<1x1x64xi32, #tpu.memory_space<vmem>> -> memref<64xi32, #tpu.memory_space<vmem>>
      %dma_start3A_399 = tpu.memref_slice %arg2[%run_scoped3A_75, %mul3A_74] : memref<2x6272xi32, #tpu.memory_space<hbm>> -> memref<1x64xi32, #tpu.memory_space<hbm>>
      %dma_start3A_400 = tpu.memref_squeeze %dma_start3A_399 : memref<1x64xi32, #tpu.memory_space<hbm>> -> memref<64xi32, #tpu.memory_space<hbm>>
      tpu.enqueue_dma source(%dma_start3A_400 : memref<64xi32, #tpu.memory_space<hbm>>) target(%dma_start3A_398 : memref<64xi32, #tpu.memory_space<vmem>>) target_semaphore(%run_scoped3A_390 : memref<!tpu.dma_semaphore, #tpu.memory_space<semaphore_mem>>)
      %dma_wait3A_401 = arith.constant 0 : i32
      %dma_wait3A_402 = tpu.memref_slice %arg6[%run_scoped3A_76, %run_scoped3A_77, %dma_wait3A_401] : memref<4x2x64xi32, #tpu.memory_space<vmem>> -> memref<1x1x64xi32, #tpu.memory_space<vmem>>
      %dma_wait3A_403 = tpu.memref_squeeze %dma_wait3A_402 : memref<1x1x64xi32, #tpu.memory_space<vmem>> -> memref<64xi32, #tpu.memory_space<vmem>>
      %dma_wait3A_404 = tpu.memref_slice %arg2[%run_scoped3A_75, %mul3A_74] : memref<2x6272xi32, #tpu.memory_space<hbm>> -> memref<1x64xi32, #tpu.memory_space<hbm>>
      %dma_wait3A_405 = tpu.memref_squeeze %dma_wait3A_404 : memref<1x64xi32, #tpu.memory_space<hbm>> -> memref<64xi32, #tpu.memory_space<hbm>>
      %dma_wait3A_406 = arith.constant 0 : i32
      %dma_wait3A_407 = tpu.memref_slice %arg6[%run_scoped3A_76, %run_scoped3A_77, %dma_wait3A_406] : memref<4x2x64xi32, #tpu.memory_space<vmem>> -> memref<1x1x64xi32, #tpu.memory_space<vmem>>
      %dma_wait3A_408 = tpu.memref_squeeze %dma_wait3A_407 : memref<1x1x64xi32, #tpu.memory_space<vmem>> -> memref<64xi32, #tpu.memory_space<vmem>>
      %dma_wait3A_409 = tpu.memref_slice %arg2[%run_scoped3A_75, %mul3A_74] : memref<2x6272xi32, #tpu.memory_space<hbm>> -> memref<1x64xi32, #tpu.memory_space<hbm>>
      %dma_wait3A_410 = tpu.memref_squeeze %dma_wait3A_409 : memref<1x64xi32, #tpu.memory_space<hbm>> -> memref<64xi32, #tpu.memory_space<hbm>>
      tpu.wait_dma2 semaphore(%run_scoped3A_390 : memref<!tpu.dma_semaphore, #tpu.memory_space<semaphore_mem>>) src(%dma_wait3A_410 : memref<64xi32, #tpu.memory_space<hbm>>) dst(%dma_wait3A_408 : memref<64xi32, #tpu.memory_space<vmem>>)
      tpu.yield
    }) : () -> ()
    %dma_start3A_78 = arith.constant 2 : i32
    %dma_start3A_79 = arith.constant 0 : i32
    %dma_start3A_80 = arith.constant 4 : i32
    %dma_start3A_81 = arith.constant 0 : i32
    %dma_start3A_82 = arith.constant 0 : i32
    %dma_start3A_83 = tpu.memref_slice %arg5[%dma_start3A_80, %dma_start3A_81, %dma_start3A_82] : memref<8x64x128xf32, #tpu.memory_space<vmem>> -> memref<1x64x128xf32, #tpu.memory_space<vmem>>
    %dma_start3A_84 = tpu.memref_squeeze %dma_start3A_83 : memref<1x64x128xf32, #tpu.memory_space<vmem>> -> memref<64x128xf32, #tpu.memory_space<vmem>>
    %dma_start3A_85 = arith.constant 0 : i32
    %dma_start3A_86 = tpu.memref_slice %arg6[%dma_start3A_78, %dma_start3A_79, %dma_start3A_85] : memref<4x2x64xi32, #tpu.memory_space<vmem>> -> memref<1x1x64xi32, #tpu.memory_space<vmem>>
    %dma_start3A_87 = tpu.memref_squeeze %dma_start3A_86 : memref<1x1x64xi32, #tpu.memory_space<vmem>> -> memref<64xi32, #tpu.memory_space<vmem>>
    %dma_start3A_88 = arith.constant 0 : i32
    %dma_start3A_89 = arith.constant 0 : i32
    %dma_start3A_90 = tpu.memref_slice %arg3[%dma_start3A_88, %dma_start3A_89] : memref<14592x128xf32, #tpu.memory_space<hbm>> -> memref<14592x128xf32, #tpu.memory_space<hbm>>
    tpu.enqueue_indirect_dma source(%dma_start3A_90 : memref<14592x128xf32, #tpu.memory_space<hbm>>) target(%dma_start3A_84 : memref<64x128xf32, #tpu.memory_space<vmem>>) offsets(%dma_start3A_87 : memref<64xi32, #tpu.memory_space<vmem>>) semaphore(%arg7 : memref<!tpu.dma_semaphore, #tpu.memory_space<semaphore_mem>>)
    %run_scoped3A_91 = arith.constant 1 : i32
    %run_scoped3A_92 = arith.constant 2 : i32
    %run_scoped3A_93 = arith.constant 1 : i32
    "tpu.region"() ({
      %run_scoped3A_390 = tpu.sem_alloc : memref<!tpu.dma_semaphore, #tpu.memory_space<semaphore_mem>>
      %dma_start3A_391 = arith.constant 0 : i32
      %dma_start3A_392 = tpu.memref_slice %arg6[%run_scoped3A_92, %run_scoped3A_93, %dma_start3A_391] : memref<4x2x64xi32, #tpu.memory_space<vmem>> -> memref<1x1x64xi32, #tpu.memory_space<vmem>>
      %dma_start3A_393 = tpu.memref_squeeze %dma_start3A_392 : memref<1x1x64xi32, #tpu.memory_space<vmem>> -> memref<64xi32, #tpu.memory_space<vmem>>
      %dma_start3A_394 = tpu.memref_slice %arg2[%run_scoped3A_91, %mul3A_74] : memref<2x6272xi32, #tpu.memory_space<hbm>> -> memref<1x64xi32, #tpu.memory_space<hbm>>
      %dma_start3A_395 = tpu.memref_squeeze %dma_start3A_394 : memref<1x64xi32, #tpu.memory_space<hbm>> -> memref<64xi32, #tpu.memory_space<hbm>>
      %dma_start3A_396 = arith.constant 0 : i32
      %dma_start3A_397 = tpu.memref_slice %arg6[%run_scoped3A_92, %run_scoped3A_93, %dma_start3A_396] : memref<4x2x64xi32, #tpu.memory_space<vmem>> -> memref<1x1x64xi32, #tpu.memory_space<vmem>>
      %dma_start3A_398 = tpu.memref_squeeze %dma_start3A_397 : memref<1x1x64xi32, #tpu.memory_space<vmem>> -> memref<64xi32, #tpu.memory_space<vmem>>
      %dma_start3A_399 = tpu.memref_slice %arg2[%run_scoped3A_91, %mul3A_74] : memref<2x6272xi32, #tpu.memory_space<hbm>> -> memref<1x64xi32, #tpu.memory_space<hbm>>
      %dma_start3A_400 = tpu.memref_squeeze %dma_start3A_399 : memref<1x64xi32, #tpu.memory_space<hbm>> -> memref<64xi32, #tpu.memory_space<hbm>>
      tpu.enqueue_dma source(%dma_start3A_400 : memref<64xi32, #tpu.memory_space<hbm>>) target(%dma_start3A_398 : memref<64xi32, #tpu.memory_space<vmem>>) target_semaphore(%run_scoped3A_390 : memref<!tpu.dma_semaphore, #tpu.memory_space<semaphore_mem>>)
      %dma_wait3A_401 = arith.constant 0 : i32
      %dma_wait3A_402 = tpu.memref_slice %arg6[%run_scoped3A_92, %run_scoped3A_93, %dma_wait3A_401] : memref<4x2x64xi32, #tpu.memory_space<vmem>> -> memref<1x1x64xi32, #tpu.memory_space<vmem>>
      %dma_wait3A_403 = tpu.memref_squeeze %dma_wait3A_402 : memref<1x1x64xi32, #tpu.memory_space<vmem>> -> memref<64xi32, #tpu.memory_space<vmem>>
      %dma_wait3A_404 = tpu.memref_slice %arg2[%run_scoped3A_91, %mul3A_74] : memref<2x6272xi32, #tpu.memory_space<hbm>> -> memref<1x64xi32, #tpu.memory_space<hbm>>
      %dma_wait3A_405 = tpu.memref_squeeze %dma_wait3A_404 : memref<1x64xi32, #tpu.memory_space<hbm>> -> memref<64xi32, #tpu.memory_space<hbm>>
      %dma_wait3A_406 = arith.constant 0 : i32
      %dma_wait3A_407 = tpu.memref_slice %arg6[%run_scoped3A_92, %run_scoped3A_93, %dma_wait3A_406] : memref<4x2x64xi32, #tpu.memory_space<vmem>> -> memref<1x1x64xi32, #tpu.memory_space<vmem>>
      %dma_wait3A_408 = tpu.memref_squeeze %dma_wait3A_407 : memref<1x1x64xi32, #tpu.memory_space<vmem>> -> memref<64xi32, #tpu.memory_space<vmem>>
      %dma_wait3A_409 = tpu.memref_slice %arg2[%run_scoped3A_91, %mul3A_74] : memref<2x6272xi32, #tpu.memory_space<hbm>> -> memref<1x64xi32, #tpu.memory_space<hbm>>
      %dma_wait3A_410 = tpu.memref_squeeze %dma_wait3A_409 : memref<1x64xi32, #tpu.memory_space<hbm>> -> memref<64xi32, #tpu.memory_space<hbm>>
      tpu.wait_dma2 semaphore(%run_scoped3A_390 : memref<!tpu.dma_semaphore, #tpu.memory_space<semaphore_mem>>) src(%dma_wait3A_410 : memref<64xi32, #tpu.memory_space<hbm>>) dst(%dma_wait3A_408 : memref<64xi32, #tpu.memory_space<vmem>>)
      tpu.yield
    }) : () -> ()
    %dma_start3A_94 = arith.constant 2 : i32
    %dma_start3A_95 = arith.constant 1 : i32
    %dma_start3A_96 = arith.constant 5 : i32
    %dma_start3A_97 = arith.constant 0 : i32
    %dma_start3A_98 = arith.constant 0 : i32
    %dma_start3A_99 = tpu.memref_slice %arg5[%dma_start3A_96, %dma_start3A_97, %dma_start3A_98] : memref<8x64x128xf32, #tpu.memory_space<vmem>> -> memref<1x64x128xf32, #tpu.memory_space<vmem>>
    %dma_start3A_100 = tpu.memref_squeeze %dma_start3A_99 : memref<1x64x128xf32, #tpu.memory_space<vmem>> -> memref<64x128xf32, #tpu.memory_space<vmem>>
    %dma_start3A_101 = arith.constant 0 : i32
    %dma_start3A_102 = tpu.memref_slice %arg6[%dma_start3A_94, %dma_start3A_95, %dma_start3A_101] : memref<4x2x64xi32, #tpu.memory_space<vmem>> -> memref<1x1x64xi32, #tpu.memory_space<vmem>>
    %dma_start3A_103 = tpu.memref_squeeze %dma_start3A_102 : memref<1x1x64xi32, #tpu.memory_space<vmem>> -> memref<64xi32, #tpu.memory_space<vmem>>
    %dma_start3A_104 = arith.constant 0 : i32
    %dma_start3A_105 = arith.constant 0 : i32
    %dma_start3A_106 = tpu.memref_slice %arg3[%dma_start3A_104, %dma_start3A_105] : memref<14592x128xf32, #tpu.memory_space<hbm>> -> memref<14592x128xf32, #tpu.memory_space<hbm>>
    tpu.enqueue_indirect_dma source(%dma_start3A_106 : memref<14592x128xf32, #tpu.memory_space<hbm>>) target(%dma_start3A_100 : memref<64x128xf32, #tpu.memory_space<vmem>>) offsets(%dma_start3A_103 : memref<64xi32, #tpu.memory_space<vmem>>) semaphore(%arg7 : memref<!tpu.dma_semaphore, #tpu.memory_space<semaphore_mem>>)
    %dma_wait3A = arith.constant 0 : i32
    %dma_wait3A_107 = arith.constant 0 : i32
    %dma_wait3A_108 = arith.constant 0 : i32
    %dma_wait3A_109 = arith.constant 0 : i32
    %dma_wait3A_110 = arith.constant 0 : i32
    %dma_wait3A_111 = tpu.memref_slice %arg5[%dma_wait3A_108, %dma_wait3A_109, %dma_wait3A_110] : memref<8x64x128xf32, #tpu.memory_space<vmem>> -> memref<1x64x128xf32, #tpu.memory_space<vmem>>
    %dma_wait3A_112 = tpu.memref_squeeze %dma_wait3A_111 : memref<1x64x128xf32, #tpu.memory_space<vmem>> -> memref<64x128xf32, #tpu.memory_space<vmem>>
    %dma_wait3A_113 = arith.constant 0 : i32
    %dma_wait3A_114 = tpu.memref_slice %arg6[%dma_wait3A, %dma_wait3A_107, %dma_wait3A_113] : memref<4x2x64xi32, #tpu.memory_space<vmem>> -> memref<1x1x64xi32, #tpu.memory_space<vmem>>
    %dma_wait3A_115 = tpu.memref_squeeze %dma_wait3A_114 : memref<1x1x64xi32, #tpu.memory_space<vmem>> -> memref<64xi32, #tpu.memory_space<vmem>>
    %dma_wait3A_116 = arith.constant 0 : i32
    %dma_wait3A_117 = arith.constant 0 : i32
    %dma_wait3A_118 = tpu.memref_slice %arg3[%dma_wait3A_116, %dma_wait3A_117] : memref<14592x128xf32, #tpu.memory_space<hbm>> -> memref<14592x128xf32, #tpu.memory_space<hbm>>
    tpu.wait_indirect_dma semaphore(%arg7 : memref<!tpu.dma_semaphore, #tpu.memory_space<semaphore_mem>>) src(%dma_wait3A_118 : memref<14592x128xf32, #tpu.memory_space<hbm>>) dst(%dma_wait3A_112 : memref<64x128xf32, #tpu.memory_space<vmem>>)
    %dma_wait3A_119 = arith.constant 0 : i32
    %dma_wait3A_120 = arith.constant 1 : i32
    %dma_wait3A_121 = arith.constant 1 : i32
    %dma_wait3A_122 = arith.constant 0 : i32
    %dma_wait3A_123 = arith.constant 0 : i32
    %dma_wait3A_124 = tpu.memref_slice %arg5[%dma_wait3A_121, %dma_wait3A_122, %dma_wait3A_123] : memref<8x64x128xf32, #tpu.memory_space<vmem>> -> memref<1x64x128xf32, #tpu.memory_space<vmem>>
    %dma_wait3A_125 = tpu.memref_squeeze %dma_wait3A_124 : memref<1x64x128xf32, #tpu.memory_space<vmem>> -> memref<64x128xf32, #tpu.memory_space<vmem>>
    %dma_wait3A_126 = arith.constant 0 : i32
    %dma_wait3A_127 = tpu.memref_slice %arg6[%dma_wait3A_119, %dma_wait3A_120, %dma_wait3A_126] : memref<4x2x64xi32, #tpu.memory_space<vmem>> -> memref<1x1x64xi32, #tpu.memory_space<vmem>>
    %dma_wait3A_128 = tpu.memref_squeeze %dma_wait3A_127 : memref<1x1x64xi32, #tpu.memory_space<vmem>> -> memref<64xi32, #tpu.memory_space<vmem>>
    %dma_wait3A_129 = arith.constant 0 : i32
    %dma_wait3A_130 = arith.constant 0 : i32
    %dma_wait3A_131 = tpu.memref_slice %arg3[%dma_wait3A_129, %dma_wait3A_130] : memref<14592x128xf32, #tpu.memory_space<hbm>> -> memref<14592x128xf32, #tpu.memory_space<hbm>>
    tpu.wait_indirect_dma semaphore(%arg7 : memref<!tpu.dma_semaphore, #tpu.memory_space<semaphore_mem>>) src(%dma_wait3A_131 : memref<14592x128xf32, #tpu.memory_space<hbm>>) dst(%dma_wait3A_125 : memref<64x128xf32, #tpu.memory_space<vmem>>)
    %dma_wait3A_132 = arith.constant 1 : i32
    %dma_wait3A_133 = arith.constant 0 : i32
    %dma_wait3A_134 = arith.constant 2 : i32
    %dma_wait3A_135 = arith.constant 0 : i32
    %dma_wait3A_136 = arith.constant 0 : i32
    %dma_wait3A_137 = tpu.memref_slice %arg5[%dma_wait3A_134, %dma_wait3A_135, %dma_wait3A_136] : memref<8x64x128xf32, #tpu.memory_space<vmem>> -> memref<1x64x128xf32, #tpu.memory_space<vmem>>
    %dma_wait3A_138 = tpu.memref_squeeze %dma_wait3A_137 : memref<1x64x128xf32, #tpu.memory_space<vmem>> -> memref<64x128xf32, #tpu.memory_space<vmem>>
    %dma_wait3A_139 = arith.constant 0 : i32
    %dma_wait3A_140 = tpu.memref_slice %arg6[%dma_wait3A_132, %dma_wait3A_133, %dma_wait3A_139] : memref<4x2x64xi32, #tpu.memory_space<vmem>> -> memref<1x1x64xi32, #tpu.memory_space<vmem>>
    %dma_wait3A_141 = tpu.memref_squeeze %dma_wait3A_140 : memref<1x1x64xi32, #tpu.memory_space<vmem>> -> memref<64xi32, #tpu.memory_space<vmem>>
    %dma_wait3A_142 = arith.constant 0 : i32
    %dma_wait3A_143 = arith.constant 0 : i32
    %dma_wait3A_144 = tpu.memref_slice %arg3[%dma_wait3A_142, %dma_wait3A_143] : memref<14592x128xf32, #tpu.memory_space<hbm>> -> memref<14592x128xf32, #tpu.memory_space<hbm>>
    tpu.wait_indirect_dma semaphore(%arg7 : memref<!tpu.dma_semaphore, #tpu.memory_space<semaphore_mem>>) src(%dma_wait3A_144 : memref<14592x128xf32, #tpu.memory_space<hbm>>) dst(%dma_wait3A_138 : memref<64x128xf32, #tpu.memory_space<vmem>>)
    %dma_wait3A_145 = arith.constant 1 : i32
    %dma_wait3A_146 = arith.constant 1 : i32
    %dma_wait3A_147 = arith.constant 3 : i32
    %dma_wait3A_148 = arith.constant 0 : i32
    %dma_wait3A_149 = arith.constant 0 : i32
    %dma_wait3A_150 = tpu.memref_slice %arg5[%dma_wait3A_147, %dma_wait3A_148, %dma_wait3A_149] : memref<8x64x128xf32, #tpu.memory_space<vmem>> -> memref<1x64x128xf32, #tpu.memory_space<vmem>>
    %dma_wait3A_151 = tpu.memref_squeeze %dma_wait3A_150 : memref<1x64x128xf32, #tpu.memory_space<vmem>> -> memref<64x128xf32, #tpu.memory_space<vmem>>
    %dma_wait3A_152 = arith.constant 0 : i32
    %dma_wait3A_153 = tpu.memref_slice %arg6[%dma_wait3A_145, %dma_wait3A_146, %dma_wait3A_152] : memref<4x2x64xi32, #tpu.memory_space<vmem>> -> memref<1x1x64xi32, #tpu.memory_space<vmem>>
    %dma_wait3A_154 = tpu.memref_squeeze %dma_wait3A_153 : memref<1x1x64xi32, #tpu.memory_space<vmem>> -> memref<64xi32, #tpu.memory_space<vmem>>
    %dma_wait3A_155 = arith.constant 0 : i32
    %dma_wait3A_156 = arith.constant 0 : i32
    %dma_wait3A_157 = tpu.memref_slice %arg3[%dma_wait3A_155, %dma_wait3A_156] : memref<14592x128xf32, #tpu.memory_space<hbm>> -> memref<14592x128xf32, #tpu.memory_space<hbm>>
    tpu.wait_indirect_dma semaphore(%arg7 : memref<!tpu.dma_semaphore, #tpu.memory_space<semaphore_mem>>) src(%dma_wait3A_157 : memref<14592x128xf32, #tpu.memory_space<hbm>>) dst(%dma_wait3A_151 : memref<64x128xf32, #tpu.memory_space<vmem>>)
    %dma_wait3A_158 = arith.constant 2 : i32
    %dma_wait3A_159 = arith.constant 0 : i32
    %dma_wait3A_160 = arith.constant 4 : i32
    %dma_wait3A_161 = arith.constant 0 : i32
    %dma_wait3A_162 = arith.constant 0 : i32
    %dma_wait3A_163 = tpu.memref_slice %arg5[%dma_wait3A_160, %dma_wait3A_161, %dma_wait3A_162] : memref<8x64x128xf32, #tpu.memory_space<vmem>> -> memref<1x64x128xf32, #tpu.memory_space<vmem>>
    %dma_wait3A_164 = tpu.memref_squeeze %dma_wait3A_163 : memref<1x64x128xf32, #tpu.memory_space<vmem>> -> memref<64x128xf32, #tpu.memory_space<vmem>>
    %dma_wait3A_165 = arith.constant 0 : i32
    %dma_wait3A_166 = tpu.memref_slice %arg6[%dma_wait3A_158, %dma_wait3A_159, %dma_wait3A_165] : memref<4x2x64xi32, #tpu.memory_space<vmem>> -> memref<1x1x64xi32, #tpu.memory_space<vmem>>
    %dma_wait3A_167 = tpu.memref_squeeze %dma_wait3A_166 : memref<1x1x64xi32, #tpu.memory_space<vmem>> -> memref<64xi32, #tpu.memory_space<vmem>>
    %dma_wait3A_168 = arith.constant 0 : i32
    %dma_wait3A_169 = arith.constant 0 : i32
    %dma_wait3A_170 = tpu.memref_slice %arg3[%dma_wait3A_168, %dma_wait3A_169] : memref<14592x128xf32, #tpu.memory_space<hbm>> -> memref<14592x128xf32, #tpu.memory_space<hbm>>
    tpu.wait_indirect_dma semaphore(%arg7 : memref<!tpu.dma_semaphore, #tpu.memory_space<semaphore_mem>>) src(%dma_wait3A_170 : memref<14592x128xf32, #tpu.memory_space<hbm>>) dst(%dma_wait3A_164 : memref<64x128xf32, #tpu.memory_space<vmem>>)
    %dma_wait3A_171 = arith.constant 2 : i32
    %dma_wait3A_172 = arith.constant 1 : i32
    %dma_wait3A_173 = arith.constant 5 : i32
    %dma_wait3A_174 = arith.constant 0 : i32
    %dma_wait3A_175 = arith.constant 0 : i32
    %dma_wait3A_176 = tpu.memref_slice %arg5[%dma_wait3A_173, %dma_wait3A_174, %dma_wait3A_175] : memref<8x64x128xf32, #tpu.memory_space<vmem>> -> memref<1x64x128xf32, #tpu.memory_space<vmem>>
    %dma_wait3A_177 = tpu.memref_squeeze %dma_wait3A_176 : memref<1x64x128xf32, #tpu.memory_space<vmem>> -> memref<64x128xf32, #tpu.memory_space<vmem>>
    %dma_wait3A_178 = arith.constant 0 : i32
    %dma_wait3A_179 = tpu.memref_slice %arg6[%dma_wait3A_171, %dma_wait3A_172, %dma_wait3A_178] : memref<4x2x64xi32, #tpu.memory_space<vmem>> -> memref<1x1x64xi32, #tpu.memory_space<vmem>>
    %dma_wait3A_180 = tpu.memref_squeeze %dma_wait3A_179 : memref<1x1x64xi32, #tpu.memory_space<vmem>> -> memref<64xi32, #tpu.memory_space<vmem>>
    %dma_wait3A_181 = arith.constant 0 : i32
    %dma_wait3A_182 = arith.constant 0 : i32
    %dma_wait3A_183 = tpu.memref_slice %arg3[%dma_wait3A_181, %dma_wait3A_182] : memref<14592x128xf32, #tpu.memory_space<hbm>> -> memref<14592x128xf32, #tpu.memory_space<hbm>>
    tpu.wait_indirect_dma semaphore(%arg7 : memref<!tpu.dma_semaphore, #tpu.memory_space<semaphore_mem>>) src(%dma_wait3A_183 : memref<14592x128xf32, #tpu.memory_space<hbm>>) dst(%dma_wait3A_177 : memref<64x128xf32, #tpu.memory_space<vmem>>)
    %add3A_184 = arith.constant 0 : i32
    %add3A_185 = arith.addi %add3A, %add3A_184 : i32
    %mul3A_186 = arith.constant 64 : i32
    %mul3A_187 = arith.muli %add3A_185, %mul3A_186 : i32
    %dma_start3A_188 = arith.constant 0 : i32
    %dma_start3A_189 = arith.constant 0 : i32
    %dma_start3A_190 = arith.constant 0 : i32
    %dma_start3A_191 = arith.constant 0 : i32
    %dma_start3A_192 = tpu.memref_slice %arg5[%dma_start3A_188, %dma_start3A_190, %dma_start3A_191] : memref<8x64x128xf32, #tpu.memory_space<vmem>> -> memref<1x64x128xf32, #tpu.memory_space<vmem>>
    %dma_start3A_193 = tpu.memref_squeeze %dma_start3A_192 : memref<1x64x128xf32, #tpu.memory_space<vmem>> -> memref<64x128xf32, #tpu.memory_space<vmem>>
    %dma_start3A_194 = arith.constant 0 : i32
    %dma_start3A_195 = tpu.memref_slice %arg4[%dma_start3A_189, %mul3A_187, %dma_start3A_194] : memref<2x6272x128xf32, #tpu.memory_space<hbm>> -> memref<1x64x128xf32, #tpu.memory_space<hbm>>
    %dma_start3A_196 = tpu.memref_squeeze %dma_start3A_195 : memref<1x64x128xf32, #tpu.memory_space<hbm>> -> memref<64x128xf32, #tpu.memory_space<hbm>>
    %dma_start3A_197 = arith.constant 0 : i32
    %dma_start3A_198 = tpu.memref_slice %arg4[%dma_start3A_189, %mul3A_187, %dma_start3A_197] : memref<2x6272x128xf32, #tpu.memory_space<hbm>> -> memref<1x64x128xf32, #tpu.memory_space<hbm>>
    %dma_start3A_199 = tpu.memref_squeeze %dma_start3A_198 : memref<1x64x128xf32, #tpu.memory_space<hbm>> -> memref<64x128xf32, #tpu.memory_space<hbm>>
    %dma_start3A_200 = arith.constant 0 : i32
    %dma_start3A_201 = arith.constant 0 : i32
    %dma_start3A_202 = tpu.memref_slice %arg5[%dma_start3A_188, %dma_start3A_200, %dma_start3A_201] : memref<8x64x128xf32, #tpu.memory_space<vmem>> -> memref<1x64x128xf32, #tpu.memory_space<vmem>>
    %dma_start3A_203 = tpu.memref_squeeze %dma_start3A_202 : memref<1x64x128xf32, #tpu.memory_space<vmem>> -> memref<64x128xf32, #tpu.memory_space<vmem>>
    tpu.enqueue_dma source(%dma_start3A_203 : memref<64x128xf32, #tpu.memory_space<vmem>>) target(%dma_start3A_199 : memref<64x128xf32, #tpu.memory_space<hbm>>) target_semaphore(%arg8 : memref<!tpu.dma_semaphore, #tpu.memory_space<semaphore_mem>>)
    %dma_start3A_204 = arith.constant 1 : i32
    %dma_start3A_205 = arith.constant 1 : i32
    %dma_start3A_206 = arith.constant 0 : i32
    %dma_start3A_207 = arith.constant 0 : i32
    %dma_start3A_208 = tpu.memref_slice %arg5[%dma_start3A_204, %dma_start3A_206, %dma_start3A_207] : memref<8x64x128xf32, #tpu.memory_space<vmem>> -> memref<1x64x128xf32, #tpu.memory_space<vmem>>
    %dma_start3A_209 = tpu.memref_squeeze %dma_start3A_208 : memref<1x64x128xf32, #tpu.memory_space<vmem>> -> memref<64x128xf32, #tpu.memory_space<vmem>>
    %dma_start3A_210 = arith.constant 0 : i32
    %dma_start3A_211 = tpu.memref_slice %arg4[%dma_start3A_205, %mul3A_187, %dma_start3A_210] : memref<2x6272x128xf32, #tpu.memory_space<hbm>> -> memref<1x64x128xf32, #tpu.memory_space<hbm>>
    %dma_start3A_212 = tpu.memref_squeeze %dma_start3A_211 : memref<1x64x128xf32, #tpu.memory_space<hbm>> -> memref<64x128xf32, #tpu.memory_space<hbm>>
    %dma_start3A_213 = arith.constant 0 : i32
    %dma_start3A_214 = tpu.memref_slice %arg4[%dma_start3A_205, %mul3A_187, %dma_start3A_213] : memref<2x6272x128xf32, #tpu.memory_space<hbm>> -> memref<1x64x128xf32, #tpu.memory_space<hbm>>
    %dma_start3A_215 = tpu.memref_squeeze %dma_start3A_214 : memref<1x64x128xf32, #tpu.memory_space<hbm>> -> memref<64x128xf32, #tpu.memory_space<hbm>>
    %dma_start3A_216 = arith.constant 0 : i32
    %dma_start3A_217 = arith.constant 0 : i32
    %dma_start3A_218 = tpu.memref_slice %arg5[%dma_start3A_204, %dma_start3A_216, %dma_start3A_217] : memref<8x64x128xf32, #tpu.memory_space<vmem>> -> memref<1x64x128xf32, #tpu.memory_space<vmem>>
    %dma_start3A_219 = tpu.memref_squeeze %dma_start3A_218 : memref<1x64x128xf32, #tpu.memory_space<vmem>> -> memref<64x128xf32, #tpu.memory_space<vmem>>
    tpu.enqueue_dma source(%dma_start3A_219 : memref<64x128xf32, #tpu.memory_space<vmem>>) target(%dma_start3A_215 : memref<64x128xf32, #tpu.memory_space<hbm>>) target_semaphore(%arg8 : memref<!tpu.dma_semaphore, #tpu.memory_space<semaphore_mem>>)
    %add3A_220 = arith.constant 32 : i32
    %add3A_221 = arith.addi %add3A, %add3A_220 : i32
    %mul3A_222 = arith.constant 64 : i32
    %mul3A_223 = arith.muli %add3A_221, %mul3A_222 : i32
    %dma_start3A_224 = arith.constant 2 : i32
    %dma_start3A_225 = arith.constant 0 : i32
    %dma_start3A_226 = arith.constant 0 : i32
    %dma_start3A_227 = arith.constant 0 : i32
    %dma_start3A_228 = tpu.memref_slice %arg5[%dma_start3A_224, %dma_start3A_226, %dma_start3A_227] : memref<8x64x128xf32, #tpu.memory_space<vmem>> -> memref<1x64x128xf32, #tpu.memory_space<vmem>>
    %dma_start3A_229 = tpu.memref_squeeze %dma_start3A_228 : memref<1x64x128xf32, #tpu.memory_space<vmem>> -> memref<64x128xf32, #tpu.memory_space<vmem>>
    %dma_start3A_230 = arith.constant 0 : i32
    %dma_start3A_231 = tpu.memref_slice %arg4[%dma_start3A_225, %mul3A_223, %dma_start3A_230] : memref<2x6272x128xf32, #tpu.memory_space<hbm>> -> memref<1x64x128xf32, #tpu.memory_space<hbm>>
    %dma_start3A_232 = tpu.memref_squeeze %dma_start3A_231 : memref<1x64x128xf32, #tpu.memory_space<hbm>> -> memref<64x128xf32, #tpu.memory_space<hbm>>
    %dma_start3A_233 = arith.constant 0 : i32
    %dma_start3A_234 = tpu.memref_slice %arg4[%dma_start3A_225, %mul3A_223, %dma_start3A_233] : memref<2x6272x128xf32, #tpu.memory_space<hbm>> -> memref<1x64x128xf32, #tpu.memory_space<hbm>>
    %dma_start3A_235 = tpu.memref_squeeze %dma_start3A_234 : memref<1x64x128xf32, #tpu.memory_space<hbm>> -> memref<64x128xf32, #tpu.memory_space<hbm>>
    %dma_start3A_236 = arith.constant 0 : i32
    %dma_start3A_237 = arith.constant 0 : i32
    %dma_start3A_238 = tpu.memref_slice %arg5[%dma_start3A_224, %dma_start3A_236, %dma_start3A_237] : memref<8x64x128xf32, #tpu.memory_space<vmem>> -> memref<1x64x128xf32, #tpu.memory_space<vmem>>
    %dma_start3A_239 = tpu.memref_squeeze %dma_start3A_238 : memref<1x64x128xf32, #tpu.memory_space<vmem>> -> memref<64x128xf32, #tpu.memory_space<vmem>>
    tpu.enqueue_dma source(%dma_start3A_239 : memref<64x128xf32, #tpu.memory_space<vmem>>) target(%dma_start3A_235 : memref<64x128xf32, #tpu.memory_space<hbm>>) target_semaphore(%arg8 : memref<!tpu.dma_semaphore, #tpu.memory_space<semaphore_mem>>)
    %dma_start3A_240 = arith.constant 3 : i32
    %dma_start3A_241 = arith.constant 1 : i32
    %dma_start3A_242 = arith.constant 0 : i32
    %dma_start3A_243 = arith.constant 0 : i32
    %dma_start3A_244 = tpu.memref_slice %arg5[%dma_start3A_240, %dma_start3A_242, %dma_start3A_243] : memref<8x64x128xf32, #tpu.memory_space<vmem>> -> memref<1x64x128xf32, #tpu.memory_space<vmem>>
    %dma_start3A_245 = tpu.memref_squeeze %dma_start3A_244 : memref<1x64x128xf32, #tpu.memory_space<vmem>> -> memref<64x128xf32, #tpu.memory_space<vmem>>
    %dma_start3A_246 = arith.constant 0 : i32
    %dma_start3A_247 = tpu.memref_slice %arg4[%dma_start3A_241, %mul3A_223, %dma_start3A_246] : memref<2x6272x128xf32, #tpu.memory_space<hbm>> -> memref<1x64x128xf32, #tpu.memory_space<hbm>>
    %dma_start3A_248 = tpu.memref_squeeze %dma_start3A_247 : memref<1x64x128xf32, #tpu.memory_space<hbm>> -> memref<64x128xf32, #tpu.memory_space<hbm>>
    %dma_start3A_249 = arith.constant 0 : i32
    %dma_start3A_250 = tpu.memref_slice %arg4[%dma_start3A_241, %mul3A_223, %dma_start3A_249] : memref<2x6272x128xf32, #tpu.memory_space<hbm>> -> memref<1x64x128xf32, #tpu.memory_space<hbm>>
    %dma_start3A_251 = tpu.memref_squeeze %dma_start3A_250 : memref<1x64x128xf32, #tpu.memory_space<hbm>> -> memref<64x128xf32, #tpu.memory_space<hbm>>
    %dma_start3A_252 = arith.constant 0 : i32
    %dma_start3A_253 = arith.constant 0 : i32
    %dma_start3A_254 = tpu.memref_slice %arg5[%dma_start3A_240, %dma_start3A_252, %dma_start3A_253] : memref<8x64x128xf32, #tpu.memory_space<vmem>> -> memref<1x64x128xf32, #tpu.memory_space<vmem>>
    %dma_start3A_255 = tpu.memref_squeeze %dma_start3A_254 : memref<1x64x128xf32, #tpu.memory_space<vmem>> -> memref<64x128xf32, #tpu.memory_space<vmem>>
    tpu.enqueue_dma source(%dma_start3A_255 : memref<64x128xf32, #tpu.memory_space<vmem>>) target(%dma_start3A_251 : memref<64x128xf32, #tpu.memory_space<hbm>>) target_semaphore(%arg8 : memref<!tpu.dma_semaphore, #tpu.memory_space<semaphore_mem>>)
    %add3A_256 = arith.constant 64 : i32
    %add3A_257 = arith.addi %add3A, %add3A_256 : i32
    %mul3A_258 = arith.constant 64 : i32
    %mul3A_259 = arith.muli %add3A_257, %mul3A_258 : i32
    %dma_start3A_260 = arith.constant 4 : i32
    %dma_start3A_261 = arith.constant 0 : i32
    %dma_start3A_262 = arith.constant 0 : i32
    %dma_start3A_263 = arith.constant 0 : i32
    %dma_start3A_264 = tpu.memref_slice %arg5[%dma_start3A_260, %dma_start3A_262, %dma_start3A_263] : memref<8x64x128xf32, #tpu.memory_space<vmem>> -> memref<1x64x128xf32, #tpu.memory_space<vmem>>
    %dma_start3A_265 = tpu.memref_squeeze %dma_start3A_264 : memref<1x64x128xf32, #tpu.memory_space<vmem>> -> memref<64x128xf32, #tpu.memory_space<vmem>>
    %dma_start3A_266 = arith.constant 0 : i32
    %dma_start3A_267 = tpu.memref_slice %arg4[%dma_start3A_261, %mul3A_259, %dma_start3A_266] : memref<2x6272x128xf32, #tpu.memory_space<hbm>> -> memref<1x64x128xf32, #tpu.memory_space<hbm>>
    %dma_start3A_268 = tpu.memref_squeeze %dma_start3A_267 : memref<1x64x128xf32, #tpu.memory_space<hbm>> -> memref<64x128xf32, #tpu.memory_space<hbm>>
    %dma_start3A_269 = arith.constant 0 : i32
    %dma_start3A_270 = tpu.memref_slice %arg4[%dma_start3A_261, %mul3A_259, %dma_start3A_269] : memref<2x6272x128xf32, #tpu.memory_space<hbm>> -> memref<1x64x128xf32, #tpu.memory_space<hbm>>
    %dma_start3A_271 = tpu.memref_squeeze %dma_start3A_270 : memref<1x64x128xf32, #tpu.memory_space<hbm>> -> memref<64x128xf32, #tpu.memory_space<hbm>>
    %dma_start3A_272 = arith.constant 0 : i32
    %dma_start3A_273 = arith.constant 0 : i32
    %dma_start3A_274 = tpu.memref_slice %arg5[%dma_start3A_260, %dma_start3A_272, %dma_start3A_273] : memref<8x64x128xf32, #tpu.memory_space<vmem>> -> memref<1x64x128xf32, #tpu.memory_space<vmem>>
    %dma_start3A_275 = tpu.memref_squeeze %dma_start3A_274 : memref<1x64x128xf32, #tpu.memory_space<vmem>> -> memref<64x128xf32, #tpu.memory_space<vmem>>
    tpu.enqueue_dma source(%dma_start3A_275 : memref<64x128xf32, #tpu.memory_space<vmem>>) target(%dma_start3A_271 : memref<64x128xf32, #tpu.memory_space<hbm>>) target_semaphore(%arg8 : memref<!tpu.dma_semaphore, #tpu.memory_space<semaphore_mem>>)
    %dma_start3A_276 = arith.constant 5 : i32
    %dma_start3A_277 = arith.constant 1 : i32
    %dma_start3A_278 = arith.constant 0 : i32
    %dma_start3A_279 = arith.constant 0 : i32
    %dma_start3A_280 = tpu.memref_slice %arg5[%dma_start3A_276, %dma_start3A_278, %dma_start3A_279] : memref<8x64x128xf32, #tpu.memory_space<vmem>> -> memref<1x64x128xf32, #tpu.memory_space<vmem>>
    %dma_start3A_281 = tpu.memref_squeeze %dma_start3A_280 : memref<1x64x128xf32, #tpu.memory_space<vmem>> -> memref<64x128xf32, #tpu.memory_space<vmem>>
    %dma_start3A_282 = arith.constant 0 : i32
    %dma_start3A_283 = tpu.memref_slice %arg4[%dma_start3A_277, %mul3A_259, %dma_start3A_282] : memref<2x6272x128xf32, #tpu.memory_space<hbm>> -> memref<1x64x128xf32, #tpu.memory_space<hbm>>
    %dma_start3A_284 = tpu.memref_squeeze %dma_start3A_283 : memref<1x64x128xf32, #tpu.memory_space<hbm>> -> memref<64x128xf32, #tpu.memory_space<hbm>>
    %dma_start3A_285 = arith.constant 0 : i32
    %dma_start3A_286 = tpu.memref_slice %arg4[%dma_start3A_277, %mul3A_259, %dma_start3A_285] : memref<2x6272x128xf32, #tpu.memory_space<hbm>> -> memref<1x64x128xf32, #tpu.memory_space<hbm>>
    %dma_start3A_287 = tpu.memref_squeeze %dma_start3A_286 : memref<1x64x128xf32, #tpu.memory_space<hbm>> -> memref<64x128xf32, #tpu.memory_space<hbm>>
    %dma_start3A_288 = arith.constant 0 : i32
    %dma_start3A_289 = arith.constant 0 : i32
    %dma_start3A_290 = tpu.memref_slice %arg5[%dma_start3A_276, %dma_start3A_288, %dma_start3A_289] : memref<8x64x128xf32, #tpu.memory_space<vmem>> -> memref<1x64x128xf32, #tpu.memory_space<vmem>>
    %dma_start3A_291 = tpu.memref_squeeze %dma_start3A_290 : memref<1x64x128xf32, #tpu.memory_space<vmem>> -> memref<64x128xf32, #tpu.memory_space<vmem>>
    tpu.enqueue_dma source(%dma_start3A_291 : memref<64x128xf32, #tpu.memory_space<vmem>>) target(%dma_start3A_287 : memref<64x128xf32, #tpu.memory_space<hbm>>) target_semaphore(%arg8 : memref<!tpu.dma_semaphore, #tpu.memory_space<semaphore_mem>>)
    %lt3A = arith.constant 2 : i32
    %lt3A_292 = arith.cmpi slt, %add3A, %lt3A : i32
    %convert_element_type3A = arith.extui %lt3A_292 : i1 to i32
    %cond3A = arith.constant 0 : i32
    %cond3A_293 = arith.cmpi ne, %convert_element_type3A, %cond3A : i32
    scf.if %cond3A_293 {
      %add3A_390 = arith.constant 96 : i32
      %add3A_391 = arith.addi %add3A, %add3A_390 : i32
      %mul3A_392 = arith.constant 64 : i32
      %mul3A_393 = arith.muli %add3A_391, %mul3A_392 : i32
      %run_scoped3A_394 = arith.constant 0 : i32
      %run_scoped3A_395 = arith.constant 3 : i32
      %run_scoped3A_396 = arith.constant 0 : i32
      "tpu.region"() ({
        %run_scoped3A_410 = tpu.sem_alloc : memref<!tpu.dma_semaphore, #tpu.memory_space<semaphore_mem>>
        %dma_start3A_411 = arith.constant 0 : i32
        %dma_start3A_412 = tpu.memref_slice %arg6[%run_scoped3A_395, %run_scoped3A_396, %dma_start3A_411] : memref<4x2x64xi32, #tpu.memory_space<vmem>> -> memref<1x1x64xi32, #tpu.memory_space<vmem>>
        %dma_start3A_413 = tpu.memref_squeeze %dma_start3A_412 : memref<1x1x64xi32, #tpu.memory_space<vmem>> -> memref<64xi32, #tpu.memory_space<vmem>>
        %dma_start3A_414 = tpu.memref_slice %arg2[%run_scoped3A_394, %mul3A_393] : memref<2x6272xi32, #tpu.memory_space<hbm>> -> memref<1x64xi32, #tpu.memory_space<hbm>>
        %dma_start3A_415 = tpu.memref_squeeze %dma_start3A_414 : memref<1x64xi32, #tpu.memory_space<hbm>> -> memref<64xi32, #tpu.memory_space<hbm>>
        %dma_start3A_416 = arith.constant 0 : i32
        %dma_start3A_417 = tpu.memref_slice %arg6[%run_scoped3A_395, %run_scoped3A_396, %dma_start3A_416] : memref<4x2x64xi32, #tpu.memory_space<vmem>> -> memref<1x1x64xi32, #tpu.memory_space<vmem>>
        %dma_start3A_418 = tpu.memref_squeeze %dma_start3A_417 : memref<1x1x64xi32, #tpu.memory_space<vmem>> -> memref<64xi32, #tpu.memory_space<vmem>>
        %dma_start3A_419 = tpu.memref_slice %arg2[%run_scoped3A_394, %mul3A_393] : memref<2x6272xi32, #tpu.memory_space<hbm>> -> memref<1x64xi32, #tpu.memory_space<hbm>>
        %dma_start3A_420 = tpu.memref_squeeze %dma_start3A_419 : memref<1x64xi32, #tpu.memory_space<hbm>> -> memref<64xi32, #tpu.memory_space<hbm>>
        tpu.enqueue_dma source(%dma_start3A_420 : memref<64xi32, #tpu.memory_space<hbm>>) target(%dma_start3A_418 : memref<64xi32, #tpu.memory_space<vmem>>) target_semaphore(%run_scoped3A_410 : memref<!tpu.dma_semaphore, #tpu.memory_space<semaphore_mem>>)
        %dma_wait3A_421 = arith.constant 0 : i32
        %dma_wait3A_422 = tpu.memref_slice %arg6[%run_scoped3A_395, %run_scoped3A_396, %dma_wait3A_421] : memref<4x2x64xi32, #tpu.memory_space<vmem>> -> memref<1x1x64xi32, #tpu.memory_space<vmem>>
        %dma_wait3A_423 = tpu.memref_squeeze %dma_wait3A_422 : memref<1x1x64xi32, #tpu.memory_space<vmem>> -> memref<64xi32, #tpu.memory_space<vmem>>
        %dma_wait3A_424 = tpu.memref_slice %arg2[%run_scoped3A_394, %mul3A_393] : memref<2x6272xi32, #tpu.memory_space<hbm>> -> memref<1x64xi32, #tpu.memory_space<hbm>>
        %dma_wait3A_425 = tpu.memref_squeeze %dma_wait3A_424 : memref<1x64xi32, #tpu.memory_space<hbm>> -> memref<64xi32, #tpu.memory_space<hbm>>
        %dma_wait3A_426 = arith.constant 0 : i32
        %dma_wait3A_427 = tpu.memref_slice %arg6[%run_scoped3A_395, %run_scoped3A_396, %dma_wait3A_426] : memref<4x2x64xi32, #tpu.memory_space<vmem>> -> memref<1x1x64xi32, #tpu.memory_space<vmem>>
        %dma_wait3A_428 = tpu.memref_squeeze %dma_wait3A_427 : memref<1x1x64xi32, #tpu.memory_space<vmem>> -> memref<64xi32, #tpu.memory_space<vmem>>
        %dma_wait3A_429 = tpu.memref_slice %arg2[%run_scoped3A_394, %mul3A_393] : memref<2x6272xi32, #tpu.memory_space<hbm>> -> memref<1x64xi32, #tpu.memory_space<hbm>>
        %dma_wait3A_430 = tpu.memref_squeeze %dma_wait3A_429 : memref<1x64xi32, #tpu.memory_space<hbm>> -> memref<64xi32, #tpu.memory_space<hbm>>
        tpu.wait_dma2 semaphore(%run_scoped3A_410 : memref<!tpu.dma_semaphore, #tpu.memory_space<semaphore_mem>>) src(%dma_wait3A_430 : memref<64xi32, #tpu.memory_space<hbm>>) dst(%dma_wait3A_428 : memref<64xi32, #tpu.memory_space<vmem>>)
        tpu.yield
      }) : () -> ()
      %run_scoped3A_397 = arith.constant 3 : i32
      %run_scoped3A_398 = arith.constant 0 : i32
      %run_scoped3A_399 = arith.constant 6 : i32
      "tpu.region"() ({
        %run_scoped3A_410 = tpu.sem_alloc : memref<!tpu.dma_semaphore, #tpu.memory_space<semaphore_mem>>
        %dma_start3A_411 = arith.constant 0 : i32
        %dma_start3A_412 = arith.constant 0 : i32
        %dma_start3A_413 = tpu.memref_slice %arg5[%run_scoped3A_399, %dma_start3A_411, %dma_start3A_412] : memref<8x64x128xf32, #tpu.memory_space<vmem>> -> memref<1x64x128xf32, #tpu.memory_space<vmem>>
        %dma_start3A_414 = tpu.memref_squeeze %dma_start3A_413 : memref<1x64x128xf32, #tpu.memory_space<vmem>> -> memref<64x128xf32, #tpu.memory_space<vmem>>
        %dma_start3A_415 = arith.constant 0 : i32
        %dma_start3A_416 = tpu.memref_slice %arg6[%run_scoped3A_397, %run_scoped3A_398, %dma_start3A_415] : memref<4x2x64xi32, #tpu.memory_space<vmem>> -> memref<1x1x64xi32, #tpu.memory_space<vmem>>
        %dma_start3A_417 = tpu.memref_squeeze %dma_start3A_416 : memref<1x1x64xi32, #tpu.memory_space<vmem>> -> memref<64xi32, #tpu.memory_space<vmem>>
        %dma_start3A_418 = arith.constant 0 : i32
        %dma_start3A_419 = arith.constant 0 : i32
        %dma_start3A_420 = tpu.memref_slice %arg3[%dma_start3A_418, %dma_start3A_419] : memref<14592x128xf32, #tpu.memory_space<hbm>> -> memref<14592x128xf32, #tpu.memory_space<hbm>>
        tpu.enqueue_indirect_dma source(%dma_start3A_420 : memref<14592x128xf32, #tpu.memory_space<hbm>>) target(%dma_start3A_414 : memref<64x128xf32, #tpu.memory_space<vmem>>) offsets(%dma_start3A_417 : memref<64xi32, #tpu.memory_space<vmem>>) semaphore(%run_scoped3A_410 : memref<!tpu.dma_semaphore, #tpu.memory_space<semaphore_mem>>)
        %dma_wait3A_421 = arith.constant 0 : i32
        %dma_wait3A_422 = arith.constant 0 : i32
        %dma_wait3A_423 = tpu.memref_slice %arg5[%run_scoped3A_399, %dma_wait3A_421, %dma_wait3A_422] : memref<8x64x128xf32, #tpu.memory_space<vmem>> -> memref<1x64x128xf32, #tpu.memory_space<vmem>>
        %dma_wait3A_424 = tpu.memref_squeeze %dma_wait3A_423 : memref<1x64x128xf32, #tpu.memory_space<vmem>> -> memref<64x128xf32, #tpu.memory_space<vmem>>
        %dma_wait3A_425 = arith.constant 0 : i32
        %dma_wait3A_426 = tpu.memref_slice %arg6[%run_scoped3A_397, %run_scoped3A_398, %dma_wait3A_425] : memref<4x2x64xi32, #tpu.memory_space<vmem>> -> memref<1x1x64xi32, #tpu.memory_space<vmem>>
        %dma_wait3A_427 = tpu.memref_squeeze %dma_wait3A_426 : memref<1x1x64xi32, #tpu.memory_space<vmem>> -> memref<64xi32, #tpu.memory_space<vmem>>
        %dma_wait3A_428 = arith.constant 0 : i32
        %dma_wait3A_429 = arith.constant 0 : i32
        %dma_wait3A_430 = tpu.memref_slice %arg3[%dma_wait3A_428, %dma_wait3A_429] : memref<14592x128xf32, #tpu.memory_space<hbm>> -> memref<14592x128xf32, #tpu.memory_space<hbm>>
        tpu.wait_indirect_dma semaphore(%run_scoped3A_410 : memref<!tpu.dma_semaphore, #tpu.memory_space<semaphore_mem>>) src(%dma_wait3A_430 : memref<14592x128xf32, #tpu.memory_space<hbm>>) dst(%dma_wait3A_424 : memref<64x128xf32, #tpu.memory_space<vmem>>)
        tpu.yield
      }) : () -> ()
      %run_scoped3A_400 = arith.constant 6 : i32
      %run_scoped3A_401 = arith.constant 0 : i32
      "tpu.region"() ({
        %run_scoped3A_410 = tpu.sem_alloc : memref<!tpu.dma_semaphore, #tpu.memory_space<semaphore_mem>>
        %dma_start3A_411 = arith.constant 0 : i32
        %dma_start3A_412 = arith.constant 0 : i32
        %dma_start3A_413 = tpu.memref_slice %arg5[%run_scoped3A_400, %dma_start3A_411, %dma_start3A_412] : memref<8x64x128xf32, #tpu.memory_space<vmem>> -> memref<1x64x128xf32, #tpu.memory_space<vmem>>
        %dma_start3A_414 = tpu.memref_squeeze %dma_start3A_413 : memref<1x64x128xf32, #tpu.memory_space<vmem>> -> memref<64x128xf32, #tpu.memory_space<vmem>>
        %dma_start3A_415 = arith.constant 0 : i32
        %dma_start3A_416 = tpu.memref_slice %arg4[%run_scoped3A_401, %mul3A_393, %dma_start3A_415] : memref<2x6272x128xf32, #tpu.memory_space<hbm>> -> memref<1x64x128xf32, #tpu.memory_space<hbm>>
        %dma_start3A_417 = tpu.memref_squeeze %dma_start3A_416 : memref<1x64x128xf32, #tpu.memory_space<hbm>> -> memref<64x128xf32, #tpu.memory_space<hbm>>
        %dma_start3A_418 = arith.constant 0 : i32
        %dma_start3A_419 = tpu.memref_slice %arg4[%run_scoped3A_401, %mul3A_393, %dma_start3A_418] : memref<2x6272x128xf32, #tpu.memory_space<hbm>> -> memref<1x64x128xf32, #tpu.memory_space<hbm>>
        %dma_start3A_420 = tpu.memref_squeeze %dma_start3A_419 : memref<1x64x128xf32, #tpu.memory_space<hbm>> -> memref<64x128xf32, #tpu.memory_space<hbm>>
        %dma_start3A_421 = arith.constant 0 : i32
        %dma_start3A_422 = arith.constant 0 : i32
        %dma_start3A_423 = tpu.memref_slice %arg5[%run_scoped3A_400, %dma_start3A_421, %dma_start3A_422] : memref<8x64x128xf32, #tpu.memory_space<vmem>> -> memref<1x64x128xf32, #tpu.memory_space<vmem>>
        %dma_start3A_424 = tpu.memref_squeeze %dma_start3A_423 : memref<1x64x128xf32, #tpu.memory_space<vmem>> -> memref<64x128xf32, #tpu.memory_space<vmem>>
        tpu.enqueue_dma source(%dma_start3A_424 : memref<64x128xf32, #tpu.memory_space<vmem>>) target(%dma_start3A_420 : memref<64x128xf32, #tpu.memory_space<hbm>>) target_semaphore(%run_scoped3A_410 : memref<!tpu.dma_semaphore, #tpu.memory_space<semaphore_mem>>)
        %dma_wait3A_425 = arith.constant 0 : i32
        %dma_wait3A_426 = arith.constant 0 : i32
        %dma_wait3A_427 = tpu.memref_slice %arg5[%run_scoped3A_400, %dma_wait3A_425, %dma_wait3A_426] : memref<8x64x128xf32, #tpu.memory_space<vmem>> -> memref<1x64x128xf32, #tpu.memory_space<vmem>>
        %dma_wait3A_428 = tpu.memref_squeeze %dma_wait3A_427 : memref<1x64x128xf32, #tpu.memory_space<vmem>> -> memref<64x128xf32, #tpu.memory_space<vmem>>
        %dma_wait3A_429 = arith.constant 0 : i32
        %dma_wait3A_430 = tpu.memref_slice %arg4[%run_scoped3A_401, %mul3A_393, %dma_wait3A_429] : memref<2x6272x128xf32, #tpu.memory_space<hbm>> -> memref<1x64x128xf32, #tpu.memory_space<hbm>>
        %dma_wait3A_431 = tpu.memref_squeeze %dma_wait3A_430 : memref<1x64x128xf32, #tpu.memory_space<hbm>> -> memref<64x128xf32, #tpu.memory_space<hbm>>
        %dma_wait3A_432 = arith.constant 0 : i32
        %dma_wait3A_433 = tpu.memref_slice %arg4[%run_scoped3A_401, %mul3A_393, %dma_wait3A_432] : memref<2x6272x128xf32, #tpu.memory_space<hbm>> -> memref<1x64x128xf32, #tpu.memory_space<hbm>>
        %dma_wait3A_434 = tpu.memref_squeeze %dma_wait3A_433 : memref<1x64x128xf32, #tpu.memory_space<hbm>> -> memref<64x128xf32, #tpu.memory_space<hbm>>
        %dma_wait3A_435 = arith.constant 0 : i32
        %dma_wait3A_436 = arith.constant 0 : i32
        %dma_wait3A_437 = tpu.memref_slice %arg5[%run_scoped3A_400, %dma_wait3A_435, %dma_wait3A_436] : memref<8x64x128xf32, #tpu.memory_space<vmem>> -> memref<1x64x128xf32, #tpu.memory_space<vmem>>
        %dma_wait3A_438 = tpu.memref_squeeze %dma_wait3A_437 : memref<1x64x128xf32, #tpu.memory_space<vmem>> -> memref<64x128xf32, #tpu.memory_space<vmem>>
        tpu.wait_dma2 semaphore(%run_scoped3A_410 : memref<!tpu.dma_semaphore, #tpu.memory_space<semaphore_mem>>) src(%dma_wait3A_438 : memref<64x128xf32, #tpu.memory_space<vmem>>) dst(%dma_wait3A_434 : memref<64x128xf32, #tpu.memory_space<hbm>>)
        tpu.yield
      }) : () -> ()
      %run_scoped3A_402 = arith.constant 1 : i32
      %run_scoped3A_403 = arith.constant 3 : i32
      %run_scoped3A_404 = arith.constant 1 : i32
      "tpu.region"() ({
        %run_scoped3A_410 = tpu.sem_alloc : memref<!tpu.dma_semaphore, #tpu.memory_space<semaphore_mem>>
        %dma_start3A_411 = arith.constant 0 : i32
        %dma_start3A_412 = tpu.memref_slice %arg6[%run_scoped3A_403, %run_scoped3A_404, %dma_start3A_411] : memref<4x2x64xi32, #tpu.memory_space<vmem>> -> memref<1x1x64xi32, #tpu.memory_space<vmem>>
        %dma_start3A_413 = tpu.memref_squeeze %dma_start3A_412 : memref<1x1x64xi32, #tpu.memory_space<vmem>> -> memref<64xi32, #tpu.memory_space<vmem>>
        %dma_start3A_414 = tpu.memref_slice %arg2[%run_scoped3A_402, %mul3A_393] : memref<2x6272xi32, #tpu.memory_space<hbm>> -> memref<1x64xi32, #tpu.memory_space<hbm>>
        %dma_start3A_415 = tpu.memref_squeeze %dma_start3A_414 : memref<1x64xi32, #tpu.memory_space<hbm>> -> memref<64xi32, #tpu.memory_space<hbm>>
        %dma_start3A_416 = arith.constant 0 : i32
        %dma_start3A_417 = tpu.memref_slice %arg6[%run_scoped3A_403, %run_scoped3A_404, %dma_start3A_416] : memref<4x2x64xi32, #tpu.memory_space<vmem>> -> memref<1x1x64xi32, #tpu.memory_space<vmem>>
        %dma_start3A_418 = tpu.memref_squeeze %dma_start3A_417 : memref<1x1x64xi32, #tpu.memory_space<vmem>> -> memref<64xi32, #tpu.memory_space<vmem>>
        %dma_start3A_419 = tpu.memref_slice %arg2[%run_scoped3A_402, %mul3A_393] : memref<2x6272xi32, #tpu.memory_space<hbm>> -> memref<1x64xi32, #tpu.memory_space<hbm>>
        %dma_start3A_420 = tpu.memref_squeeze %dma_start3A_419 : memref<1x64xi32, #tpu.memory_space<hbm>> -> memref<64xi32, #tpu.memory_space<hbm>>
        tpu.enqueue_dma source(%dma_start3A_420 : memref<64xi32, #tpu.memory_space<hbm>>) target(%dma_start3A_418 : memref<64xi32, #tpu.memory_space<vmem>>) target_semaphore(%run_scoped3A_410 : memref<!tpu.dma_semaphore, #tpu.memory_space<semaphore_mem>>)
        %dma_wait3A_421 = arith.constant 0 : i32
        %dma_wait3A_422 = tpu.memref_slice %arg6[%run_scoped3A_403, %run_scoped3A_404, %dma_wait3A_421] : memref<4x2x64xi32, #tpu.memory_space<vmem>> -> memref<1x1x64xi32, #tpu.memory_space<vmem>>
        %dma_wait3A_423 = tpu.memref_squeeze %dma_wait3A_422 : memref<1x1x64xi32, #tpu.memory_space<vmem>> -> memref<64xi32, #tpu.memory_space<vmem>>
        %dma_wait3A_424 = tpu.memref_slice %arg2[%run_scoped3A_402, %mul3A_393] : memref<2x6272xi32, #tpu.memory_space<hbm>> -> memref<1x64xi32, #tpu.memory_space<hbm>>
        %dma_wait3A_425 = tpu.memref_squeeze %dma_wait3A_424 : memref<1x64xi32, #tpu.memory_space<hbm>> -> memref<64xi32, #tpu.memory_space<hbm>>
        %dma_wait3A_426 = arith.constant 0 : i32
        %dma_wait3A_427 = tpu.memref_slice %arg6[%run_scoped3A_403, %run_scoped3A_404, %dma_wait3A_426] : memref<4x2x64xi32, #tpu.memory_space<vmem>> -> memref<1x1x64xi32, #tpu.memory_space<vmem>>
        %dma_wait3A_428 = tpu.memref_squeeze %dma_wait3A_427 : memref<1x1x64xi32, #tpu.memory_space<vmem>> -> memref<64xi32, #tpu.memory_space<vmem>>
        %dma_wait3A_429 = tpu.memref_slice %arg2[%run_scoped3A_402, %mul3A_393] : memref<2x6272xi32, #tpu.memory_space<hbm>> -> memref<1x64xi32, #tpu.memory_space<hbm>>
        %dma_wait3A_430 = tpu.memref_squeeze %dma_wait3A_429 : memref<1x64xi32, #tpu.memory_space<hbm>> -> memref<64xi32, #tpu.memory_space<hbm>>
        tpu.wait_dma2 semaphore(%run_scoped3A_410 : memref<!tpu.dma_semaphore, #tpu.memory_space<semaphore_mem>>) src(%dma_wait3A_430 : memref<64xi32, #tpu.memory_space<hbm>>) dst(%dma_wait3A_428 : memref<64xi32, #tpu.memory_space<vmem>>)
        tpu.yield
      }) : () -> ()
      %run_scoped3A_405 = arith.constant 3 : i32
      %run_scoped3A_406 = arith.constant 1 : i32
      %run_scoped3A_407 = arith.constant 7 : i32
      "tpu.region"() ({
        %run_scoped3A_410 = tpu.sem_alloc : memref<!tpu.dma_semaphore, #tpu.memory_space<semaphore_mem>>
        %dma_start3A_411 = arith.constant 0 : i32
        %dma_start3A_412 = arith.constant 0 : i32
        %dma_start3A_413 = tpu.memref_slice %arg5[%run_scoped3A_407, %dma_start3A_411, %dma_start3A_412] : memref<8x64x128xf32, #tpu.memory_space<vmem>> -> memref<1x64x128xf32, #tpu.memory_space<vmem>>
        %dma_start3A_414 = tpu.memref_squeeze %dma_start3A_413 : memref<1x64x128xf32, #tpu.memory_space<vmem>> -> memref<64x128xf32, #tpu.memory_space<vmem>>
        %dma_start3A_415 = arith.constant 0 : i32
        %dma_start3A_416 = tpu.memref_slice %arg6[%run_scoped3A_405, %run_scoped3A_406, %dma_start3A_415] : memref<4x2x64xi32, #tpu.memory_space<vmem>> -> memref<1x1x64xi32, #tpu.memory_space<vmem>>
        %dma_start3A_417 = tpu.memref_squeeze %dma_start3A_416 : memref<1x1x64xi32, #tpu.memory_space<vmem>> -> memref<64xi32, #tpu.memory_space<vmem>>
        %dma_start3A_418 = arith.constant 0 : i32
        %dma_start3A_419 = arith.constant 0 : i32
        %dma_start3A_420 = tpu.memref_slice %arg3[%dma_start3A_418, %dma_start3A_419] : memref<14592x128xf32, #tpu.memory_space<hbm>> -> memref<14592x128xf32, #tpu.memory_space<hbm>>
        tpu.enqueue_indirect_dma source(%dma_start3A_420 : memref<14592x128xf32, #tpu.memory_space<hbm>>) target(%dma_start3A_414 : memref<64x128xf32, #tpu.memory_space<vmem>>) offsets(%dma_start3A_417 : memref<64xi32, #tpu.memory_space<vmem>>) semaphore(%run_scoped3A_410 : memref<!tpu.dma_semaphore, #tpu.memory_space<semaphore_mem>>)
        %dma_wait3A_421 = arith.constant 0 : i32
        %dma_wait3A_422 = arith.constant 0 : i32
        %dma_wait3A_423 = tpu.memref_slice %arg5[%run_scoped3A_407, %dma_wait3A_421, %dma_wait3A_422] : memref<8x64x128xf32, #tpu.memory_space<vmem>> -> memref<1x64x128xf32, #tpu.memory_space<vmem>>
        %dma_wait3A_424 = tpu.memref_squeeze %dma_wait3A_423 : memref<1x64x128xf32, #tpu.memory_space<vmem>> -> memref<64x128xf32, #tpu.memory_space<vmem>>
        %dma_wait3A_425 = arith.constant 0 : i32
        %dma_wait3A_426 = tpu.memref_slice %arg6[%run_scoped3A_405, %run_scoped3A_406, %dma_wait3A_425] : memref<4x2x64xi32, #tpu.memory_space<vmem>> -> memref<1x1x64xi32, #tpu.memory_space<vmem>>
        %dma_wait3A_427 = tpu.memref_squeeze %dma_wait3A_426 : memref<1x1x64xi32, #tpu.memory_space<vmem>> -> memref<64xi32, #tpu.memory_space<vmem>>
        %dma_wait3A_428 = arith.constant 0 : i32
        %dma_wait3A_429 = arith.constant 0 : i32
        %dma_wait3A_430 = tpu.memref_slice %arg3[%dma_wait3A_428, %dma_wait3A_429] : memref<14592x128xf32, #tpu.memory_space<hbm>> -> memref<14592x128xf32, #tpu.memory_space<hbm>>
        tpu.wait_indirect_dma semaphore(%run_scoped3A_410 : memref<!tpu.dma_semaphore, #tpu.memory_space<semaphore_mem>>) src(%dma_wait3A_430 : memref<14592x128xf32, #tpu.memory_space<hbm>>) dst(%dma_wait3A_424 : memref<64x128xf32, #tpu.memory_space<vmem>>)
        tpu.yield
      }) : () -> ()
      %run_scoped3A_408 = arith.constant 7 : i32
      %run_scoped3A_409 = arith.constant 1 : i32
      "tpu.region"() ({
        %run_scoped3A_410 = tpu.sem_alloc : memref<!tpu.dma_semaphore, #tpu.memory_space<semaphore_mem>>
        %dma_start3A_411 = arith.constant 0 : i32
        %dma_start3A_412 = arith.constant 0 : i32
        %dma_start3A_413 = tpu.memref_slice %arg5[%run_scoped3A_408, %dma_start3A_411, %dma_start3A_412] : memref<8x64x128xf32, #tpu.memory_space<vmem>> -> memref<1x64x128xf32, #tpu.memory_space<vmem>>
        %dma_start3A_414 = tpu.memref_squeeze %dma_start3A_413 : memref<1x64x128xf32, #tpu.memory_space<vmem>> -> memref<64x128xf32, #tpu.memory_space<vmem>>
        %dma_start3A_415 = arith.constant 0 : i32
        %dma_start3A_416 = tpu.memref_slice %arg4[%run_scoped3A_409, %mul3A_393, %dma_start3A_415] : memref<2x6272x128xf32, #tpu.memory_space<hbm>> -> memref<1x64x128xf32, #tpu.memory_space<hbm>>
        %dma_start3A_417 = tpu.memref_squeeze %dma_start3A_416 : memref<1x64x128xf32, #tpu.memory_space<hbm>> -> memref<64x128xf32, #tpu.memory_space<hbm>>
        %dma_start3A_418 = arith.constant 0 : i32
        %dma_start3A_419 = tpu.memref_slice %arg4[%run_scoped3A_409, %mul3A_393, %dma_start3A_418] : memref<2x6272x128xf32, #tpu.memory_space<hbm>> -> memref<1x64x128xf32, #tpu.memory_space<hbm>>
        %dma_start3A_420 = tpu.memref_squeeze %dma_start3A_419 : memref<1x64x128xf32, #tpu.memory_space<hbm>> -> memref<64x128xf32, #tpu.memory_space<hbm>>
        %dma_start3A_421 = arith.constant 0 : i32
        %dma_start3A_422 = arith.constant 0 : i32
        %dma_start3A_423 = tpu.memref_slice %arg5[%run_scoped3A_408, %dma_start3A_421, %dma_start3A_422] : memref<8x64x128xf32, #tpu.memory_space<vmem>> -> memref<1x64x128xf32, #tpu.memory_space<vmem>>
        %dma_start3A_424 = tpu.memref_squeeze %dma_start3A_423 : memref<1x64x128xf32, #tpu.memory_space<vmem>> -> memref<64x128xf32, #tpu.memory_space<vmem>>
        tpu.enqueue_dma source(%dma_start3A_424 : memref<64x128xf32, #tpu.memory_space<vmem>>) target(%dma_start3A_420 : memref<64x128xf32, #tpu.memory_space<hbm>>) target_semaphore(%run_scoped3A_410 : memref<!tpu.dma_semaphore, #tpu.memory_space<semaphore_mem>>)
        %dma_wait3A_425 = arith.constant 0 : i32
        %dma_wait3A_426 = arith.constant 0 : i32
        %dma_wait3A_427 = tpu.memref_slice %arg5[%run_scoped3A_408, %dma_wait3A_425, %dma_wait3A_426] : memref<8x64x128xf32, #tpu.memory_space<vmem>> -> memref<1x64x128xf32, #tpu.memory_space<vmem>>
        %dma_wait3A_428 = tpu.memref_squeeze %dma_wait3A_427 : memref<1x64x128xf32, #tpu.memory_space<vmem>> -> memref<64x128xf32, #tpu.memory_space<vmem>>
        %dma_wait3A_429 = arith.constant 0 : i32
        %dma_wait3A_430 = tpu.memref_slice %arg4[%run_scoped3A_409, %mul3A_393, %dma_wait3A_429] : memref<2x6272x128xf32, #tpu.memory_space<hbm>> -> memref<1x64x128xf32, #tpu.memory_space<hbm>>
        %dma_wait3A_431 = tpu.memref_squeeze %dma_wait3A_430 : memref<1x64x128xf32, #tpu.memory_space<hbm>> -> memref<64x128xf32, #tpu.memory_space<hbm>>
        %dma_wait3A_432 = arith.constant 0 : i32
        %dma_wait3A_433 = tpu.memref_slice %arg4[%run_scoped3A_409, %mul3A_393, %dma_wait3A_432] : memref<2x6272x128xf32, #tpu.memory_space<hbm>> -> memref<1x64x128xf32, #tpu.memory_space<hbm>>
        %dma_wait3A_434 = tpu.memref_squeeze %dma_wait3A_433 : memref<1x64x128xf32, #tpu.memory_space<hbm>> -> memref<64x128xf32, #tpu.memory_space<hbm>>
        %dma_wait3A_435 = arith.constant 0 : i32
        %dma_wait3A_436 = arith.constant 0 : i32
        %dma_wait3A_437 = tpu.memref_slice %arg5[%run_scoped3A_408, %dma_wait3A_435, %dma_wait3A_436] : memref<8x64x128xf32, #tpu.memory_space<vmem>> -> memref<1x64x128xf32, #tpu.memory_space<vmem>>
        %dma_wait3A_438 = tpu.memref_squeeze %dma_wait3A_437 : memref<1x64x128xf32, #tpu.memory_space<vmem>> -> memref<64x128xf32, #tpu.memory_space<vmem>>
        tpu.wait_dma2 semaphore(%run_scoped3A_410 : memref<!tpu.dma_semaphore, #tpu.memory_space<semaphore_mem>>) src(%dma_wait3A_438 : memref<64x128xf32, #tpu.memory_space<vmem>>) dst(%dma_wait3A_434 : memref<64x128xf32, #tpu.memory_space<hbm>>)
        tpu.yield
      }) : () -> ()
    } else {
    }
    %dma_wait3A_294 = arith.constant 0 : i32
    %dma_wait3A_295 = arith.constant 0 : i32
    %dma_wait3A_296 = arith.constant 0 : i32
    %dma_wait3A_297 = arith.constant 0 : i32
    %dma_wait3A_298 = tpu.memref_slice %arg5[%dma_wait3A_294, %dma_wait3A_296, %dma_wait3A_297] : memref<8x64x128xf32, #tpu.memory_space<vmem>> -> memref<1x64x128xf32, #tpu.memory_space<vmem>>
    %dma_wait3A_299 = tpu.memref_squeeze %dma_wait3A_298 : memref<1x64x128xf32, #tpu.memory_space<vmem>> -> memref<64x128xf32, #tpu.memory_space<vmem>>
    %dma_wait3A_300 = arith.constant 0 : i32
    %dma_wait3A_301 = tpu.memref_slice %arg4[%dma_wait3A_295, %mul3A_187, %dma_wait3A_300] : memref<2x6272x128xf32, #tpu.memory_space<hbm>> -> memref<1x64x128xf32, #tpu.memory_space<hbm>>
    %dma_wait3A_302 = tpu.memref_squeeze %dma_wait3A_301 : memref<1x64x128xf32, #tpu.memory_space<hbm>> -> memref<64x128xf32, #tpu.memory_space<hbm>>
    %dma_wait3A_303 = arith.constant 0 : i32
    %dma_wait3A_304 = tpu.memref_slice %arg4[%dma_wait3A_295, %mul3A_187, %dma_wait3A_303] : memref<2x6272x128xf32, #tpu.memory_space<hbm>> -> memref<1x64x128xf32, #tpu.memory_space<hbm>>
    %dma_wait3A_305 = tpu.memref_squeeze %dma_wait3A_304 : memref<1x64x128xf32, #tpu.memory_space<hbm>> -> memref<64x128xf32, #tpu.memory_space<hbm>>
    %dma_wait3A_306 = arith.constant 0 : i32
    %dma_wait3A_307 = arith.constant 0 : i32
    %dma_wait3A_308 = tpu.memref_slice %arg5[%dma_wait3A_294, %dma_wait3A_306, %dma_wait3A_307] : memref<8x64x128xf32, #tpu.memory_space<vmem>> -> memref<1x64x128xf32, #tpu.memory_space<vmem>>
    %dma_wait3A_309 = tpu.memref_squeeze %dma_wait3A_308 : memref<1x64x128xf32, #tpu.memory_space<vmem>> -> memref<64x128xf32, #tpu.memory_space<vmem>>
    tpu.wait_dma2 semaphore(%arg8 : memref<!tpu.dma_semaphore, #tpu.memory_space<semaphore_mem>>) src(%dma_wait3A_309 : memref<64x128xf32, #tpu.memory_space<vmem>>) dst(%dma_wait3A_305 : memref<64x128xf32, #tpu.memory_space<hbm>>)
    %dma_wait3A_310 = arith.constant 1 : i32
    %dma_wait3A_311 = arith.constant 1 : i32
    %dma_wait3A_312 = arith.constant 0 : i32
    %dma_wait3A_313 = arith.constant 0 : i32
    %dma_wait3A_314 = tpu.memref_slice %arg5[%dma_wait3A_310, %dma_wait3A_312, %dma_wait3A_313] : memref<8x64x128xf32, #tpu.memory_space<vmem>> -> memref<1x64x128xf32, #tpu.memory_space<vmem>>
    %dma_wait3A_315 = tpu.memref_squeeze %dma_wait3A_314 : memref<1x64x128xf32, #tpu.memory_space<vmem>> -> memref<64x128xf32, #tpu.memory_space<vmem>>
    %dma_wait3A_316 = arith.constant 0 : i32
    %dma_wait3A_317 = tpu.memref_slice %arg4[%dma_wait3A_311, %mul3A_187, %dma_wait3A_316] : memref<2x6272x128xf32, #tpu.memory_space<hbm>> -> memref<1x64x128xf32, #tpu.memory_space<hbm>>
    %dma_wait3A_318 = tpu.memref_squeeze %dma_wait3A_317 : memref<1x64x128xf32, #tpu.memory_space<hbm>> -> memref<64x128xf32, #tpu.memory_space<hbm>>
    %dma_wait3A_319 = arith.constant 0 : i32
    %dma_wait3A_320 = tpu.memref_slice %arg4[%dma_wait3A_311, %mul3A_187, %dma_wait3A_319] : memref<2x6272x128xf32, #tpu.memory_space<hbm>> -> memref<1x64x128xf32, #tpu.memory_space<hbm>>
    %dma_wait3A_321 = tpu.memref_squeeze %dma_wait3A_320 : memref<1x64x128xf32, #tpu.memory_space<hbm>> -> memref<64x128xf32, #tpu.memory_space<hbm>>
    %dma_wait3A_322 = arith.constant 0 : i32
    %dma_wait3A_323 = arith.constant 0 : i32
    %dma_wait3A_324 = tpu.memref_slice %arg5[%dma_wait3A_310, %dma_wait3A_322, %dma_wait3A_323] : memref<8x64x128xf32, #tpu.memory_space<vmem>> -> memref<1x64x128xf32, #tpu.memory_space<vmem>>
    %dma_wait3A_325 = tpu.memref_squeeze %dma_wait3A_324 : memref<1x64x128xf32, #tpu.memory_space<vmem>> -> memref<64x128xf32, #tpu.memory_space<vmem>>
    tpu.wait_dma2 semaphore(%arg8 : memref<!tpu.dma_semaphore, #tpu.memory_space<semaphore_mem>>) src(%dma_wait3A_325 : memref<64x128xf32, #tpu.memory_space<vmem>>) dst(%dma_wait3A_321 : memref<64x128xf32, #tpu.memory_space<hbm>>)
    %dma_wait3A_326 = arith.constant 2 : i32
    %dma_wait3A_327 = arith.constant 0 : i32
    %dma_wait3A_328 = arith.constant 0 : i32
    %dma_wait3A_329 = arith.constant 0 : i32
    %dma_wait3A_330 = tpu.memref_slice %arg5[%dma_wait3A_326, %dma_wait3A_328, %dma_wait3A_329] : memref<8x64x128xf32, #tpu.memory_space<vmem>> -> memref<1x64x128xf32, #tpu.memory_space<vmem>>
    %dma_wait3A_331 = tpu.memref_squeeze %dma_wait3A_330 : memref<1x64x128xf32, #tpu.memory_space<vmem>> -> memref<64x128xf32, #tpu.memory_space<vmem>>
    %dma_wait3A_332 = arith.constant 0 : i32
    %dma_wait3A_333 = tpu.memref_slice %arg4[%dma_wait3A_327, %mul3A_223, %dma_wait3A_332] : memref<2x6272x128xf32, #tpu.memory_space<hbm>> -> memref<1x64x128xf32, #tpu.memory_space<hbm>>
    %dma_wait3A_334 = tpu.memref_squeeze %dma_wait3A_333 : memref<1x64x128xf32, #tpu.memory_space<hbm>> -> memref<64x128xf32, #tpu.memory_space<hbm>>
    %dma_wait3A_335 = arith.constant 0 : i32
    %dma_wait3A_336 = tpu.memref_slice %arg4[%dma_wait3A_327, %mul3A_223, %dma_wait3A_335] : memref<2x6272x128xf32, #tpu.memory_space<hbm>> -> memref<1x64x128xf32, #tpu.memory_space<hbm>>
    %dma_wait3A_337 = tpu.memref_squeeze %dma_wait3A_336 : memref<1x64x128xf32, #tpu.memory_space<hbm>> -> memref<64x128xf32, #tpu.memory_space<hbm>>
    %dma_wait3A_338 = arith.constant 0 : i32
    %dma_wait3A_339 = arith.constant 0 : i32
    %dma_wait3A_340 = tpu.memref_slice %arg5[%dma_wait3A_326, %dma_wait3A_338, %dma_wait3A_339] : memref<8x64x128xf32, #tpu.memory_space<vmem>> -> memref<1x64x128xf32, #tpu.memory_space<vmem>>
    %dma_wait3A_341 = tpu.memref_squeeze %dma_wait3A_340 : memref<1x64x128xf32, #tpu.memory_space<vmem>> -> memref<64x128xf32, #tpu.memory_space<vmem>>
    tpu.wait_dma2 semaphore(%arg8 : memref<!tpu.dma_semaphore, #tpu.memory_space<semaphore_mem>>) src(%dma_wait3A_341 : memref<64x128xf32, #tpu.memory_space<vmem>>) dst(%dma_wait3A_337 : memref<64x128xf32, #tpu.memory_space<hbm>>)
    %dma_wait3A_342 = arith.constant 3 : i32
    %dma_wait3A_343 = arith.constant 1 : i32
    %dma_wait3A_344 = arith.constant 0 : i32
    %dma_wait3A_345 = arith.constant 0 : i32
    %dma_wait3A_346 = tpu.memref_slice %arg5[%dma_wait3A_342, %dma_wait3A_344, %dma_wait3A_345] : memref<8x64x128xf32, #tpu.memory_space<vmem>> -> memref<1x64x128xf32, #tpu.memory_space<vmem>>
    %dma_wait3A_347 = tpu.memref_squeeze %dma_wait3A_346 : memref<1x64x128xf32, #tpu.memory_space<vmem>> -> memref<64x128xf32, #tpu.memory_space<vmem>>
    %dma_wait3A_348 = arith.constant 0 : i32
    %dma_wait3A_349 = tpu.memref_slice %arg4[%dma_wait3A_343, %mul3A_223, %dma_wait3A_348] : memref<2x6272x128xf32, #tpu.memory_space<hbm>> -> memref<1x64x128xf32, #tpu.memory_space<hbm>>
    %dma_wait3A_350 = tpu.memref_squeeze %dma_wait3A_349 : memref<1x64x128xf32, #tpu.memory_space<hbm>> -> memref<64x128xf32, #tpu.memory_space<hbm>>
    %dma_wait3A_351 = arith.constant 0 : i32
    %dma_wait3A_352 = tpu.memref_slice %arg4[%dma_wait3A_343, %mul3A_223, %dma_wait3A_351] : memref<2x6272x128xf32, #tpu.memory_space<hbm>> -> memref<1x64x128xf32, #tpu.memory_space<hbm>>
    %dma_wait3A_353 = tpu.memref_squeeze %dma_wait3A_352 : memref<1x64x128xf32, #tpu.memory_space<hbm>> -> memref<64x128xf32, #tpu.memory_space<hbm>>
    %dma_wait3A_354 = arith.constant 0 : i32
    %dma_wait3A_355 = arith.constant 0 : i32
    %dma_wait3A_356 = tpu.memref_slice %arg5[%dma_wait3A_342, %dma_wait3A_354, %dma_wait3A_355] : memref<8x64x128xf32, #tpu.memory_space<vmem>> -> memref<1x64x128xf32, #tpu.memory_space<vmem>>
    %dma_wait3A_357 = tpu.memref_squeeze %dma_wait3A_356 : memref<1x64x128xf32, #tpu.memory_space<vmem>> -> memref<64x128xf32, #tpu.memory_space<vmem>>
    tpu.wait_dma2 semaphore(%arg8 : memref<!tpu.dma_semaphore, #tpu.memory_space<semaphore_mem>>) src(%dma_wait3A_357 : memref<64x128xf32, #tpu.memory_space<vmem>>) dst(%dma_wait3A_353 : memref<64x128xf32, #tpu.memory_space<hbm>>)
    %dma_wait3A_358 = arith.constant 4 : i32
    %dma_wait3A_359 = arith.constant 0 : i32
    %dma_wait3A_360 = arith.constant 0 : i32
    %dma_wait3A_361 = arith.constant 0 : i32
    %dma_wait3A_362 = tpu.memref_slice %arg5[%dma_wait3A_358, %dma_wait3A_360, %dma_wait3A_361] : memref<8x64x128xf32, #tpu.memory_space<vmem>> -> memref<1x64x128xf32, #tpu.memory_space<vmem>>
    %dma_wait3A_363 = tpu.memref_squeeze %dma_wait3A_362 : memref<1x64x128xf32, #tpu.memory_space<vmem>> -> memref<64x128xf32, #tpu.memory_space<vmem>>
    %dma_wait3A_364 = arith.constant 0 : i32
    %dma_wait3A_365 = tpu.memref_slice %arg4[%dma_wait3A_359, %mul3A_259, %dma_wait3A_364] : memref<2x6272x128xf32, #tpu.memory_space<hbm>> -> memref<1x64x128xf32, #tpu.memory_space<hbm>>
    %dma_wait3A_366 = tpu.memref_squeeze %dma_wait3A_365 : memref<1x64x128xf32, #tpu.memory_space<hbm>> -> memref<64x128xf32, #tpu.memory_space<hbm>>
    %dma_wait3A_367 = arith.constant 0 : i32
    %dma_wait3A_368 = tpu.memref_slice %arg4[%dma_wait3A_359, %mul3A_259, %dma_wait3A_367] : memref<2x6272x128xf32, #tpu.memory_space<hbm>> -> memref<1x64x128xf32, #tpu.memory_space<hbm>>
    %dma_wait3A_369 = tpu.memref_squeeze %dma_wait3A_368 : memref<1x64x128xf32, #tpu.memory_space<hbm>> -> memref<64x128xf32, #tpu.memory_space<hbm>>
    %dma_wait3A_370 = arith.constant 0 : i32
    %dma_wait3A_371 = arith.constant 0 : i32
    %dma_wait3A_372 = tpu.memref_slice %arg5[%dma_wait3A_358, %dma_wait3A_370, %dma_wait3A_371] : memref<8x64x128xf32, #tpu.memory_space<vmem>> -> memref<1x64x128xf32, #tpu.memory_space<vmem>>
    %dma_wait3A_373 = tpu.memref_squeeze %dma_wait3A_372 : memref<1x64x128xf32, #tpu.memory_space<vmem>> -> memref<64x128xf32, #tpu.memory_space<vmem>>
    tpu.wait_dma2 semaphore(%arg8 : memref<!tpu.dma_semaphore, #tpu.memory_space<semaphore_mem>>) src(%dma_wait3A_373 : memref<64x128xf32, #tpu.memory_space<vmem>>) dst(%dma_wait3A_369 : memref<64x128xf32, #tpu.memory_space<hbm>>)
    %dma_wait3A_374 = arith.constant 5 : i32
    %dma_wait3A_375 = arith.constant 1 : i32
    %dma_wait3A_376 = arith.constant 0 : i32
    %dma_wait3A_377 = arith.constant 0 : i32
    %dma_wait3A_378 = tpu.memref_slice %arg5[%dma_wait3A_374, %dma_wait3A_376, %dma_wait3A_377] : memref<8x64x128xf32, #tpu.memory_space<vmem>> -> memref<1x64x128xf32, #tpu.memory_space<vmem>>
    %dma_wait3A_379 = tpu.memref_squeeze %dma_wait3A_378 : memref<1x64x128xf32, #tpu.memory_space<vmem>> -> memref<64x128xf32, #tpu.memory_space<vmem>>
    %dma_wait3A_380 = arith.constant 0 : i32
    %dma_wait3A_381 = tpu.memref_slice %arg4[%dma_wait3A_375, %mul3A_259, %dma_wait3A_380] : memref<2x6272x128xf32, #tpu.memory_space<hbm>> -> memref<1x64x128xf32, #tpu.memory_space<hbm>>
    %dma_wait3A_382 = tpu.memref_squeeze %dma_wait3A_381 : memref<1x64x128xf32, #tpu.memory_space<hbm>> -> memref<64x128xf32, #tpu.memory_space<hbm>>
    %dma_wait3A_383 = arith.constant 0 : i32
    %dma_wait3A_384 = tpu.memref_slice %arg4[%dma_wait3A_375, %mul3A_259, %dma_wait3A_383] : memref<2x6272x128xf32, #tpu.memory_space<hbm>> -> memref<1x64x128xf32, #tpu.memory_space<hbm>>
    %dma_wait3A_385 = tpu.memref_squeeze %dma_wait3A_384 : memref<1x64x128xf32, #tpu.memory_space<hbm>> -> memref<64x128xf32, #tpu.memory_space<hbm>>
    %dma_wait3A_386 = arith.constant 0 : i32
    %dma_wait3A_387 = arith.constant 0 : i32
    %dma_wait3A_388 = tpu.memref_slice %arg5[%dma_wait3A_374, %dma_wait3A_386, %dma_wait3A_387] : memref<8x64x128xf32, #tpu.memory_space<vmem>> -> memref<1x64x128xf32, #tpu.memory_space<vmem>>
    %dma_wait3A_389 = tpu.memref_squeeze %dma_wait3A_388 : memref<1x64x128xf32, #tpu.memory_space<vmem>> -> memref<64x128xf32, #tpu.memory_space<vmem>>
    tpu.wait_dma2 semaphore(%arg8 : memref<!tpu.dma_semaphore, #tpu.memory_space<semaphore_mem>>) src(%dma_wait3A_389 : memref<64x128xf32, #tpu.memory_space<vmem>>) dst(%dma_wait3A_385 : memref<64x128xf32, #tpu.memory_space<hbm>>)
    return
  }
}

module attributes {stable_mosaic.version = 14 : i64} {
  func.func @_gate_body(%arg0: i32, %arg1: memref<896x768xf32, #tpu.memory_space<vmem>>, %arg2: memref<768x16xf32, #tpu.memory_space<vmem>>, %arg3: memref<1x16xf32, #tpu.memory_space<vmem>>, %arg4: memref<896x2xi32, #tpu.memory_space<vmem>>, %arg5: memref<896x2xf32, #tpu.memory_space<vmem>>, %arg6: memref<8x16xi32, #tpu.memory_space<vmem>>, %arg7: memref<8x128xi32, #tpu.memory_space<vmem>>, %arg8: memref<1x16xf32, #tpu.memory_space<vmem>>, %arg9: memref<1x16xf32, #tpu.memory_space<vmem>>) attributes {dimension_semantics = [#tpu.dimension_semantics<arbitrary>], iteration_bounds = array<i64: 7>, scalar_prefetch = 0 : i64, scratch_operands = 2 : i64, tpu.core_type = #tpu.core_type<tc>, window_params = [{transform_indices = @transform_0, window_bounds = array<i64: 896, 768>}, {pipeline_mode = #tpu.pipeline_mode<synchronous>, transform_indices = @transform_1, window_bounds = array<i64: 768, 16>}, {pipeline_mode = #tpu.pipeline_mode<synchronous>, transform_indices = @transform_2, window_bounds = array<i64: 1, 16>}, {transform_indices = @transform_3, window_bounds = array<i64: 896, 2>}, {transform_indices = @transform_4, window_bounds = array<i64: 896, 2>}, {pipeline_mode = #tpu.pipeline_mode<synchronous>, transform_indices = @transform_5, window_bounds = array<i64: 8, 16>}, {pipeline_mode = #tpu.pipeline_mode<synchronous>, transform_indices = @transform_6, window_bounds = array<i64: 8, 128>}]} {
    %eq3A = arith.constant 0 : i32
    %eq3A_0 = arith.cmpi eq, %arg0, %eq3A : i32
    %convert_element_type3A = arith.extui %eq3A_0 : i1 to i32
    %cond3A = arith.constant 0 : i32
    %cond3A_1 = arith.cmpi ne, %convert_element_type3A, %cond3A : i32
    scf.if %cond3A_1 {
      %broadcast_in_dim3A_136 = arith.constant 0.000000e+00 : f32
      %broadcast_in_dim3A_137 = vector.broadcast %broadcast_in_dim3A_136 : f32 to vector<1x16xf32>
      %swap3A_138 = arith.constant 0 : index
      %swap3A_139 = arith.constant 0 : index
      %swap3A_140 = vector.load %arg8[%swap3A_138, %swap3A_139] : memref<1x16xf32, #tpu.memory_space<vmem>>, vector<1x16xf32>
      tpu.vector_store %arg8[%swap3A_138, %swap3A_139], %broadcast_in_dim3A_137 {strides = array<i32>} : memref<1x16xf32, #tpu.memory_space<vmem>>, vector<1x16xf32>,
      %broadcast_in_dim3A_141 = arith.constant 0.000000e+00 : f32
      %broadcast_in_dim3A_142 = vector.broadcast %broadcast_in_dim3A_141 : f32 to vector<1x16xf32>
      %swap3A_143 = arith.constant 0 : index
      %swap3A_144 = arith.constant 0 : index
      %swap3A_145 = vector.load %arg9[%swap3A_143, %swap3A_144] : memref<1x16xf32, #tpu.memory_space<vmem>>, vector<1x16xf32>
      tpu.vector_store %arg9[%swap3A_143, %swap3A_144], %broadcast_in_dim3A_142 {strides = array<i32>} : memref<1x16xf32, #tpu.memory_space<vmem>>, vector<1x16xf32>,
    } else {
    }
    %get3A = arith.constant 0 : index
    %get3A_2 = arith.constant 0 : index
    %get3A_3 = vector.load %arg1[%get3A, %get3A_2] : memref<896x768xf32, #tpu.memory_space<vmem>>, vector<896x768xf32>
    %get3A_4 = arith.constant 0 : index
    %get3A_5 = arith.constant 0 : index
    %get3A_6 = vector.load %arg2[%get3A_4, %get3A_5] : memref<768x16xf32, #tpu.memory_space<vmem>>, vector<768x16xf32>
    %dot_general3A = arith.constant dense<0.000000e+00> : vector<896x16xf32>
    %dot_general3A_7 = tpu.matmul %get3A_3, %get3A_6, %dot_general3A {dimension_numbers = #tpu.dot_dimension_numbers<[1], [0], [0], [1], [0, 0, 1, 1], [], []>, transpose_lhs_hint = false} : vector<896x768xf32>, vector<768x16xf32>, vector<896x16xf32> -> vector<896x16xf32>
    %get3A_8 = arith.constant 0 : index
    %get3A_9 = arith.constant 0 : index
    %get3A_10 = vector.load %arg3[%get3A_8, %get3A_9] : memref<1x16xf32, #tpu.memory_space<vmem>>, vector<1x16xf32>
    %add3A = vector.broadcast %get3A_10 : vector<1x16xf32> to vector<896x16xf32>
    %add3A_11 = arith.addf %dot_general3A_7, %add3A : vector<896x16xf32>
    %reduce_max3A = arith.constant dense<0xFF800000> : vector<896xf32>
    %reduce_max3A_12 = vector.multi_reduction <maximumf>, %add3A_11, %reduce_max3A [1] : vector<896x16xf32> to vector<896xf32>
    %broadcast_in_dim3A = vector.shape_cast %reduce_max3A_12 : vector<896xf32> to vector<896x1xf32>
    %sub3A = vector.broadcast %broadcast_in_dim3A : vector<896x1xf32> to vector<896x16xf32>
    %sub3A_13 = arith.subf %add3A_11, %sub3A : vector<896x16xf32>
    %exp3A = math.exp %sub3A_13 : vector<896x16xf32>
    %reduce_sum3A = arith.constant dense<0.000000e+00> : vector<896xf32>
    %reduce_sum3A_14 = vector.multi_reduction <add>, %exp3A, %reduce_sum3A [1] : vector<896x16xf32> to vector<896xf32>
    %broadcast_in_dim3A_15 = vector.shape_cast %reduce_sum3A_14 : vector<896xf32> to vector<896x1xf32>
    %div3A = vector.broadcast %broadcast_in_dim3A_15 : vector<896x1xf32> to vector<896x16xf32>
    %div3A_16 = arith.divf %exp3A, %div3A : vector<896x16xf32>
    %iota3A = tpu.iota {dimensions = array<i32: 1>} : vector<896x16xi32>
    %reduce_max3A_17 = arith.constant dense<0xFF800000> : vector<896xf32>
    %reduce_max3A_18 = vector.multi_reduction <maximumf>, %div3A_16, %reduce_max3A_17 [1] : vector<896x16xf32> to vector<896xf32>
    %broadcast_in_dim3A_19 = vector.shape_cast %reduce_max3A_18 : vector<896xf32> to vector<896x1xf32>
    %ge3A = vector.broadcast %broadcast_in_dim3A_19 : vector<896x1xf32> to vector<896x16xf32>
    %ge3A_20 = arith.cmpf oge, %div3A_16, %ge3A : vector<896x16xf32>
    %jit3A = arith.constant 17 : i32
    %broadcast_in_dim3A_21 = vector.broadcast %jit3A : i32 to vector<896x16xi32>
    %select_n3A = arith.select %ge3A_20, %iota3A, %broadcast_in_dim3A_21 : vector<896x16xi1>, vector<896x16xi32>
    %reduce_min3A = arith.constant dense<2147483647> : vector<896xi32>
    %reduce_min3A_22 = vector.multi_reduction <minsi>, %select_n3A, %reduce_min3A [1] : vector<896x16xi32> to vector<896xi32>
    %broadcast_in_dim3A_23 = vector.shape_cast %reduce_min3A_22 : vector<896xi32> to vector<896x1xi32>
    %eq3A_24 = vector.broadcast %broadcast_in_dim3A_23 : vector<896x1xi32> to vector<896x16xi32>
    %eq3A_25 = arith.cmpi eq, %iota3A, %eq3A_24 : vector<896x16xi32>
    %convert_element_type3A_26 = arith.extui %eq3A_25 : vector<896x16xi1> to vector<896x16xi32>
    %convert_element_type3A_27 = arith.sitofp %convert_element_type3A_26 : vector<896x16xi32> to vector<896x16xf32>
    %gt3A = arith.constant 0.000000e+00 : f32
    %gt3A_28 = vector.broadcast %gt3A : f32 to vector<896x16xf32>
    %gt3A_29 = arith.cmpf ogt, %convert_element_type3A_27, %gt3A_28 : vector<896x16xf32>
    %jit3A_30 = arith.constant -1.000000e+00 : f32
    %broadcast_in_dim3A_31 = vector.broadcast %jit3A_30 : f32 to vector<896x16xf32>
    %select_n3A_32 = arith.select %gt3A_29, %broadcast_in_dim3A_31, %div3A_16 : vector<896x16xi1>, vector<896x16xf32>
    %reduce_max3A_33 = arith.constant dense<0xFF800000> : vector<896xf32>
    %reduce_max3A_34 = vector.multi_reduction <maximumf>, %select_n3A_32, %reduce_max3A_33 [1] : vector<896x16xf32> to vector<896xf32>
    %broadcast_in_dim3A_35 = vector.shape_cast %reduce_max3A_34 : vector<896xf32> to vector<896x1xf32>
    %ge3A_36 = vector.broadcast %broadcast_in_dim3A_35 : vector<896x1xf32> to vector<896x16xf32>
    %ge3A_37 = arith.cmpf oge, %select_n3A_32, %ge3A_36 : vector<896x16xf32>
    %jit3A_38 = arith.constant 17 : i32
    %broadcast_in_dim3A_39 = vector.broadcast %jit3A_38 : i32 to vector<896x16xi32>
    %select_n3A_40 = arith.select %ge3A_37, %iota3A, %broadcast_in_dim3A_39 : vector<896x16xi1>, vector<896x16xi32>
    %reduce_min3A_41 = arith.constant dense<2147483647> : vector<896xi32>
    %reduce_min3A_42 = vector.multi_reduction <minsi>, %select_n3A_40, %reduce_min3A_41 [1] : vector<896x16xi32> to vector<896xi32>
    %broadcast_in_dim3A_43 = vector.shape_cast %reduce_min3A_42 : vector<896xi32> to vector<896x1xi32>
    %eq3A_44 = vector.broadcast %broadcast_in_dim3A_43 : vector<896x1xi32> to vector<896x16xi32>
    %eq3A_45 = arith.cmpi eq, %iota3A, %eq3A_44 : vector<896x16xi32>
    %convert_element_type3A_46 = arith.extui %eq3A_45 : vector<896x16xi1> to vector<896x16xi32>
    %convert_element_type3A_47 = arith.sitofp %convert_element_type3A_46 : vector<896x16xi32> to vector<896x16xf32>
    %iota3A_48 = tpu.iota {dimensions = array<i32: 0>} : vector<896x896xi32>
    %iota3A_49 = tpu.iota {dimensions = array<i32: 1>} : vector<896x896xi32>
    %gt3A_50 = arith.cmpi sgt, %iota3A_48, %iota3A_49 : vector<896x896xi32>
    %convert_element_type3A_51 = arith.extui %gt3A_50 : vector<896x896xi1> to vector<896x896xi32>
    %convert_element_type3A_52 = arith.sitofp %convert_element_type3A_51 : vector<896x896xi32> to vector<896x896xf32>
    %dot_general3A_53 = arith.constant dense<0.000000e+00> : vector<896x16xf32>
    %dot_general3A_54 = tpu.matmul %convert_element_type3A_52, %convert_element_type3A_27, %dot_general3A_53 {dimension_numbers = #tpu.dot_dimension_numbers<[1], [0], [0], [1], [0, 0, 1, 1], [], []>, transpose_lhs_hint = false} : vector<896x896xf32>, vector<896x16xf32>, vector<896x16xf32> -> vector<896x16xf32>
    %dot_general3A_55 = arith.constant dense<0.000000e+00> : vector<896x16xf32>
    %dot_general3A_56 = tpu.matmul %convert_element_type3A_52, %convert_element_type3A_47, %dot_general3A_55 {dimension_numbers = #tpu.dot_dimension_numbers<[1], [0], [0], [1], [0, 0, 1, 1], [], []>, transpose_lhs_hint = false} : vector<896x896xf32>, vector<896x16xf32>, vector<896x16xf32> -> vector<896x16xf32>
    %mul3A = arith.mulf %dot_general3A_54, %convert_element_type3A_27 : vector<896x16xf32>
    %reduce_sum3A_57 = arith.constant dense<0.000000e+00> : vector<896xf32>
    %reduce_sum3A_58 = vector.multi_reduction <add>, %mul3A, %reduce_sum3A_57 [1] : vector<896x16xf32> to vector<896xf32>
    %get3A_59 = arith.constant 0 : index
    %get3A_60 = arith.constant 0 : index
    %get3A_61 = vector.load %arg8[%get3A_59, %get3A_60] : memref<1x16xf32, #tpu.memory_space<vmem>>, vector<1x16xf32>
    %mul3A_62 = vector.broadcast %get3A_61 : vector<1x16xf32> to vector<896x16xf32>
    %mul3A_63 = arith.mulf %convert_element_type3A_27, %mul3A_62 : vector<896x16xf32>
    %reduce_sum3A_64 = arith.constant dense<0.000000e+00> : vector<896xf32>
    %reduce_sum3A_65 = vector.multi_reduction <add>, %mul3A_63, %reduce_sum3A_64 [1] : vector<896x16xf32> to vector<896xf32>
    %add3A_66 = arith.addf %reduce_sum3A_58, %reduce_sum3A_65 : vector<896xf32>
    %mul3A_67 = arith.mulf %dot_general3A_56, %convert_element_type3A_47 : vector<896x16xf32>
    %reduce_sum3A_68 = arith.constant dense<0.000000e+00> : vector<896xf32>
    %reduce_sum3A_69 = vector.multi_reduction <add>, %mul3A_67, %reduce_sum3A_68 [1] : vector<896x16xf32> to vector<896xf32>
    %get3A_70 = arith.constant 0 : index
    %get3A_71 = arith.constant 0 : index
    %get3A_72 = vector.load %arg9[%get3A_70, %get3A_71] : memref<1x16xf32, #tpu.memory_space<vmem>>, vector<1x16xf32>
    %mul3A_73 = vector.broadcast %get3A_72 : vector<1x16xf32> to vector<896x16xf32>
    %mul3A_74 = arith.mulf %convert_element_type3A_47, %mul3A_73 : vector<896x16xf32>
    %reduce_sum3A_75 = arith.constant dense<0.000000e+00> : vector<896xf32>
    %reduce_sum3A_76 = vector.multi_reduction <add>, %mul3A_74, %reduce_sum3A_75 [1] : vector<896x16xf32> to vector<896xf32>
    %add3A_77 = arith.addf %reduce_sum3A_69, %reduce_sum3A_76 : vector<896xf32>
    %get3A_78 = arith.constant 0 : index
    %get3A_79 = arith.constant 0 : index
    %get3A_80 = vector.load %arg8[%get3A_78, %get3A_79] : memref<1x16xf32, #tpu.memory_space<vmem>>, vector<1x16xf32>
    %reduce_sum3A_81 = arith.constant dense<0.000000e+00> : vector<16xf32>
    %reduce_sum3A_82 = vector.multi_reduction <add>, %convert_element_type3A_27, %reduce_sum3A_81 [0] : vector<896x16xf32> to vector<16xf32>
    %broadcast_in_dim3A_83 = vector.shape_cast %reduce_sum3A_82 : vector<16xf32> to vector<1x16xf32>
    %add3A_84 = arith.addf %get3A_80, %broadcast_in_dim3A_83 : vector<1x16xf32>
    %swap3A = arith.constant 0 : index
    %swap3A_85 = arith.constant 0 : index
    %swap3A_86 = vector.load %arg8[%swap3A, %swap3A_85] : memref<1x16xf32, #tpu.memory_space<vmem>>, vector<1x16xf32>
    tpu.vector_store %arg8[%swap3A, %swap3A_85], %add3A_84 {strides = array<i32>} : memref<1x16xf32, #tpu.memory_space<vmem>>, vector<1x16xf32>,
    %get3A_87 = arith.constant 0 : index
    %get3A_88 = arith.constant 0 : index
    %get3A_89 = vector.load %arg9[%get3A_87, %get3A_88] : memref<1x16xf32, #tpu.memory_space<vmem>>, vector<1x16xf32>
    %reduce_sum3A_90 = arith.constant dense<0.000000e+00> : vector<16xf32>
    %reduce_sum3A_91 = vector.multi_reduction <add>, %convert_element_type3A_47, %reduce_sum3A_90 [0] : vector<896x16xf32> to vector<16xf32>
    %broadcast_in_dim3A_92 = vector.shape_cast %reduce_sum3A_91 : vector<16xf32> to vector<1x16xf32>
    %add3A_93 = arith.addf %get3A_89, %broadcast_in_dim3A_92 : vector<1x16xf32>
    %swap3A_94 = arith.constant 0 : index
    %swap3A_95 = arith.constant 0 : index
    %swap3A_96 = vector.load %arg9[%swap3A_94, %swap3A_95] : memref<1x16xf32, #tpu.memory_space<vmem>>, vector<1x16xf32>
    tpu.vector_store %arg9[%swap3A_94, %swap3A_95], %add3A_93 {strides = array<i32>} : memref<1x16xf32, #tpu.memory_space<vmem>>, vector<1x16xf32>,
    %iota3A_97 = tpu.iota {dimensions = array<i32: 1>} : vector<896x2xi32>
    %convert_element_type3A_98 = arith.fptosi %add3A_66 : vector<896xf32> to vector<896xi32>
    %shift_left3A = arith.constant 4 : i32
    %shift_left3A_99 = vector.broadcast %shift_left3A : i32 to vector<896xi32>
    %shift_left3A_100 = arith.shli %convert_element_type3A_98, %shift_left3A_99 : vector<896xi32>
    %or3A = arith.ori %shift_left3A_100, %reduce_min3A_22 : vector<896xi32>
    %convert_element_type3A_101 = arith.fptosi %add3A_77 : vector<896xf32> to vector<896xi32>
    %shift_left3A_102 = arith.constant 4 : i32
    %shift_left3A_103 = vector.broadcast %shift_left3A_102 : i32 to vector<896xi32>
    %shift_left3A_104 = arith.shli %convert_element_type3A_101, %shift_left3A_103 : vector<896xi32>
    %or3A_105 = arith.ori %shift_left3A_104, %reduce_min3A_42 : vector<896xi32>
    %eq3A_106 = arith.constant 0 : i32
    %eq3A_107 = vector.broadcast %eq3A_106 : i32 to vector<896x2xi32>
    %eq3A_108 = arith.cmpi eq, %iota3A_97, %eq3A_107 : vector<896x2xi32>
    %broadcast_in_dim3A_109 = vector.shape_cast %or3A : vector<896xi32> to vector<896x1xi32>
    %broadcast_in_dim3A_110 = vector.shape_cast %or3A_105 : vector<896xi32> to vector<896x1xi32>
    %broadcast_in_dim3A_111 = vector.shape_cast %broadcast_in_dim3A_109 : vector<896x1xi32> to vector<896x1xi32>
    %broadcast_in_dim3A_112 = vector.broadcast %broadcast_in_dim3A_111 : vector<896x1xi32> to vector<896x2xi32>
    %broadcast_in_dim3A_113 = vector.shape_cast %broadcast_in_dim3A_110 : vector<896x1xi32> to vector<896x1xi32>
    %broadcast_in_dim3A_114 = vector.broadcast %broadcast_in_dim3A_113 : vector<896x1xi32> to vector<896x2xi32>
    %select_n3A_115 = arith.select %eq3A_108, %broadcast_in_dim3A_112, %broadcast_in_dim3A_114 : vector<896x2xi1>, vector<896x2xi32>
    %swap3A_116 = arith.constant 0 : index
    %swap3A_117 = arith.constant 0 : index
    %swap3A_118 = vector.load %arg4[%swap3A_116, %swap3A_117] : memref<896x2xi32, #tpu.memory_space<vmem>>, vector<896x2xi32>
    tpu.vector_store %arg4[%swap3A_116, %swap3A_117], %select_n3A_115 {strides = array<i32>} : memref<896x2xi32, #tpu.memory_space<vmem>>, vector<896x2xi32>,
    %eq3A_119 = arith.constant 0 : i32
    %eq3A_120 = vector.broadcast %eq3A_119 : i32 to vector<896x2xi32>
    %eq3A_121 = arith.cmpi eq, %iota3A_97, %eq3A_120 : vector<896x2xi32>
    %slice3A = vector.extract_strided_slice %div3A_16 {offsets = [0, 0], sizes = [896, 1], strides = [1, 1]} : vector<896x16xf32> to vector<896x1xf32>
    %slice3A_122 = vector.extract_strided_slice %div3A_16 {offsets = [0, 1], sizes = [896, 1], strides = [1, 1]} : vector<896x16xf32> to vector<896x1xf32>
    %broadcast_in_dim3A_123 = vector.shape_cast %slice3A : vector<896x1xf32> to vector<896x1xf32>
    %broadcast_in_dim3A_124 = vector.broadcast %broadcast_in_dim3A_123 : vector<896x1xf32> to vector<896x2xf32>
    %broadcast_in_dim3A_125 = vector.shape_cast %slice3A_122 : vector<896x1xf32> to vector<896x1xf32>
    %broadcast_in_dim3A_126 = vector.broadcast %broadcast_in_dim3A_125 : vector<896x1xf32> to vector<896x2xf32>
    %select_n3A_127 = arith.select %eq3A_121, %broadcast_in_dim3A_124, %broadcast_in_dim3A_126 : vector<896x2xi1>, vector<896x2xf32>
    %swap3A_128 = arith.constant 0 : index
    %swap3A_129 = arith.constant 0 : index
    %swap3A_130 = vector.load %arg5[%swap3A_128, %swap3A_129] : memref<896x2xf32, #tpu.memory_space<vmem>>, vector<896x2xf32>
    tpu.vector_store %arg5[%swap3A_128, %swap3A_129], %select_n3A_127 {strides = array<i32>} : memref<896x2xf32, #tpu.memory_space<vmem>>, vector<896x2xf32>,
    %eq3A_131 = arith.constant 6 : i32
    %eq3A_132 = arith.cmpi eq, %arg0, %eq3A_131 : i32
    %convert_element_type3A_133 = arith.extui %eq3A_132 : i1 to i32
    %cond3A_134 = arith.constant 0 : i32
    %cond3A_135 = arith.cmpi ne, %convert_element_type3A_133, %cond3A_134 : i32
    scf.if %cond3A_135 {
      %get3A_136 = arith.constant 0 : index
      %get3A_137 = arith.constant 0 : index
      %get3A_138 = vector.load %arg8[%get3A_136, %get3A_137] : memref<1x16xf32, #tpu.memory_space<vmem>>, vector<1x16xf32>
      %get3A_139 = arith.constant 0 : index
      %get3A_140 = arith.constant 0 : index
      %get3A_141 = vector.load %arg8[%get3A_139, %get3A_140] : memref<1x16xf32, #tpu.memory_space<vmem>>, vector<1x16xf32>
      %get3A_142 = arith.constant 0 : index
      %get3A_143 = arith.constant 0 : index
      %get3A_144 = vector.load %arg9[%get3A_142, %get3A_143] : memref<1x16xf32, #tpu.memory_space<vmem>>, vector<1x16xf32>
      %add3A_145 = arith.addf %get3A_141, %get3A_144 : vector<1x16xf32>
      %div3A_146 = arith.constant 1.280000e+02 : f32
      %div3A_147 = vector.broadcast %div3A_146 : f32 to vector<1x16xf32>
      %div3A_148 = arith.divf %add3A_145, %div3A_147 : vector<1x16xf32>
      %ceil3A = math.ceil %div3A_148 : vector<1x16xf32>
      %mul3A_149 = arith.constant 1.280000e+02 : f32
      %mul3A_150 = vector.broadcast %mul3A_149 : f32 to vector<1x16xf32>
      %mul3A_151 = arith.mulf %ceil3A, %mul3A_150 : vector<1x16xf32>
      %iota3A_152 = tpu.iota {dimensions = array<i32: 0>} : vector<16x16xi32>
      %iota3A_153 = tpu.iota {dimensions = array<i32: 1>} : vector<16x16xi32>
      %lt3A = arith.cmpi slt, %iota3A_152, %iota3A_153 : vector<16x16xi32>
      %convert_element_type3A_154 = arith.extui %lt3A : vector<16x16xi1> to vector<16x16xi32>
      %convert_element_type3A_155 = arith.sitofp %convert_element_type3A_154 : vector<16x16xi32> to vector<16x16xf32>
      %dot_general3A_156 = arith.constant dense<0.000000e+00> : vector<1x16xf32>
      %dot_general3A_157 = tpu.matmul %mul3A_151, %convert_element_type3A_155, %dot_general3A_156 {dimension_numbers = #tpu.dot_dimension_numbers<[1], [0], [0], [1], [0, 0, 1, 1], [], []>, transpose_lhs_hint = false} : vector<1x16xf32>, vector<16x16xf32>, vector<1x16xf32> -> vector<1x16xf32>
      %iota3A_158 = tpu.iota {dimensions = array<i32: 0>} : vector<8x16xi32>
      %eq3A_159 = arith.constant 1 : i32
      %eq3A_160 = vector.broadcast %eq3A_159 : i32 to vector<8x16xi32>
      %eq3A_161 = arith.cmpi eq, %iota3A_158, %eq3A_160 : vector<8x16xi32>
      %add3A_162 = arith.addf %dot_general3A_157, %get3A_138 : vector<1x16xf32>
      %broadcast_in_dim3A_163 = vector.shape_cast %add3A_162 : vector<1x16xf32> to vector<1x16xf32>
      %broadcast_in_dim3A_164 = vector.broadcast %broadcast_in_dim3A_163 : vector<1x16xf32> to vector<8x16xf32>
      %broadcast_in_dim3A_165 = vector.shape_cast %dot_general3A_157 : vector<1x16xf32> to vector<1x16xf32>
      %broadcast_in_dim3A_166 = vector.broadcast %broadcast_in_dim3A_165 : vector<1x16xf32> to vector<8x16xf32>
      %select_n3A_167 = arith.select %eq3A_161, %broadcast_in_dim3A_164, %broadcast_in_dim3A_166 : vector<8x16xi1>, vector<8x16xf32>
      %convert_element_type3A_168 = arith.fptosi %select_n3A_167 : vector<8x16xf32> to vector<8x16xi32>
      %swap3A_169 = arith.constant 0 : index
      %swap3A_170 = arith.constant 0 : index
      %swap3A_171 = vector.load %arg6[%swap3A_169, %swap3A_170] : memref<8x16xi32, #tpu.memory_space<vmem>>, vector<8x16xi32>
      tpu.vector_store %arg6[%swap3A_169, %swap3A_170], %convert_element_type3A_168 {strides = array<i32>} : memref<8x16xi32, #tpu.memory_space<vmem>>, vector<8x16xi32>,
      %iota3A_172 = tpu.iota {dimensions = array<i32: 0>} : vector<128x16xi32>
      %convert_element_type3A_173 = arith.sitofp %iota3A_172 : vector<128x16xi32> to vector<128x16xf32>
      %mul3A_174 = arith.constant 1.280000e+02 : f32
      %mul3A_175 = vector.broadcast %mul3A_174 : f32 to vector<128x16xf32>
      %mul3A_176 = arith.mulf %convert_element_type3A_173, %mul3A_175 : vector<128x16xf32>
      %ge3A_177 = vector.broadcast %dot_general3A_157 : vector<1x16xf32> to vector<128x16xf32>
      %ge3A_178 = arith.cmpf oge, %mul3A_176, %ge3A_177 : vector<128x16xf32>
      %convert_element_type3A_179 = arith.extui %ge3A_178 : vector<128x16xi1> to vector<128x16xi32>
      %reduce_sum3A_180 = arith.constant dense<0> : vector<128xi32>
      %reduce_sum3A_181 = vector.multi_reduction <add>, %convert_element_type3A_179, %reduce_sum3A_180 [1] : vector<128x16xi32> to vector<128xi32>
      %sub3A_182 = arith.constant 1 : i32
      %sub3A_183 = vector.broadcast %sub3A_182 : i32 to vector<128xi32>
      %sub3A_184 = arith.subi %reduce_sum3A_181, %sub3A_183 : vector<128xi32>
      %jit3A_185 = arith.constant 0 : i32
      %jit3A_186 = arith.constant 15 : i32
      %max3A = vector.broadcast %jit3A_185 : i32 to vector<128xi32>
      %max3A_187 = arith.maxsi %max3A, %sub3A_184 : vector<128xi32>
      %min3A = vector.broadcast %jit3A_186 : i32 to vector<128xi32>
      %min3A_188 = arith.minsi %min3A, %max3A_187 : vector<128xi32>
      %broadcast_in_dim3A_189 = vector.shape_cast %min3A_188 : vector<128xi32> to vector<1x128xi32>
      %broadcast_in_dim3A_190 = vector.shape_cast %broadcast_in_dim3A_189 : vector<1x128xi32> to vector<1x128xi32>
      %broadcast_in_dim3A_191 = vector.broadcast %broadcast_in_dim3A_190 : vector<1x128xi32> to vector<8x128xi32>
      %swap3A_192 = arith.constant 0 : index
      %swap3A_193 = arith.constant 0 : index
      %swap3A_194 = vector.load %arg7[%swap3A_192, %swap3A_193] : memref<8x128xi32, #tpu.memory_space<vmem>>, vector<8x128xi32>
      tpu.vector_store %arg7[%swap3A_192, %swap3A_193], %broadcast_in_dim3A_191 {strides = array<i32>} : memref<8x128xi32, #tpu.memory_space<vmem>>, vector<8x128xi32>,
    } else {
    }
    return
  }
  func.func @transform_0(%arg0: i32) -> (i32, i32) {
    %c0_i32 = arith.constant 0 : i32
    %c0_i32_0 = arith.constant 0 : i32
    return %arg0, %c0_i32 : i32, i32
  }
  func.func @transform_1(%arg0: i32) -> (i32, i32) {
    %c0_i32 = arith.constant 0 : i32
    %c0_i32_0 = arith.constant 0 : i32
    %c0_i32_1 = arith.constant 0 : i32
    return %c0_i32, %c0_i32_0 : i32, i32
  }
  func.func @transform_2(%arg0: i32) -> (i32, i32) {
    %c0_i32 = arith.constant 0 : i32
    %c0_i32_0 = arith.constant 0 : i32
    %c0_i32_1 = arith.constant 0 : i32
    return %c0_i32, %c0_i32_0 : i32, i32
  }
  func.func @transform_3(%arg0: i32) -> (i32, i32) {
    %c0_i32 = arith.constant 0 : i32
    %c0_i32_0 = arith.constant 0 : i32
    return %arg0, %c0_i32 : i32, i32
  }
  func.func @transform_4(%arg0: i32) -> (i32, i32) {
    %c0_i32 = arith.constant 0 : i32
    %c0_i32_0 = arith.constant 0 : i32
    return %arg0, %c0_i32 : i32, i32
  }
  func.func @transform_5(%arg0: i32) -> (i32, i32) {
    %c0_i32 = arith.constant 0 : i32
    %c0_i32_0 = arith.constant 0 : i32
    %c0_i32_1 = arith.constant 0 : i32
    return %c0_i32, %c0_i32_0 : i32, i32
  }
  func.func @transform_6(%arg0: i32) -> (i32, i32) {
    %c0_i32 = arith.constant 0 : i32
    %c0_i32_0 = arith.constant 0 : i32
    %c0_i32_1 = arith.constant 0 : i32
    return %c0_i32, %c0_i32_0 : i32, i32
  }
}

module attributes {stable_mosaic.version = 14 : i64} {
  func.func @_mlp_body(%arg0: i32, %arg1: memref<8x128xi32, #tpu.memory_space<smem>>, %arg2: memref<128x768xf32, #tpu.memory_space<vmem>>, %arg3: memref<1x768x128xbf16, #tpu.memory_space<vmem>>, %arg4: memref<1x1x128xf32, #tpu.memory_space<vmem>>, %arg5: memref<1x128x128xbf16, #tpu.memory_space<vmem>>, %arg6: memref<1x1x128xf32, #tpu.memory_space<vmem>>, %arg7: memref<1x128x128xbf16, #tpu.memory_space<vmem>>, %arg8: memref<1x1x128xf32, #tpu.memory_space<vmem>>, %arg9: memref<128x128xf32, #tpu.memory_space<vmem>>) attributes {dimension_semantics = [#tpu.dimension_semantics<arbitrary>], iteration_bounds = array<i64: 114>, scalar_prefetch = 1 : i64, scratch_operands = 0 : i64, tpu.core_type = #tpu.core_type<tc>, window_params = [{transform_indices = @transform_0, window_bounds = array<i64: 128, 768>}, {transform_indices = @transform_1, window_bounds = array<i64: 1, 768, 128>}, {transform_indices = @transform_2, window_bounds = array<i64: 1, 1, 128>}, {transform_indices = @transform_3, window_bounds = array<i64: 1, 128, 128>}, {transform_indices = @transform_4, window_bounds = array<i64: 1, 1, 128>}, {transform_indices = @transform_5, window_bounds = array<i64: 1, 128, 128>}, {transform_indices = @transform_6, window_bounds = array<i64: 1, 1, 128>}, {transform_indices = @transform_7, window_bounds = array<i64: 128, 128>}]} {
    %get3A = arith.constant 0 : index
    %get3A_0 = arith.constant 0 : index
    %get3A_1 = vector.load %arg2[%get3A, %get3A_0] : memref<128x768xf32, #tpu.memory_space<vmem>>, vector<128x768xf32>
    %convert_element_type3A = arith.truncf %get3A_1 : vector<128x768xf32> to vector<128x768xbf16>
    %get3A_2 = arith.constant 0 : index
    %get3A_3 = arith.constant 0 : index
    %get3A_4 = arith.constant 0 : index
    %get3A_5 = vector.load %arg3[%get3A_2, %get3A_3, %get3A_4] : memref<1x768x128xbf16, #tpu.memory_space<vmem>>, vector<1x768x128xbf16>
    %get3A_6 = vector.shape_cast %get3A_5 : vector<1x768x128xbf16> to vector<768x128xbf16>
    %dot_general3A = arith.constant dense<0.000000e+00> : vector<128x128xf32>
    %dot_general3A_7 = tpu.matmul %convert_element_type3A, %get3A_6, %dot_general3A {dimension_numbers = #tpu.dot_dimension_numbers<[1], [0], [0], [1], [0, 0, 1, 1], [], []>, transpose_lhs_hint = false} : vector<128x768xbf16>, vector<768x128xbf16>, vector<128x128xf32> -> vector<128x128xf32>
    %get3A_8 = arith.constant 0 : index
    %get3A_9 = arith.constant 0 : index
    %get3A_10 = arith.constant 0 : index
    %get3A_11 = vector.load %arg4[%get3A_8, %get3A_9, %get3A_10] : memref<1x1x128xf32, #tpu.memory_space<vmem>>, vector<1x1x128xf32>
    %get3A_12 = vector.shape_cast %get3A_11 : vector<1x1x128xf32> to vector<1x128xf32>
    %add3A = vector.broadcast %get3A_12 : vector<1x128xf32> to vector<128x128xf32>
    %add3A_13 = arith.addf %dot_general3A_7, %add3A : vector<128x128xf32>
    %max3A = arith.constant 0.000000e+00 : f32
    %max3A_14 = vector.broadcast %max3A : f32 to vector<128x128xf32>
    %max3A_15 = arith.maximumf %add3A_13, %max3A_14 : vector<128x128xf32>
    %convert_element_type3A_16 = arith.truncf %max3A_15 : vector<128x128xf32> to vector<128x128xbf16>
    %get3A_17 = arith.constant 0 : index
    %get3A_18 = arith.constant 0 : index
    %get3A_19 = arith.constant 0 : index
    %get3A_20 = vector.load %arg5[%get3A_17, %get3A_18, %get3A_19] : memref<1x128x128xbf16, #tpu.memory_space<vmem>>, vector<1x128x128xbf16>
    %get3A_21 = vector.shape_cast %get3A_20 : vector<1x128x128xbf16> to vector<128x128xbf16>
    %dot_general3A_22 = arith.constant dense<0.000000e+00> : vector<128x128xf32>
    %dot_general3A_23 = tpu.matmul %convert_element_type3A_16, %get3A_21, %dot_general3A_22 {dimension_numbers = #tpu.dot_dimension_numbers<[1], [0], [0], [1], [0, 0, 1, 1], [], []>, transpose_lhs_hint = false} : vector<128x128xbf16>, vector<128x128xbf16>, vector<128x128xf32> -> vector<128x128xf32>
    %get3A_24 = arith.constant 0 : index
    %get3A_25 = arith.constant 0 : index
    %get3A_26 = arith.constant 0 : index
    %get3A_27 = vector.load %arg6[%get3A_24, %get3A_25, %get3A_26] : memref<1x1x128xf32, #tpu.memory_space<vmem>>, vector<1x1x128xf32>
    %get3A_28 = vector.shape_cast %get3A_27 : vector<1x1x128xf32> to vector<1x128xf32>
    %add3A_29 = vector.broadcast %get3A_28 : vector<1x128xf32> to vector<128x128xf32>
    %add3A_30 = arith.addf %dot_general3A_23, %add3A_29 : vector<128x128xf32>
    %max3A_31 = arith.constant 0.000000e+00 : f32
    %max3A_32 = vector.broadcast %max3A_31 : f32 to vector<128x128xf32>
    %max3A_33 = arith.maximumf %add3A_30, %max3A_32 : vector<128x128xf32>
    %convert_element_type3A_34 = arith.truncf %max3A_33 : vector<128x128xf32> to vector<128x128xbf16>
    %get3A_35 = arith.constant 0 : index
    %get3A_36 = arith.constant 0 : index
    %get3A_37 = arith.constant 0 : index
    %get3A_38 = vector.load %arg7[%get3A_35, %get3A_36, %get3A_37] : memref<1x128x128xbf16, #tpu.memory_space<vmem>>, vector<1x128x128xbf16>
    %get3A_39 = vector.shape_cast %get3A_38 : vector<1x128x128xbf16> to vector<128x128xbf16>
    %dot_general3A_40 = arith.constant dense<0.000000e+00> : vector<128x128xf32>
    %dot_general3A_41 = tpu.matmul %convert_element_type3A_34, %get3A_39, %dot_general3A_40 {dimension_numbers = #tpu.dot_dimension_numbers<[1], [0], [0], [1], [0, 0, 1, 1], [], []>, transpose_lhs_hint = false} : vector<128x128xbf16>, vector<128x128xbf16>, vector<128x128xf32> -> vector<128x128xf32>
    %get3A_42 = arith.constant 0 : index
    %get3A_43 = arith.constant 0 : index
    %get3A_44 = arith.constant 0 : index
    %get3A_45 = vector.load %arg8[%get3A_42, %get3A_43, %get3A_44] : memref<1x1x128xf32, #tpu.memory_space<vmem>>, vector<1x1x128xf32>
    %get3A_46 = vector.shape_cast %get3A_45 : vector<1x1x128xf32> to vector<1x128xf32>
    %add3A_47 = vector.broadcast %get3A_46 : vector<1x128xf32> to vector<128x128xf32>
    %add3A_48 = arith.addf %dot_general3A_41, %add3A_47 : vector<128x128xf32>
    %max3A_49 = arith.constant 0.000000e+00 : f32
    %max3A_50 = vector.broadcast %max3A_49 : f32 to vector<128x128xf32>
    %max3A_51 = arith.maximumf %add3A_48, %max3A_50 : vector<128x128xf32>
    %swap3A = arith.constant 0 : index
    %swap3A_52 = arith.constant 0 : index
    %swap3A_53 = vector.load %arg9[%swap3A, %swap3A_52] : memref<128x128xf32, #tpu.memory_space<vmem>>, vector<128x128xf32>
    tpu.vector_store %arg9[%swap3A, %swap3A_52], %max3A_51 {strides = array<i32>} : memref<128x128xf32, #tpu.memory_space<vmem>>, vector<128x128xf32>,
    return
  }
  func.func @transform_0(%arg0: i32, %arg1: memref<8x128xi32, #tpu.memory_space<smem>>) -> (i32, i32) {
    %c0_i32 = arith.constant 0 : i32
    %c0_i32_0 = arith.constant 0 : i32
    return %arg0, %c0_i32 : i32, i32
  }
  func.func @transform_1(%arg0: i32, %arg1: memref<8x128xi32, #tpu.memory_space<smem>>) -> (i32, i32, i32) {
    %get3A = arith.constant 0 : index
    %get3A_0 = arith.index_cast %arg0 : i32 to index
    %get3A_1 = memref.load %arg1[%get3A, %get3A_0] : memref<8x128xi32, #tpu.memory_space<smem>>
    %c0_i32 = arith.constant 0 : i32
    %c0_i32_2 = arith.constant 0 : i32
    %c0_i32_3 = arith.constant 0 : i32
    return %get3A_1, %c0_i32, %c0_i32_2 : i32, i32, i32
  }
  func.func @transform_2(%arg0: i32, %arg1: memref<8x128xi32, #tpu.memory_space<smem>>) -> (i32, i32, i32) {
    %get3A = arith.constant 0 : index
    %get3A_0 = arith.index_cast %arg0 : i32 to index
    %get3A_1 = memref.load %arg1[%get3A, %get3A_0] : memref<8x128xi32, #tpu.memory_space<smem>>
    %c0_i32 = arith.constant 0 : i32
    %c0_i32_2 = arith.constant 0 : i32
    %c0_i32_3 = arith.constant 0 : i32
    return %get3A_1, %c0_i32, %c0_i32_2 : i32, i32, i32
  }
  func.func @transform_3(%arg0: i32, %arg1: memref<8x128xi32, #tpu.memory_space<smem>>) -> (i32, i32, i32) {
    %get3A = arith.constant 0 : index
    %get3A_0 = arith.index_cast %arg0 : i32 to index
    %get3A_1 = memref.load %arg1[%get3A, %get3A_0] : memref<8x128xi32, #tpu.memory_space<smem>>
    %c0_i32 = arith.constant 0 : i32
    %c0_i32_2 = arith.constant 0 : i32
    %c0_i32_3 = arith.constant 0 : i32
    return %get3A_1, %c0_i32, %c0_i32_2 : i32, i32, i32
  }
  func.func @transform_4(%arg0: i32, %arg1: memref<8x128xi32, #tpu.memory_space<smem>>) -> (i32, i32, i32) {
    %get3A = arith.constant 0 : index
    %get3A_0 = arith.index_cast %arg0 : i32 to index
    %get3A_1 = memref.load %arg1[%get3A, %get3A_0] : memref<8x128xi32, #tpu.memory_space<smem>>
    %c0_i32 = arith.constant 0 : i32
    %c0_i32_2 = arith.constant 0 : i32
    %c0_i32_3 = arith.constant 0 : i32
    return %get3A_1, %c0_i32, %c0_i32_2 : i32, i32, i32
  }
  func.func @transform_5(%arg0: i32, %arg1: memref<8x128xi32, #tpu.memory_space<smem>>) -> (i32, i32, i32) {
    %get3A = arith.constant 0 : index
    %get3A_0 = arith.index_cast %arg0 : i32 to index
    %get3A_1 = memref.load %arg1[%get3A, %get3A_0] : memref<8x128xi32, #tpu.memory_space<smem>>
    %c0_i32 = arith.constant 0 : i32
    %c0_i32_2 = arith.constant 0 : i32
    %c0_i32_3 = arith.constant 0 : i32
    return %get3A_1, %c0_i32, %c0_i32_2 : i32, i32, i32
  }
  func.func @transform_6(%arg0: i32, %arg1: memref<8x128xi32, #tpu.memory_space<smem>>) -> (i32, i32, i32) {
    %get3A = arith.constant 0 : index
    %get3A_0 = arith.index_cast %arg0 : i32 to index
    %get3A_1 = memref.load %arg1[%get3A, %get3A_0] : memref<8x128xi32, #tpu.memory_space<smem>>
    %c0_i32 = arith.constant 0 : i32
    %c0_i32_2 = arith.constant 0 : i32
    %c0_i32_3 = arith.constant 0 : i32
    return %get3A_1, %c0_i32, %c0_i32_2 : i32, i32, i32
  }
  func.func @transform_7(%arg0: i32, %arg1: memref<8x128xi32, #tpu.memory_space<smem>>) -> (i32, i32) {
    %c0_i32 = arith.constant 0 : i32
    %c0_i32_0 = arith.constant 0 : i32
    return %arg0, %c0_i32 : i32, i32
  }
}

module attributes {stable_mosaic.version = 14 : i64} {
  func.func @_cd_body(%arg0: i32, %arg1: memref<2x896x128xf32, #tpu.memory_space<vmem>>, %arg2: memref<896x2xf32, #tpu.memory_space<vmem>>, %arg3: memref<128x128xbf16, #tpu.memory_space<vmem>>, %arg4: memref<1x128xf32, #tpu.memory_space<vmem>>, %arg5: memref<128x128xbf16, #tpu.memory_space<vmem>>, %arg6: memref<1x128xf32, #tpu.memory_space<vmem>>, %arg7: memref<28x128x128xf32, #tpu.memory_space<vmem>>, %arg8: memref<1x128xf32, #tpu.memory_space<vmem>>, %arg9: memref<128x128xf32, #tpu.memory_space<vmem>>, %arg10: memref<1x128xf32, #tpu.memory_space<vmem>>, %arg11: memref<128x18xf32, #tpu.memory_space<vmem>>, %arg12: memref<1x18xf32, #tpu.memory_space<vmem>>, %arg13: memref<32x18xf32, #tpu.memory_space<vmem>>, %arg14: memref<32x128xf32, #tpu.memory_space<vmem>>) attributes {dimension_semantics = [#tpu.dimension_semantics<arbitrary>], iteration_bounds = array<i64: 7>, scalar_prefetch = 0 : i64, scratch_operands = 1 : i64, tpu.core_type = #tpu.core_type<tc>, window_params = [{transform_indices = @transform_0, window_bounds = array<i64: 2, 896, 128>}, {transform_indices = @transform_1, window_bounds = array<i64: 896, 2>}, {pipeline_mode = #tpu.pipeline_mode<synchronous>, transform_indices = @transform_2, window_bounds = array<i64: 128, 128>}, {pipeline_mode = #tpu.pipeline_mode<synchronous>, transform_indices = @transform_3, window_bounds = array<i64: 1, 128>}, {pipeline_mode = #tpu.pipeline_mode<synchronous>, transform_indices = @transform_4, window_bounds = array<i64: 128, 128>}, {pipeline_mode = #tpu.pipeline_mode<synchronous>, transform_indices = @transform_5, window_bounds = array<i64: 1, 128>}, {transform_indices = @transform_6, window_bounds = array<i64: 28, 128, 128>}, {pipeline_mode = #tpu.pipeline_mode<synchronous>, transform_indices = @transform_7, window_bounds = array<i64: 1, 128>}, {pipeline_mode = #tpu.pipeline_mode<synchronous>, transform_indices = @transform_8, window_bounds = array<i64: 128, 128>}, {pipeline_mode = #tpu.pipeline_mode<synchronous>, transform_indices = @transform_9, window_bounds = array<i64: 1, 128>}, {pipeline_mode = #tpu.pipeline_mode<synchronous>, transform_indices = @transform_10, window_bounds = array<i64: 128, 18>}, {pipeline_mode = #tpu.pipeline_mode<synchronous>, transform_indices = @transform_11, window_bounds = array<i64: 1, 18>}, {pipeline_mode = #tpu.pipeline_mode<synchronous>, transform_indices = @transform_12, window_bounds = array<i64: 32, 18>}]} {
    %eq3A = arith.constant 0 : i32
    %eq3A_0 = arith.cmpi eq, %arg0, %eq3A : i32
    %convert_element_type3A = arith.extui %eq3A_0 : i1 to i32
    %cond3A = arith.constant 0 : i32
    %cond3A_1 = arith.cmpi ne, %convert_element_type3A, %cond3A : i32
    scf.if %cond3A_1 {
      %broadcast_in_dim3A = arith.constant 0.000000e+00 : f32
      %broadcast_in_dim3A_365 = vector.broadcast %broadcast_in_dim3A : f32 to vector<32x128xf32>
      %swap3A_366 = arith.constant 0 : index
      %swap3A_367 = arith.constant 0 : index
      %swap3A_368 = vector.load %arg14[%swap3A_366, %swap3A_367] : memref<32x128xf32, #tpu.memory_space<vmem>>, vector<32x128xf32>
      tpu.vector_store %arg14[%swap3A_366, %swap3A_367], %broadcast_in_dim3A_365 {strides = array<i32>} : memref<32x128xf32, #tpu.memory_space<vmem>>, vector<32x128xf32>,
    } else {
    }
    %get3A = arith.constant 0 : index
    %get3A_2 = arith.constant 0 : index
    %get3A_3 = vector.load %arg2[%get3A, %get3A_2] : memref<896x2xf32, #tpu.memory_space<vmem>>, vector<896x2xf32>
    %slice3A = vector.extract_strided_slice %get3A_3 {offsets = [0, 0], sizes = [896, 1], strides = [1, 1]} : vector<896x2xf32> to vector<896x1xf32>
    %get3A_4 = arith.constant 0 : index
    %get3A_5 = arith.constant 0 : index
    %get3A_6 = arith.constant 0 : index
    %get3A_7 = vector.load %arg1[%get3A_4, %get3A_5, %get3A_6] : memref<2x896x128xf32, #tpu.memory_space<vmem>>, vector<1x896x128xf32>
    %get3A_8 = vector.shape_cast %get3A_7 : vector<1x896x128xf32> to vector<896x128xf32>
    %mul3A = vector.broadcast %slice3A : vector<896x1xf32> to vector<896x128xf32>
    %mul3A_9 = arith.mulf %mul3A, %get3A_8 : vector<896x128xf32>
    %slice3A_10 = vector.extract_strided_slice %get3A_3 {offsets = [0, 1], sizes = [896, 1], strides = [1, 1]} : vector<896x2xf32> to vector<896x1xf32>
    %get3A_11 = arith.constant 1 : index
    %get3A_12 = arith.constant 0 : index
    %get3A_13 = arith.constant 0 : index
    %get3A_14 = vector.load %arg1[%get3A_11, %get3A_12, %get3A_13] : memref<2x896x128xf32, #tpu.memory_space<vmem>>, vector<1x896x128xf32>
    %get3A_15 = vector.shape_cast %get3A_14 : vector<1x896x128xf32> to vector<896x128xf32>
    %mul3A_16 = vector.broadcast %slice3A_10 : vector<896x1xf32> to vector<896x128xf32>
    %mul3A_17 = arith.mulf %mul3A_16, %get3A_15 : vector<896x128xf32>
    %add3A = arith.addf %mul3A_9, %mul3A_17 : vector<896x128xf32>
    %max3A = arith.constant 0.000000e+00 : f32
    %max3A_18 = vector.broadcast %max3A : f32 to vector<896x128xf32>
    %max3A_19 = arith.maximumf %add3A, %max3A_18 : vector<896x128xf32>
    %convert_element_type3A_20 = arith.truncf %max3A_19 : vector<896x128xf32> to vector<896x128xbf16>
    %get3A_21 = arith.constant 0 : index
    %get3A_22 = arith.constant 0 : index
    %get3A_23 = vector.load %arg3[%get3A_21, %get3A_22] : memref<128x128xbf16, #tpu.memory_space<vmem>>, vector<128x128xbf16>
    %dot_general3A = arith.constant dense<0.000000e+00> : vector<896x128xf32>
    %dot_general3A_24 = tpu.matmul %convert_element_type3A_20, %get3A_23, %dot_general3A {dimension_numbers = #tpu.dot_dimension_numbers<[1], [0], [0], [1], [0, 0, 1, 1], [], []>, transpose_lhs_hint = false} : vector<896x128xbf16>, vector<128x128xbf16>, vector<896x128xf32> -> vector<896x128xf32>
    %get3A_25 = arith.constant 0 : index
    %get3A_26 = arith.constant 0 : index
    %get3A_27 = vector.load %arg4[%get3A_25, %get3A_26] : memref<1x128xf32, #tpu.memory_space<vmem>>, vector<1x128xf32>
    %add3A_28 = vector.broadcast %get3A_27 : vector<1x128xf32> to vector<896x128xf32>
    %add3A_29 = arith.addf %dot_general3A_24, %add3A_28 : vector<896x128xf32>
    %max3A_30 = arith.constant 0.000000e+00 : f32
    %max3A_31 = vector.broadcast %max3A_30 : f32 to vector<896x128xf32>
    %max3A_32 = arith.maximumf %add3A_29, %max3A_31 : vector<896x128xf32>
    %convert_element_type3A_33 = arith.truncf %max3A_32 : vector<896x128xf32> to vector<896x128xbf16>
    %get3A_34 = arith.constant 0 : index
    %get3A_35 = arith.constant 0 : index
    %get3A_36 = vector.load %arg5[%get3A_34, %get3A_35] : memref<128x128xbf16, #tpu.memory_space<vmem>>, vector<128x128xbf16>
    %dot_general3A_37 = arith.constant dense<0.000000e+00> : vector<896x128xf32>
    %dot_general3A_38 = tpu.matmul %convert_element_type3A_33, %get3A_36, %dot_general3A_37 {dimension_numbers = #tpu.dot_dimension_numbers<[1], [0], [0], [1], [0, 0, 1, 1], [], []>, transpose_lhs_hint = false} : vector<896x128xbf16>, vector<128x128xbf16>, vector<896x128xf32> -> vector<896x128xf32>
    %get3A_39 = arith.constant 0 : index
    %get3A_40 = arith.constant 0 : index
    %get3A_41 = vector.load %arg6[%get3A_39, %get3A_40] : memref<1x128xf32, #tpu.memory_space<vmem>>, vector<1x128xf32>
    %add3A_42 = vector.broadcast %get3A_41 : vector<1x128xf32> to vector<896x128xf32>
    %add3A_43 = arith.addf %dot_general3A_38, %add3A_42 : vector<896x128xf32>
    %max3A_44 = arith.constant 0.000000e+00 : f32
    %max3A_45 = vector.broadcast %max3A_44 : f32 to vector<896x128xf32>
    %max3A_46 = arith.maximumf %add3A_43, %max3A_45 : vector<896x128xf32>
    %convert_element_type3A_47 = arith.truncf %max3A_46 : vector<896x128xf32> to vector<896x128xbf16>
    %reshape3A = vector.shape_cast %convert_element_type3A_47 : vector<896x128xbf16> to vector<28x32x128xbf16>
    %get3A_48 = arith.constant 0 : index
    %get3A_49 = arith.constant 0 : index
    %get3A_50 = vector.load %arg14[%get3A_48, %get3A_49] : memref<32x128xf32, #tpu.memory_space<vmem>>, vector<32x128xf32>
    %slice3A_51 = vector.extract_strided_slice %reshape3A {offsets = [0, 0, 0], sizes = [1, 32, 128], strides = [1, 1, 1]} : vector<28x32x128xbf16> to vector<1x32x128xbf16>
    %squeeze3A = vector.shape_cast %slice3A_51 : vector<1x32x128xbf16> to vector<32x128xbf16>
    %get3A_52 = arith.constant 0 : index
    %get3A_53 = arith.constant 0 : index
    %get3A_54 = arith.constant 0 : index
    %get3A_55 = vector.load %arg7[%get3A_52, %get3A_53, %get3A_54] : memref<28x128x128xf32, #tpu.memory_space<vmem>>, vector<1x128x128xf32>
    %get3A_56 = vector.shape_cast %get3A_55 : vector<1x128x128xf32> to vector<128x128xf32>
    %convert_element_type3A_57 = arith.truncf %get3A_56 : vector<128x128xf32> to vector<128x128xbf16>
    %dot_general3A_58 = arith.constant dense<0.000000e+00> : vector<32x128xf32>
    %dot_general3A_59 = tpu.matmul %squeeze3A, %convert_element_type3A_57, %dot_general3A_58 {dimension_numbers = #tpu.dot_dimension_numbers<[1], [0], [0], [1], [0, 0, 1, 1], [], []>, transpose_lhs_hint = false} : vector<32x128xbf16>, vector<128x128xbf16>, vector<32x128xf32> -> vector<32x128xf32>
    %add3A_60 = arith.addf %get3A_50, %dot_general3A_59 : vector<32x128xf32>
    %slice3A_61 = vector.extract_strided_slice %reshape3A {offsets = [1, 0, 0], sizes = [1, 32, 128], strides = [1, 1, 1]} : vector<28x32x128xbf16> to vector<1x32x128xbf16>
    %squeeze3A_62 = vector.shape_cast %slice3A_61 : vector<1x32x128xbf16> to vector<32x128xbf16>
    %get3A_63 = arith.constant 1 : index
    %get3A_64 = arith.constant 0 : index
    %get3A_65 = arith.constant 0 : index
    %get3A_66 = vector.load %arg7[%get3A_63, %get3A_64, %get3A_65] : memref<28x128x128xf32, #tpu.memory_space<vmem>>, vector<1x128x128xf32>
    %get3A_67 = vector.shape_cast %get3A_66 : vector<1x128x128xf32> to vector<128x128xf32>
    %convert_element_type3A_68 = arith.truncf %get3A_67 : vector<128x128xf32> to vector<128x128xbf16>
    %dot_general3A_69 = arith.constant dense<0.000000e+00> : vector<32x128xf32>
    %dot_general3A_70 = tpu.matmul %squeeze3A_62, %convert_element_type3A_68, %dot_general3A_69 {dimension_numbers = #tpu.dot_dimension_numbers<[1], [0], [0], [1], [0, 0, 1, 1], [], []>, transpose_lhs_hint = false} : vector<32x128xbf16>, vector<128x128xbf16>, vector<32x128xf32> -> vector<32x128xf32>
    %add3A_71 = arith.addf %add3A_60, %dot_general3A_70 : vector<32x128xf32>
    %slice3A_72 = vector.extract_strided_slice %reshape3A {offsets = [2, 0, 0], sizes = [1, 32, 128], strides = [1, 1, 1]} : vector<28x32x128xbf16> to vector<1x32x128xbf16>
    %squeeze3A_73 = vector.shape_cast %slice3A_72 : vector<1x32x128xbf16> to vector<32x128xbf16>
    %get3A_74 = arith.constant 2 : index
    %get3A_75 = arith.constant 0 : index
    %get3A_76 = arith.constant 0 : index
    %get3A_77 = vector.load %arg7[%get3A_74, %get3A_75, %get3A_76] : memref<28x128x128xf32, #tpu.memory_space<vmem>>, vector<1x128x128xf32>
    %get3A_78 = vector.shape_cast %get3A_77 : vector<1x128x128xf32> to vector<128x128xf32>
    %convert_element_type3A_79 = arith.truncf %get3A_78 : vector<128x128xf32> to vector<128x128xbf16>
    %dot_general3A_80 = arith.constant dense<0.000000e+00> : vector<32x128xf32>
    %dot_general3A_81 = tpu.matmul %squeeze3A_73, %convert_element_type3A_79, %dot_general3A_80 {dimension_numbers = #tpu.dot_dimension_numbers<[1], [0], [0], [1], [0, 0, 1, 1], [], []>, transpose_lhs_hint = false} : vector<32x128xbf16>, vector<128x128xbf16>, vector<32x128xf32> -> vector<32x128xf32>
    %add3A_82 = arith.addf %add3A_71, %dot_general3A_81 : vector<32x128xf32>
    %slice3A_83 = vector.extract_strided_slice %reshape3A {offsets = [3, 0, 0], sizes = [1, 32, 128], strides = [1, 1, 1]} : vector<28x32x128xbf16> to vector<1x32x128xbf16>
    %squeeze3A_84 = vector.shape_cast %slice3A_83 : vector<1x32x128xbf16> to vector<32x128xbf16>
    %get3A_85 = arith.constant 3 : index
    %get3A_86 = arith.constant 0 : index
    %get3A_87 = arith.constant 0 : index
    %get3A_88 = vector.load %arg7[%get3A_85, %get3A_86, %get3A_87] : memref<28x128x128xf32, #tpu.memory_space<vmem>>, vector<1x128x128xf32>
    %get3A_89 = vector.shape_cast %get3A_88 : vector<1x128x128xf32> to vector<128x128xf32>
    %convert_element_type3A_90 = arith.truncf %get3A_89 : vector<128x128xf32> to vector<128x128xbf16>
    %dot_general3A_91 = arith.constant dense<0.000000e+00> : vector<32x128xf32>
    %dot_general3A_92 = tpu.matmul %squeeze3A_84, %convert_element_type3A_90, %dot_general3A_91 {dimension_numbers = #tpu.dot_dimension_numbers<[1], [0], [0], [1], [0, 0, 1, 1], [], []>, transpose_lhs_hint = false} : vector<32x128xbf16>, vector<128x128xbf16>, vector<32x128xf32> -> vector<32x128xf32>
    %add3A_93 = arith.addf %add3A_82, %dot_general3A_92 : vector<32x128xf32>
    %slice3A_94 = vector.extract_strided_slice %reshape3A {offsets = [4, 0, 0], sizes = [1, 32, 128], strides = [1, 1, 1]} : vector<28x32x128xbf16> to vector<1x32x128xbf16>
    %squeeze3A_95 = vector.shape_cast %slice3A_94 : vector<1x32x128xbf16> to vector<32x128xbf16>
    %get3A_96 = arith.constant 4 : index
    %get3A_97 = arith.constant 0 : index
    %get3A_98 = arith.constant 0 : index
    %get3A_99 = vector.load %arg7[%get3A_96, %get3A_97, %get3A_98] : memref<28x128x128xf32, #tpu.memory_space<vmem>>, vector<1x128x128xf32>
    %get3A_100 = vector.shape_cast %get3A_99 : vector<1x128x128xf32> to vector<128x128xf32>
    %convert_element_type3A_101 = arith.truncf %get3A_100 : vector<128x128xf32> to vector<128x128xbf16>
    %dot_general3A_102 = arith.constant dense<0.000000e+00> : vector<32x128xf32>
    %dot_general3A_103 = tpu.matmul %squeeze3A_95, %convert_element_type3A_101, %dot_general3A_102 {dimension_numbers = #tpu.dot_dimension_numbers<[1], [0], [0], [1], [0, 0, 1, 1], [], []>, transpose_lhs_hint = false} : vector<32x128xbf16>, vector<128x128xbf16>, vector<32x128xf32> -> vector<32x128xf32>
    %add3A_104 = arith.addf %add3A_93, %dot_general3A_103 : vector<32x128xf32>
    %slice3A_105 = vector.extract_strided_slice %reshape3A {offsets = [5, 0, 0], sizes = [1, 32, 128], strides = [1, 1, 1]} : vector<28x32x128xbf16> to vector<1x32x128xbf16>
    %squeeze3A_106 = vector.shape_cast %slice3A_105 : vector<1x32x128xbf16> to vector<32x128xbf16>
    %get3A_107 = arith.constant 5 : index
    %get3A_108 = arith.constant 0 : index
    %get3A_109 = arith.constant 0 : index
    %get3A_110 = vector.load %arg7[%get3A_107, %get3A_108, %get3A_109] : memref<28x128x128xf32, #tpu.memory_space<vmem>>, vector<1x128x128xf32>
    %get3A_111 = vector.shape_cast %get3A_110 : vector<1x128x128xf32> to vector<128x128xf32>
    %convert_element_type3A_112 = arith.truncf %get3A_111 : vector<128x128xf32> to vector<128x128xbf16>
    %dot_general3A_113 = arith.constant dense<0.000000e+00> : vector<32x128xf32>
    %dot_general3A_114 = tpu.matmul %squeeze3A_106, %convert_element_type3A_112, %dot_general3A_113 {dimension_numbers = #tpu.dot_dimension_numbers<[1], [0], [0], [1], [0, 0, 1, 1], [], []>, transpose_lhs_hint = false} : vector<32x128xbf16>, vector<128x128xbf16>, vector<32x128xf32> -> vector<32x128xf32>
    %add3A_115 = arith.addf %add3A_104, %dot_general3A_114 : vector<32x128xf32>
    %slice3A_116 = vector.extract_strided_slice %reshape3A {offsets = [6, 0, 0], sizes = [1, 32, 128], strides = [1, 1, 1]} : vector<28x32x128xbf16> to vector<1x32x128xbf16>
    %squeeze3A_117 = vector.shape_cast %slice3A_116 : vector<1x32x128xbf16> to vector<32x128xbf16>
    %get3A_118 = arith.constant 6 : index
    %get3A_119 = arith.constant 0 : index
    %get3A_120 = arith.constant 0 : index
    %get3A_121 = vector.load %arg7[%get3A_118, %get3A_119, %get3A_120] : memref<28x128x128xf32, #tpu.memory_space<vmem>>, vector<1x128x128xf32>
    %get3A_122 = vector.shape_cast %get3A_121 : vector<1x128x128xf32> to vector<128x128xf32>
    %convert_element_type3A_123 = arith.truncf %get3A_122 : vector<128x128xf32> to vector<128x128xbf16>
    %dot_general3A_124 = arith.constant dense<0.000000e+00> : vector<32x128xf32>
    %dot_general3A_125 = tpu.matmul %squeeze3A_117, %convert_element_type3A_123, %dot_general3A_124 {dimension_numbers = #tpu.dot_dimension_numbers<[1], [0], [0], [1], [0, 0, 1, 1], [], []>, transpose_lhs_hint = false} : vector<32x128xbf16>, vector<128x128xbf16>, vector<32x128xf32> -> vector<32x128xf32>
    %add3A_126 = arith.addf %add3A_115, %dot_general3A_125 : vector<32x128xf32>
    %slice3A_127 = vector.extract_strided_slice %reshape3A {offsets = [7, 0, 0], sizes = [1, 32, 128], strides = [1, 1, 1]} : vector<28x32x128xbf16> to vector<1x32x128xbf16>
    %squeeze3A_128 = vector.shape_cast %slice3A_127 : vector<1x32x128xbf16> to vector<32x128xbf16>
    %get3A_129 = arith.constant 7 : index
    %get3A_130 = arith.constant 0 : index
    %get3A_131 = arith.constant 0 : index
    %get3A_132 = vector.load %arg7[%get3A_129, %get3A_130, %get3A_131] : memref<28x128x128xf32, #tpu.memory_space<vmem>>, vector<1x128x128xf32>
    %get3A_133 = vector.shape_cast %get3A_132 : vector<1x128x128xf32> to vector<128x128xf32>
    %convert_element_type3A_134 = arith.truncf %get3A_133 : vector<128x128xf32> to vector<128x128xbf16>
    %dot_general3A_135 = arith.constant dense<0.000000e+00> : vector<32x128xf32>
    %dot_general3A_136 = tpu.matmul %squeeze3A_128, %convert_element_type3A_134, %dot_general3A_135 {dimension_numbers = #tpu.dot_dimension_numbers<[1], [0], [0], [1], [0, 0, 1, 1], [], []>, transpose_lhs_hint = false} : vector<32x128xbf16>, vector<128x128xbf16>, vector<32x128xf32> -> vector<32x128xf32>
    %add3A_137 = arith.addf %add3A_126, %dot_general3A_136 : vector<32x128xf32>
    %slice3A_138 = vector.extract_strided_slice %reshape3A {offsets = [8, 0, 0], sizes = [1, 32, 128], strides = [1, 1, 1]} : vector<28x32x128xbf16> to vector<1x32x128xbf16>
    %squeeze3A_139 = vector.shape_cast %slice3A_138 : vector<1x32x128xbf16> to vector<32x128xbf16>
    %get3A_140 = arith.constant 8 : index
    %get3A_141 = arith.constant 0 : index
    %get3A_142 = arith.constant 0 : index
    %get3A_143 = vector.load %arg7[%get3A_140, %get3A_141, %get3A_142] : memref<28x128x128xf32, #tpu.memory_space<vmem>>, vector<1x128x128xf32>
    %get3A_144 = vector.shape_cast %get3A_143 : vector<1x128x128xf32> to vector<128x128xf32>
    %convert_element_type3A_145 = arith.truncf %get3A_144 : vector<128x128xf32> to vector<128x128xbf16>
    %dot_general3A_146 = arith.constant dense<0.000000e+00> : vector<32x128xf32>
    %dot_general3A_147 = tpu.matmul %squeeze3A_139, %convert_element_type3A_145, %dot_general3A_146 {dimension_numbers = #tpu.dot_dimension_numbers<[1], [0], [0], [1], [0, 0, 1, 1], [], []>, transpose_lhs_hint = false} : vector<32x128xbf16>, vector<128x128xbf16>, vector<32x128xf32> -> vector<32x128xf32>
    %add3A_148 = arith.addf %add3A_137, %dot_general3A_147 : vector<32x128xf32>
    %slice3A_149 = vector.extract_strided_slice %reshape3A {offsets = [9, 0, 0], sizes = [1, 32, 128], strides = [1, 1, 1]} : vector<28x32x128xbf16> to vector<1x32x128xbf16>
    %squeeze3A_150 = vector.shape_cast %slice3A_149 : vector<1x32x128xbf16> to vector<32x128xbf16>
    %get3A_151 = arith.constant 9 : index
    %get3A_152 = arith.constant 0 : index
    %get3A_153 = arith.constant 0 : index
    %get3A_154 = vector.load %arg7[%get3A_151, %get3A_152, %get3A_153] : memref<28x128x128xf32, #tpu.memory_space<vmem>>, vector<1x128x128xf32>
    %get3A_155 = vector.shape_cast %get3A_154 : vector<1x128x128xf32> to vector<128x128xf32>
    %convert_element_type3A_156 = arith.truncf %get3A_155 : vector<128x128xf32> to vector<128x128xbf16>
    %dot_general3A_157 = arith.constant dense<0.000000e+00> : vector<32x128xf32>
    %dot_general3A_158 = tpu.matmul %squeeze3A_150, %convert_element_type3A_156, %dot_general3A_157 {dimension_numbers = #tpu.dot_dimension_numbers<[1], [0], [0], [1], [0, 0, 1, 1], [], []>, transpose_lhs_hint = false} : vector<32x128xbf16>, vector<128x128xbf16>, vector<32x128xf32> -> vector<32x128xf32>
    %add3A_159 = arith.addf %add3A_148, %dot_general3A_158 : vector<32x128xf32>
    %slice3A_160 = vector.extract_strided_slice %reshape3A {offsets = [10, 0, 0], sizes = [1, 32, 128], strides = [1, 1, 1]} : vector<28x32x128xbf16> to vector<1x32x128xbf16>
    %squeeze3A_161 = vector.shape_cast %slice3A_160 : vector<1x32x128xbf16> to vector<32x128xbf16>
    %get3A_162 = arith.constant 10 : index
    %get3A_163 = arith.constant 0 : index
    %get3A_164 = arith.constant 0 : index
    %get3A_165 = vector.load %arg7[%get3A_162, %get3A_163, %get3A_164] : memref<28x128x128xf32, #tpu.memory_space<vmem>>, vector<1x128x128xf32>
    %get3A_166 = vector.shape_cast %get3A_165 : vector<1x128x128xf32> to vector<128x128xf32>
    %convert_element_type3A_167 = arith.truncf %get3A_166 : vector<128x128xf32> to vector<128x128xbf16>
    %dot_general3A_168 = arith.constant dense<0.000000e+00> : vector<32x128xf32>
    %dot_general3A_169 = tpu.matmul %squeeze3A_161, %convert_element_type3A_167, %dot_general3A_168 {dimension_numbers = #tpu.dot_dimension_numbers<[1], [0], [0], [1], [0, 0, 1, 1], [], []>, transpose_lhs_hint = false} : vector<32x128xbf16>, vector<128x128xbf16>, vector<32x128xf32> -> vector<32x128xf32>
    %add3A_170 = arith.addf %add3A_159, %dot_general3A_169 : vector<32x128xf32>
    %slice3A_171 = vector.extract_strided_slice %reshape3A {offsets = [11, 0, 0], sizes = [1, 32, 128], strides = [1, 1, 1]} : vector<28x32x128xbf16> to vector<1x32x128xbf16>
    %squeeze3A_172 = vector.shape_cast %slice3A_171 : vector<1x32x128xbf16> to vector<32x128xbf16>
    %get3A_173 = arith.constant 11 : index
    %get3A_174 = arith.constant 0 : index
    %get3A_175 = arith.constant 0 : index
    %get3A_176 = vector.load %arg7[%get3A_173, %get3A_174, %get3A_175] : memref<28x128x128xf32, #tpu.memory_space<vmem>>, vector<1x128x128xf32>
    %get3A_177 = vector.shape_cast %get3A_176 : vector<1x128x128xf32> to vector<128x128xf32>
    %convert_element_type3A_178 = arith.truncf %get3A_177 : vector<128x128xf32> to vector<128x128xbf16>
    %dot_general3A_179 = arith.constant dense<0.000000e+00> : vector<32x128xf32>
    %dot_general3A_180 = tpu.matmul %squeeze3A_172, %convert_element_type3A_178, %dot_general3A_179 {dimension_numbers = #tpu.dot_dimension_numbers<[1], [0], [0], [1], [0, 0, 1, 1], [], []>, transpose_lhs_hint = false} : vector<32x128xbf16>, vector<128x128xbf16>, vector<32x128xf32> -> vector<32x128xf32>
    %add3A_181 = arith.addf %add3A_170, %dot_general3A_180 : vector<32x128xf32>
    %slice3A_182 = vector.extract_strided_slice %reshape3A {offsets = [12, 0, 0], sizes = [1, 32, 128], strides = [1, 1, 1]} : vector<28x32x128xbf16> to vector<1x32x128xbf16>
    %squeeze3A_183 = vector.shape_cast %slice3A_182 : vector<1x32x128xbf16> to vector<32x128xbf16>
    %get3A_184 = arith.constant 12 : index
    %get3A_185 = arith.constant 0 : index
    %get3A_186 = arith.constant 0 : index
    %get3A_187 = vector.load %arg7[%get3A_184, %get3A_185, %get3A_186] : memref<28x128x128xf32, #tpu.memory_space<vmem>>, vector<1x128x128xf32>
    %get3A_188 = vector.shape_cast %get3A_187 : vector<1x128x128xf32> to vector<128x128xf32>
    %convert_element_type3A_189 = arith.truncf %get3A_188 : vector<128x128xf32> to vector<128x128xbf16>
    %dot_general3A_190 = arith.constant dense<0.000000e+00> : vector<32x128xf32>
    %dot_general3A_191 = tpu.matmul %squeeze3A_183, %convert_element_type3A_189, %dot_general3A_190 {dimension_numbers = #tpu.dot_dimension_numbers<[1], [0], [0], [1], [0, 0, 1, 1], [], []>, transpose_lhs_hint = false} : vector<32x128xbf16>, vector<128x128xbf16>, vector<32x128xf32> -> vector<32x128xf32>
    %add3A_192 = arith.addf %add3A_181, %dot_general3A_191 : vector<32x128xf32>
    %slice3A_193 = vector.extract_strided_slice %reshape3A {offsets = [13, 0, 0], sizes = [1, 32, 128], strides = [1, 1, 1]} : vector<28x32x128xbf16> to vector<1x32x128xbf16>
    %squeeze3A_194 = vector.shape_cast %slice3A_193 : vector<1x32x128xbf16> to vector<32x128xbf16>
    %get3A_195 = arith.constant 13 : index
    %get3A_196 = arith.constant 0 : index
    %get3A_197 = arith.constant 0 : index
    %get3A_198 = vector.load %arg7[%get3A_195, %get3A_196, %get3A_197] : memref<28x128x128xf32, #tpu.memory_space<vmem>>, vector<1x128x128xf32>
    %get3A_199 = vector.shape_cast %get3A_198 : vector<1x128x128xf32> to vector<128x128xf32>
    %convert_element_type3A_200 = arith.truncf %get3A_199 : vector<128x128xf32> to vector<128x128xbf16>
    %dot_general3A_201 = arith.constant dense<0.000000e+00> : vector<32x128xf32>
    %dot_general3A_202 = tpu.matmul %squeeze3A_194, %convert_element_type3A_200, %dot_general3A_201 {dimension_numbers = #tpu.dot_dimension_numbers<[1], [0], [0], [1], [0, 0, 1, 1], [], []>, transpose_lhs_hint = false} : vector<32x128xbf16>, vector<128x128xbf16>, vector<32x128xf32> -> vector<32x128xf32>
    %add3A_203 = arith.addf %add3A_192, %dot_general3A_202 : vector<32x128xf32>
    %slice3A_204 = vector.extract_strided_slice %reshape3A {offsets = [14, 0, 0], sizes = [1, 32, 128], strides = [1, 1, 1]} : vector<28x32x128xbf16> to vector<1x32x128xbf16>
    %squeeze3A_205 = vector.shape_cast %slice3A_204 : vector<1x32x128xbf16> to vector<32x128xbf16>
    %get3A_206 = arith.constant 14 : index
    %get3A_207 = arith.constant 0 : index
    %get3A_208 = arith.constant 0 : index
    %get3A_209 = vector.load %arg7[%get3A_206, %get3A_207, %get3A_208] : memref<28x128x128xf32, #tpu.memory_space<vmem>>, vector<1x128x128xf32>
    %get3A_210 = vector.shape_cast %get3A_209 : vector<1x128x128xf32> to vector<128x128xf32>
    %convert_element_type3A_211 = arith.truncf %get3A_210 : vector<128x128xf32> to vector<128x128xbf16>
    %dot_general3A_212 = arith.constant dense<0.000000e+00> : vector<32x128xf32>
    %dot_general3A_213 = tpu.matmul %squeeze3A_205, %convert_element_type3A_211, %dot_general3A_212 {dimension_numbers = #tpu.dot_dimension_numbers<[1], [0], [0], [1], [0, 0, 1, 1], [], []>, transpose_lhs_hint = false} : vector<32x128xbf16>, vector<128x128xbf16>, vector<32x128xf32> -> vector<32x128xf32>
    %add3A_214 = arith.addf %add3A_203, %dot_general3A_213 : vector<32x128xf32>
    %slice3A_215 = vector.extract_strided_slice %reshape3A {offsets = [15, 0, 0], sizes = [1, 32, 128], strides = [1, 1, 1]} : vector<28x32x128xbf16> to vector<1x32x128xbf16>
    %squeeze3A_216 = vector.shape_cast %slice3A_215 : vector<1x32x128xbf16> to vector<32x128xbf16>
    %get3A_217 = arith.constant 15 : index
    %get3A_218 = arith.constant 0 : index
    %get3A_219 = arith.constant 0 : index
    %get3A_220 = vector.load %arg7[%get3A_217, %get3A_218, %get3A_219] : memref<28x128x128xf32, #tpu.memory_space<vmem>>, vector<1x128x128xf32>
    %get3A_221 = vector.shape_cast %get3A_220 : vector<1x128x128xf32> to vector<128x128xf32>
    %convert_element_type3A_222 = arith.truncf %get3A_221 : vector<128x128xf32> to vector<128x128xbf16>
    %dot_general3A_223 = arith.constant dense<0.000000e+00> : vector<32x128xf32>
    %dot_general3A_224 = tpu.matmul %squeeze3A_216, %convert_element_type3A_222, %dot_general3A_223 {dimension_numbers = #tpu.dot_dimension_numbers<[1], [0], [0], [1], [0, 0, 1, 1], [], []>, transpose_lhs_hint = false} : vector<32x128xbf16>, vector<128x128xbf16>, vector<32x128xf32> -> vector<32x128xf32>
    %add3A_225 = arith.addf %add3A_214, %dot_general3A_224 : vector<32x128xf32>
    %slice3A_226 = vector.extract_strided_slice %reshape3A {offsets = [16, 0, 0], sizes = [1, 32, 128], strides = [1, 1, 1]} : vector<28x32x128xbf16> to vector<1x32x128xbf16>
    %squeeze3A_227 = vector.shape_cast %slice3A_226 : vector<1x32x128xbf16> to vector<32x128xbf16>
    %get3A_228 = arith.constant 16 : index
    %get3A_229 = arith.constant 0 : index
    %get3A_230 = arith.constant 0 : index
    %get3A_231 = vector.load %arg7[%get3A_228, %get3A_229, %get3A_230] : memref<28x128x128xf32, #tpu.memory_space<vmem>>, vector<1x128x128xf32>
    %get3A_232 = vector.shape_cast %get3A_231 : vector<1x128x128xf32> to vector<128x128xf32>
    %convert_element_type3A_233 = arith.truncf %get3A_232 : vector<128x128xf32> to vector<128x128xbf16>
    %dot_general3A_234 = arith.constant dense<0.000000e+00> : vector<32x128xf32>
    %dot_general3A_235 = tpu.matmul %squeeze3A_227, %convert_element_type3A_233, %dot_general3A_234 {dimension_numbers = #tpu.dot_dimension_numbers<[1], [0], [0], [1], [0, 0, 1, 1], [], []>, transpose_lhs_hint = false} : vector<32x128xbf16>, vector<128x128xbf16>, vector<32x128xf32> -> vector<32x128xf32>
    %add3A_236 = arith.addf %add3A_225, %dot_general3A_235 : vector<32x128xf32>
    %slice3A_237 = vector.extract_strided_slice %reshape3A {offsets = [17, 0, 0], sizes = [1, 32, 128], strides = [1, 1, 1]} : vector<28x32x128xbf16> to vector<1x32x128xbf16>
    %squeeze3A_238 = vector.shape_cast %slice3A_237 : vector<1x32x128xbf16> to vector<32x128xbf16>
    %get3A_239 = arith.constant 17 : index
    %get3A_240 = arith.constant 0 : index
    %get3A_241 = arith.constant 0 : index
    %get3A_242 = vector.load %arg7[%get3A_239, %get3A_240, %get3A_241] : memref<28x128x128xf32, #tpu.memory_space<vmem>>, vector<1x128x128xf32>
    %get3A_243 = vector.shape_cast %get3A_242 : vector<1x128x128xf32> to vector<128x128xf32>
    %convert_element_type3A_244 = arith.truncf %get3A_243 : vector<128x128xf32> to vector<128x128xbf16>
    %dot_general3A_245 = arith.constant dense<0.000000e+00> : vector<32x128xf32>
    %dot_general3A_246 = tpu.matmul %squeeze3A_238, %convert_element_type3A_244, %dot_general3A_245 {dimension_numbers = #tpu.dot_dimension_numbers<[1], [0], [0], [1], [0, 0, 1, 1], [], []>, transpose_lhs_hint = false} : vector<32x128xbf16>, vector<128x128xbf16>, vector<32x128xf32> -> vector<32x128xf32>
    %add3A_247 = arith.addf %add3A_236, %dot_general3A_246 : vector<32x128xf32>
    %slice3A_248 = vector.extract_strided_slice %reshape3A {offsets = [18, 0, 0], sizes = [1, 32, 128], strides = [1, 1, 1]} : vector<28x32x128xbf16> to vector<1x32x128xbf16>
    %squeeze3A_249 = vector.shape_cast %slice3A_248 : vector<1x32x128xbf16> to vector<32x128xbf16>
    %get3A_250 = arith.constant 18 : index
    %get3A_251 = arith.constant 0 : index
    %get3A_252 = arith.constant 0 : index
    %get3A_253 = vector.load %arg7[%get3A_250, %get3A_251, %get3A_252] : memref<28x128x128xf32, #tpu.memory_space<vmem>>, vector<1x128x128xf32>
    %get3A_254 = vector.shape_cast %get3A_253 : vector<1x128x128xf32> to vector<128x128xf32>
    %convert_element_type3A_255 = arith.truncf %get3A_254 : vector<128x128xf32> to vector<128x128xbf16>
    %dot_general3A_256 = arith.constant dense<0.000000e+00> : vector<32x128xf32>
    %dot_general3A_257 = tpu.matmul %squeeze3A_249, %convert_element_type3A_255, %dot_general3A_256 {dimension_numbers = #tpu.dot_dimension_numbers<[1], [0], [0], [1], [0, 0, 1, 1], [], []>, transpose_lhs_hint = false} : vector<32x128xbf16>, vector<128x128xbf16>, vector<32x128xf32> -> vector<32x128xf32>
    %add3A_258 = arith.addf %add3A_247, %dot_general3A_257 : vector<32x128xf32>
    %slice3A_259 = vector.extract_strided_slice %reshape3A {offsets = [19, 0, 0], sizes = [1, 32, 128], strides = [1, 1, 1]} : vector<28x32x128xbf16> to vector<1x32x128xbf16>
    %squeeze3A_260 = vector.shape_cast %slice3A_259 : vector<1x32x128xbf16> to vector<32x128xbf16>
    %get3A_261 = arith.constant 19 : index
    %get3A_262 = arith.constant 0 : index
    %get3A_263 = arith.constant 0 : index
    %get3A_264 = vector.load %arg7[%get3A_261, %get3A_262, %get3A_263] : memref<28x128x128xf32, #tpu.memory_space<vmem>>, vector<1x128x128xf32>
    %get3A_265 = vector.shape_cast %get3A_264 : vector<1x128x128xf32> to vector<128x128xf32>
    %convert_element_type3A_266 = arith.truncf %get3A_265 : vector<128x128xf32> to vector<128x128xbf16>
    %dot_general3A_267 = arith.constant dense<0.000000e+00> : vector<32x128xf32>
    %dot_general3A_268 = tpu.matmul %squeeze3A_260, %convert_element_type3A_266, %dot_general3A_267 {dimension_numbers = #tpu.dot_dimension_numbers<[1], [0], [0], [1], [0, 0, 1, 1], [], []>, transpose_lhs_hint = false} : vector<32x128xbf16>, vector<128x128xbf16>, vector<32x128xf32> -> vector<32x128xf32>
    %add3A_269 = arith.addf %add3A_258, %dot_general3A_268 : vector<32x128xf32>
    %slice3A_270 = vector.extract_strided_slice %reshape3A {offsets = [20, 0, 0], sizes = [1, 32, 128], strides = [1, 1, 1]} : vector<28x32x128xbf16> to vector<1x32x128xbf16>
    %squeeze3A_271 = vector.shape_cast %slice3A_270 : vector<1x32x128xbf16> to vector<32x128xbf16>
    %get3A_272 = arith.constant 20 : index
    %get3A_273 = arith.constant 0 : index
    %get3A_274 = arith.constant 0 : index
    %get3A_275 = vector.load %arg7[%get3A_272, %get3A_273, %get3A_274] : memref<28x128x128xf32, #tpu.memory_space<vmem>>, vector<1x128x128xf32>
    %get3A_276 = vector.shape_cast %get3A_275 : vector<1x128x128xf32> to vector<128x128xf32>
    %convert_element_type3A_277 = arith.truncf %get3A_276 : vector<128x128xf32> to vector<128x128xbf16>
    %dot_general3A_278 = arith.constant dense<0.000000e+00> : vector<32x128xf32>
    %dot_general3A_279 = tpu.matmul %squeeze3A_271, %convert_element_type3A_277, %dot_general3A_278 {dimension_numbers = #tpu.dot_dimension_numbers<[1], [0], [0], [1], [0, 0, 1, 1], [], []>, transpose_lhs_hint = false} : vector<32x128xbf16>, vector<128x128xbf16>, vector<32x128xf32> -> vector<32x128xf32>
    %add3A_280 = arith.addf %add3A_269, %dot_general3A_279 : vector<32x128xf32>
    %slice3A_281 = vector.extract_strided_slice %reshape3A {offsets = [21, 0, 0], sizes = [1, 32, 128], strides = [1, 1, 1]} : vector<28x32x128xbf16> to vector<1x32x128xbf16>
    %squeeze3A_282 = vector.shape_cast %slice3A_281 : vector<1x32x128xbf16> to vector<32x128xbf16>
    %get3A_283 = arith.constant 21 : index
    %get3A_284 = arith.constant 0 : index
    %get3A_285 = arith.constant 0 : index
    %get3A_286 = vector.load %arg7[%get3A_283, %get3A_284, %get3A_285] : memref<28x128x128xf32, #tpu.memory_space<vmem>>, vector<1x128x128xf32>
    %get3A_287 = vector.shape_cast %get3A_286 : vector<1x128x128xf32> to vector<128x128xf32>
    %convert_element_type3A_288 = arith.truncf %get3A_287 : vector<128x128xf32> to vector<128x128xbf16>
    %dot_general3A_289 = arith.constant dense<0.000000e+00> : vector<32x128xf32>
    %dot_general3A_290 = tpu.matmul %squeeze3A_282, %convert_element_type3A_288, %dot_general3A_289 {dimension_numbers = #tpu.dot_dimension_numbers<[1], [0], [0], [1], [0, 0, 1, 1], [], []>, transpose_lhs_hint = false} : vector<32x128xbf16>, vector<128x128xbf16>, vector<32x128xf32> -> vector<32x128xf32>
    %add3A_291 = arith.addf %add3A_280, %dot_general3A_290 : vector<32x128xf32>
    %slice3A_292 = vector.extract_strided_slice %reshape3A {offsets = [22, 0, 0], sizes = [1, 32, 128], strides = [1, 1, 1]} : vector<28x32x128xbf16> to vector<1x32x128xbf16>
    %squeeze3A_293 = vector.shape_cast %slice3A_292 : vector<1x32x128xbf16> to vector<32x128xbf16>
    %get3A_294 = arith.constant 22 : index
    %get3A_295 = arith.constant 0 : index
    %get3A_296 = arith.constant 0 : index
    %get3A_297 = vector.load %arg7[%get3A_294, %get3A_295, %get3A_296] : memref<28x128x128xf32, #tpu.memory_space<vmem>>, vector<1x128x128xf32>
    %get3A_298 = vector.shape_cast %get3A_297 : vector<1x128x128xf32> to vector<128x128xf32>
    %convert_element_type3A_299 = arith.truncf %get3A_298 : vector<128x128xf32> to vector<128x128xbf16>
    %dot_general3A_300 = arith.constant dense<0.000000e+00> : vector<32x128xf32>
    %dot_general3A_301 = tpu.matmul %squeeze3A_293, %convert_element_type3A_299, %dot_general3A_300 {dimension_numbers = #tpu.dot_dimension_numbers<[1], [0], [0], [1], [0, 0, 1, 1], [], []>, transpose_lhs_hint = false} : vector<32x128xbf16>, vector<128x128xbf16>, vector<32x128xf32> -> vector<32x128xf32>
    %add3A_302 = arith.addf %add3A_291, %dot_general3A_301 : vector<32x128xf32>
    %slice3A_303 = vector.extract_strided_slice %reshape3A {offsets = [23, 0, 0], sizes = [1, 32, 128], strides = [1, 1, 1]} : vector<28x32x128xbf16> to vector<1x32x128xbf16>
    %squeeze3A_304 = vector.shape_cast %slice3A_303 : vector<1x32x128xbf16> to vector<32x128xbf16>
    %get3A_305 = arith.constant 23 : index
    %get3A_306 = arith.constant 0 : index
    %get3A_307 = arith.constant 0 : index
    %get3A_308 = vector.load %arg7[%get3A_305, %get3A_306, %get3A_307] : memref<28x128x128xf32, #tpu.memory_space<vmem>>, vector<1x128x128xf32>
    %get3A_309 = vector.shape_cast %get3A_308 : vector<1x128x128xf32> to vector<128x128xf32>
    %convert_element_type3A_310 = arith.truncf %get3A_309 : vector<128x128xf32> to vector<128x128xbf16>
    %dot_general3A_311 = arith.constant dense<0.000000e+00> : vector<32x128xf32>
    %dot_general3A_312 = tpu.matmul %squeeze3A_304, %convert_element_type3A_310, %dot_general3A_311 {dimension_numbers = #tpu.dot_dimension_numbers<[1], [0], [0], [1], [0, 0, 1, 1], [], []>, transpose_lhs_hint = false} : vector<32x128xbf16>, vector<128x128xbf16>, vector<32x128xf32> -> vector<32x128xf32>
    %add3A_313 = arith.addf %add3A_302, %dot_general3A_312 : vector<32x128xf32>
    %slice3A_314 = vector.extract_strided_slice %reshape3A {offsets = [24, 0, 0], sizes = [1, 32, 128], strides = [1, 1, 1]} : vector<28x32x128xbf16> to vector<1x32x128xbf16>
    %squeeze3A_315 = vector.shape_cast %slice3A_314 : vector<1x32x128xbf16> to vector<32x128xbf16>
    %get3A_316 = arith.constant 24 : index
    %get3A_317 = arith.constant 0 : index
    %get3A_318 = arith.constant 0 : index
    %get3A_319 = vector.load %arg7[%get3A_316, %get3A_317, %get3A_318] : memref<28x128x128xf32, #tpu.memory_space<vmem>>, vector<1x128x128xf32>
    %get3A_320 = vector.shape_cast %get3A_319 : vector<1x128x128xf32> to vector<128x128xf32>
    %convert_element_type3A_321 = arith.truncf %get3A_320 : vector<128x128xf32> to vector<128x128xbf16>
    %dot_general3A_322 = arith.constant dense<0.000000e+00> : vector<32x128xf32>
    %dot_general3A_323 = tpu.matmul %squeeze3A_315, %convert_element_type3A_321, %dot_general3A_322 {dimension_numbers = #tpu.dot_dimension_numbers<[1], [0], [0], [1], [0, 0, 1, 1], [], []>, transpose_lhs_hint = false} : vector<32x128xbf16>, vector<128x128xbf16>, vector<32x128xf32> -> vector<32x128xf32>
    %add3A_324 = arith.addf %add3A_313, %dot_general3A_323 : vector<32x128xf32>
    %slice3A_325 = vector.extract_strided_slice %reshape3A {offsets = [25, 0, 0], sizes = [1, 32, 128], strides = [1, 1, 1]} : vector<28x32x128xbf16> to vector<1x32x128xbf16>
    %squeeze3A_326 = vector.shape_cast %slice3A_325 : vector<1x32x128xbf16> to vector<32x128xbf16>
    %get3A_327 = arith.constant 25 : index
    %get3A_328 = arith.constant 0 : index
    %get3A_329 = arith.constant 0 : index
    %get3A_330 = vector.load %arg7[%get3A_327, %get3A_328, %get3A_329] : memref<28x128x128xf32, #tpu.memory_space<vmem>>, vector<1x128x128xf32>
    %get3A_331 = vector.shape_cast %get3A_330 : vector<1x128x128xf32> to vector<128x128xf32>
    %convert_element_type3A_332 = arith.truncf %get3A_331 : vector<128x128xf32> to vector<128x128xbf16>
    %dot_general3A_333 = arith.constant dense<0.000000e+00> : vector<32x128xf32>
    %dot_general3A_334 = tpu.matmul %squeeze3A_326, %convert_element_type3A_332, %dot_general3A_333 {dimension_numbers = #tpu.dot_dimension_numbers<[1], [0], [0], [1], [0, 0, 1, 1], [], []>, transpose_lhs_hint = false} : vector<32x128xbf16>, vector<128x128xbf16>, vector<32x128xf32> -> vector<32x128xf32>
    %add3A_335 = arith.addf %add3A_324, %dot_general3A_334 : vector<32x128xf32>
    %slice3A_336 = vector.extract_strided_slice %reshape3A {offsets = [26, 0, 0], sizes = [1, 32, 128], strides = [1, 1, 1]} : vector<28x32x128xbf16> to vector<1x32x128xbf16>
    %squeeze3A_337 = vector.shape_cast %slice3A_336 : vector<1x32x128xbf16> to vector<32x128xbf16>
    %get3A_338 = arith.constant 26 : index
    %get3A_339 = arith.constant 0 : index
    %get3A_340 = arith.constant 0 : index
    %get3A_341 = vector.load %arg7[%get3A_338, %get3A_339, %get3A_340] : memref<28x128x128xf32, #tpu.memory_space<vmem>>, vector<1x128x128xf32>
    %get3A_342 = vector.shape_cast %get3A_341 : vector<1x128x128xf32> to vector<128x128xf32>
    %convert_element_type3A_343 = arith.truncf %get3A_342 : vector<128x128xf32> to vector<128x128xbf16>
    %dot_general3A_344 = arith.constant dense<0.000000e+00> : vector<32x128xf32>
    %dot_general3A_345 = tpu.matmul %squeeze3A_337, %convert_element_type3A_343, %dot_general3A_344 {dimension_numbers = #tpu.dot_dimension_numbers<[1], [0], [0], [1], [0, 0, 1, 1], [], []>, transpose_lhs_hint = false} : vector<32x128xbf16>, vector<128x128xbf16>, vector<32x128xf32> -> vector<32x128xf32>
    %add3A_346 = arith.addf %add3A_335, %dot_general3A_345 : vector<32x128xf32>
    %slice3A_347 = vector.extract_strided_slice %reshape3A {offsets = [27, 0, 0], sizes = [1, 32, 128], strides = [1, 1, 1]} : vector<28x32x128xbf16> to vector<1x32x128xbf16>
    %squeeze3A_348 = vector.shape_cast %slice3A_347 : vector<1x32x128xbf16> to vector<32x128xbf16>
    %get3A_349 = arith.constant 27 : index
    %get3A_350 = arith.constant 0 : index
    %get3A_351 = arith.constant 0 : index
    %get3A_352 = vector.load %arg7[%get3A_349, %get3A_350, %get3A_351] : memref<28x128x128xf32, #tpu.memory_space<vmem>>, vector<1x128x128xf32>
    %get3A_353 = vector.shape_cast %get3A_352 : vector<1x128x128xf32> to vector<128x128xf32>
    %convert_element_type3A_354 = arith.truncf %get3A_353 : vector<128x128xf32> to vector<128x128xbf16>
    %dot_general3A_355 = arith.constant dense<0.000000e+00> : vector<32x128xf32>
    %dot_general3A_356 = tpu.matmul %squeeze3A_348, %convert_element_type3A_354, %dot_general3A_355 {dimension_numbers = #tpu.dot_dimension_numbers<[1], [0], [0], [1], [0, 0, 1, 1], [], []>, transpose_lhs_hint = false} : vector<32x128xbf16>, vector<128x128xbf16>, vector<32x128xf32> -> vector<32x128xf32>
    %add3A_357 = arith.addf %add3A_346, %dot_general3A_356 : vector<32x128xf32>
    %swap3A = arith.constant 0 : index
    %swap3A_358 = arith.constant 0 : index
    %swap3A_359 = vector.load %arg14[%swap3A, %swap3A_358] : memref<32x128xf32, #tpu.memory_space<vmem>>, vector<32x128xf32>
    tpu.vector_store %arg14[%swap3A, %swap3A_358], %add3A_357 {strides = array<i32>} : memref<32x128xf32, #tpu.memory_space<vmem>>, vector<32x128xf32>,
    %eq3A_360 = arith.constant 6 : i32
    %eq3A_361 = arith.cmpi eq, %arg0, %eq3A_360 : i32
    %convert_element_type3A_362 = arith.extui %eq3A_361 : i1 to i32
    %cond3A_363 = arith.constant 0 : i32
    %cond3A_364 = arith.cmpi ne, %convert_element_type3A_362, %cond3A_363 : i32
    scf.if %cond3A_364 {
      %get3A_365 = arith.constant 0 : index
      %get3A_366 = arith.constant 0 : index
      %get3A_367 = vector.load %arg14[%get3A_365, %get3A_366] : memref<32x128xf32, #tpu.memory_space<vmem>>, vector<32x128xf32>
      %get3A_368 = arith.constant 0 : index
      %get3A_369 = arith.constant 0 : index
      %get3A_370 = vector.load %arg8[%get3A_368, %get3A_369] : memref<1x128xf32, #tpu.memory_space<vmem>>, vector<1x128xf32>
      %add3A_371 = vector.broadcast %get3A_370 : vector<1x128xf32> to vector<32x128xf32>
      %add3A_372 = arith.addf %get3A_367, %add3A_371 : vector<32x128xf32>
      %max3A_373 = arith.constant 0.000000e+00 : f32
      %max3A_374 = vector.broadcast %max3A_373 : f32 to vector<32x128xf32>
      %max3A_375 = arith.maximumf %add3A_372, %max3A_374 : vector<32x128xf32>
      %convert_element_type3A_376 = arith.truncf %max3A_375 : vector<32x128xf32> to vector<32x128xbf16>
      %get3A_377 = arith.constant 0 : index
      %get3A_378 = arith.constant 0 : index
      %get3A_379 = vector.load %arg9[%get3A_377, %get3A_378] : memref<128x128xf32, #tpu.memory_space<vmem>>, vector<128x128xf32>
      %convert_element_type3A_380 = arith.truncf %get3A_379 : vector<128x128xf32> to vector<128x128xbf16>
      %dot_general3A_381 = arith.constant dense<0.000000e+00> : vector<32x128xf32>
      %dot_general3A_382 = tpu.matmul %convert_element_type3A_376, %convert_element_type3A_380, %dot_general3A_381 {dimension_numbers = #tpu.dot_dimension_numbers<[1], [0], [0], [1], [0, 0, 1, 1], [], []>, transpose_lhs_hint = false} : vector<32x128xbf16>, vector<128x128xbf16>, vector<32x128xf32> -> vector<32x128xf32>
      %get3A_383 = arith.constant 0 : index
      %get3A_384 = arith.constant 0 : index
      %get3A_385 = vector.load %arg10[%get3A_383, %get3A_384] : memref<1x128xf32, #tpu.memory_space<vmem>>, vector<1x128xf32>
      %add3A_386 = vector.broadcast %get3A_385 : vector<1x128xf32> to vector<32x128xf32>
      %add3A_387 = arith.addf %dot_general3A_382, %add3A_386 : vector<32x128xf32>
      %max3A_388 = arith.constant 0.000000e+00 : f32
      %max3A_389 = vector.broadcast %max3A_388 : f32 to vector<32x128xf32>
      %max3A_390 = arith.maximumf %add3A_387, %max3A_389 : vector<32x128xf32>
      %convert_element_type3A_391 = arith.truncf %max3A_390 : vector<32x128xf32> to vector<32x128xbf16>
      %get3A_392 = arith.constant 0 : index
      %get3A_393 = arith.constant 0 : index
      %get3A_394 = vector.load %arg11[%get3A_392, %get3A_393] : memref<128x18xf32, #tpu.memory_space<vmem>>, vector<128x18xf32>
      %convert_element_type3A_395 = arith.truncf %get3A_394 : vector<128x18xf32> to vector<128x18xbf16>
      %dot_general3A_396 = arith.constant dense<0.000000e+00> : vector<32x18xf32>
      %dot_general3A_397 = tpu.matmul %convert_element_type3A_391, %convert_element_type3A_395, %dot_general3A_396 {dimension_numbers = #tpu.dot_dimension_numbers<[1], [0], [0], [1], [0, 0, 1, 1], [], []>, transpose_lhs_hint = false} : vector<32x128xbf16>, vector<128x18xbf16>, vector<32x18xf32> -> vector<32x18xf32>
      %get3A_398 = arith.constant 0 : index
      %get3A_399 = arith.constant 0 : index
      %get3A_400 = vector.load %arg12[%get3A_398, %get3A_399] : memref<1x18xf32, #tpu.memory_space<vmem>>, vector<1x18xf32>
      %add3A_401 = vector.broadcast %get3A_400 : vector<1x18xf32> to vector<32x18xf32>
      %add3A_402 = arith.addf %dot_general3A_397, %add3A_401 : vector<32x18xf32>
      %swap3A_403 = arith.constant 0 : index
      %swap3A_404 = arith.constant 0 : index
      %swap3A_405 = vector.load %arg13[%swap3A_403, %swap3A_404] : memref<32x18xf32, #tpu.memory_space<vmem>>, vector<32x18xf32>
      tpu.vector_store %arg13[%swap3A_403, %swap3A_404], %add3A_402 {strides = array<i32>} : memref<32x18xf32, #tpu.memory_space<vmem>>, vector<32x18xf32>,
    } else {
    }
    return
  }
  func.func @transform_0(%arg0: i32) -> (i32, i32, i32) {
    %c0_i32 = arith.constant 0 : i32
    %c0_i32_0 = arith.constant 0 : i32
    %c0_i32_1 = arith.constant 0 : i32
    return %c0_i32, %arg0, %c0_i32_0 : i32, i32, i32
  }
  func.func @transform_1(%arg0: i32) -> (i32, i32) {
    %c0_i32 = arith.constant 0 : i32
    %c0_i32_0 = arith.constant 0 : i32
    return %arg0, %c0_i32 : i32, i32
  }
  func.func @transform_2(%arg0: i32) -> (i32, i32) {
    %c0_i32 = arith.constant 0 : i32
    %c0_i32_0 = arith.constant 0 : i32
    %c0_i32_1 = arith.constant 0 : i32
    return %c0_i32, %c0_i32_0 : i32, i32
  }
  func.func @transform_3(%arg0: i32) -> (i32, i32) {
    %c0_i32 = arith.constant 0 : i32
    %c0_i32_0 = arith.constant 0 : i32
    %c0_i32_1 = arith.constant 0 : i32
    return %c0_i32, %c0_i32_0 : i32, i32
  }
  func.func @transform_4(%arg0: i32) -> (i32, i32) {
    %c0_i32 = arith.constant 0 : i32
    %c0_i32_0 = arith.constant 0 : i32
    %c0_i32_1 = arith.constant 0 : i32
    return %c0_i32, %c0_i32_0 : i32, i32
  }
  func.func @transform_5(%arg0: i32) -> (i32, i32) {
    %c0_i32 = arith.constant 0 : i32
    %c0_i32_0 = arith.constant 0 : i32
    %c0_i32_1 = arith.constant 0 : i32
    return %c0_i32, %c0_i32_0 : i32, i32
  }
  func.func @transform_6(%arg0: i32) -> (i32, i32, i32) {
    %c0_i32 = arith.constant 0 : i32
    %c0_i32_0 = arith.constant 0 : i32
    %c0_i32_1 = arith.constant 0 : i32
    return %arg0, %c0_i32, %c0_i32_0 : i32, i32, i32
  }
  func.func @transform_7(%arg0: i32) -> (i32, i32) {
    %c0_i32 = arith.constant 0 : i32
    %c0_i32_0 = arith.constant 0 : i32
    %c0_i32_1 = arith.constant 0 : i32
    return %c0_i32, %c0_i32_0 : i32, i32
  }
  func.func @transform_8(%arg0: i32) -> (i32, i32) {
    %c0_i32 = arith.constant 0 : i32
    %c0_i32_0 = arith.constant 0 : i32
    %c0_i32_1 = arith.constant 0 : i32
    return %c0_i32, %c0_i32_0 : i32, i32
  }
  func.func @transform_9(%arg0: i32) -> (i32, i32) {
    %c0_i32 = arith.constant 0 : i32
    %c0_i32_0 = arith.constant 0 : i32
    %c0_i32_1 = arith.constant 0 : i32
    return %c0_i32, %c0_i32_0 : i32, i32
  }
  func.func @transform_10(%arg0: i32) -> (i32, i32) {
    %c0_i32 = arith.constant 0 : i32
    %c0_i32_0 = arith.constant 0 : i32
    %c0_i32_1 = arith.constant 0 : i32
    return %c0_i32, %c0_i32_0 : i32, i32
  }
  func.func @transform_11(%arg0: i32) -> (i32, i32) {
    %c0_i32 = arith.constant 0 : i32
    %c0_i32_0 = arith.constant 0 : i32
    %c0_i32_1 = arith.constant 0 : i32
    return %c0_i32, %c0_i32_0 : i32, i32
  }
  func.func @transform_12(%arg0: i32) -> (i32, i32) {
    %c0_i32 = arith.constant 0 : i32
    %c0_i32_0 = arith.constant 0 : i32
    %c0_i32_1 = arith.constant 0 : i32
    return %c0_i32, %c0_i32_0 : i32, i32
  }
}

</mosaic_0001>

<sc_bundles>
// kernel: kernel.10.cloned.1.call-start
scs
__scs_entry_jumppad:
0x0: {  	(pc) =	sbr.rel $0x88, $3  }
0x1: {  	(tag) =	ssettag $0x0;
	lr =	simm.s32 $0x1  }
0x2: {  	[smem:$0x3F8E] =	sst lr;
	_ =	strace $0xD0000000  }
0x3: {  	_ = 	snop  }
0x4: {  	_ = 	snop  }
0x5: {  	_ = 	snop  }
0x6: {  	_ = 	snop  }
0x7: {  	_ = 	snop  }
__scs_overlays_trampoline_lowered:
0x8: {  	[smem:$0x3F9D] =	sst s0  }
0x9: {  	[smem:$0x3F9E] =	sst s1  }
0xa: {  	[smem:$0x3F9F] =	sst s2  }
0xb: {  	[smem:$0x3FA0] =	sst s3  }
0xc: {  	[smem:$0x3FA1] =	sst s4  }
0xd: {  	[smem:$0x3FA2] =	sst s5  }
0xe: {  	[smem:$0x3FA3] =	sst s6  }
0xf: {  	[smem:$0x3FA4] =	sst s7  }
0x10: {  	[smem:$0x3FA5] =	sst s8  }
0x11: {  	[smem:$0x3FA6] =	sst s9;
	s0 =	simm.s32 @!p0 $0x0  }
0x12: {  	s1 =	sld [smem:$0x3F8C];
	s0 =	simm.s32 @p0 $0x1  }
0x13: {  	[smem:$0x3FA7] =	sst s0;
	s0 =	simm.s32 @!p1 $0x0  }
0x14: {  	s2 =	sld [smem:$0x3F8B];
	s0 =	simm.s32 @p1 $0x1  }
0x15: {  	[smem:$0x3FA8] =	sst s0;
	s0 =	simm.s32 @!p2 $0x0  }
0x16: {  	s3 =	sld [smem:$0x3FDB];
	s0 =	simm.s32 @p2 $0x1  }
0x17: {  	s4 =	simm.s32 $0x1BF5;
	[smem:$0x3FAA] =	sst s0  }
0x18: {  	s0 =	sld [smem:$0x3F8D];
	_ =	swait.ge [sflag:s4], $0x0  }
0x19: {  	s7 =	sld [smem:$0x3F8E]  }
0x1a: {  	s8 =	sadd.s32 $0xFFFFE003, lr  }
0x1b: {  	s9 =	sadd.s32 $0xFFFFFEF7, lr;
	s5 =	simm.s32 $0xFFFFFFFF;
	p2 =	slt.u32 s8, $0xFFFFF086  }
0x1c: {  	p1 =	slt.u32 s9, $0xF7A;
	s5 =	simm.s32 @!p2 $0x0  }
0x1d: {  	s5 =	simm.s32 @p1 $0x1;
	p0 =	seq.s32 s7, s2  }
0x1e: {  	s7 =	smul.u32 @!p0 $0xF7A, s2;
	p2 =	seq.s32 @!p0 s5, $0x0  }
0x1f: {  	s9 =	smul.u32 $0xF7A, s1;
	s8 =	simm.s32 @!p0 $0x1BF5;
	p2 =	por !p2, p0  }
0x20: {  	[sflag:s8] =	ssyncset.s32 @!p0 $0xFFFFF086;
	s6 =	sadd.s32 @!p0 s3, s7;
	s7 =	simm.s32 @!p0 $0x108  }
0x21: {  	s3 =	sadd.s32 s3, s9;
	s6 =	sadd.s32 @!p0 $0x88, s6;
	s7 =	simm.s32 @p2 $0x1082  }
0x22: {  	[simem:s7], [sflag:s8] =	dma.local @!p0 [hbm:s6], $0xF7A  }
0x23: {  	s9 =	sor.u32 $0xD0000000, s2;
	s6 =	simm.s32 $0x108;
	_ =	swait.ge @!p0 [sflag:s8], $0x0  }
0x24: {  	s3 =	sadd.s32 $0x88, s3;
	s6 =	simm.s32 @!p1 $0x1082;
	[sflag:s4] =	ssyncset.s32 $0xFFFFF086  }
0x25: {  	[simem:s6], [sflag:s4] =	dma.local [hbm:s3], $0xF7A  }
0x26: {  	[smem:$0x3F8E] =	sst s1;
	(tag) =	ssettag s2;
	_ =	strace s9  }
0x27: {  	s1 =	sld [smem:$0x3F9E]  }
0x28: {  	s2 =	sld [smem:$0x3F9F]  }
0x29: {  	s4 =	sld [smem:$0x3FA1]  }
0x2a: {  	p0 =	seq.s32 s5, $0x0;
	s5 =	sld [smem:$0x3FA2]  }
0x2b: {  	s6 =	sld [smem:$0x3FA3]  }
0x2c: {  	s7 =	sld [smem:$0x3FA4]  }
0x2d: {  	s3 =	simm.s32 $0x108;
	s8 =	sld [smem:$0x3FA5]  }
0x2e: {  	s3 =	simm.s32 @!p0 $0x1082;
	s9 =	sld [smem:$0x3FA6]  }
0x2f: {  	lr =	sadd.s32 s0, s3;
	s0 =	sld [smem:$0x3F9D]  }
0x30: {  	s3 =	sld [smem:$0x3FA0]  }
0x31: {  	[smem:$0x3FA9] =	sst s10  }
0x32: {  	s10 =	sld [smem:$0x3FA7];
	_ =	sdelay $0x3  }
0x33: {  	p0 =	seq.s32 s10, $0x1;
	s10 =	sld [smem:$0x3FA9];
	_ =	sdelay $0x3  }
0x34: {  	[smem:$0x3FA9] =	sst s10  }
0x35: {  	s10 =	sld [smem:$0x3FA8];
	_ =	sdelay $0x3  }
0x36: {  	p1 =	seq.s32 s10, $0x1;
	s10 =	sld [smem:$0x3FA9];
	_ =	sdelay $0x3  }
0x37: {  	[smem:$0x3FA9] =	sst s10  }
0x38: {  	s10 =	sld [smem:$0x3FAA]  }
0x39: {  	_ = 	snop;
	(pc) =	sbr.ind lr, $3  }
0x3a: {  	_ = 	snop  }
0x3b: {  	_ = 	snop  }
0x3c: {  	p2 =	seq.s32 s10, $0x1;
	s10 =	sld [smem:$0x3FA9]  }
0x3d: {  	_ =	shalt  }
0x3e: {  	_ =	shalt  }
0x3f: {  	_ =	shalt  }
0x40: {  	_ =	shalt  }
0x41: {  	_ =	shalt  }
0x42: {  	_ =	shalt  }
0x43: {  	_ =	shalt  }
0x44: {  	_ =	shalt  }
0x45: {  	_ =	shalt  }
0x46: {  	_ =	shalt  }
0x47: {  	_ =	shalt  }
0x48: {  	_ =	shalt  }
0x49: {  	_ =	shalt  }
0x4a: {  	_ =	shalt  }
0x4b: {  	_ =	shalt  }
0x4c: {  	_ =	shalt  }
0x4d: {  	_ =	shalt  }
0x4e: {  	_ =	shalt  }
0x4f: {  	_ =	shalt  }
0x50: {  	_ =	shalt  }
0x51: {  	_ =	shalt  }
0x52: {  	_ =	shalt  }
0x53: {  	_ =	shalt  }
0x54: {  	_ =	shalt  }
0x55: {  	_ =	shalt  }
0x56: {  	_ =	shalt  }
0x57: {  	_ =	shalt  }
0x58: {  	_ =	shalt  }
0x59: {  	_ =	shalt  }
0x5a: {  	_ =	shalt  }
0x5b: {  	_ =	shalt  }
0x5c: {  	_ =	shalt  }
0x5d: {  	_ =	shalt  }
0x5e: {  	_ =	shalt  }
0x5f: {  	_ =	shalt  }
0x60: {  	_ =	shalt  }
0x61: {  	_ =	shalt  }
0x62: {  	_ =	shalt  }
0x63: {  	_ =	shalt  }
0x64: {  	_ =	shalt  }
0x65: {  	_ =	shalt  }
0x66: {  	_ =	shalt  }
0x67: {  	_ =	shalt  }
0x68: {  	_ =	shalt  }
0x69: {  	_ =	shalt  }
0x6a: {  	_ =	shalt  }
0x6b: {  	_ =	shalt  }
0x6c: {  	_ =	shalt  }
0x6d: {  	_ =	shalt  }
0x6e: {  	_ =	shalt  }
0x6f: {  	_ =	shalt  }
0x70: {  	_ =	shalt  }
0x71: {  	_ =	shalt  }
0x72: {  	_ =	shalt  }
0x73: {  	_ =	shalt  }
0x74: {  	_ =	shalt  }
0x75: {  	_ =	shalt  }
0x76: {  	_ =	shalt  }
0x77: {  	_ =	shalt  }
0x78: {  	_ =	shalt  }
0x79: {  	_ =	shalt  }
0x7a: {  	_ =	shalt  }
0x7b: {  	_ =	shalt  }
0x7c: {  	_ =	shalt  }
0x7d: {  	_ =	shalt  }
0x7e: {  	_ =	shalt  }
0x7f: {  	_ =	shalt  }
0x80: {  	_ =	shalt  }
0x81: {  	_ =	shalt  }
0x82: {  	_ =	shalt  }
0x83: {  	_ =	shalt  }
0x84: {  	_ =	shalt  }
0x85: {  	_ =	shalt  }
0x86: {  	_ =	shalt  }
0x87: {  	_ =	shalt  }
.Lfunc_end0:
.L_simem_size_0:
called_computation.1_lowered:
.L_overlay_start_0:
0x88: {  	s2 =	sld [smem:$0x3FD9]  }
0x89: {  	s3 =	sld [smem:$0x3FFE];
	_ =	sdelay $0x1  }
0x8a: {  	s1 =	srdreg.scid  }
0x8b: {  	s0 =	sand.u32 $0x1, s1  }
0x8c: {  	s16 =	sshll.u32 s0, $0xA;
	s2 =	sadd.s32 s3, s2  }
0x8d: {  	s2 =	sadd.s32 s2, s16  }
0x8e: {  	[smem:$0x3FB5] =	sst s2  }
0x8f: {  	_ = 	snop  }
0x90: {  	(tm) =	ssettm $0x1  }
0x91: {  	s17 =	sld [smem:$0x3FFB];
	_ =	sdelay $0x3  }
0x92: {  	_ =	strace s17  }
0x93: {  	s2 =	sld [smem:$0x3FFC];
	_ =	sdelay $0x3  }
0x94: {  	_ =	strace s2  }
0x95: {  	s2 =	sld [smem:$0x3FFD];
	_ =	sdelay $0x3  }
0x96: {  	_ =	strace s2  }
0x97: {  	_ =	strace $0x8FFFFFFF  }
0x98: {  	s18 =	sld [smem:$0x3FDB];
	_ =	sdelay $0x1  }
0x99: {  	s19 =	simm.s32 $_scs_section_size  }
0x9a: {  	s4 =	simm.s32 $_size__tile_overlayer_lowered;
	s5 =	simm.s32 $_tile_overlayer_lowered  }
0x9b: {  	s22 =	simm.s32 $0x1BFF;
	s21 =	sshll.u32 s5, $0x1;
	s2 =	sadd.s32 s19, s18  }
0x9c: {  	s6 =	simm.s32 $0x0;
	s20 =	sshll.u32 s4, $0x1;
	s4 =	sadd.s32 s21, s2  }
0x9d: {  	[timem:s6], [sflag:s22] =	dma.local [hbm:s4], s20  }
0x9e: {  	_ =	swait.ge [sflag:s22], s20  }
0x9f: {  	s3 =	ssub.s32 $0x0, s20;
	[sflag:s22] =	ssyncset.done $0x0  }
0xa0: {  	[sflag:s22] =	ssyncadd.s32 s3;
	_ =	sdelay $0x1  }
0xa1: {  	s23 =	simm.s32 $0x1B8B  }
0xa2: {  	_ =	swait.ge [sflag:s23], $0x1  }
0xa3: {  	[sflag:s23] =	ssyncset.done $0x0  }
0xa4: {  	s25 =	simm.s32 $0x1B8E;
	s24 =	sld [smem:$0x3FFE];
	[sflag:s23] =	ssyncadd.s32 $0xFFFFFFFF  }
0xa5: {  	s26 =	simm.s32 $execute0_lowered;
	[smem:$0x3FD2] =	sst s25  }
0xa6: {  	s4 =	sshll.u32 s26, $0x1;
	_ =	strace $0x80000049;
	[dreg:$0x1] =	wrdreg $0xFFFFFFFF  }
0xa7: {  	s28 =	simm.s32 $_size_execute0_lowered;
	s2 =	sadd.s32 s2, s4;
	[dreg:$0x0] =	wrdreg $0x0  }
0xa8: {  	s4 =	sshll.u32 s28, $0x1;
	[dreg:$0x2] =	wrdreg s2  }
0xa9: {  	[dreg:$0x3] =	wrdreg s4  }
0xaa: {  	[dreg:$0x4] =	wrdreg $0xC0  }
0xab: {  	_ =	task [dreg:s6], $0x5FFFF  }
0xac: {  	[dreg:$0x1] =	wrdreg $0xFFFFFFFF  }
0xad: {  	[dreg:$0x0] =	wrdreg $0x60  }
0xae: {  	[dreg:$0x2] =	wrdreg s24  }
0xaf: {  	[dreg:$0x3] =	wrdreg $0x9  }
0xb0: {  	_ =	task.clear_ibuf [dreg:s6], $0x4FFFF;
	_ =	strace $0x90000049  }
0xb1: {  	s29 =	simm.s32 $0x9;
	_ =	strace $0x8000004B  }
0xb2: {  	_ =	swait.ge [sflag:s29], $0x1  }
0xb3: {  	[sflag:s29] =	ssyncadd.s32 $0xFFFFFFFF  }
0xb4: {  	_ =	strace $0x9000004B  }
0xb5: {  	_ =	sfence  }
0xb6: {  	s30 =	sld [smem:$0x0];
	_ =	sdelay $0x2  }
0xb7: {  	s31 =	sshll.u32 s1, $0xD;
	s1 =	sshrl.u32 s1, $0x2  }
0xb8: {  	s3 =	sand.u32 $0x4000, s31;
	s1 =	sadd.s32 s1, s30  }
0xb9: {  	s0 =	sor.u32 s3, s0;
	s1 =	sshll.u32 s1, $0x11  }
0xba: {  	s0 =	sor.u32 s1, s0  }
0xbb: {  	s0 =	sadd.s32 $0x8F2B, s0  }
0xbc: {  	[sflag:s0] =	ssyncadd.remote.s32 $0x1  }
0xbd: {  	_ =	sfence.sel $0xFFFF  }
0xbe: {  	[dreg:$0x0] =	wrdreg $0xFFFFFFFF;
	(pc) =	sbr.abs _section_cstart, $3  }
0xbf: {  	[dreg:$0x1] =	wrdreg $0xFFFFFFFF  }
0xc0: {  	_ =	task.clear_ibuf [dreg:s6], $0x2FFFF;
	_ =	strace $0x9FFFFFFF  }
0xc1: {  	(tm) =	ssettm $0x7FFFFFFF  }
tec
execute0_lowered:
.L_overlay_start_1:
0x0: {  	(tag) =	ssettag $0x1  }
0x1: {  	s6 =	rddreg [dreg:$0x0]  }
0x2: {  	s24 =	rddreg [dreg:$0x1];
	s2 =	simm.s32 $0x0  }
0x3: {  	s1 =	srdreg.scid;
	s0 =	stileid.u32;
	p1 =	por $0x0, $0x0  }
0x4: {  	[smem:$0x7FF] =	sst s2;
	s5 =	sand.u32 $0x1, s1;
	s19 =	sshll.u32 s0, $0x1  }
0x5: {  	s3 =	sadd.s32 $0x173400, s6;
	s1 =	sadd.s32 $0x4C00, s6;
	s4 =	sadd.s32 $0x3DC00, s6  }
0x6: {  	s17 =	sadd.s32 $0x56400, s6;
	p0 =	sne.s32 s0, $0x0;
	_ =	strace $0x8000004A  }
0x7: {  	s7 =	sor.u32 s5, s19;
	s9 =	ssub.s32 $0x2, s5;
	s11 =	sshll.u32 s5, $0x6  }
0x8: {  	s5 =	sshll.u32 s5, $0x3;
	s8 =	sshll.u32 s7, $0x7;
	s12 =	sshrl.u32 s9, $0x1  }
0x9: {  	s13 =	sshll.u32 s7, $0x6;
	s7 =	sshll.u32 s7, $0xA;
	s5 =	sadd.s32 s5, s3  }
0xa: {  	s10 =	sand.u32 $0xF00, s8;
	s8 =	sor.u32 s11, s8;
	s20 =	sor.u32 $0x800, s13  }
0xb: {  	s16 =	sand.u32 $0x40, s13;
	s23 =	sor.u32 $0x1000, s13;
	s6 =	sadd.s32 s7, s17  }
0xc: {  	s19 =	ssub.s32 s9, s12;
	s12 =	simm.s32 $0x6000;
	s10 =	sor.u32 s11, s10  }
0xd: {  	s8 =	sshrl.u32 s8, $0x3;
	s14 =	sshll.u32 s20, $0x1;
	s25 =	sshll.u32 s23, $0x1  }
0xe: {  	s18 =	sshll.u32 s20, $0x4;
	[dreg:$0x9] =	wrdreg s6;
	s23 =	sshll.u32 s23, $0x4  }
0xf: {  	s11 =	simm.s32 $0x4000;
	s10 =	sshrl.u32 s10, $0x3;
	s8 =	sor.u32 $0x10, s8  }
0x10: {  	s15 =	sand.u32 $0x1F00, s14;
	s14 =	sor.u32 s16, s14;
	s28 =	sand.u32 $0x2F00, s25  }
0x11: {  	s20 =	sadd.s32 s4, s18;
	s9 =	sadd.s32 s4, s23;
	s10 =	sadd.s32 s3, s10  }
0x12: {  	s8 =	sadd.s32 s3, s8;
	s21 =	sor.u32 s16, s15;
	s26 =	sshrl.u32 s14, $0x3  }
0x13: {  	s14 =	sor.u32 s16, s28;
	s15 =	sor.u32 s16, s25;
	[dreg:$0xa] =	wrdreg s20  }
0x14: {  	s16 =	sadd.s32 s4, s7;
	s7 =	sadd.s32 $0x600, s5;
	[dreg:$0x2] =	wrdreg s10  }
0x15: {  	s20 =	simm.s32 $0x10180;
	[dreg:$0x3] =	wrdreg s8;
	s22 =	sshrl.u32 s21, $0x3  }
0x16: {  	s14 =	sshrl.u32 s14, $0x3;
	s15 =	sshrl.u32 s15, $0x3;
	[dreg:$0x8] =	wrdreg s16  }
0x17: {  	s21 =	sadd.s32 s18, s17;
	s16 =	simm.s32 $0x3;
	s10 =	simm.s32 $0x2000  }
0x18: {  	s18 =	simm.s32 $0x10280;
	s8 =	sadd.s32 s3, s22;
	s29 =	sadd.s32 s3, s14  }
0x19: {  	s30 =	sor.u32 $0x10, s15;
	s22 =	sor.u32 $0x1800, s13;
	[dreg:$0xb] =	wrdreg s21  }
0x1a: {  	s21 =	simm.s32 $0x10100;
	s14 =	simm.s32 $0xA000;
	[dreg:$0x4] =	wrdreg s8  }
0x1b: {  	s8 =	sor.u32 $0x10, s26;
	[dreg:$0x6] =	wrdreg s29;
	s15 =	sadd.s32 s3, s30  }
0x1c: {  	s25 =	sshll.u32 s22, $0x1;
	s28 =	sshll.u32 s22, $0x4;
	s30 =	smax.u32 s19, $0x1  }
0x1d: {  	s22 =	simm.s32 $0x10080;
	s19 =	simm.s32 $0x10200;
	s0 =	sadd.s32 $0xFFFFFFFF, s30  }
0x1e: {  	s8 =	sadd.s32 s3, s8;
	[dreg:$0x7] =	wrdreg s15;
	p2 =	sne.s32 s0, $0x0  }
.Ltmp0:
0x1f: {  	s5 =	sadd.s32 s28, s17;
	s15 =	simm.s32 $0x1;
	(pc) =	sbr.rel @!p2 .LBB2_1-.Ltmp0, $4  }
0x20: {  	[dreg:$0x5] =	wrdreg s8;
	s8 =	sadd.s32 s13, s25;
	s25 =	sadd.s32 s23, s17  }
0x21: {  	s23 =	simm.s32 $0x10000;
	s17 =	simm.s32 $0x40;
	s26 =	sshrl.u32 s8, $0x3  }
0x22: {  	s13 =	simm.s32 $0x8000;
	s8 =	sadd.s32 s4, s28;
	s29 =	sor.u32 $0x10, s26  }
0x23: {  	s4 =	rddreg [dreg:$0x2];
	s31 =	sadd.s32 s3, s29;
	s3 =	simm.s32 $0x2  }
0x24: {  	[tilespmem:s23], [sflag:$0x3] =	stream.linear.gather [hbm4b:s4+s2], $0x40, $0x38;
	[tilespmem:$0x10400] =	vst v63  }
0x25: {  	_ =	swait.ge [sflag:s16], $0x40  }
0x26: {  	[sflag:s16] =	ssyncset.done $0x0  }
0x27: {  	[sflag:s16] =	ssyncadd.s32 $0xFFFFFFC0  }
0x28: {  	[tilespmem:s2], [sflag:$0x1] =	stream.indirect.gather [hbm4b:s1+s17], $0x80, s23, s17, $0xb8;
	[tilespmem:$0x10400] =	vst v63  }
0x29: {  	s6 =	rddreg [dreg:$0x3]  }
0x2a: {  	[tilespmem:s22], [sflag:$0x3] =	stream.linear.gather [hbm4b:s6+s2], $0x40, $0x38;
	[tilespmem:$0x10400] =	vst v63  }
0x2b: {  	_ =	swait.ge [sflag:s16], $0x40  }
0x2c: {  	[sflag:s16] =	ssyncset.done $0x0  }
0x2d: {  	[sflag:s16] =	ssyncadd.s32 $0xFFFFFFC0  }
0x2e: {  	[tilespmem:s10], [sflag:$0x1] =	stream.indirect.gather [hbm4b:s1+s17], $0x80, s22, s17, $0xb8;
	[tilespmem:$0x10400] =	vst v63  }
0x2f: {  	s24 =	rddreg [dreg:$0x4]  }
0x30: {  	[tilespmem:s21], [sflag:$0x3] =	stream.linear.gather [hbm4b:s24+s2], $0x40, $0x38;
	[tilespmem:$0x10400] =	vst v63  }
0x31: {  	_ =	swait.ge [sflag:s16], $0x40  }
0x32: {  	[sflag:s16] =	ssyncset.done $0x0  }
0x33: {  	[sflag:s16] =	ssyncadd.s32 $0xFFFFFFC0  }
0x34: {  	[tilespmem:s11], [sflag:$0x1] =	stream.indirect.gather [hbm4b:s1+s17], $0x80, s21, s17, $0xb8;
	[tilespmem:$0x10400] =	vst v63  }
0x35: {  	s26 =	rddreg [dreg:$0x5]  }
0x36: {  	[tilespmem:s20], [sflag:$0x3] =	stream.linear.gather [hbm4b:s26+s2], $0x40, $0x38;
	[tilespmem:$0x10400] =	vst v63  }
0x37: {  	_ =	swait.ge [sflag:s16], $0x40  }
0x38: {  	[sflag:s16] =	ssyncset.done $0x0  }
0x39: {  	[sflag:s16] =	ssyncadd.s32 $0xFFFFFFC0  }
0x3a: {  	[tilespmem:s12], [sflag:$0x1] =	stream.indirect.gather [hbm4b:s1+s17], $0x80, s20, s17, $0xb8;
	[tilespmem:$0x10400] =	vst v63  }
0x3b: {  	s6 =	rddreg [dreg:$0x6]  }
0x3c: {  	[tilespmem:s19], [sflag:$0x3] =	stream.linear.gather [hbm4b:s6+s2], $0x40, $0x38;
	[tilespmem:$0x10400] =	vst v63  }
0x3d: {  	_ =	swait.ge [sflag:s16], $0x40  }
0x3e: {  	[sflag:s16] =	ssyncset.done $0x0  }
0x3f: {  	[sflag:s16] =	ssyncadd.s32 $0xFFFFFFC0  }
0x40: {  	[tilespmem:s13], [sflag:$0x1] =	stream.indirect.gather [hbm4b:s1+s17], $0x80, s19, s17, $0xb8;
	[tilespmem:$0x10400] =	vst v63  }
0x41: {  	s21 =	rddreg [dreg:$0x7]  }
0x42: {  	[tilespmem:s18], [sflag:$0x3] =	stream.linear.gather [hbm4b:s21+s2], $0x40, $0x38;
	[tilespmem:$0x10400] =	vst v63  }
0x43: {  	_ =	swait.ge [sflag:s16], $0x40  }
0x44: {  	[sflag:s16] =	ssyncset.done $0x0  }
0x45: {  	[sflag:s16] =	ssyncadd.s32 $0xFFFFFFC0  }
0x46: {  	[tilespmem:s14], [sflag:$0x1] =	stream.indirect.gather [hbm4b:s1+s17], $0x80, s18, s17, $0xb8;
	[tilespmem:$0x10400] =	vst v63  }
0x47: {  	_ =	swait.ge [sflag:s15], $0x2000  }
0x48: {  	[sflag:s15] =	ssyncset.done $0x0  }
0x49: {  	[sflag:s15] =	ssyncadd.s32 $0xFFFFE000  }
0x4a: {  	_ =	swait.ge [sflag:s15], $0x2000  }
0x4b: {  	[sflag:s15] =	ssyncset.done $0x0  }
0x4c: {  	[sflag:s15] =	ssyncadd.s32 $0xFFFFE000  }
0x4d: {  	_ =	swait.ge [sflag:s15], $0x2000  }
0x4e: {  	[sflag:s15] =	ssyncset.done $0x0  }
0x4f: {  	[sflag:s15] =	ssyncadd.s32 $0xFFFFE000  }
0x50: {  	_ =	swait.ge [sflag:s15], $0x2000  }
0x51: {  	[sflag:s15] =	ssyncset.done $0x0  }
0x52: {  	[sflag:s15] =	ssyncadd.s32 $0xFFFFE000  }
0x53: {  	_ =	swait.ge [sflag:s15], $0x2000  }
0x54: {  	[sflag:s15] =	ssyncset.done $0x0  }
0x55: {  	[sflag:s15] =	ssyncadd.s32 $0xFFFFE000  }
0x56: {  	_ =	swait.ge [sflag:s15], $0x2000  }
0x57: {  	[sflag:s15] =	ssyncset.done $0x0  }
0x58: {  	s22 =	rddreg [dreg:$0x8];
	[sflag:s15] =	ssyncadd.s32 $0xFFFFE000  }
0x59: {  	[hbm4b:s22+s2] =	stream.linear.scatter [tilespmem:s2], [sflag:$0x2], $0x2000, $0x38;
	[tilespmem:$0x10400] =	vst v63  }
0x5a: {  	s24 =	rddreg [dreg:$0x9]  }
0x5b: {  	[hbm4b:s24+s2] =	stream.linear.scatter [tilespmem:s10], [sflag:$0x2], $0x2000, $0x38;
	[tilespmem:$0x10400] =	vst v63  }
0x5c: {  	s23 =	rddreg [dreg:$0xa]  }
0x5d: {  	[hbm4b:s23+s2] =	stream.linear.scatter [tilespmem:s11], [sflag:$0x2], $0x2000, $0x38;
	[tilespmem:$0x10400] =	vst v63  }
0x5e: {  	s26 =	rddreg [dreg:$0xb]  }
0x5f: {  	[hbm4b:s26+s2] =	stream.linear.scatter [tilespmem:s12], [sflag:$0x2], $0x2000, $0x38;
	[tilespmem:$0x10400] =	vst v63  }
0x60: {  	_ = 	snop  }
0x61: {  	[hbm4b:s9+s2] =	stream.linear.scatter [tilespmem:s13], [sflag:$0x2], $0x2000, $0x38;
	[tilespmem:$0x10400] =	vst v63  }
0x62: {  	s4 =	simm.s32 @!p0 $0x10300  }
0x63: {  	[hbm4b:s25+s2] =	stream.linear.scatter [tilespmem:s14], [sflag:$0x2], $0x2000, $0x38;
	[tilespmem:$0x10400] =	vst v63  }
0x64: {  	[dreg:$0xc] =	wrdreg s25;
	s24 =	simm.s32 @!p0 $0x0;
	s26 =	simm.s32 @!p0 $0x3  }
0x65: {  	[tilespmem:s4], [sflag:$0x3] =	stream.linear.gather @!p0 [hbm4b:s7+s24], $0x40, $0x38;
	[tilespmem:$0x10400] =	vst v63  }
0x66: {  	_ =	swait.ge @!p0 [sflag:s26], $0x40  }
0x67: {  	[sflag:s26] =	ssyncset.done @!p0 $0x0  }
0x68: {  	s28 =	simm.s32 @!p0 $0x40;
	s29 =	simm.s32 @!p0 $0xC000;
	[sflag:s26] =	ssyncadd.s32 @!p0 $0xFFFFFFC0  }
0x69: {  	[tilespmem:s29], [sflag:$0x3] =	stream.indirect.gather @!p0 [hbm4b:s1+s28], $0x80, s4, s28, $0xb8;
	[tilespmem:$0x10400] =	vst v63  }
0x6a: {  	_ =	swait.ge @!p0 [sflag:s26], $0x2000  }
0x6b: {  	[sflag:s26] =	ssyncset.done @!p0 $0x0  }
0x6c: {  	[sflag:s26] =	ssyncadd.s32 @!p0 $0xFFFFE000  }
0x6d: {  	[hbm4b:s8+s24] =	stream.linear.scatter @!p0 [tilespmem:s29], [sflag:$0x3], $0x2000, $0x38;
	[tilespmem:$0x10400] =	vst v63  }
0x6e: {  	_ =	swait.ge @!p0 [sflag:s26], $0x2000  }
0x6f: {  	[sflag:s26] =	ssyncset.done @!p0 $0x0  }
0x70: {  	s30 =	simm.s32 @!p0 $0x10380;
	[sflag:s26] =	ssyncadd.s32 @!p0 $0xFFFFE000  }
0x71: {  	[tilespmem:s30], [sflag:$0x3] =	stream.linear.gather @!p0 [hbm4b:s31+s24], $0x40, $0x38;
	[tilespmem:$0x10400] =	vst v63  }
0x72: {  	_ =	swait.ge @!p0 [sflag:s26], $0x40  }
0x73: {  	s10 =	smov.u32 s7;
	[sflag:s26] =	ssyncset.done @!p0 $0x0  }
0x74: {  	s7 =	smov.u32 s31;
	s31 =	simm.s32 @!p0 $0xE000;
	[sflag:s26] =	ssyncadd.s32 @!p0 $0xFFFFFFC0  }
0x75: {  	[tilespmem:s31], [sflag:$0x3] =	stream.indirect.gather @!p0 [hbm4b:s1+s28], $0x80, s30, s28, $0xb8;
	[tilespmem:$0x10400] =	vst v63  }
0x76: {  	_ =	swait.ge @!p0 [sflag:s26], $0x2000  }
0x77: {  	[sflag:s26] =	ssyncset.done @!p0 $0x0  }
0x78: {  	[sflag:s26] =	ssyncadd.s32 @!p0 $0xFFFFE000  }
0x79: {  	[hbm4b:s5+s24] =	stream.linear.scatter @!p0 [tilespmem:s31], [sflag:$0x3], $0x2000, $0x38;
	[tilespmem:$0x10400] =	vst v63  }
0x7a: {  	_ =	swait.ge @!p0 [sflag:s26], $0x2000  }
0x7b: {  	[sflag:s26] =	ssyncset.done @!p0 $0x0  }
0x7c: {  	[sflag:s26] =	ssyncadd.s32 @!p0 $0xFFFFE000  }
0x7d: {  	_ =	swait.ge [sflag:s3], $0x2000  }
0x7e: {  	[sflag:s3] =	ssyncset.done $0x0  }
0x7f: {  	[sflag:s3] =	ssyncadd.s32 $0xFFFFE000  }
0x80: {  	_ =	swait.ge [sflag:s3], $0x2000  }
0x81: {  	[sflag:s3] =	ssyncset.done $0x0  }
0x82: {  	[sflag:s3] =	ssyncadd.s32 $0xFFFFE000  }
0x83: {  	_ =	swait.ge [sflag:s3], $0x2000  }
0x84: {  	[sflag:s3] =	ssyncset.done $0x0  }
0x85: {  	[sflag:s3] =	ssyncadd.s32 $0xFFFFE000  }
0x86: {  	s0 =	sadd.s32 $0xFFFFFFFF, s0;
	p1 =	por $0x1, $0x1;
	_ =	swait.ge [sflag:s3], $0x2000  }
0x87: {  	p2 =	sne.s32 s0, $0x0;
	s20 =	simm.s32 $0x10280;
	[sflag:s3] =	ssyncset.done $0x0  }
0x88: {  	s19 =	simm.s32 $0xA000;
	s21 =	simm.s32 $0x10200;
	[sflag:s3] =	ssyncadd.s32 $0xFFFFE000  }
.Ltmp1:
0x89: {  	s18 =	simm.s32 $0x8000;
	_ =	swait.ge [sflag:s3], $0x2000;
	(pc) =	sbr.rel @!p2 .LBB2_3-.Ltmp1, $4  }
0x8a: {  	s22 =	simm.s32 $0x10180;
	s11 =	simm.s32 $0x10080;
	[sflag:s3] =	ssyncset.done $0x0  }
0x8b: {  	s23 =	simm.s32 $0x10100;
	s12 =	simm.s32 $0x2000;
	[sflag:s3] =	ssyncadd.s32 $0xFFFFE000  }
0x8c: {  	s13 =	simm.s32 $0x4000;
	s25 =	simm.s32 $0x10000;
	_ =	swait.ge [sflag:s3], $0x2000  }
0x8d: {  	s14 =	simm.s32 $0x6000;
	s4 =	rddreg [dreg:$0x2];
	[sflag:s3] =	ssyncset.done $0x0  }
.LBB2_4:
0x8e: {  	[sflag:s3] =	ssyncadd.s32 $0xFFFFE000  }
0x8f: {  	[tilespmem:s25], [sflag:$0x3] =	stream.linear.gather [hbm4b:s4+s2], $0x40, $0x38;
	[tilespmem:$0x10400] =	vst v63  }
0x90: {  	_ =	swait.ge [sflag:s16], $0x40  }
0x91: {  	[sflag:s16] =	ssyncset.done $0x0  }
0x92: {  	[sflag:s16] =	ssyncadd.s32 $0xFFFFFFC0  }
0x93: {  	[tilespmem:s2], [sflag:$0x1] =	stream.indirect.gather [hbm4b:s1+s17], $0x80, s25, s17, $0xb8;
	[tilespmem:$0x10400] =	vst v63  }
0x94: {  	s6 =	rddreg [dreg:$0x3]  }
0x95: {  	[tilespmem:s11], [sflag:$0x3] =	stream.linear.gather [hbm4b:s6+s2], $0x40, $0x38;
	[tilespmem:$0x10400] =	vst v63  }
0x96: {  	_ =	swait.ge [sflag:s16], $0x40  }
0x97: {  	[sflag:s16] =	ssyncset.done $0x0  }
0x98: {  	[sflag:s16] =	ssyncadd.s32 $0xFFFFFFC0  }
0x99: {  	[tilespmem:s12], [sflag:$0x1] =	stream.indirect.gather [hbm4b:s1+s17], $0x80, s11, s17, $0xb8;
	[tilespmem:$0x10400] =	vst v63  }
0x9a: {  	s6 =	rddreg [dreg:$0x4]  }
0x9b: {  	[tilespmem:s23], [sflag:$0x3] =	stream.linear.gather [hbm4b:s6+s2], $0x40, $0x38;
	[tilespmem:$0x10400] =	vst v63  }
0x9c: {  	_ =	swait.ge [sflag:s16], $0x40  }
0x9d: {  	[sflag:s16] =	ssyncset.done $0x0  }
0x9e: {  	[sflag:s16] =	ssyncadd.s32 $0xFFFFFFC0  }
0x9f: {  	[tilespmem:s13], [sflag:$0x1] =	stream.indirect.gather [hbm4b:s1+s17], $0x80, s23, s17, $0xb8;
	[tilespmem:$0x10400] =	vst v63  }
0xa0: {  	s6 =	rddreg [dreg:$0x5]  }
0xa1: {  	[tilespmem:s22], [sflag:$0x3] =	stream.linear.gather [hbm4b:s6+s2], $0x40, $0x38;
	[tilespmem:$0x10400] =	vst v63  }
0xa2: {  	_ =	swait.ge [sflag:s16], $0x40  }
0xa3: {  	[sflag:s16] =	ssyncset.done $0x0  }
0xa4: {  	[sflag:s16] =	ssyncadd.s32 $0xFFFFFFC0  }
0xa5: {  	[tilespmem:s14], [sflag:$0x1] =	stream.indirect.gather [hbm4b:s1+s17], $0x80, s22, s17, $0xb8;
	[tilespmem:$0x10400] =	vst v63  }
0xa6: {  	s6 =	rddreg [dreg:$0x6]  }
0xa7: {  	[tilespmem:s21], [sflag:$0x3] =	stream.linear.gather [hbm4b:s6+s2], $0x40, $0x38;
	[tilespmem:$0x10400] =	vst v63  }
0xa8: {  	_ =	swait.ge [sflag:s16], $0x40  }
0xa9: {  	[sflag:s16] =	ssyncset.done $0x0  }
0xaa: {  	[sflag:s16] =	ssyncadd.s32 $0xFFFFFFC0  }
0xab: {  	[tilespmem:s18], [sflag:$0x1] =	stream.indirect.gather [hbm4b:s1+s17], $0x80, s21, s17, $0xb8;
	[tilespmem:$0x10400] =	vst v63  }
0xac: {  	s6 =	rddreg [dreg:$0x7]  }
0xad: {  	[tilespmem:s20], [sflag:$0x3] =	stream.linear.gather [hbm4b:s6+s2], $0x40, $0x38;
	[tilespmem:$0x10400] =	vst v63  }
0xae: {  	_ =	swait.ge [sflag:s16], $0x40  }
0xaf: {  	[sflag:s16] =	ssyncset.done $0x0  }
0xb0: {  	[sflag:s16] =	ssyncadd.s32 $0xFFFFFFC0  }
0xb1: {  	[tilespmem:s19], [sflag:$0x1] =	stream.indirect.gather [hbm4b:s1+s17], $0x80, s20, s17, $0xb8;
	[tilespmem:$0x10400] =	vst v63  }
0xb2: {  	_ =	swait.ge [sflag:s15], $0x2000  }
0xb3: {  	[sflag:s15] =	ssyncset.done $0x0  }
0xb4: {  	[sflag:s15] =	ssyncadd.s32 $0xFFFFE000  }
0xb5: {  	_ =	swait.ge [sflag:s15], $0x2000  }
0xb6: {  	[sflag:s15] =	ssyncset.done $0x0  }
0xb7: {  	[sflag:s15] =	ssyncadd.s32 $0xFFFFE000  }
0xb8: {  	_ =	swait.ge [sflag:s15], $0x2000  }
0xb9: {  	[sflag:s15] =	ssyncset.done $0x0  }
0xba: {  	[sflag:s15] =	ssyncadd.s32 $0xFFFFE000  }
0xbb: {  	_ =	swait.ge [sflag:s15], $0x2000  }
0xbc: {  	[sflag:s15] =	ssyncset.done $0x0  }
0xbd: {  	[sflag:s15] =	ssyncadd.s32 $0xFFFFE000  }
0xbe: {  	_ =	swait.ge [sflag:s15], $0x2000  }
0xbf: {  	[sflag:s15] =	ssyncset.done $0x0  }
0xc0: {  	[sflag:s15] =	ssyncadd.s32 $0xFFFFE000  }
0xc1: {  	_ =	swait.ge [sflag:s15], $0x2000  }
0xc2: {  	[sflag:s15] =	ssyncset.done $0x0  }
0xc3: {  	s4 =	rddreg [dreg:$0x8];
	[sflag:s15] =	ssyncadd.s32 $0xFFFFE000  }
0xc4: {  	[hbm4b:s4+s2] =	stream.linear.scatter [tilespmem:s2], [sflag:$0x2], $0x2000, $0x38;
	[tilespmem:$0x10400] =	vst v63  }
0xc5: {  	s6 =	smov.u32 s5;
	s5 =	rddreg [dreg:$0x9]  }
0xc6: {  	[hbm4b:s5+s2] =	stream.linear.scatter [tilespmem:s12], [sflag:$0x2], $0x2000, $0x38;
	[tilespmem:$0x10400] =	vst v63  }
0xc7: {  	s4 =	rddreg [dreg:$0xa]  }
0xc8: {  	[hbm4b:s4+s2] =	stream.linear.scatter [tilespmem:s13], [sflag:$0x2], $0x2000, $0x38;
	[tilespmem:$0x10400] =	vst v63  }
0xc9: {  	s5 =	rddreg [dreg:$0xb]  }
0xca: {  	[hbm4b:s5+s2] =	stream.linear.scatter [tilespmem:s14], [sflag:$0x2], $0x2000, $0x38;
	[tilespmem:$0x10400] =	vst v63  }
0xcb: {  	_ = 	snop  }
0xcc: {  	[hbm4b:s9+s2] =	stream.linear.scatter [tilespmem:s18], [sflag:$0x2], $0x2000, $0x38;
	[tilespmem:$0x10400] =	vst v63  }
0xcd: {  	s4 =	rddreg [dreg:$0xc]  }
0xce: {  	[hbm4b:s4+s2] =	stream.linear.scatter [tilespmem:s19], [sflag:$0x2], $0x2000, $0x38;
	[tilespmem:$0x10400] =	vst v63  }
0xcf: {  	s4 =	simm.s32 @!p0 $0x10300  }
0xd0: {  	[tilespmem:s4], [sflag:$0x3] =	stream.linear.gather @!p0 [hbm4b:s10+s24], $0x40, $0x38;
	[tilespmem:$0x10400] =	vst v63  }
0xd1: {  	_ =	swait.ge @!p0 [sflag:s26], $0x40  }
0xd2: {  	[sflag:s26] =	ssyncset.done @!p0 $0x0  }
0xd3: {  	[sflag:s26] =	ssyncadd.s32 @!p0 $0xFFFFFFC0  }
0xd4: {  	[tilespmem:s29], [sflag:$0x3] =	stream.indirect.gather @!p0 [hbm4b:s1+s28], $0x80, s4, s28, $0xb8;
	[tilespmem:$0x10400] =	vst v63  }
0xd5: {  	_ =	swait.ge @!p0 [sflag:s26], $0x2000  }
0xd6: {  	[sflag:s26] =	ssyncset.done @!p0 $0x0  }
0xd7: {  	[sflag:s26] =	ssyncadd.s32 @!p0 $0xFFFFE000  }
0xd8: {  	[hbm4b:s8+s24] =	stream.linear.scatter @!p0 [tilespmem:s29], [sflag:$0x3], $0x2000, $0x38;
	[tilespmem:$0x10400] =	vst v63  }
0xd9: {  	_ =	swait.ge @!p0 [sflag:s26], $0x2000  }
0xda: {  	[sflag:s26] =	ssyncset.done @!p0 $0x0  }
0xdb: {  	[sflag:s26] =	ssyncadd.s32 @!p0 $0xFFFFE000  }
0xdc: {  	[tilespmem:s30], [sflag:$0x3] =	stream.linear.gather @!p0 [hbm4b:s7+s24], $0x40, $0x38;
	[tilespmem:$0x10400] =	vst v63  }
0xdd: {  	_ =	swait.ge @!p0 [sflag:s26], $0x40  }
0xde: {  	[sflag:s26] =	ssyncset.done @!p0 $0x0  }
0xdf: {  	[sflag:s26] =	ssyncadd.s32 @!p0 $0xFFFFFFC0  }
0xe0: {  	[tilespmem:s31], [sflag:$0x3] =	stream.indirect.gather @!p0 [hbm4b:s1+s28], $0x80, s30, s28, $0xb8;
	[tilespmem:$0x10400] =	vst v63  }
0xe1: {  	_ =	swait.ge @!p0 [sflag:s26], $0x2000  }
0xe2: {  	[sflag:s26] =	ssyncset.done @!p0 $0x0  }
0xe3: {  	[sflag:s26] =	ssyncadd.s32 @!p0 $0xFFFFE000  }
0xe4: {  	[hbm4b:s6+s24] =	stream.linear.scatter @!p0 [tilespmem:s31], [sflag:$0x3], $0x2000, $0x38;
	[tilespmem:$0x10400] =	vst v63  }
0xe5: {  	_ =	swait.ge @!p0 [sflag:s26], $0x2000  }
0xe6: {  	[sflag:s26] =	ssyncset.done @!p0 $0x0  }
0xe7: {  	[sflag:s26] =	ssyncadd.s32 @!p0 $0xFFFFE000  }
0xe8: {  	_ =	swait.ge [sflag:s3], $0x2000  }
0xe9: {  	[sflag:s3] =	ssyncset.done $0x0  }
0xea: {  	[sflag:s3] =	ssyncadd.s32 $0xFFFFE000  }
0xeb: {  	_ =	swait.ge [sflag:s3], $0x2000  }
0xec: {  	[sflag:s3] =	ssyncset.done $0x0  }
0xed: {  	[sflag:s3] =	ssyncadd.s32 $0xFFFFE000  }
0xee: {  	_ =	swait.ge [sflag:s3], $0x2000  }
0xef: {  	[sflag:s3] =	ssyncset.done $0x0  }
0xf0: {  	[sflag:s3] =	ssyncadd.s32 $0xFFFFE000  }
0xf1: {  	_ =	swait.ge [sflag:s3], $0x2000  }
0xf2: {  	s0 =	sadd.s32 $0xFFFFFFFF, s0;
	[sflag:s3] =	ssyncset.done $0x0  }
0xf3: {  	p2 =	sne.s32 s0, $0x0;
	[sflag:s3] =	ssyncadd.s32 $0xFFFFE000  }
.Ltmp2:
0xf4: {  	_ =	swait.ge [sflag:s3], $0x2000;
	(pc) =	sbr.rel @p2 .LBB2_4-.Ltmp2, $4  }
0xf5: {  	[sflag:s3] =	ssyncset.done $0x0  }
0xf6: {  	[sflag:s3] =	ssyncadd.s32 $0xFFFFE000  }
0xf7: {  	_ =	swait.ge [sflag:s3], $0x2000  }
0xf8: {  	s5 =	smov.u32 s6;
	s4 =	rddreg [dreg:$0x2];
	[sflag:s3] =	ssyncset.done $0x0  }
0xf9: {  	s24 =	rddreg [dreg:$0x1];
	s31 =	smov.u32 s7;
	s7 =	smov.u32 s10  }
0xfa: {  	s25 =	rddreg [dreg:$0xc];
	s10 =	simm.s32 $0x2000;
	s11 =	simm.s32 $0x4000  }
0xfb: {  	s12 =	simm.s32 $0x6000;
	s13 =	simm.s32 $0x8000;
	s14 =	simm.s32 $0xA000  }
0xfc: {  	s18 =	simm.s32 $0x10280;
	s19 =	simm.s32 $0x10200;
	s20 =	simm.s32 $0x10180  }
0xfd: {  	s21 =	simm.s32 $0x10100;
	s22 =	simm.s32 $0x10080;
	s23 =	simm.s32 $0x10000  }
.LBB2_6:
0xfe: {  	[sflag:s3] =	ssyncadd.s32 @p1 $0xFFFFE000  }
0xff: {  	[tilespmem:s23], [sflag:$0x3] =	stream.linear.gather [hbm4b:s4+s2], $0x40, $0x38;
	[tilespmem:$0x10400] =	vst v63  }
0x100: {  	_ =	swait.ge [sflag:s16], $0x40  }
0x101: {  	[sflag:s16] =	ssyncset.done $0x0  }
0x102: {  	[sflag:s16] =	ssyncadd.s32 $0xFFFFFFC0  }
0x103: {  	[tilespmem:s2], [sflag:$0x1] =	stream.indirect.gather [hbm4b:s1+s17], $0x80, s23, s17, $0xb8;
	[tilespmem:$0x10400] =	vst v63  }
0x104: {  	s0 =	rddreg [dreg:$0x3]  }
0x105: {  	[tilespmem:s22], [sflag:$0x3] =	stream.linear.gather [hbm4b:s0+s2], $0x40, $0x38;
	[tilespmem:$0x10400] =	vst v63  }
0x106: {  	_ =	swait.ge [sflag:s16], $0x40  }
0x107: {  	[sflag:s16] =	ssyncset.done $0x0  }
0x108: {  	[sflag:s16] =	ssyncadd.s32 $0xFFFFFFC0  }
0x109: {  	[tilespmem:s10], [sflag:$0x1] =	stream.indirect.gather [hbm4b:s1+s17], $0x80, s22, s17, $0xb8;
	[tilespmem:$0x10400] =	vst v63  }
0x10a: {  	s4 =	rddreg [dreg:$0x4]  }
0x10b: {  	[tilespmem:s21], [sflag:$0x3] =	stream.linear.gather [hbm4b:s4+s2], $0x40, $0x38;
	[tilespmem:$0x10400] =	vst v63  }
0x10c: {  	_ =	swait.ge [sflag:s16], $0x40  }
0x10d: {  	[sflag:s16] =	ssyncset.done $0x0  }
0x10e: {  	[sflag:s16] =	ssyncadd.s32 $0xFFFFFFC0  }
0x10f: {  	[tilespmem:s11], [sflag:$0x1] =	stream.indirect.gather [hbm4b:s1+s17], $0x80, s21, s17, $0xb8;
	[tilespmem:$0x10400] =	vst v63  }
0x110: {  	s5 =	rddreg [dreg:$0x5]  }
0x111: {  	[tilespmem:s20], [sflag:$0x3] =	stream.linear.gather [hbm4b:s5+s2], $0x40, $0x38;
	[tilespmem:$0x10400] =	vst v63  }
0x112: {  	_ =	swait.ge [sflag:s16], $0x40  }
0x113: {  	[sflag:s16] =	ssyncset.done $0x0  }
0x114: {  	[sflag:s16] =	ssyncadd.s32 $0xFFFFFFC0  }
0x115: {  	[tilespmem:s12], [sflag:$0x1] =	stream.indirect.gather [hbm4b:s1+s17], $0x80, s20, s17, $0xb8;
	[tilespmem:$0x10400] =	vst v63  }
0x116: {  	s22 =	rddreg [dreg:$0x6]  }
0x117: {  	[tilespmem:s19], [sflag:$0x3] =	stream.linear.gather [hbm4b:s22+s2], $0x40, $0x38;
	[tilespmem:$0x10400] =	vst v63  }
0x118: {  	_ =	swait.ge [sflag:s16], $0x40  }
0x119: {  	[sflag:s16] =	ssyncset.done $0x0  }
0x11a: {  	[sflag:s16] =	ssyncadd.s32 $0xFFFFFFC0  }
0x11b: {  	[tilespmem:s13], [sflag:$0x1] =	stream.indirect.gather [hbm4b:s1+s17], $0x80, s19, s17, $0xb8;
	[tilespmem:$0x10400] =	vst v63  }
0x11c: {  	s23 =	rddreg [dreg:$0x7]  }
0x11d: {  	[tilespmem:s18], [sflag:$0x3] =	stream.linear.gather [hbm4b:s23+s2], $0x40, $0x38;
	[tilespmem:$0x10400] =	vst v63  }
0x11e: {  	_ =	swait.ge [sflag:s16], $0x40  }
0x11f: {  	[sflag:s16] =	ssyncset.done $0x0  }
0x120: {  	[sflag:s16] =	ssyncadd.s32 $0xFFFFFFC0  }
0x121: {  	[tilespmem:s14], [sflag:$0x1] =	stream.indirect.gather [hbm4b:s1+s17], $0x80, s18, s17, $0xb8;
	[tilespmem:$0x10400] =	vst v63  }
0x122: {  	_ =	swait.ge [sflag:s15], $0x2000  }
0x123: {  	[sflag:s15] =	ssyncset.done $0x0  }
0x124: {  	[sflag:s15] =	ssyncadd.s32 $0xFFFFE000  }
0x125: {  	_ =	swait.ge [sflag:s15], $0x2000  }
0x126: {  	[sflag:s15] =	ssyncset.done $0x0  }
0x127: {  	[sflag:s15] =	ssyncadd.s32 $0xFFFFE000  }
0x128: {  	_ =	swait.ge [sflag:s15], $0x2000  }
0x129: {  	[sflag:s15] =	ssyncset.done $0x0  }
0x12a: {  	[sflag:s15] =	ssyncadd.s32 $0xFFFFE000  }
0x12b: {  	_ =	swait.ge [sflag:s15], $0x2000  }
0x12c: {  	[sflag:s15] =	ssyncset.done $0x0  }
0x12d: {  	[sflag:s15] =	ssyncadd.s32 $0xFFFFE000  }
0x12e: {  	_ =	swait.ge [sflag:s15], $0x2000  }
0x12f: {  	[sflag:s15] =	ssyncset.done $0x0  }
0x130: {  	[sflag:s15] =	ssyncadd.s32 $0xFFFFE000  }
0x131: {  	_ =	swait.ge [sflag:s15], $0x2000  }
0x132: {  	[sflag:s15] =	ssyncset.done $0x0  }
0x133: {  	s26 =	rddreg [dreg:$0x8];
	[sflag:s15] =	ssyncadd.s32 $0xFFFFE000  }
0x134: {  	[hbm4b:s26+s2] =	stream.linear.scatter [tilespmem:s2], [sflag:$0x2], $0x2000, $0x38;
	[tilespmem:$0x10400] =	vst v63  }
0x135: {  	s28 =	rddreg [dreg:$0x9]  }
0x136: {  	[hbm4b:s28+s2] =	stream.linear.scatter [tilespmem:s10], [sflag:$0x2], $0x2000, $0x38;
	[tilespmem:$0x10400] =	vst v63  }
0x137: {  	s29 =	rddreg [dreg:$0xa]  }
0x138: {  	[hbm4b:s29+s2] =	stream.linear.scatter [tilespmem:s11], [sflag:$0x2], $0x2000, $0x38;
	[tilespmem:$0x10400] =	vst v63  }
0x139: {  	s30 =	rddreg [dreg:$0xb]  }
0x13a: {  	[hbm4b:s30+s2] =	stream.linear.scatter [tilespmem:s12], [sflag:$0x2], $0x2000, $0x38;
	[tilespmem:$0x10400] =	vst v63  }
0x13b: {  	_ = 	snop  }
0x13c: {  	[hbm4b:s9+s2] =	stream.linear.scatter [tilespmem:s13], [sflag:$0x2], $0x2000, $0x38;
	[tilespmem:$0x10400] =	vst v63  }
0x13d: {  	_ = 	snop  }
0x13e: {  	[hbm4b:s25+s2] =	stream.linear.scatter [tilespmem:s14], [sflag:$0x2], $0x2000, $0x38;
	[tilespmem:$0x10400] =	vst v63  }
0x13f: {  	s0 =	simm.s32 @!p0 $0x0;
	s4 =	simm.s32 @!p0 $0x3;
	s2 =	simm.s32 @!p0 $0x10300  }
0x140: {  	[tilespmem:s2], [sflag:$0x3] =	stream.linear.gather @!p0 [hbm4b:s7+s0], $0x40, $0x38;
	[tilespmem:$0x10400] =	vst v63  }
0x141: {  	_ =	swait.ge @!p0 [sflag:s4], $0x40  }
0x142: {  	[sflag:s4] =	ssyncset.done @!p0 $0x0  }
0x143: {  	s5 =	simm.s32 @!p0 $0x40;
	s7 =	simm.s32 @!p0 $0xC000;
	[sflag:s4] =	ssyncadd.s32 @!p0 $0xFFFFFFC0  }
0x144: {  	[tilespmem:s7], [sflag:$0x3] =	stream.indirect.gather @!p0 [hbm4b:s1+s5], $0x80, s2, s5, $0xb8;
	[tilespmem:$0x10400] =	vst v63  }
0x145: {  	_ =	swait.ge @!p0 [sflag:s4], $0x2000  }
0x146: {  	[sflag:s4] =	ssyncset.done @!p0 $0x0  }
0x147: {  	[sflag:s4] =	ssyncadd.s32 @!p0 $0xFFFFE000  }
0x148: {  	[hbm4b:s8+s0] =	stream.linear.scatter @!p0 [tilespmem:s7], [sflag:$0x3], $0x2000, $0x38;
	[tilespmem:$0x10400] =	vst v63  }
0x149: {  	_ =	swait.ge @!p0 [sflag:s4], $0x2000  }
0x14a: {  	[sflag:s4] =	ssyncset.done @!p0 $0x0  }
0x14b: {  	s2 =	simm.s32 @!p0 $0x10380;
	[sflag:s4] =	ssyncadd.s32 @!p0 $0xFFFFE000  }
0x14c: {  	[tilespmem:s2], [sflag:$0x3] =	stream.linear.gather @!p0 [hbm4b:s31+s0], $0x40, $0x38;
	[tilespmem:$0x10400] =	vst v63  }
0x14d: {  	_ =	swait.ge @!p0 [sflag:s4], $0x40  }
0x14e: {  	[sflag:s4] =	ssyncset.done @!p0 $0x0  }
0x14f: {  	s7 =	simm.s32 @!p0 $0xE000;
	[sflag:s4] =	ssyncadd.s32 @!p0 $0xFFFFFFC0  }
0x150: {  	[tilespmem:s7], [sflag:$0x3] =	stream.indirect.gather @!p0 [hbm4b:s1+s5], $0x80, s2, s5, $0xb8;
	[tilespmem:$0x10400] =	vst v63  }
0x151: {  	_ =	swait.ge @!p0 [sflag:s4], $0x2000  }
0x152: {  	[sflag:s4] =	ssyncset.done @!p0 $0x0  }
0x153: {  	[sflag:s4] =	ssyncadd.s32 @!p0 $0xFFFFE000  }
0x154: {  	[hbm4b:s6+s0] =	stream.linear.scatter @!p0 [tilespmem:s7], [sflag:$0x3], $0x2000, $0x38;
	[tilespmem:$0x10400] =	vst v63  }
0x155: {  	_ =	swait.ge @!p0 [sflag:s4], $0x2000  }
0x156: {  	[sflag:s4] =	ssyncset.done @!p0 $0x0  }
0x157: {  	[sflag:s4] =	ssyncadd.s32 @!p0 $0xFFFFE000  }
0x158: {  	_ =	swait.ge [sflag:s3], $0x2000  }
0x159: {  	[sflag:s3] =	ssyncset.done $0x0  }
0x15a: {  	[sflag:s3] =	ssyncadd.s32 $0xFFFFE000  }
0x15b: {  	_ =	swait.ge [sflag:s3], $0x2000  }
0x15c: {  	[sflag:s3] =	ssyncset.done $0x0  }
0x15d: {  	[sflag:s3] =	ssyncadd.s32 $0xFFFFE000  }
0x15e: {  	_ =	swait.ge [sflag:s3], $0x2000  }
0x15f: {  	[sflag:s3] =	ssyncset.done $0x0  }
0x160: {  	[sflag:s3] =	ssyncadd.s32 $0xFFFFE000  }
0x161: {  	_ =	swait.ge [sflag:s3], $0x2000  }
0x162: {  	[sflag:s3] =	ssyncset.done $0x0  }
0x163: {  	[sflag:s3] =	ssyncadd.s32 $0xFFFFE000  }
0x164: {  	_ =	swait.ge [sflag:s3], $0x2000  }
0x165: {  	[sflag:s3] =	ssyncset.done $0x0  }
0x166: {  	[sflag:s3] =	ssyncadd.s32 $0xFFFFE000  }
0x167: {  	_ =	swait.ge [sflag:s3], $0x2000  }
0x168: {  	[sflag:s3] =	ssyncset.done $0x0  }
0x169: {  	[sflag:s3] =	ssyncadd.s32 $0xFFFFE000  }
0x16a: {  	_ =	sfence.sel $0x180000  }
0x16b: {  	[bflag:$0x0] =	sbarrier.arrive $0xFFFF  }
0x16c: {  	_ =	strace $0x9000004A  }
0x16d: {  	s0 =	sadd.s32 @!p0 $0x100000, s24;
	[bflag:$0x2] =	sbarrier.arrive $0xFFFF  }
0x16e: {  	[sflag:s0] =	ssyncadd.tile.s32 @!p0 $0x1;
	_ =	shalt  }
.LBB2_1:
.Ltmp3:
0x16f: {  	(pc) =	sbr.rel .LBB2_6-.Ltmp3, $2  }
0x170: {  	_ =	sdelay $0x2  }
0x171: {  	s6 =	smov.u32 s5  }
.LBB2_3:
0x172: {  	s6 =	smov.u32 s5;
	s24 =	rddreg [dreg:$0x1]  }
.Ltmp4:
0x173: {  	s31 =	smov.u32 s7;
	s7 =	smov.u32 s10;
	(pc) =	sbr.rel .LBB2_6-.Ltmp4, $4  }
0x174: {  	s25 =	rddreg [dreg:$0xc];
	s10 =	simm.s32 $0x2000;
	s11 =	simm.s32 $0x4000  }
0x175: {  	s12 =	simm.s32 $0x6000;
	s13 =	simm.s32 $0x8000;
	s14 =	simm.s32 $0xA000  }
0x176: {  	s18 =	simm.s32 $0x10280;
	s19 =	simm.s32 $0x10200;
	s20 =	simm.s32 $0x10180  }
0x177: {  	s21 =	simm.s32 $0x10100;
	s22 =	simm.s32 $0x10080;
	s23 =	simm.s32 $0x10000  }
.Lfunc_end2:
_tile_overlayer_lowered:
.L_overlay_start_2:
0x178: {  	(tag) =	ssettag $0x2  }
0x179: {  	s0 =	rddreg [dreg:$0x0];
	s2 =	stileid.u32  }
0x17a: {  	s1 =	rddreg [dreg:$0x1];
	p0 =	sne.s32 s2, $0x0  }
0x17b: {  	s3 =	rddreg [dreg:$0x2];
	[bflag:$0x3] =	sbarrier.arrive $0xFFFF;
	s2 =	simm.s32 @!p0 $0x1C03  }
0x17c: {  	[timem:s3], [sflag:s2] =	dma.local @!p0 [hbm:s0], s1  }
0x17d: {  	s0 =	simm.s32 @!p0 $0x3  }
0x17e: {  	_ =	swait.ge @!p0 [sflag:s0], s1  }
0x17f: {  	s1 =	ssub.s32 @!p0 $0x0, s1;
	[sflag:s0] =	ssyncset.done @!p0 $0x0  }
0x180: {  	[sflag:s0] =	ssyncadd.s32 @!p0 s1  }
0x181: {  	[bflag:$0x3] =	sbarrier.arrive $0xFFFF  }
0x182: {  	_ =	shalt  }

// kernel: kernel.7.cloned.1.call-start
scs
__scs_entry_jumppad:
0x0: {  	(pc) =	sbr.rel $0x88, $3  }
0x1: {  	(tag) =	ssettag $0x0;
	lr =	simm.s32 $0x1  }
0x2: {  	[smem:$0x3F8E] =	sst lr;
	_ =	strace $0xD0000000  }
0x3: {  	_ = 	snop  }
0x4: {  	_ = 	snop  }
0x5: {  	_ = 	snop  }
0x6: {  	_ = 	snop  }
0x7: {  	_ = 	snop  }
__scs_overlays_trampoline_lowered:
0x8: {  	[smem:$0x3F9D] =	sst s0  }
0x9: {  	[smem:$0x3F9E] =	sst s1  }
0xa: {  	[smem:$0x3F9F] =	sst s2  }
0xb: {  	[smem:$0x3FA0] =	sst s3  }
0xc: {  	[smem:$0x3FA1] =	sst s4  }
0xd: {  	[smem:$0x3FA2] =	sst s5  }
0xe: {  	[smem:$0x3FA3] =	sst s6  }
0xf: {  	[smem:$0x3FA4] =	sst s7  }
0x10: {  	[smem:$0x3FA5] =	sst s8  }
0x11: {  	[smem:$0x3FA6] =	sst s9;
	s0 =	simm.s32 @!p0 $0x0  }
0x12: {  	s1 =	sld [smem:$0x3F8C];
	s0 =	simm.s32 @p0 $0x1  }
0x13: {  	[smem:$0x3FA7] =	sst s0;
	s0 =	simm.s32 @!p1 $0x0  }
0x14: {  	s2 =	sld [smem:$0x3F8B];
	s0 =	simm.s32 @p1 $0x1  }
0x15: {  	[smem:$0x3FA8] =	sst s0;
	s0 =	simm.s32 @!p2 $0x0  }
0x16: {  	s3 =	sld [smem:$0x3FDB];
	s0 =	simm.s32 @p2 $0x1  }
0x17: {  	s4 =	simm.s32 $0x1BF5;
	[smem:$0x3FAA] =	sst s0  }
0x18: {  	s0 =	sld [smem:$0x3F8D];
	_ =	swait.ge [sflag:s4], $0x0  }
0x19: {  	s7 =	sld [smem:$0x3F8E]  }
0x1a: {  	s8 =	sadd.s32 $0xFFFFE003, lr  }
0x1b: {  	s9 =	sadd.s32 $0xFFFFFEF7, lr;
	s5 =	simm.s32 $0xFFFFFFFF;
	p2 =	slt.u32 s8, $0xFFFFF086  }
0x1c: {  	p1 =	slt.u32 s9, $0xF7A;
	s5 =	simm.s32 @!p2 $0x0  }
0x1d: {  	s5 =	simm.s32 @p1 $0x1;
	p0 =	seq.s32 s7, s2  }
0x1e: {  	s7 =	smul.u32 @!p0 $0xF7A, s2;
	p2 =	seq.s32 @!p0 s5, $0x0  }
0x1f: {  	s9 =	smul.u32 $0xF7A, s1;
	s8 =	simm.s32 @!p0 $0x1BF5;
	p2 =	por !p2, p0  }
0x20: {  	[sflag:s8] =	ssyncset.s32 @!p0 $0xFFFFF086;
	s6 =	sadd.s32 @!p0 s3, s7;
	s7 =	simm.s32 @!p0 $0x108  }
0x21: {  	s3 =	sadd.s32 s3, s9;
	s6 =	sadd.s32 @!p0 $0x88, s6;
	s7 =	simm.s32 @p2 $0x1082  }
0x22: {  	[simem:s7], [sflag:s8] =	dma.local @!p0 [hbm:s6], $0xF7A  }
0x23: {  	s9 =	sor.u32 $0xD0000000, s2;
	s6 =	simm.s32 $0x108;
	_ =	swait.ge @!p0 [sflag:s8], $0x0  }
0x24: {  	s3 =	sadd.s32 $0x88, s3;
	s6 =	simm.s32 @!p1 $0x1082;
	[sflag:s4] =	ssyncset.s32 $0xFFFFF086  }
0x25: {  	[simem:s6], [sflag:s4] =	dma.local [hbm:s3], $0xF7A  }
0x26: {  	[smem:$0x3F8E] =	sst s1;
	(tag) =	ssettag s2;
	_ =	strace s9  }
0x27: {  	s1 =	sld [smem:$0x3F9E]  }
0x28: {  	s2 =	sld [smem:$0x3F9F]  }
0x29: {  	s4 =	sld [smem:$0x3FA1]  }
0x2a: {  	p0 =	seq.s32 s5, $0x0;
	s5 =	sld [smem:$0x3FA2]  }
0x2b: {  	s6 =	sld [smem:$0x3FA3]  }
0x2c: {  	s7 =	sld [smem:$0x3FA4]  }
0x2d: {  	s3 =	simm.s32 $0x108;
	s8 =	sld [smem:$0x3FA5]  }
0x2e: {  	s3 =	simm.s32 @!p0 $0x1082;
	s9 =	sld [smem:$0x3FA6]  }
0x2f: {  	lr =	sadd.s32 s0, s3;
	s0 =	sld [smem:$0x3F9D]  }
0x30: {  	s3 =	sld [smem:$0x3FA0]  }
0x31: {  	[smem:$0x3FA9] =	sst s10  }
0x32: {  	s10 =	sld [smem:$0x3FA7];
	_ =	sdelay $0x3  }
0x33: {  	p0 =	seq.s32 s10, $0x1;
	s10 =	sld [smem:$0x3FA9];
	_ =	sdelay $0x3  }
0x34: {  	[smem:$0x3FA9] =	sst s10  }
0x35: {  	s10 =	sld [smem:$0x3FA8];
	_ =	sdelay $0x3  }
0x36: {  	p1 =	seq.s32 s10, $0x1;
	s10 =	sld [smem:$0x3FA9];
	_ =	sdelay $0x3  }
0x37: {  	[smem:$0x3FA9] =	sst s10  }
0x38: {  	s10 =	sld [smem:$0x3FAA]  }
0x39: {  	_ = 	snop;
	(pc) =	sbr.ind lr, $3  }
0x3a: {  	_ = 	snop  }
0x3b: {  	_ = 	snop  }
0x3c: {  	p2 =	seq.s32 s10, $0x1;
	s10 =	sld [smem:$0x3FA9]  }
0x3d: {  	_ =	shalt  }
0x3e: {  	_ =	shalt  }
0x3f: {  	_ =	shalt  }
0x40: {  	_ =	shalt  }
0x41: {  	_ =	shalt  }
0x42: {  	_ =	shalt  }
0x43: {  	_ =	shalt  }
0x44: {  	_ =	shalt  }
0x45: {  	_ =	shalt  }
0x46: {  	_ =	shalt  }
0x47: {  	_ =	shalt  }
0x48: {  	_ =	shalt  }
0x49: {  	_ =	shalt  }
0x4a: {  	_ =	shalt  }
0x4b: {  	_ =	shalt  }
0x4c: {  	_ =	shalt  }
0x4d: {  	_ =	shalt  }
0x4e: {  	_ =	shalt  }
0x4f: {  	_ =	shalt  }
0x50: {  	_ =	shalt  }
0x51: {  	_ =	shalt  }
0x52: {  	_ =	shalt  }
0x53: {  	_ =	shalt  }
0x54: {  	_ =	shalt  }
0x55: {  	_ =	shalt  }
0x56: {  	_ =	shalt  }
0x57: {  	_ =	shalt  }
0x58: {  	_ =	shalt  }
0x59: {  	_ =	shalt  }
0x5a: {  	_ =	shalt  }
0x5b: {  	_ =	shalt  }
0x5c: {  	_ =	shalt  }
0x5d: {  	_ =	shalt  }
0x5e: {  	_ =	shalt  }
0x5f: {  	_ =	shalt  }
0x60: {  	_ =	shalt  }
0x61: {  	_ =	shalt  }
0x62: {  	_ =	shalt  }
0x63: {  	_ =	shalt  }
0x64: {  	_ =	shalt  }
0x65: {  	_ =	shalt  }
0x66: {  	_ =	shalt  }
0x67: {  	_ =	shalt  }
0x68: {  	_ =	shalt  }
0x69: {  	_ =	shalt  }
0x6a: {  	_ =	shalt  }
0x6b: {  	_ =	shalt  }
0x6c: {  	_ =	shalt  }
0x6d: {  	_ =	shalt  }
0x6e: {  	_ =	shalt  }
0x6f: {  	_ =	shalt  }
0x70: {  	_ =	shalt  }
0x71: {  	_ =	shalt  }
0x72: {  	_ =	shalt  }
0x73: {  	_ =	shalt  }
0x74: {  	_ =	shalt  }
0x75: {  	_ =	shalt  }
0x76: {  	_ =	shalt  }
0x77: {  	_ =	shalt  }
0x78: {  	_ =	shalt  }
0x79: {  	_ =	shalt  }
0x7a: {  	_ =	shalt  }
0x7b: {  	_ =	shalt  }
0x7c: {  	_ =	shalt  }
0x7d: {  	_ =	shalt  }
0x7e: {  	_ =	shalt  }
0x7f: {  	_ =	shalt  }
0x80: {  	_ =	shalt  }
0x81: {  	_ =	shalt  }
0x82: {  	_ =	shalt  }
0x83: {  	_ =	shalt  }
0x84: {  	_ =	shalt  }
0x85: {  	_ =	shalt  }
0x86: {  	_ =	shalt  }
0x87: {  	_ =	shalt  }
.Lfunc_end0:
.L_simem_size_0:
called_computation_lowered:
.L_overlay_start_0:
0x88: {  	s2 =	sld [smem:$0x3FD9]  }
0x89: {  	s3 =	sld [smem:$0x3FFE];
	_ =	sdelay $0x1  }
0x8a: {  	s1 =	srdreg.scid  }
0x8b: {  	s0 =	sand.u32 $0x1, s1  }
0x8c: {  	s17 =	sshll.u32 s0, $0xA;
	s2 =	sadd.s32 s3, s2  }
0x8d: {  	s2 =	sadd.s32 s2, s17  }
0x8e: {  	[smem:$0x3FB5] =	sst s2  }
0x8f: {  	_ = 	snop  }
0x90: {  	s2 =	sld [smem:$0x3FC9]  }
0x91: {  	s18 =	sld [smem:$0x3FD0];
	(tm) =	ssettm $0x1  }
0x92: {  	s4 =	sld [smem:$0x3FFB];
	_ =	sdelay $0x3  }
0x93: {  	_ =	strace s4  }
0x94: {  	s4 =	sld [smem:$0x3FFC];
	_ =	sdelay $0x3  }
0x95: {  	_ =	strace s4  }
0x96: {  	s4 =	sld [smem:$0x3FFD];
	_ =	sdelay $0x3  }
0x97: {  	_ =	strace s4  }
0x98: {  	_ =	strace $0x8FFFFFFF  }
0x99: {  	s19 =	sld [smem:$0x3FDB];
	_ =	sdelay $0x1  }
0x9a: {  	s5 =	simm.s32 $_scs_section_size  }
0x9b: {  	s6 =	simm.s32 $_size__tile_overlayer_lowered;
	s7 =	simm.s32 $_tile_overlayer_lowered  }
0x9c: {  	s22 =	simm.s32 $0x1BFF;
	s21 =	sshll.u32 s7, $0x1;
	s4 =	sadd.s32 s5, s19  }
0x9d: {  	s8 =	simm.s32 $0x0;
	s20 =	sshll.u32 s6, $0x1;
	s6 =	sadd.s32 s21, s4  }
0x9e: {  	[timem:s8], [sflag:s22] =	dma.local [hbm:s6], s20  }
0x9f: {  	_ =	swait.ge [sflag:s22], s20  }
0xa0: {  	s5 =	ssub.s32 $0x0, s20;
	[sflag:s22] =	ssyncset.done $0x0  }
0xa1: {  	[sflag:s22] =	ssyncadd.s32 s5;
	_ =	sdelay $0x1  }
0xa2: {  	s23 =	simm.s32 $0x1B8B  }
0xa3: {  	_ =	swait.ge [sflag:s23], $0x1  }
0xa4: {  	[sflag:s23] =	ssyncset.done $0x0  }
0xa5: {  	s25 =	simm.s32 $0x1B8E;
	s24 =	sld [smem:$0x3FFE];
	[sflag:s23] =	ssyncadd.s32 $0xFFFFFFFF  }
0xa6: {  	s26 =	simm.s32 $execute0_lowered;
	[smem:$0x3FD2] =	sst s25  }
0xa7: {  	s6 =	sshll.u32 s26, $0x1;
	_ =	strace $0x80000046;
	[dreg:$0x1] =	wrdreg $0xFFFFFFFF  }
0xa8: {  	s28 =	simm.s32 $_size_execute0_lowered;
	s4 =	sadd.s32 s4, s6;
	[dreg:$0x0] =	wrdreg $0x0  }
0xa9: {  	s6 =	sshll.u32 s28, $0x1;
	[dreg:$0x2] =	wrdreg s4  }
0xaa: {  	[dreg:$0x3] =	wrdreg s6  }
0xab: {  	[dreg:$0x4] =	wrdreg $0xC0  }
0xac: {  	_ =	task [dreg:s8], $0x5FFFF  }
0xad: {  	[dreg:$0x1] =	wrdreg $0xFFFFFFFF  }
0xae: {  	[dreg:$0x0] =	wrdreg $0x60  }
0xaf: {  	[dreg:$0x2] =	wrdreg s2  }
0xb0: {  	[dreg:$0x3] =	wrdreg s24  }
0xb1: {  	[dreg:$0x4] =	wrdreg s18  }
0xb2: {  	[dreg:$0x5] =	wrdreg $0x9  }
0xb3: {  	_ =	task.clear_ibuf [dreg:s8], $0x6FFFF;
	_ =	strace $0x90000046  }
0xb4: {  	s29 =	simm.s32 $0x9;
	_ =	strace $0x80000048  }
0xb5: {  	_ =	swait.ge [sflag:s29], $0x1  }
0xb6: {  	[sflag:s29] =	ssyncadd.s32 $0xFFFFFFFF  }
0xb7: {  	_ =	strace $0x90000048  }
0xb8: {  	_ =	sfence  }
0xb9: {  	s30 =	sld [smem:$0x0];
	_ =	sdelay $0x2  }
0xba: {  	s31 =	sshll.u32 s1, $0xD;
	s1 =	sshrl.u32 s1, $0x2  }
0xbb: {  	s3 =	sand.u32 $0x4000, s31;
	s1 =	sadd.s32 s1, s30  }
0xbc: {  	s0 =	sor.u32 s3, s0;
	s1 =	sshll.u32 s1, $0x11  }
0xbd: {  	s0 =	sor.u32 s1, s0  }
0xbe: {  	s0 =	sadd.s32 $0x8F2B, s0  }
0xbf: {  	[sflag:s0] =	ssyncadd.remote.s32 $0x1  }
0xc0: {  	_ =	sfence.sel $0xFFFF  }
0xc1: {  	[dreg:$0x0] =	wrdreg $0xFFFFFFFF;
	(pc) =	sbr.abs _section_cstart, $3  }
0xc2: {  	[dreg:$0x1] =	wrdreg $0xFFFFFFFF  }
0xc3: {  	_ =	task.clear_ibuf [dreg:s8], $0x2FFFF;
	_ =	strace $0x9FFFFFFF  }
0xc4: {  	(tm) =	ssettm $0x7FFFFFFF  }
0xc5: {  	_ =	shalt  }
tec
execute0_lowered:
.L_overlay_start_1:
0x0: {  	(tag) =	ssettag $0x1  }
0x1: {  	s4 =	rddreg [dreg:$0x0]  }
0x2: {  	s1 =	rddreg [dreg:$0x1];
	s3 =	srdreg.scid  }
0x3: {  	s0 =	stileid.u32;
	s2 =	simm.s32 $0x0;
	s28 =	simm.s32 $0x1A400  }
0x4: {  	s5 =	sand.u32 $0x1, s3;
	s21 =	sshll.u32 s0, $0x1;
	[smem:$0x7FF] =	sst s2  }
0x5: {  	s7 =	sadd.s32 $0x4C00, s1;
	s3 =	sadd.s32 $0x1D400, s1;
	s14 =	sadd.s32 $0x173400, s1  }
0x6: {  	p0 =	sne.s32 s0, $0x0;
	s6 =	sor.u32 s5, s21;
	_ =	strace $0x80000047  }
0x7: {  	s9 =	ssub.s32 $0x2, s5;
	s5 =	sshll.u32 s5, $0x3;
	s8 =	sshll.u32 s6, $0x6  }
0x8: {  	s11 =	sshrl.u32 s9, $0x1;
	s12 =	smul.u32 $0x1800, s6;
	s24 =	sshll.u32 s6, $0x7  }
0x9: {  	s6 =	sshll.u32 s6, $0xA;
	s10 =	sor.u32 $0x800, s8;
	s9 =	ssub.s32 s9, s11  }
0xa: {  	s23 =	sor.u32 $0x1000, s8;
	s25 =	sand.u32 $0xF00, s24;
	s15 =	sand.u32 $0x40, s8  }
0xb: {  	s6 =	sadd.s32 s7, s6;
	s13 =	sshrl.u32 s10, $0x3;
	s12 =	sadd.s32 s4, s12  }
0xc: {  	[dreg:$0x6] =	wrdreg s6;
	s31 =	sshll.u32 s10, $0x1;
	s10 =	sshll.u32 s10, $0x4  }
0xd: {  	s18 =	sshll.u32 s23, $0x1;
	s19 =	sshrl.u32 s23, $0x3;
	s20 =	sshll.u32 s23, $0x4  }
0xe: {  	s22 =	smul.u32 $0x300, s13;
	[dreg:$0x4] =	wrdreg s12;
	s12 =	sor.u32 s24, s15  }
0xf: {  	s10 =	sadd.s32 s7, s10;
	s21 =	sand.u32 $0x2F00, s18;
	s29 =	sshrl.u32 s12, $0x3  }
0x10: {  	s12 =	sand.u32 $0x1F00, s31;
	[dreg:$0x9] =	wrdreg s10;
	s10 =	smul.u32 $0x300, s19  }
0x11: {  	s11 =	sadd.s32 s4, s22;
	s30 =	sor.u32 $0x10, s29;
	s22 =	sor.u32 $0x1800, s8  }
0x12: {  	[dreg:$0x5] =	wrdreg s11;
	s11 =	sor.u32 s15, s25;
	s23 =	sshrl.u32 s22, $0x3  }
0x13: {  	s25 =	sadd.s32 s4, s10;
	s29 =	sshll.u32 s22, $0x4;
	s26 =	sshrl.u32 s11, $0x3  }
0x14: {  	s11 =	sor.u32 s15, s31;
	[dreg:$0xf] =	wrdreg s25;
	s6 =	sadd.s32 s14, s26  }
0x15: {  	s11 =	sshrl.u32 s11, $0x3;
	s26 =	sshll.u32 s22, $0x1;
	[dreg:$0x7] =	wrdreg s6  }
0x16: {  	s6 =	sadd.s32 s14, s30;
	s16 =	sor.u32 $0x10, s11;
	s11 =	sadd.s32 s7, s20  }
0x17: {  	s30 =	sadd.s32 s5, s14;
	[dreg:$0x8] =	wrdreg s6;
	s6 =	sor.u32 s15, s12  }
0x18: {  	s17 =	sadd.s32 s14, s16;
	s12 =	sor.u32 s15, s21;
	[dreg:$0xc] =	wrdreg s11  }
0x19: {  	s6 =	sshrl.u32 s6, $0x3;
	[dreg:$0xb] =	wrdreg s17;
	s12 =	sshrl.u32 s12, $0x3  }
0x1a: {  	s17 =	sadd.s32 $0x1D500, s1;
	s6 =	sadd.s32 s14, s6;
	s24 =	sadd.s32 s14, s12  }
0x1b: {  	[dreg:$0xa] =	wrdreg s6;
	s6 =	sor.u32 s15, s18;
	s15 =	smul.u32 $0x300, s23  }
0x1c: {  	[dreg:$0xd] =	wrdreg s24;
	s18 =	sadd.s32 $0x1D600, s1;
	s1 =	sadd.s32 s7, s29  }
0x1d: {  	v10 =	vlaneseq.u32;
	s6 =	sshrl.u32 s6, $0x3;
	[dreg:$0x11] =	wrdreg s1;
	s4 =	sadd.s32 s4, s15  }
.Ltmp0:
0x1e: {  	v0 =	vmul.u32 $0x80, v10;
	[dreg:$0x10] =	wrdreg s4;
	s4 =	sadd.s32 s8, s26;
	(pc) =	sbr.rel .LBB2_1-.Ltmp0, $4  }
0x1f: {  	vm0 =	vmmov $0xffff;
	v9 =	vshrl.u32 v10, $0x3;
	v8 =	vand.u32 $0x7, v10;
	s1 =	sadd.s32 $0x600, s30;
	s6 =	sor.u32 $0x10, s6;
	s4 =	sshrl.u32 s4, $0x3  }
0x20: {  	v10 =	vor.u32 $0x8, v10;
	v9 =	vmul.u32 $0x8, v9;
	v1 =	vor.u32 $0x800, v0;
	[dreg:$0x12] =	wrdreg s1;
	s6 =	sadd.s32 s14, s6;
	s4 =	sor.u32 $0x10, s4  }
0x21: {  	v2 =	vor.u32 $0x1000, v0;
	v3 =	vor.u32 $0x1800, v0;
	v4 =	vor.u32 $0x1, v0;
	s25 =	simm.s32 $0x5;
	[dreg:$0xe] =	wrdreg s6;
	s31 =	sadd.s32 s14, s4  }
0x22: {  	v5 =	vor.u32 $0x801, v0;
	v6 =	vor.u32 $0x1001, v0;
	v7 =	vor.u32 $0x1801, v0;
	s1 =	smax.u32 s9, $0x1;
	s26 =	simm.s32 $0x18000;
	[dreg:$0x13] =	wrdreg s31  }
.LBB2_3:
0x23: {  	_ =	swait.ge [sflag:s30], $0xC000  }
0x24: {  	[sflag:s30] =	ssyncset.done $0x0  }
0x25: {  	[sflag:s30] =	ssyncadd.s32 $0xFFFF4000  }
0x26: {  	_ =	swait.ge [sflag:s30], $0xC000  }
0x27: {  	s0 =	rddreg [dreg:$0x14]  }
0x28: {  	s1 =	sadd.s32 $0xFFFFFFFF, s0  }
0x29: {  	p1 =	sne.s32 s1, $0x0  }
.Ltmp1:
0x2a: {  	_ = 	snop;
	(pc) =	sbr.rel @!p1 .LBB2_4-.Ltmp1, $3  }
0x2b: {  	_ =	sdelay $0x1  }
0x2c: {  	[sflag:s30] =	ssyncset.done $0x0  }
0x2d: {  	[sflag:s30] =	ssyncadd.s32 $0xFFFF4000  }
.LBB2_1:
0x2e: {  	[dreg:$0x14] =	wrdreg s1  }
0x2f: {  	s29 =	rddreg [dreg:$0x4]  }
0x30: {  	[tilespmem:s2], [sflag:$0x1] =	stream.linear.gather [hbm4b:s29+s2], $0xC000, $0x38;
	[tilespmem:$0x1A500] =	vst v63  }
0x31: {  	s12 =	rddreg [dreg:$0x5];
	s0 =	simm.s32 $0xC000  }
0x32: {  	[tilespmem:s0], [sflag:$0x2] =	stream.linear.gather [hbm4b:s12+s2], $0xC000, $0x38;
	[tilespmem:$0x1A500] =	vst v63  }
0x33: {  	s13 =	rddreg [dreg:$0x2]  }
0x34: {  	[tilespmem:s28], [sflag:$0x5] =	stream.linear.gather [hbm4b:s13+s2], $0x100, $0x38;
	[tilespmem:$0x1A500] =	vst v63  }
0x35: {  	_ =	swait.ge [sflag:s25], $0x100  }
0x36: {  	[sflag:s25] =	ssyncset.done $0x0  }
0x37: {  	s14 =	rddreg [dreg:$0x6];
	[sflag:s25] =	ssyncadd.s32 $0xFFFFFF00  }
0x38: {  	[tilespmem:s26], [sflag:$0x5] =	stream.linear.gather [hbm4b:s14+s2], $0x2000, $0x38;
	[tilespmem:$0x1A500] =	vst v63  }
0x39: {  	_ =	swait.ge [sflag:s25], $0x2000  }
0x3a: {  	[sflag:s25] =	ssyncset.done $0x0  }
0x3b: {  	[sflag:s25] =	ssyncadd.s32 $0xFFFFE000  }
0x3c: {  	v11 =	vld.idx.msk [tilespmem:v0+s26+$0x0], $0xffff;
	_ =	sdelay $0x4  }
0x3d: {  	v12 =	vand.u32 $0xF, v11;
	_ =	sdelay $0x4  }
0x3e: {  	v12 =	vld.idx.msk [tilespmem:v12+s28+$0x0], $0xffff;
	_ =	sdelay $0x3  }
0x3f: {  	v11 =	vshrl.u32 v11, $0x4  }
0x40: {  	v11 =	vadd.s32 v11, v12  }
0x41: {  	[tilespmem:$0x1A000] =	vst v11  }
0x42: {  	v11 =	vld.idx.msk [tilespmem:v1+s26+$0x0], $0xffff;
	_ =	sdelay $0x4  }
0x43: {  	v17 =	vand.u32 $0xF, v11;
	_ =	sdelay $0x4  }
0x44: {  	v12 =	vld.idx.msk [tilespmem:v17+s28+$0x0], $0xffff;
	_ =	sdelay $0x3  }
0x45: {  	v11 =	vshrl.u32 v11, $0x4  }
0x46: {  	v11 =	vadd.s32 v11, v12  }
0x47: {  	[tilespmem:$0x1A010] =	vst v11  }
0x48: {  	v11 =	vld.idx.msk [tilespmem:v2+s26+$0x0], $0xffff;
	_ =	sdelay $0x4  }
0x49: {  	v18 =	vand.u32 $0xF, v11;
	_ =	sdelay $0x4  }
0x4a: {  	v12 =	vld.idx.msk [tilespmem:v18+s28+$0x0], $0xffff;
	_ =	sdelay $0x3  }
0x4b: {  	v11 =	vshrl.u32 v11, $0x4  }
0x4c: {  	v11 =	vadd.s32 v11, v12  }
0x4d: {  	[tilespmem:$0x1A020] =	vst v11  }
0x4e: {  	v11 =	vld.idx.msk [tilespmem:v3+s26+$0x0], $0xffff;
	_ =	sdelay $0x4  }
0x4f: {  	v19 =	vand.u32 $0xF, v11;
	_ =	sdelay $0x4  }
0x50: {  	v12 =	vld.idx.msk [tilespmem:v19+s28+$0x0], $0xffff;
	_ =	sdelay $0x3  }
0x51: {  	v11 =	vshrl.u32 v11, $0x4  }
0x52: {  	v11 =	vadd.s32 v11, v12  }
0x53: {  	[tilespmem:$0x1A030] =	vst v11  }
0x54: {  	v11 =	vld.idx.msk [tilespmem:v4+s26+$0x0], $0xffff;
	_ =	sdelay $0x4  }
0x55: {  	v20 =	vand.u32 $0xF, v11  }
0x56: {  	v12 =	vor.u32 $0x80, v20;
	_ =	sdelay $0x4  }
0x57: {  	v12 =	vld.idx.msk [tilespmem:v12+s28+$0x0], $0xffff;
	_ =	sdelay $0x3  }
0x58: {  	v11 =	vshrl.u32 v11, $0x4  }
0x59: {  	v11 =	vadd.s32 v11, v12  }
0x5a: {  	[tilespmem:$0x1A080] =	vst v11  }
0x5b: {  	v11 =	vld.idx.msk [tilespmem:v5+s26+$0x0], $0xffff;
	_ =	sdelay $0x4  }
0x5c: {  	v21 =	vand.u32 $0xF, v11  }
0x5d: {  	v12 =	vor.u32 $0x80, v21;
	_ =	sdelay $0x4  }
0x5e: {  	v12 =	vld.idx.msk [tilespmem:v12+s28+$0x0], $0xffff;
	_ =	sdelay $0x3  }
0x5f: {  	v11 =	vshrl.u32 v11, $0x4  }
0x60: {  	v11 =	vadd.s32 v11, v12  }
0x61: {  	[tilespmem:$0x1A090] =	vst v11  }
0x62: {  	v11 =	vld.idx.msk [tilespmem:v6+s26+$0x0], $0xffff;
	_ =	sdelay $0x4  }
0x63: {  	v22 =	vand.u32 $0xF, v11  }
0x64: {  	v12 =	vor.u32 $0x80, v22;
	_ =	sdelay $0x4  }
0x65: {  	v12 =	vld.idx.msk [tilespmem:v12+s28+$0x0], $0xffff;
	_ =	sdelay $0x3  }
0x66: {  	v11 =	vshrl.u32 v11, $0x4  }
0x67: {  	v11 =	vadd.s32 v11, v12  }
0x68: {  	[tilespmem:$0x1A0A0] =	vst v11  }
0x69: {  	v11 =	vld.idx.msk [tilespmem:v7+s26+$0x0], $0xffff;
	_ =	sdelay $0x4  }
0x6a: {  	v23 =	vand.u32 $0xF, v11  }
0x6b: {  	v12 =	vor.u32 $0x80, v23;
	_ =	sdelay $0x4  }
0x6c: {  	v12 =	vld.idx.msk [tilespmem:v12+s28+$0x0], $0xffff;
	_ =	sdelay $0x3  }
0x6d: {  	v11 =	vshrl.u32 v11, $0x4  }
0x6e: {  	v11 =	vadd.s32 v11, v12  }
0x6f: {  	s30 =	simm.s32 $0x1A000;
	s15 =	rddreg [dreg:$0x7];
	[tilespmem:$0x1A0B0] =	vst v11  }
0x70: {  	[hbm4b:s15+s2] =	stream.linear.scatter [tilespmem:s30], [sflag:$0x5], $0x40, $0x38;
	[tilespmem:$0x1A500] =	vst v63  }
0x71: {  	_ =	swait.ge [sflag:s25], $0x40  }
0x72: {  	[sflag:s25] =	ssyncset.done $0x0  }
0x73: {  	s30 =	simm.s32 $0x1A080;
	s16 =	rddreg [dreg:$0x8];
	[sflag:s25] =	ssyncadd.s32 $0xFFFFFFC0  }
0x74: {  	[hbm4b:s16+s2] =	stream.linear.scatter [tilespmem:s30], [sflag:$0x5], $0x40, $0x38;
	[tilespmem:$0x1A500] =	vst v63  }
0x75: {  	_ =	swait.ge [sflag:s25], $0x40  }
0x76: {  	[sflag:s25] =	ssyncset.done $0x0  }
0x77: {  	s19 =	rddreg [dreg:$0x9];
	[sflag:s25] =	ssyncadd.s32 $0xFFFFFFC0  }
0x78: {  	[tilespmem:s26], [sflag:$0x5] =	stream.linear.gather [hbm4b:s19+s2], $0x2000, $0x38;
	[tilespmem:$0x1A500] =	vst v63  }
0x79: {  	_ =	swait.ge [sflag:s25], $0x2000  }
0x7a: {  	[sflag:s25] =	ssyncset.done $0x0  }
0x7b: {  	[sflag:s25] =	ssyncadd.s32 $0xFFFFE000  }
0x7c: {  	v11 =	vld.idx.msk [tilespmem:v0+s26+$0x0], $0xffff;
	_ =	sdelay $0x4  }
0x7d: {  	v24 =	vand.u32 $0xF, v11;
	_ =	sdelay $0x4  }
0x7e: {  	v12 =	vld.idx.msk [tilespmem:v24+s28+$0x0], $0xffff;
	_ =	sdelay $0x3  }
0x7f: {  	v11 =	vshrl.u32 v11, $0x4  }
0x80: {  	v11 =	vadd.s32 v11, v12  }
0x81: {  	[tilespmem:$0x1A100] =	vst v11  }
0x82: {  	v11 =	vld.idx.msk [tilespmem:v1+s26+$0x0], $0xffff;
	_ =	sdelay $0x4  }
0x83: {  	v25 =	vand.u32 $0xF, v11;
	_ =	sdelay $0x4  }
0x84: {  	v12 =	vld.idx.msk [tilespmem:v25+s28+$0x0], $0xffff;
	_ =	sdelay $0x3  }
0x85: {  	v11 =	vshrl.u32 v11, $0x4  }
0x86: {  	v11 =	vadd.s32 v11, v12  }
0x87: {  	[tilespmem:$0x1A110] =	vst v11  }
0x88: {  	v11 =	vld.idx.msk [tilespmem:v2+s26+$0x0], $0xffff;
	_ =	sdelay $0x4  }
0x89: {  	v26 =	vand.u32 $0xF, v11;
	_ =	sdelay $0x4  }
0x8a: {  	v12 =	vld.idx.msk [tilespmem:v26+s28+$0x0], $0xffff;
	_ =	sdelay $0x3  }
0x8b: {  	v11 =	vshrl.u32 v11, $0x4  }
0x8c: {  	v11 =	vadd.s32 v11, v12  }
0x8d: {  	[tilespmem:$0x1A120] =	vst v11  }
0x8e: {  	v11 =	vld.idx.msk [tilespmem:v3+s26+$0x0], $0xffff;
	_ =	sdelay $0x4  }
0x8f: {  	v27 =	vand.u32 $0xF, v11;
	_ =	sdelay $0x4  }
0x90: {  	v12 =	vld.idx.msk [tilespmem:v27+s28+$0x0], $0xffff;
	_ =	sdelay $0x3  }
0x91: {  	v11 =	vshrl.u32 v11, $0x4  }
0x92: {  	v11 =	vadd.s32 v11, v12  }
0x93: {  	[tilespmem:$0x1A130] =	vst v11  }
0x94: {  	v11 =	vld.idx.msk [tilespmem:v4+s26+$0x0], $0xffff;
	_ =	sdelay $0x4  }
0x95: {  	v28 =	vand.u32 $0xF, v11  }
0x96: {  	v12 =	vor.u32 $0x80, v28;
	_ =	sdelay $0x4  }
0x97: {  	v12 =	vld.idx.msk [tilespmem:v12+s28+$0x0], $0xffff;
	_ =	sdelay $0x3  }
0x98: {  	v11 =	vshrl.u32 v11, $0x4  }
0x99: {  	v11 =	vadd.s32 v11, v12  }
0x9a: {  	[tilespmem:$0x1A180] =	vst v11  }
0x9b: {  	v11 =	vld.idx.msk [tilespmem:v5+s26+$0x0], $0xffff;
	_ =	sdelay $0x4  }
0x9c: {  	v29 =	vand.u32 $0xF, v11  }
0x9d: {  	v12 =	vor.u32 $0x80, v29;
	_ =	sdelay $0x4  }
0x9e: {  	v12 =	vld.idx.msk [tilespmem:v12+s28+$0x0], $0xffff;
	_ =	sdelay $0x3  }
0x9f: {  	v11 =	vshrl.u32 v11, $0x4  }
0xa0: {  	v11 =	vadd.s32 v11, v12  }
0xa1: {  	[tilespmem:$0x1A190] =	vst v11  }
0xa2: {  	v11 =	vld.idx.msk [tilespmem:v6+s26+$0x0], $0xffff;
	_ =	sdelay $0x4  }
0xa3: {  	v30 =	vand.u32 $0xF, v11  }
0xa4: {  	v12 =	vor.u32 $0x80, v30;
	_ =	sdelay $0x4  }
0xa5: {  	v12 =	vld.idx.msk [tilespmem:v12+s28+$0x0], $0xffff;
	_ =	sdelay $0x3  }
0xa6: {  	v11 =	vshrl.u32 v11, $0x4  }
0xa7: {  	v11 =	vadd.s32 v11, v12  }
0xa8: {  	[tilespmem:$0x1A1A0] =	vst v11  }
0xa9: {  	v11 =	vld.idx.msk [tilespmem:v7+s26+$0x0], $0xffff;
	_ =	sdelay $0x4  }
0xaa: {  	v31 =	vand.u32 $0xF, v11  }
0xab: {  	v12 =	vor.u32 $0x80, v31;
	_ =	sdelay $0x4  }
0xac: {  	v12 =	vld.idx.msk [tilespmem:v12+s28+$0x0], $0xffff;
	_ =	sdelay $0x3  }
0xad: {  	v11 =	vshrl.u32 v11, $0x4  }
0xae: {  	v11 =	vadd.s32 v11, v12  }
0xaf: {  	s30 =	simm.s32 $0x1A100;
	s20 =	rddreg [dreg:$0xa];
	[tilespmem:$0x1A1B0] =	vst v11  }
0xb0: {  	[hbm4b:s20+s2] =	stream.linear.scatter [tilespmem:s30], [sflag:$0x5], $0x40, $0x38;
	[tilespmem:$0x1A500] =	vst v63  }
0xb1: {  	_ =	swait.ge [sflag:s25], $0x40  }
0xb2: {  	[sflag:s25] =	ssyncset.done $0x0  }
0xb3: {  	s30 =	simm.s32 $0x1A180;
	s21 =	rddreg [dreg:$0xb];
	[sflag:s25] =	ssyncadd.s32 $0xFFFFFFC0  }
0xb4: {  	[hbm4b:s21+s2] =	stream.linear.scatter [tilespmem:s30], [sflag:$0x5], $0x40, $0x38;
	[tilespmem:$0x1A500] =	vst v63  }
0xb5: {  	_ =	swait.ge [sflag:s25], $0x40  }
0xb6: {  	[sflag:s25] =	ssyncset.done $0x0  }
0xb7: {  	s22 =	rddreg [dreg:$0xc];
	[sflag:s25] =	ssyncadd.s32 $0xFFFFFFC0  }
0xb8: {  	[tilespmem:s26], [sflag:$0x5] =	stream.linear.gather [hbm4b:s22+s2], $0x2000, $0x38;
	[tilespmem:$0x1A500] =	vst v63  }
0xb9: {  	_ =	swait.ge [sflag:s25], $0x2000  }
0xba: {  	[sflag:s25] =	ssyncset.done $0x0  }
0xbb: {  	[sflag:s25] =	ssyncadd.s32 $0xFFFFE000  }
0xbc: {  	v11 =	vld.idx.msk [tilespmem:v0+s26+$0x0], $0xffff;
	_ =	sdelay $0x4  }
0xbd: {  	v32 =	vand.u32 $0xF, v11;
	_ =	sdelay $0x4  }
0xbe: {  	v12 =	vld.idx.msk [tilespmem:v32+s28+$0x0], $0xffff;
	_ =	sdelay $0x3  }
0xbf: {  	v11 =	vshrl.u32 v11, $0x4  }
0xc0: {  	v11 =	vadd.s32 v11, v12  }
0xc1: {  	[tilespmem:$0x1A200] =	vst v11  }
0xc2: {  	v11 =	vld.idx.msk [tilespmem:v1+s26+$0x0], $0xffff;
	_ =	sdelay $0x4  }
0xc3: {  	v33 =	vand.u32 $0xF, v11;
	_ =	sdelay $0x4  }
0xc4: {  	v12 =	vld.idx.msk [tilespmem:v33+s28+$0x0], $0xffff;
	_ =	sdelay $0x3  }
0xc5: {  	v11 =	vshrl.u32 v11, $0x4  }
0xc6: {  	v11 =	vadd.s32 v11, v12  }
0xc7: {  	[tilespmem:$0x1A210] =	vst v11  }
0xc8: {  	v11 =	vld.idx.msk [tilespmem:v2+s26+$0x0], $0xffff;
	_ =	sdelay $0x4  }
0xc9: {  	v34 =	vand.u32 $0xF, v11;
	_ =	sdelay $0x4  }
0xca: {  	v12 =	vld.idx.msk [tilespmem:v34+s28+$0x0], $0xffff;
	_ =	sdelay $0x3  }
0xcb: {  	v11 =	vshrl.u32 v11, $0x4  }
0xcc: {  	v11 =	vadd.s32 v11, v12  }
0xcd: {  	[tilespmem:$0x1A220] =	vst v11  }
0xce: {  	v11 =	vld.idx.msk [tilespmem:v3+s26+$0x0], $0xffff;
	_ =	sdelay $0x4  }
0xcf: {  	v35 =	vand.u32 $0xF, v11;
	_ =	sdelay $0x4  }
0xd0: {  	v12 =	vld.idx.msk [tilespmem:v35+s28+$0x0], $0xffff;
	_ =	sdelay $0x3  }
0xd1: {  	v11 =	vshrl.u32 v11, $0x4  }
0xd2: {  	v11 =	vadd.s32 v11, v12  }
0xd3: {  	[tilespmem:$0x1A230] =	vst v11  }
0xd4: {  	v11 =	vld.idx.msk [tilespmem:v4+s26+$0x0], $0xffff;
	_ =	sdelay $0x4  }
0xd5: {  	v36 =	vand.u32 $0xF, v11  }
0xd6: {  	v12 =	vor.u32 $0x80, v36;
	_ =	sdelay $0x4  }
0xd7: {  	v12 =	vld.idx.msk [tilespmem:v12+s28+$0x0], $0xffff;
	_ =	sdelay $0x3  }
0xd8: {  	v11 =	vshrl.u32 v11, $0x4  }
0xd9: {  	v11 =	vadd.s32 v11, v12  }
0xda: {  	[tilespmem:$0x1A280] =	vst v11  }
0xdb: {  	v11 =	vld.idx.msk [tilespmem:v5+s26+$0x0], $0xffff;
	_ =	sdelay $0x4  }
0xdc: {  	v37 =	vand.u32 $0xF, v11  }
0xdd: {  	v12 =	vor.u32 $0x80, v37;
	_ =	sdelay $0x4  }
0xde: {  	v12 =	vld.idx.msk [tilespmem:v12+s28+$0x0], $0xffff;
	_ =	sdelay $0x3  }
0xdf: {  	v11 =	vshrl.u32 v11, $0x4  }
0xe0: {  	v11 =	vadd.s32 v11, v12  }
0xe1: {  	[tilespmem:$0x1A290] =	vst v11  }
0xe2: {  	v11 =	vld.idx.msk [tilespmem:v6+s26+$0x0], $0xffff;
	_ =	sdelay $0x4  }
0xe3: {  	v38 =	vand.u32 $0xF, v11  }
0xe4: {  	v12 =	vor.u32 $0x80, v38;
	_ =	sdelay $0x4  }
0xe5: {  	v12 =	vld.idx.msk [tilespmem:v12+s28+$0x0], $0xffff;
	_ =	sdelay $0x3  }
0xe6: {  	v11 =	vshrl.u32 v11, $0x4  }
0xe7: {  	v11 =	vadd.s32 v11, v12  }
0xe8: {  	[tilespmem:$0x1A2A0] =	vst v11  }
0xe9: {  	v11 =	vld.idx.msk [tilespmem:v7+s26+$0x0], $0xffff;
	_ =	sdelay $0x4  }
0xea: {  	v39 =	vand.u32 $0xF, v11  }
0xeb: {  	v12 =	vor.u32 $0x80, v39;
	_ =	sdelay $0x4  }
0xec: {  	v12 =	vld.idx.msk [tilespmem:v12+s28+$0x0], $0xffff;
	_ =	sdelay $0x3  }
0xed: {  	v11 =	vshrl.u32 v11, $0x4  }
0xee: {  	v11 =	vadd.s32 v11, v12  }
0xef: {  	s30 =	simm.s32 $0x1A200;
	s23 =	rddreg [dreg:$0xd];
	[tilespmem:$0x1A2B0] =	vst v11  }
0xf0: {  	[hbm4b:s23+s2] =	stream.linear.scatter [tilespmem:s30], [sflag:$0x5], $0x40, $0x38;
	[tilespmem:$0x1A500] =	vst v63  }
0xf1: {  	_ =	swait.ge [sflag:s25], $0x40  }
0xf2: {  	[sflag:s25] =	ssyncset.done $0x0  }
0xf3: {  	s30 =	simm.s32 $0x1A280;
	s24 =	rddreg [dreg:$0xe];
	[sflag:s25] =	ssyncadd.s32 $0xFFFFFFC0  }
0xf4: {  	[hbm4b:s24+s2] =	stream.linear.scatter [tilespmem:s30], [sflag:$0x5], $0x40, $0x38;
	[tilespmem:$0x1A500] =	vst v63  }
0xf5: {  	_ =	swait.ge [sflag:s25], $0x40  }
0xf6: {  	[sflag:s25] =	ssyncset.done $0x0  }
0xf7: {  	s31 =	simm.s32 $0x1;
	[sflag:s25] =	ssyncadd.s32 $0xFFFFFFC0  }
0xf8: {  	_ =	swait.ge [sflag:s31], $0xC000  }
0xf9: {  	[sflag:s31] =	ssyncset.done $0x0  }
0xfa: {  	[sflag:s31] =	ssyncadd.s32 $0xFFFF4000  }
0xfb: {  	v11 =	vld [tilespmem:$0x1A000];
	_ =	sdelay $0x4  }
0xfc: {  	v40 =	vshrl.u32 v11, $0x3  }
0xfd: {  	v12 =	vmul.u32 $0x30, v40  }
0xfe: {  	v11 =	vand.u32 $0x7, v11  }
0xff: {  	v11 =	vor.u32 v11, v12  }
0x100: {  	v12 =	vperm.xlane v11, v8;
	_ =	sdelay $0x1  }
0x101: {  	v12 =	vadd.s32 v9, v12;
	_ =	sdelay $0x3  }
0x102: {  	v11 =	vperm.xlane v11, v10  }
0x103: {  	[hbm4b:s3+s2] =	stream.indirect_vreg.scatter [tilespmem:s2], [sflag:$0x3], $0x80, v12, vm0, $0xb8;
	[tilespmem:$0x1A500] =	vst v63  }
0x104: {  	s1 =	simm.s32 $0x800;
	v11 =	vadd.s32 v9, v11  }
0x105: {  	[hbm4b:s17+s2] =	stream.indirect_vreg.scatter [tilespmem:s1], [sflag:$0x3], $0x80, v12, vm0, $0xb8;
	[tilespmem:$0x1A500] =	vst v63  }
0x106: {  	s4 =	simm.s32 $0x1000  }
0x107: {  	[hbm4b:s18+s2] =	stream.indirect_vreg.scatter [tilespmem:s4], [sflag:$0x3], $0x80, v12, vm0, $0xb8;
	[tilespmem:$0x1A500] =	vst v63  }
0x108: {  	s5 =	simm.s32 $0x1800  }
0x109: {  	[hbm4b:s3+s2] =	stream.indirect_vreg.scatter [tilespmem:s5], [sflag:$0x3], $0x80, v11, vm0, $0xb8;
	[tilespmem:$0x1A500] =	vst v63  }
0x10a: {  	s6 =	simm.s32 $0x2000  }
0x10b: {  	[hbm4b:s17+s2] =	stream.indirect_vreg.scatter [tilespmem:s6], [sflag:$0x3], $0x80, v11, vm0, $0xb8;
	[tilespmem:$0x1A500] =	vst v63  }
0x10c: {  	s7 =	simm.s32 $0x2800  }
0x10d: {  	[hbm4b:s18+s2] =	stream.indirect_vreg.scatter [tilespmem:s7], [sflag:$0x3], $0x80, v11, vm0, $0xb8;
	[tilespmem:$0x1A500] =	vst v63  }
0x10e: {  	v11 =	vld [tilespmem:$0x1A010];
	_ =	sdelay $0x4  }
0x10f: {  	v41 =	vshrl.u32 v11, $0x3  }
0x110: {  	v12 =	vmul.u32 $0x30, v41  }
0x111: {  	v11 =	vand.u32 $0x7, v11  }
0x112: {  	v11 =	vor.u32 v11, v12  }
0x113: {  	v12 =	vperm.xlane v11, v8;
	_ =	sdelay $0x1  }
0x114: {  	v12 =	vadd.s32 v9, v12;
	_ =	sdelay $0x3  }
0x115: {  	s8 =	simm.s32 $0x3000;
	v11 =	vperm.xlane v11, v10  }
0x116: {  	[hbm4b:s3+s2] =	stream.indirect_vreg.scatter [tilespmem:s8], [sflag:$0x3], $0x80, v12, vm0, $0xb8;
	[tilespmem:$0x1A500] =	vst v63  }
0x117: {  	s9 =	simm.s32 $0x3800;
	v11 =	vadd.s32 v9, v11  }
0x118: {  	[hbm4b:s17+s2] =	stream.indirect_vreg.scatter [tilespmem:s9], [sflag:$0x3], $0x80, v12, vm0, $0xb8;
	[tilespmem:$0x1A500] =	vst v63  }
0x119: {  	s10 =	simm.s32 $0x4000  }
0x11a: {  	[hbm4b:s18+s2] =	stream.indirect_vreg.scatter [tilespmem:s10], [sflag:$0x3], $0x80, v12, vm0, $0xb8;
	[tilespmem:$0x1A500] =	vst v63  }
0x11b: {  	s11 =	simm.s32 $0x4800  }
0x11c: {  	[hbm4b:s3+s2] =	stream.indirect_vreg.scatter [tilespmem:s11], [sflag:$0x3], $0x80, v11, vm0, $0xb8;
	[tilespmem:$0x1A500] =	vst v63  }
0x11d: {  	s12 =	simm.s32 $0x5000  }
0x11e: {  	[hbm4b:s17+s2] =	stream.indirect_vreg.scatter [tilespmem:s12], [sflag:$0x3], $0x80, v11, vm0, $0xb8;
	[tilespmem:$0x1A500] =	vst v63  }
0x11f: {  	s13 =	simm.s32 $0x5800  }
0x120: {  	[hbm4b:s18+s2] =	stream.indirect_vreg.scatter [tilespmem:s13], [sflag:$0x3], $0x80, v11, vm0, $0xb8;
	[tilespmem:$0x1A500] =	vst v63  }
0x121: {  	v11 =	vld [tilespmem:$0x1A020];
	_ =	sdelay $0x4  }
0x122: {  	v42 =	vshrl.u32 v11, $0x3  }
0x123: {  	v12 =	vmul.u32 $0x30, v42  }
0x124: {  	v11 =	vand.u32 $0x7, v11  }
0x125: {  	v11 =	vor.u32 v11, v12  }
0x126: {  	v12 =	vperm.xlane v11, v8;
	_ =	sdelay $0x1  }
0x127: {  	v12 =	vadd.s32 v9, v12;
	_ =	sdelay $0x3  }
0x128: {  	s14 =	simm.s32 $0x6000;
	v11 =	vperm.xlane v11, v10  }
0x129: {  	[hbm4b:s3+s2] =	stream.indirect_vreg.scatter [tilespmem:s14], [sflag:$0x3], $0x80, v12, vm0, $0xb8;
	[tilespmem:$0x1A500] =	vst v63  }
0x12a: {  	s15 =	simm.s32 $0x6800;
	v11 =	vadd.s32 v9, v11  }
0x12b: {  	[hbm4b:s17+s2] =	stream.indirect_vreg.scatter [tilespmem:s15], [sflag:$0x3], $0x80, v12, vm0, $0xb8;
	[tilespmem:$0x1A500] =	vst v63  }
0x12c: {  	s16 =	simm.s32 $0x7000  }
0x12d: {  	[hbm4b:s18+s2] =	stream.indirect_vreg.scatter [tilespmem:s16], [sflag:$0x3], $0x80, v12, vm0, $0xb8;
	[tilespmem:$0x1A500] =	vst v63  }
0x12e: {  	s19 =	simm.s32 $0x7800  }
0x12f: {  	[hbm4b:s3+s2] =	stream.indirect_vreg.scatter [tilespmem:s19], [sflag:$0x3], $0x80, v11, vm0, $0xb8;
	[tilespmem:$0x1A500] =	vst v63  }
0x130: {  	s20 =	simm.s32 $0x8000  }
0x131: {  	[hbm4b:s17+s2] =	stream.indirect_vreg.scatter [tilespmem:s20], [sflag:$0x3], $0x80, v11, vm0, $0xb8;
	[tilespmem:$0x1A500] =	vst v63  }
0x132: {  	s29 =	simm.s32 $0x8800  }
0x133: {  	[hbm4b:s18+s2] =	stream.indirect_vreg.scatter [tilespmem:s29], [sflag:$0x3], $0x80, v11, vm0, $0xb8;
	[tilespmem:$0x1A500] =	vst v63  }
0x134: {  	v11 =	vld [tilespmem:$0x1A030];
	_ =	sdelay $0x4  }
0x135: {  	v43 =	vshrl.u32 v11, $0x3  }
0x136: {  	v12 =	vmul.u32 $0x30, v43  }
0x137: {  	v11 =	vand.u32 $0x7, v11  }
0x138: {  	v11 =	vor.u32 v11, v12  }
0x139: {  	v12 =	vperm.xlane v11, v8;
	_ =	sdelay $0x1  }
0x13a: {  	v12 =	vadd.s32 v9, v12;
	_ =	sdelay $0x3  }
0x13b: {  	s31 =	simm.s32 $0x9000;
	v11 =	vperm.xlane v11, v10  }
0x13c: {  	[hbm4b:s3+s2] =	stream.indirect_vreg.scatter [tilespmem:s31], [sflag:$0x3], $0x80, v12, vm0, $0xb8;
	[tilespmem:$0x1A500] =	vst v63  }
0x13d: {  	s15 =	simm.s32 $0x9800;
	v11 =	vadd.s32 v9, v11  }
0x13e: {  	[hbm4b:s17+s2] =	stream.indirect_vreg.scatter [tilespmem:s15], [sflag:$0x3], $0x80, v12, vm0, $0xb8;
	[tilespmem:$0x1A500] =	vst v63  }
0x13f: {  	s16 =	simm.s32 $0xA000  }
0x140: {  	[hbm4b:s18+s2] =	stream.indirect_vreg.scatter [tilespmem:s16], [sflag:$0x3], $0x80, v12, vm0, $0xb8;
	[tilespmem:$0x1A500] =	vst v63  }
0x141: {  	s19 =	simm.s32 $0xA800  }
0x142: {  	[hbm4b:s3+s2] =	stream.indirect_vreg.scatter [tilespmem:s19], [sflag:$0x3], $0x80, v11, vm0, $0xb8;
	[tilespmem:$0x1A500] =	vst v63  }
0x143: {  	s20 =	simm.s32 $0xB000  }
0x144: {  	[hbm4b:s17+s2] =	stream.indirect_vreg.scatter [tilespmem:s20], [sflag:$0x3], $0x80, v11, vm0, $0xb8;
	[tilespmem:$0x1A500] =	vst v63  }
0x145: {  	s31 =	simm.s32 $0xB800  }
0x146: {  	[hbm4b:s18+s2] =	stream.indirect_vreg.scatter [tilespmem:s31], [sflag:$0x3], $0x80, v11, vm0, $0xb8;
	[tilespmem:$0x1A500] =	vst v63  }
0x147: {  	v11 =	vld [tilespmem:$0x1A080];
	_ =	sdelay $0x4  }
0x148: {  	v44 =	vshrl.u32 v11, $0x3  }
0x149: {  	v12 =	vmul.u32 $0x30, v44  }
0x14a: {  	v11 =	vand.u32 $0x7, v11  }
0x14b: {  	v11 =	vor.u32 v11, v12  }
0x14c: {  	v12 =	vperm.xlane v11, v8;
	_ =	sdelay $0x1  }
0x14d: {  	v12 =	vadd.s32 v9, v12;
	_ =	sdelay $0x3  }
0x14e: {  	v11 =	vperm.xlane v11, v10  }
0x14f: {  	[hbm4b:s3+s2] =	stream.indirect_vreg.scatter [tilespmem:s2], [sflag:$0x3], $0x80, v12, vm0, $0xb8;
	[tilespmem:$0x1A500] =	vst v63  }
0x150: {  	s1 =	simm.s32 $0x800;
	v11 =	vadd.s32 v9, v11  }
0x151: {  	[hbm4b:s17+s2] =	stream.indirect_vreg.scatter [tilespmem:s1], [sflag:$0x3], $0x80, v12, vm0, $0xb8;
	[tilespmem:$0x1A500] =	vst v63  }
0x152: {  	s4 =	simm.s32 $0x1000  }
0x153: {  	[hbm4b:s18+s2] =	stream.indirect_vreg.scatter [tilespmem:s4], [sflag:$0x3], $0x80, v12, vm0, $0xb8;
	[tilespmem:$0x1A500] =	vst v63  }
0x154: {  	s5 =	simm.s32 $0x1800  }
0x155: {  	[hbm4b:s3+s2] =	stream.indirect_vreg.scatter [tilespmem:s5], [sflag:$0x3], $0x80, v11, vm0, $0xb8;
	[tilespmem:$0x1A500] =	vst v63  }
0x156: {  	s6 =	simm.s32 $0x2000  }
0x157: {  	[hbm4b:s17+s2] =	stream.indirect_vreg.scatter [tilespmem:s6], [sflag:$0x3], $0x80, v11, vm0, $0xb8;
	[tilespmem:$0x1A500] =	vst v63  }
0x158: {  	s21 =	simm.s32 $0x2800  }
0x159: {  	[hbm4b:s18+s2] =	stream.indirect_vreg.scatter [tilespmem:s21], [sflag:$0x3], $0x80, v11, vm0, $0xb8;
	[tilespmem:$0x1A500] =	vst v63  }
0x15a: {  	v11 =	vld [tilespmem:$0x1A090];
	_ =	sdelay $0x4  }
0x15b: {  	v45 =	vshrl.u32 v11, $0x3  }
0x15c: {  	v12 =	vmul.u32 $0x30, v45  }
0x15d: {  	v11 =	vand.u32 $0x7, v11  }
0x15e: {  	v11 =	vor.u32 v11, v12  }
0x15f: {  	v12 =	vperm.xlane v11, v8;
	_ =	sdelay $0x1  }
0x160: {  	v12 =	vadd.s32 v9, v12;
	_ =	sdelay $0x3  }
0x161: {  	s22 =	simm.s32 $0x3000;
	v11 =	vperm.xlane v11, v10  }
0x162: {  	[hbm4b:s3+s2] =	stream.indirect_vreg.scatter [tilespmem:s22], [sflag:$0x3], $0x80, v12, vm0, $0xb8;
	[tilespmem:$0x1A500] =	vst v63  }
0x163: {  	s7 =	simm.s32 $0x3800;
	v11 =	vadd.s32 v9, v11  }
0x164: {  	[hbm4b:s17+s2] =	stream.indirect_vreg.scatter [tilespmem:s7], [sflag:$0x3], $0x80, v12, vm0, $0xb8;
	[tilespmem:$0x1A500] =	vst v63  }
0x165: {  	s8 =	simm.s32 $0x4000  }
0x166: {  	[hbm4b:s18+s2] =	stream.indirect_vreg.scatter [tilespmem:s8], [sflag:$0x3], $0x80, v12, vm0, $0xb8;
	[tilespmem:$0x1A500] =	vst v63  }
0x167: {  	s9 =	simm.s32 $0x4800  }
0x168: {  	[hbm4b:s3+s2] =	stream.indirect_vreg.scatter [tilespmem:s9], [sflag:$0x3], $0x80, v11, vm0, $0xb8;
	[tilespmem:$0x1A500] =	vst v63  }
0x169: {  	s10 =	simm.s32 $0x5000  }
0x16a: {  	[hbm4b:s17+s2] =	stream.indirect_vreg.scatter [tilespmem:s10], [sflag:$0x3], $0x80, v11, vm0, $0xb8;
	[tilespmem:$0x1A500] =	vst v63  }
0x16b: {  	s23 =	simm.s32 $0x5800  }
0x16c: {  	[hbm4b:s18+s2] =	stream.indirect_vreg.scatter [tilespmem:s23], [sflag:$0x3], $0x80, v11, vm0, $0xb8;
	[tilespmem:$0x1A500] =	vst v63  }
0x16d: {  	v11 =	vld [tilespmem:$0x1A0A0];
	_ =	sdelay $0x4  }
0x16e: {  	v46 =	vshrl.u32 v11, $0x3  }
0x16f: {  	v12 =	vmul.u32 $0x30, v46  }
0x170: {  	v11 =	vand.u32 $0x7, v11  }
0x171: {  	v11 =	vor.u32 v11, v12  }
0x172: {  	v12 =	vperm.xlane v11, v8;
	_ =	sdelay $0x1  }
0x173: {  	v12 =	vadd.s32 v9, v12;
	_ =	sdelay $0x3  }
0x174: {  	s24 =	simm.s32 $0x6000;
	v11 =	vperm.xlane v11, v10  }
0x175: {  	[hbm4b:s3+s2] =	stream.indirect_vreg.scatter [tilespmem:s24], [sflag:$0x3], $0x80, v12, vm0, $0xb8;
	[tilespmem:$0x1A500] =	vst v63  }
0x176: {  	s11 =	simm.s32 $0x6800;
	v11 =	vadd.s32 v9, v11  }
0x177: {  	[hbm4b:s17+s2] =	stream.indirect_vreg.scatter [tilespmem:s11], [sflag:$0x3], $0x80, v12, vm0, $0xb8;
	[tilespmem:$0x1A500] =	vst v63  }
0x178: {  	s12 =	simm.s32 $0x7000  }
0x179: {  	[hbm4b:s18+s2] =	stream.indirect_vreg.scatter [tilespmem:s12], [sflag:$0x3], $0x80, v12, vm0, $0xb8;
	[tilespmem:$0x1A500] =	vst v63  }
0x17a: {  	s13 =	simm.s32 $0x7800  }
0x17b: {  	[hbm4b:s3+s2] =	stream.indirect_vreg.scatter [tilespmem:s13], [sflag:$0x3], $0x80, v11, vm0, $0xb8;
	[tilespmem:$0x1A500] =	vst v63  }
0x17c: {  	s14 =	simm.s32 $0x8000  }
0x17d: {  	[hbm4b:s17+s2] =	stream.indirect_vreg.scatter [tilespmem:s14], [sflag:$0x3], $0x80, v11, vm0, $0xb8;
	[tilespmem:$0x1A500] =	vst v63  }
0x17e: {  	s29 =	simm.s32 $0x8800  }
0x17f: {  	[hbm4b:s18+s2] =	stream.indirect_vreg.scatter [tilespmem:s29], [sflag:$0x3], $0x80, v11, vm0, $0xb8;
	[tilespmem:$0x1A500] =	vst v63  }
0x180: {  	v11 =	vld [tilespmem:$0x1A0B0];
	_ =	sdelay $0x4  }
0x181: {  	v47 =	vshrl.u32 v11, $0x3  }
0x182: {  	v12 =	vmul.u32 $0x30, v47  }
0x183: {  	v11 =	vand.u32 $0x7, v11  }
0x184: {  	v11 =	vor.u32 v11, v12  }
0x185: {  	v12 =	vperm.xlane v11, v8;
	_ =	sdelay $0x1  }
0x186: {  	v12 =	vadd.s32 v9, v12;
	_ =	sdelay $0x3  }
0x187: {  	s30 =	simm.s32 $0x9000;
	v11 =	vperm.xlane v11, v10  }
0x188: {  	[hbm4b:s3+s2] =	stream.indirect_vreg.scatter [tilespmem:s30], [sflag:$0x3], $0x80, v12, vm0, $0xb8;
	[tilespmem:$0x1A500] =	vst v63  }
0x189: {  	s15 =	simm.s32 $0x9800;
	v11 =	vadd.s32 v9, v11  }
0x18a: {  	[hbm4b:s17+s2] =	stream.indirect_vreg.scatter [tilespmem:s15], [sflag:$0x3], $0x80, v12, vm0, $0xb8;
	[tilespmem:$0x1A500] =	vst v63  }
0x18b: {  	s16 =	simm.s32 $0xA000  }
0x18c: {  	[hbm4b:s18+s2] =	stream.indirect_vreg.scatter [tilespmem:s16], [sflag:$0x3], $0x80, v12, vm0, $0xb8;
	[tilespmem:$0x1A500] =	vst v63  }
0x18d: {  	s19 =	simm.s32 $0xA800  }
0x18e: {  	[hbm4b:s3+s2] =	stream.indirect_vreg.scatter [tilespmem:s19], [sflag:$0x3], $0x80, v11, vm0, $0xb8;
	[tilespmem:$0x1A500] =	vst v63  }
0x18f: {  	s20 =	simm.s32 $0xB000  }
0x190: {  	[hbm4b:s17+s2] =	stream.indirect_vreg.scatter [tilespmem:s20], [sflag:$0x3], $0x80, v11, vm0, $0xb8;
	[tilespmem:$0x1A500] =	vst v63  }
0x191: {  	s31 =	simm.s32 $0xB800;
	s23 =	simm.s32 $0x2  }
0x192: {  	[hbm4b:s18+s2] =	stream.indirect_vreg.scatter [tilespmem:s31], [sflag:$0x3], $0x80, v11, vm0, $0xb8;
	[tilespmem:$0x1A500] =	vst v63  }
0x193: {  	_ =	swait.ge [sflag:s23], $0xC000  }
0x194: {  	[sflag:s23] =	ssyncset.done $0x0  }
0x195: {  	[sflag:s23] =	ssyncadd.s32 $0xFFFF4000  }
0x196: {  	v11 =	vld [tilespmem:$0x1A100];
	_ =	sdelay $0x4  }
0x197: {  	v48 =	vshrl.u32 v11, $0x3  }
0x198: {  	v12 =	vmul.u32 $0x30, v48  }
0x199: {  	v11 =	vand.u32 $0x7, v11  }
0x19a: {  	v11 =	vor.u32 v11, v12  }
0x19b: {  	v12 =	vperm.xlane v11, v8;
	_ =	sdelay $0x1  }
0x19c: {  	v12 =	vadd.s32 v9, v12;
	_ =	sdelay $0x3  }
0x19d: {  	s24 =	simm.s32 $0xC000;
	v11 =	vperm.xlane v11, v10  }
0x19e: {  	[hbm4b:s3+s2] =	stream.indirect_vreg.scatter [tilespmem:s24], [sflag:$0x4], $0x80, v12, vm0, $0xb8;
	[tilespmem:$0x1A500] =	vst v63  }
0x19f: {  	s29 =	simm.s32 $0xC800;
	v11 =	vadd.s32 v9, v11  }
0x1a0: {  	[hbm4b:s17+s2] =	stream.indirect_vreg.scatter [tilespmem:s29], [sflag:$0x4], $0x80, v12, vm0, $0xb8;
	[tilespmem:$0x1A500] =	vst v63  }
0x1a1: {  	s0 =	simm.s32 $0xD000  }
0x1a2: {  	[hbm4b:s18+s2] =	stream.indirect_vreg.scatter [tilespmem:s0], [sflag:$0x4], $0x80, v12, vm0, $0xb8;
	[tilespmem:$0x1A500] =	vst v63  }
0x1a3: {  	s1 =	simm.s32 $0xD800  }
0x1a4: {  	[hbm4b:s3+s2] =	stream.indirect_vreg.scatter [tilespmem:s1], [sflag:$0x4], $0x80, v11, vm0, $0xb8;
	[tilespmem:$0x1A500] =	vst v63  }
0x1a5: {  	s4 =	simm.s32 $0xE000  }
0x1a6: {  	[hbm4b:s17+s2] =	stream.indirect_vreg.scatter [tilespmem:s4], [sflag:$0x4], $0x80, v11, vm0, $0xb8;
	[tilespmem:$0x1A500] =	vst v63  }
0x1a7: {  	s5 =	simm.s32 $0xE800  }
0x1a8: {  	[hbm4b:s18+s2] =	stream.indirect_vreg.scatter [tilespmem:s5], [sflag:$0x4], $0x80, v11, vm0, $0xb8;
	[tilespmem:$0x1A500] =	vst v63  }
0x1a9: {  	v11 =	vld [tilespmem:$0x1A110];
	_ =	sdelay $0x4  }
0x1aa: {  	v49 =	vshrl.u32 v11, $0x3  }
0x1ab: {  	v12 =	vmul.u32 $0x30, v49  }
0x1ac: {  	v11 =	vand.u32 $0x7, v11  }
0x1ad: {  	v11 =	vor.u32 v11, v12  }
0x1ae: {  	v12 =	vperm.xlane v11, v8;
	_ =	sdelay $0x1  }
0x1af: {  	v12 =	vadd.s32 v9, v12;
	_ =	sdelay $0x3  }
0x1b0: {  	s6 =	simm.s32 $0xF000;
	v11 =	vperm.xlane v11, v10  }
0x1b1: {  	[hbm4b:s3+s2] =	stream.indirect_vreg.scatter [tilespmem:s6], [sflag:$0x4], $0x80, v12, vm0, $0xb8;
	[tilespmem:$0x1A500] =	vst v63  }
0x1b2: {  	s7 =	simm.s32 $0xF800;
	v11 =	vadd.s32 v9, v11  }
0x1b3: {  	[hbm4b:s17+s2] =	stream.indirect_vreg.scatter [tilespmem:s7], [sflag:$0x4], $0x80, v12, vm0, $0xb8;
	[tilespmem:$0x1A500] =	vst v63  }
0x1b4: {  	s8 =	simm.s32 $0x10000  }
0x1b5: {  	[hbm4b:s18+s2] =	stream.indirect_vreg.scatter [tilespmem:s8], [sflag:$0x4], $0x80, v12, vm0, $0xb8;
	[tilespmem:$0x1A500] =	vst v63  }
0x1b6: {  	s9 =	simm.s32 $0x10800  }
0x1b7: {  	[hbm4b:s3+s2] =	stream.indirect_vreg.scatter [tilespmem:s9], [sflag:$0x4], $0x80, v11, vm0, $0xb8;
	[tilespmem:$0x1A500] =	vst v63  }
0x1b8: {  	s10 =	simm.s32 $0x11000  }
0x1b9: {  	[hbm4b:s17+s2] =	stream.indirect_vreg.scatter [tilespmem:s10], [sflag:$0x4], $0x80, v11, vm0, $0xb8;
	[tilespmem:$0x1A500] =	vst v63  }
0x1ba: {  	s11 =	simm.s32 $0x11800  }
0x1bb: {  	[hbm4b:s18+s2] =	stream.indirect_vreg.scatter [tilespmem:s11], [sflag:$0x4], $0x80, v11, vm0, $0xb8;
	[tilespmem:$0x1A500] =	vst v63  }
0x1bc: {  	v11 =	vld [tilespmem:$0x1A120];
	_ =	sdelay $0x4  }
0x1bd: {  	v50 =	vshrl.u32 v11, $0x3  }
0x1be: {  	v12 =	vmul.u32 $0x30, v50  }
0x1bf: {  	v11 =	vand.u32 $0x7, v11  }
0x1c0: {  	v11 =	vor.u32 v11, v12  }
0x1c1: {  	v12 =	vperm.xlane v11, v8;
	_ =	sdelay $0x1  }
0x1c2: {  	v12 =	vadd.s32 v9, v12;
	_ =	sdelay $0x3  }
0x1c3: {  	s12 =	simm.s32 $0x12000;
	v11 =	vperm.xlane v11, v10  }
0x1c4: {  	[hbm4b:s3+s2] =	stream.indirect_vreg.scatter [tilespmem:s12], [sflag:$0x4], $0x80, v12, vm0, $0xb8;
	[tilespmem:$0x1A500] =	vst v63  }
0x1c5: {  	s13 =	simm.s32 $0x12800;
	v11 =	vadd.s32 v9, v11  }
0x1c6: {  	[hbm4b:s17+s2] =	stream.indirect_vreg.scatter [tilespmem:s13], [sflag:$0x4], $0x80, v12, vm0, $0xb8;
	[tilespmem:$0x1A500] =	vst v63  }
0x1c7: {  	s14 =	simm.s32 $0x13000  }
0x1c8: {  	[hbm4b:s18+s2] =	stream.indirect_vreg.scatter [tilespmem:s14], [sflag:$0x4], $0x80, v12, vm0, $0xb8;
	[tilespmem:$0x1A500] =	vst v63  }
0x1c9: {  	s15 =	simm.s32 $0x13800  }
0x1ca: {  	[hbm4b:s3+s2] =	stream.indirect_vreg.scatter [tilespmem:s15], [sflag:$0x4], $0x80, v11, vm0, $0xb8;
	[tilespmem:$0x1A500] =	vst v63  }
0x1cb: {  	s16 =	simm.s32 $0x14000  }
0x1cc: {  	[hbm4b:s17+s2] =	stream.indirect_vreg.scatter [tilespmem:s16], [sflag:$0x4], $0x80, v11, vm0, $0xb8;
	[tilespmem:$0x1A500] =	vst v63  }
0x1cd: {  	s19 =	simm.s32 $0x14800  }
0x1ce: {  	[hbm4b:s18+s2] =	stream.indirect_vreg.scatter [tilespmem:s19], [sflag:$0x4], $0x80, v11, vm0, $0xb8;
	[tilespmem:$0x1A500] =	vst v63  }
0x1cf: {  	v11 =	vld [tilespmem:$0x1A130];
	_ =	sdelay $0x4  }
0x1d0: {  	v51 =	vshrl.u32 v11, $0x3  }
0x1d1: {  	v12 =	vmul.u32 $0x30, v51  }
0x1d2: {  	v11 =	vand.u32 $0x7, v11  }
0x1d3: {  	v11 =	vor.u32 v11, v12  }
0x1d4: {  	v12 =	vperm.xlane v11, v8;
	_ =	sdelay $0x1  }
0x1d5: {  	v12 =	vadd.s32 v9, v12;
	_ =	sdelay $0x3  }
0x1d6: {  	s20 =	simm.s32 $0x15000;
	v11 =	vperm.xlane v11, v10  }
0x1d7: {  	[hbm4b:s3+s2] =	stream.indirect_vreg.scatter [tilespmem:s20], [sflag:$0x4], $0x80, v12, vm0, $0xb8;
	[tilespmem:$0x1A500] =	vst v63  }
0x1d8: {  	s21 =	simm.s32 $0x15800;
	v11 =	vadd.s32 v9, v11  }
0x1d9: {  	[hbm4b:s17+s2] =	stream.indirect_vreg.scatter [tilespmem:s21], [sflag:$0x4], $0x80, v12, vm0, $0xb8;
	[tilespmem:$0x1A500] =	vst v63  }
0x1da: {  	s22 =	simm.s32 $0x16000  }
0x1db: {  	[hbm4b:s18+s2] =	stream.indirect_vreg.scatter [tilespmem:s22], [sflag:$0x4], $0x80, v12, vm0, $0xb8;
	[tilespmem:$0x1A500] =	vst v63  }
0x1dc: {  	s23 =	simm.s32 $0x16800  }
0x1dd: {  	[hbm4b:s3+s2] =	stream.indirect_vreg.scatter [tilespmem:s23], [sflag:$0x4], $0x80, v11, vm0, $0xb8;
	[tilespmem:$0x1A500] =	vst v63  }
0x1de: {  	s31 =	simm.s32 $0x17000  }
0x1df: {  	[hbm4b:s17+s2] =	stream.indirect_vreg.scatter [tilespmem:s31], [sflag:$0x4], $0x80, v11, vm0, $0xb8;
	[tilespmem:$0x1A500] =	vst v63  }
0x1e0: {  	s30 =	simm.s32 $0x17800  }
0x1e1: {  	[hbm4b:s18+s2] =	stream.indirect_vreg.scatter [tilespmem:s30], [sflag:$0x4], $0x80, v11, vm0, $0xb8;
	[tilespmem:$0x1A500] =	vst v63  }
0x1e2: {  	v11 =	vld [tilespmem:$0x1A180];
	_ =	sdelay $0x4  }
0x1e3: {  	v52 =	vshrl.u32 v11, $0x3  }
0x1e4: {  	v12 =	vmul.u32 $0x30, v52  }
0x1e5: {  	v11 =	vand.u32 $0x7, v11  }
0x1e6: {  	v11 =	vor.u32 v11, v12  }
0x1e7: {  	v12 =	vperm.xlane v11, v8;
	_ =	sdelay $0x1  }
0x1e8: {  	v12 =	vadd.s32 v9, v12;
	_ =	sdelay $0x3  }
0x1e9: {  	v11 =	vperm.xlane v11, v10  }
0x1ea: {  	[hbm4b:s3+s2] =	stream.indirect_vreg.scatter [tilespmem:s24], [sflag:$0x4], $0x80, v12, vm0, $0xb8;
	[tilespmem:$0x1A500] =	vst v63  }
0x1eb: {  	v11 =	vadd.s32 v9, v11  }
0x1ec: {  	[hbm4b:s17+s2] =	stream.indirect_vreg.scatter [tilespmem:s29], [sflag:$0x4], $0x80, v12, vm0, $0xb8;
	[tilespmem:$0x1A500] =	vst v63  }
0x1ed: {  	_ = 	snop  }
0x1ee: {  	[hbm4b:s18+s2] =	stream.indirect_vreg.scatter [tilespmem:s0], [sflag:$0x4], $0x80, v12, vm0, $0xb8;
	[tilespmem:$0x1A500] =	vst v63  }
0x1ef: {  	_ = 	snop  }
0x1f0: {  	[hbm4b:s3+s2] =	stream.indirect_vreg.scatter [tilespmem:s1], [sflag:$0x4], $0x80, v11, vm0, $0xb8;
	[tilespmem:$0x1A500] =	vst v63  }
0x1f1: {  	_ = 	snop  }
0x1f2: {  	[hbm4b:s17+s2] =	stream.indirect_vreg.scatter [tilespmem:s4], [sflag:$0x4], $0x80, v11, vm0, $0xb8;
	[tilespmem:$0x1A500] =	vst v63  }
0x1f3: {  	_ = 	snop  }
0x1f4: {  	[hbm4b:s18+s2] =	stream.indirect_vreg.scatter [tilespmem:s5], [sflag:$0x4], $0x80, v11, vm0, $0xb8;
	[tilespmem:$0x1A500] =	vst v63  }
0x1f5: {  	v11 =	vld [tilespmem:$0x1A190];
	_ =	sdelay $0x4  }
0x1f6: {  	v53 =	vshrl.u32 v11, $0x3  }
0x1f7: {  	v12 =	vmul.u32 $0x30, v53  }
0x1f8: {  	v11 =	vand.u32 $0x7, v11  }
0x1f9: {  	v11 =	vor.u32 v11, v12  }
0x1fa: {  	v12 =	vperm.xlane v11, v8;
	_ =	sdelay $0x1  }
0x1fb: {  	v12 =	vadd.s32 v9, v12;
	_ =	sdelay $0x3  }
0x1fc: {  	v11 =	vperm.xlane v11, v10  }
0x1fd: {  	[hbm4b:s3+s2] =	stream.indirect_vreg.scatter [tilespmem:s6], [sflag:$0x4], $0x80, v12, vm0, $0xb8;
	[tilespmem:$0x1A500] =	vst v63  }
0x1fe: {  	v11 =	vadd.s32 v9, v11  }
0x1ff: {  	[hbm4b:s17+s2] =	stream.indirect_vreg.scatter [tilespmem:s7], [sflag:$0x4], $0x80, v12, vm0, $0xb8;
	[tilespmem:$0x1A500] =	vst v63  }
0x200: {  	_ = 	snop  }
0x201: {  	[hbm4b:s18+s2] =	stream.indirect_vreg.scatter [tilespmem:s8], [sflag:$0x4], $0x80, v12, vm0, $0xb8;
	[tilespmem:$0x1A500] =	vst v63  }
0x202: {  	_ = 	snop  }
0x203: {  	[hbm4b:s3+s2] =	stream.indirect_vreg.scatter [tilespmem:s9], [sflag:$0x4], $0x80, v11, vm0, $0xb8;
	[tilespmem:$0x1A500] =	vst v63  }
0x204: {  	_ = 	snop  }
0x205: {  	[hbm4b:s17+s2] =	stream.indirect_vreg.scatter [tilespmem:s10], [sflag:$0x4], $0x80, v11, vm0, $0xb8;
	[tilespmem:$0x1A500] =	vst v63  }
0x206: {  	_ = 	snop  }
0x207: {  	[hbm4b:s18+s2] =	stream.indirect_vreg.scatter [tilespmem:s11], [sflag:$0x4], $0x80, v11, vm0, $0xb8;
	[tilespmem:$0x1A500] =	vst v63  }
0x208: {  	v11 =	vld [tilespmem:$0x1A1A0];
	_ =	sdelay $0x4  }
0x209: {  	v54 =	vshrl.u32 v11, $0x3  }
0x20a: {  	v12 =	vmul.u32 $0x30, v54  }
0x20b: {  	v11 =	vand.u32 $0x7, v11  }
0x20c: {  	v11 =	vor.u32 v11, v12  }
0x20d: {  	v12 =	vperm.xlane v11, v8;
	_ =	sdelay $0x1  }
0x20e: {  	v12 =	vadd.s32 v9, v12;
	_ =	sdelay $0x3  }
0x20f: {  	v11 =	vperm.xlane v11, v10  }
0x210: {  	[hbm4b:s3+s2] =	stream.indirect_vreg.scatter [tilespmem:s12], [sflag:$0x4], $0x80, v12, vm0, $0xb8;
	[tilespmem:$0x1A500] =	vst v63  }
0x211: {  	v11 =	vadd.s32 v9, v11  }
0x212: {  	[hbm4b:s17+s2] =	stream.indirect_vreg.scatter [tilespmem:s13], [sflag:$0x4], $0x80, v12, vm0, $0xb8;
	[tilespmem:$0x1A500] =	vst v63  }
0x213: {  	_ = 	snop  }
0x214: {  	[hbm4b:s18+s2] =	stream.indirect_vreg.scatter [tilespmem:s14], [sflag:$0x4], $0x80, v12, vm0, $0xb8;
	[tilespmem:$0x1A500] =	vst v63  }
0x215: {  	_ = 	snop  }
0x216: {  	[hbm4b:s3+s2] =	stream.indirect_vreg.scatter [tilespmem:s15], [sflag:$0x4], $0x80, v11, vm0, $0xb8;
	[tilespmem:$0x1A500] =	vst v63  }
0x217: {  	_ = 	snop  }
0x218: {  	[hbm4b:s17+s2] =	stream.indirect_vreg.scatter [tilespmem:s16], [sflag:$0x4], $0x80, v11, vm0, $0xb8;
	[tilespmem:$0x1A500] =	vst v63  }
0x219: {  	_ = 	snop  }
0x21a: {  	[hbm4b:s18+s2] =	stream.indirect_vreg.scatter [tilespmem:s19], [sflag:$0x4], $0x80, v11, vm0, $0xb8;
	[tilespmem:$0x1A500] =	vst v63  }
0x21b: {  	v11 =	vld [tilespmem:$0x1A1B0];
	_ =	sdelay $0x4  }
0x21c: {  	v55 =	vshrl.u32 v11, $0x3  }
0x21d: {  	v12 =	vmul.u32 $0x30, v55  }
0x21e: {  	v11 =	vand.u32 $0x7, v11  }
0x21f: {  	v11 =	vor.u32 v11, v12  }
0x220: {  	v12 =	vperm.xlane v11, v8;
	_ =	sdelay $0x1  }
0x221: {  	v12 =	vadd.s32 v9, v12;
	_ =	sdelay $0x3  }
0x222: {  	v11 =	vperm.xlane v11, v10  }
0x223: {  	[hbm4b:s3+s2] =	stream.indirect_vreg.scatter [tilespmem:s20], [sflag:$0x4], $0x80, v12, vm0, $0xb8;
	[tilespmem:$0x1A500] =	vst v63  }
0x224: {  	v11 =	vadd.s32 v9, v11  }
0x225: {  	[hbm4b:s17+s2] =	stream.indirect_vreg.scatter [tilespmem:s21], [sflag:$0x4], $0x80, v12, vm0, $0xb8;
	[tilespmem:$0x1A500] =	vst v63  }
0x226: {  	_ = 	snop  }
0x227: {  	[hbm4b:s18+s2] =	stream.indirect_vreg.scatter [tilespmem:s22], [sflag:$0x4], $0x80, v12, vm0, $0xb8;
	[tilespmem:$0x1A500] =	vst v63  }
0x228: {  	_ = 	snop  }
0x229: {  	[hbm4b:s3+s2] =	stream.indirect_vreg.scatter [tilespmem:s23], [sflag:$0x4], $0x80, v11, vm0, $0xb8;
	[tilespmem:$0x1A500] =	vst v63  }
0x22a: {  	_ = 	snop  }
0x22b: {  	[hbm4b:s17+s2] =	stream.indirect_vreg.scatter [tilespmem:s31], [sflag:$0x4], $0x80, v11, vm0, $0xb8;
	[tilespmem:$0x1A500] =	vst v63  }
0x22c: {  	_ = 	snop  }
0x22d: {  	[hbm4b:s18+s2] =	stream.indirect_vreg.scatter [tilespmem:s30], [sflag:$0x4], $0x80, v11, vm0, $0xb8;
	[tilespmem:$0x1A500] =	vst v63  }
0x22e: {  	s30 =	simm.s32 $0x3  }
0x22f: {  	_ =	swait.ge [sflag:s30], $0xC000  }
0x230: {  	[sflag:s30] =	ssyncset.done $0x0  }
0x231: {  	[sflag:s30] =	ssyncadd.s32 $0xFFFF4000  }
0x232: {  	_ =	swait.ge [sflag:s30], $0xC000  }
0x233: {  	[sflag:s30] =	ssyncset.done $0x0  }
0x234: {  	s29 =	simm.s32 $0x1;
	s24 =	rddreg [dreg:$0xf];
	[sflag:s30] =	ssyncadd.s32 $0xFFFF4000  }
0x235: {  	[tilespmem:s2], [sflag:$0x1] =	stream.linear.gather [hbm4b:s24+s2], $0xC000, $0x38;
	[tilespmem:$0x1A500] =	vst v63  }
0x236: {  	_ =	swait.ge [sflag:s29], $0xC000  }
0x237: {  	[sflag:s29] =	ssyncset.done $0x0  }
0x238: {  	[sflag:s29] =	ssyncadd.s32 $0xFFFF4000  }
0x239: {  	v11 =	vld [tilespmem:$0x1A200];
	_ =	sdelay $0x4  }
0x23a: {  	v56 =	vshrl.u32 v11, $0x3  }
0x23b: {  	v12 =	vmul.u32 $0x30, v56  }
0x23c: {  	v11 =	vand.u32 $0x7, v11  }
0x23d: {  	v11 =	vor.u32 v11, v12  }
0x23e: {  	v12 =	vperm.xlane v11, v8;
	_ =	sdelay $0x1  }
0x23f: {  	v12 =	vadd.s32 v9, v12;
	_ =	sdelay $0x3  }
0x240: {  	v11 =	vperm.xlane v11, v10  }
0x241: {  	[hbm4b:s3+s2] =	stream.indirect_vreg.scatter [tilespmem:s2], [sflag:$0x3], $0x80, v12, vm0, $0xb8;
	[tilespmem:$0x1A500] =	vst v63  }
0x242: {  	s0 =	simm.s32 $0x800;
	v11 =	vadd.s32 v9, v11  }
0x243: {  	[hbm4b:s17+s2] =	stream.indirect_vreg.scatter [tilespmem:s0], [sflag:$0x3], $0x80, v12, vm0, $0xb8;
	[tilespmem:$0x1A500] =	vst v63  }
0x244: {  	s1 =	simm.s32 $0x1000  }
0x245: {  	[hbm4b:s18+s2] =	stream.indirect_vreg.scatter [tilespmem:s1], [sflag:$0x3], $0x80, v12, vm0, $0xb8;
	[tilespmem:$0x1A500] =	vst v63  }
0x246: {  	s4 =	simm.s32 $0x1800  }
0x247: {  	[hbm4b:s3+s2] =	stream.indirect_vreg.scatter [tilespmem:s4], [sflag:$0x3], $0x80, v11, vm0, $0xb8;
	[tilespmem:$0x1A500] =	vst v63  }
0x248: {  	s5 =	simm.s32 $0x2000  }
0x249: {  	[hbm4b:s17+s2] =	stream.indirect_vreg.scatter [tilespmem:s5], [sflag:$0x3], $0x80, v11, vm0, $0xb8;
	[tilespmem:$0x1A500] =	vst v63  }
0x24a: {  	s20 =	simm.s32 $0x2800  }
0x24b: {  	[hbm4b:s18+s2] =	stream.indirect_vreg.scatter [tilespmem:s20], [sflag:$0x3], $0x80, v11, vm0, $0xb8;
	[tilespmem:$0x1A500] =	vst v63  }
0x24c: {  	v11 =	vld [tilespmem:$0x1A210];
	_ =	sdelay $0x4  }
0x24d: {  	v57 =	vshrl.u32 v11, $0x3  }
0x24e: {  	v12 =	vmul.u32 $0x30, v57  }
0x24f: {  	v11 =	vand.u32 $0x7, v11  }
0x250: {  	v11 =	vor.u32 v11, v12  }
0x251: {  	v12 =	vperm.xlane v11, v8;
	_ =	sdelay $0x1  }
0x252: {  	v12 =	vadd.s32 v9, v12;
	_ =	sdelay $0x3  }
0x253: {  	s21 =	simm.s32 $0x3000;
	v11 =	vperm.xlane v11, v10  }
0x254: {  	[hbm4b:s3+s2] =	stream.indirect_vreg.scatter [tilespmem:s21], [sflag:$0x3], $0x80, v12, vm0, $0xb8;
	[tilespmem:$0x1A500] =	vst v63  }
0x255: {  	s6 =	simm.s32 $0x3800;
	v11 =	vadd.s32 v9, v11  }
0x256: {  	[hbm4b:s17+s2] =	stream.indirect_vreg.scatter [tilespmem:s6], [sflag:$0x3], $0x80, v12, vm0, $0xb8;
	[tilespmem:$0x1A500] =	vst v63  }
0x257: {  	s7 =	simm.s32 $0x4000  }
0x258: {  	[hbm4b:s18+s2] =	stream.indirect_vreg.scatter [tilespmem:s7], [sflag:$0x3], $0x80, v12, vm0, $0xb8;
	[tilespmem:$0x1A500] =	vst v63  }
0x259: {  	s8 =	simm.s32 $0x4800  }
0x25a: {  	[hbm4b:s3+s2] =	stream.indirect_vreg.scatter [tilespmem:s8], [sflag:$0x3], $0x80, v11, vm0, $0xb8;
	[tilespmem:$0x1A500] =	vst v63  }
0x25b: {  	s9 =	simm.s32 $0x5000  }
0x25c: {  	[hbm4b:s17+s2] =	stream.indirect_vreg.scatter [tilespmem:s9], [sflag:$0x3], $0x80, v11, vm0, $0xb8;
	[tilespmem:$0x1A500] =	vst v63  }
0x25d: {  	s22 =	simm.s32 $0x5800  }
0x25e: {  	[hbm4b:s18+s2] =	stream.indirect_vreg.scatter [tilespmem:s22], [sflag:$0x3], $0x80, v11, vm0, $0xb8;
	[tilespmem:$0x1A500] =	vst v63  }
0x25f: {  	v11 =	vld [tilespmem:$0x1A220];
	_ =	sdelay $0x4  }
0x260: {  	v58 =	vshrl.u32 v11, $0x3  }
0x261: {  	v12 =	vmul.u32 $0x30, v58  }
0x262: {  	v11 =	vand.u32 $0x7, v11  }
0x263: {  	v11 =	vor.u32 v11, v12  }
0x264: {  	v12 =	vperm.xlane v11, v8;
	_ =	sdelay $0x1  }
0x265: {  	v12 =	vadd.s32 v9, v12;
	_ =	sdelay $0x3  }
0x266: {  	s23 =	simm.s32 $0x6000;
	v11 =	vperm.xlane v11, v10  }
0x267: {  	[hbm4b:s3+s2] =	stream.indirect_vreg.scatter [tilespmem:s23], [sflag:$0x3], $0x80, v12, vm0, $0xb8;
	[tilespmem:$0x1A500] =	vst v63  }
0x268: {  	s10 =	simm.s32 $0x6800;
	v11 =	vadd.s32 v9, v11  }
0x269: {  	[hbm4b:s17+s2] =	stream.indirect_vreg.scatter [tilespmem:s10], [sflag:$0x3], $0x80, v12, vm0, $0xb8;
	[tilespmem:$0x1A500] =	vst v63  }
0x26a: {  	s11 =	simm.s32 $0x7000  }
0x26b: {  	[hbm4b:s18+s2] =	stream.indirect_vreg.scatter [tilespmem:s11], [sflag:$0x3], $0x80, v12, vm0, $0xb8;
	[tilespmem:$0x1A500] =	vst v63  }
0x26c: {  	s12 =	simm.s32 $0x7800  }
0x26d: {  	[hbm4b:s3+s2] =	stream.indirect_vreg.scatter [tilespmem:s12], [sflag:$0x3], $0x80, v11, vm0, $0xb8;
	[tilespmem:$0x1A500] =	vst v63  }
0x26e: {  	s13 =	simm.s32 $0x8000  }
0x26f: {  	[hbm4b:s17+s2] =	stream.indirect_vreg.scatter [tilespmem:s13], [sflag:$0x3], $0x80, v11, vm0, $0xb8;
	[tilespmem:$0x1A500] =	vst v63  }
0x270: {  	s24 =	simm.s32 $0x8800  }
0x271: {  	[hbm4b:s18+s2] =	stream.indirect_vreg.scatter [tilespmem:s24], [sflag:$0x3], $0x80, v11, vm0, $0xb8;
	[tilespmem:$0x1A500] =	vst v63  }
0x272: {  	v11 =	vld [tilespmem:$0x1A230];
	_ =	sdelay $0x4  }
0x273: {  	v59 =	vshrl.u32 v11, $0x3  }
0x274: {  	v12 =	vmul.u32 $0x30, v59  }
0x275: {  	v11 =	vand.u32 $0x7, v11  }
0x276: {  	v11 =	vor.u32 v11, v12  }
0x277: {  	v12 =	vperm.xlane v11, v8;
	_ =	sdelay $0x1  }
0x278: {  	v12 =	vadd.s32 v9, v12;
	_ =	sdelay $0x3  }
0x279: {  	s29 =	simm.s32 $0x9000;
	v11 =	vperm.xlane v11, v10  }
0x27a: {  	[hbm4b:s3+s2] =	stream.indirect_vreg.scatter [tilespmem:s29], [sflag:$0x3], $0x80, v12, vm0, $0xb8;
	[tilespmem:$0x1A500] =	vst v63  }
0x27b: {  	s14 =	simm.s32 $0x9800;
	v11 =	vadd.s32 v9, v11  }
0x27c: {  	[hbm4b:s17+s2] =	stream.indirect_vreg.scatter [tilespmem:s14], [sflag:$0x3], $0x80, v12, vm0, $0xb8;
	[tilespmem:$0x1A500] =	vst v63  }
0x27d: {  	s15 =	simm.s32 $0xA000  }
0x27e: {  	[hbm4b:s18+s2] =	stream.indirect_vreg.scatter [tilespmem:s15], [sflag:$0x3], $0x80, v12, vm0, $0xb8;
	[tilespmem:$0x1A500] =	vst v63  }
0x27f: {  	s16 =	simm.s32 $0xA800  }
0x280: {  	[hbm4b:s3+s2] =	stream.indirect_vreg.scatter [tilespmem:s16], [sflag:$0x3], $0x80, v11, vm0, $0xb8;
	[tilespmem:$0x1A500] =	vst v63  }
0x281: {  	s19 =	simm.s32 $0xB000  }
0x282: {  	[hbm4b:s17+s2] =	stream.indirect_vreg.scatter [tilespmem:s19], [sflag:$0x3], $0x80, v11, vm0, $0xb8;
	[tilespmem:$0x1A500] =	vst v63  }
0x283: {  	s31 =	simm.s32 $0xB800  }
0x284: {  	[hbm4b:s18+s2] =	stream.indirect_vreg.scatter [tilespmem:s31], [sflag:$0x3], $0x80, v11, vm0, $0xb8;
	[tilespmem:$0x1A500] =	vst v63  }
0x285: {  	v11 =	vld [tilespmem:$0x1A280];
	_ =	sdelay $0x4  }
0x286: {  	v60 =	vshrl.u32 v11, $0x3  }
0x287: {  	v12 =	vmul.u32 $0x30, v60  }
0x288: {  	v11 =	vand.u32 $0x7, v11  }
0x289: {  	v11 =	vor.u32 v11, v12  }
0x28a: {  	v12 =	vperm.xlane v11, v8;
	_ =	sdelay $0x1  }
0x28b: {  	v12 =	vadd.s32 v9, v12;
	_ =	sdelay $0x3  }
0x28c: {  	v11 =	vperm.xlane v11, v10  }
0x28d: {  	[hbm4b:s3+s2] =	stream.indirect_vreg.scatter [tilespmem:s2], [sflag:$0x3], $0x80, v12, vm0, $0xb8;
	[tilespmem:$0x1A500] =	vst v63  }
0x28e: {  	v11 =	vadd.s32 v9, v11  }
0x28f: {  	[hbm4b:s17+s2] =	stream.indirect_vreg.scatter [tilespmem:s0], [sflag:$0x3], $0x80, v12, vm0, $0xb8;
	[tilespmem:$0x1A500] =	vst v63  }
0x290: {  	_ = 	snop  }
0x291: {  	[hbm4b:s18+s2] =	stream.indirect_vreg.scatter [tilespmem:s1], [sflag:$0x3], $0x80, v12, vm0, $0xb8;
	[tilespmem:$0x1A500] =	vst v63  }
0x292: {  	_ = 	snop  }
0x293: {  	[hbm4b:s3+s2] =	stream.indirect_vreg.scatter [tilespmem:s4], [sflag:$0x3], $0x80, v11, vm0, $0xb8;
	[tilespmem:$0x1A500] =	vst v63  }
0x294: {  	_ = 	snop  }
0x295: {  	[hbm4b:s17+s2] =	stream.indirect_vreg.scatter [tilespmem:s5], [sflag:$0x3], $0x80, v11, vm0, $0xb8;
	[tilespmem:$0x1A500] =	vst v63  }
0x296: {  	_ = 	snop  }
0x297: {  	[hbm4b:s18+s2] =	stream.indirect_vreg.scatter [tilespmem:s20], [sflag:$0x3], $0x80, v11, vm0, $0xb8;
	[tilespmem:$0x1A500] =	vst v63  }
0x298: {  	v11 =	vld [tilespmem:$0x1A290];
	_ =	sdelay $0x4  }
0x299: {  	v61 =	vshrl.u32 v11, $0x3  }
0x29a: {  	v12 =	vmul.u32 $0x30, v61  }
0x29b: {  	v11 =	vand.u32 $0x7, v11  }
0x29c: {  	v11 =	vor.u32 v11, v12  }
0x29d: {  	v12 =	vperm.xlane v11, v8;
	_ =	sdelay $0x1  }
0x29e: {  	v12 =	vadd.s32 v9, v12;
	_ =	sdelay $0x3  }
0x29f: {  	v11 =	vperm.xlane v11, v10  }
0x2a0: {  	[hbm4b:s3+s2] =	stream.indirect_vreg.scatter [tilespmem:s21], [sflag:$0x3], $0x80, v12, vm0, $0xb8;
	[tilespmem:$0x1A500] =	vst v63  }
0x2a1: {  	v11 =	vadd.s32 v9, v11  }
0x2a2: {  	[hbm4b:s17+s2] =	stream.indirect_vreg.scatter [tilespmem:s6], [sflag:$0x3], $0x80, v12, vm0, $0xb8;
	[tilespmem:$0x1A500] =	vst v63  }
0x2a3: {  	_ = 	snop  }
0x2a4: {  	[hbm4b:s18+s2] =	stream.indirect_vreg.scatter [tilespmem:s7], [sflag:$0x3], $0x80, v12, vm0, $0xb8;
	[tilespmem:$0x1A500] =	vst v63  }
0x2a5: {  	_ = 	snop  }
0x2a6: {  	[hbm4b:s3+s2] =	stream.indirect_vreg.scatter [tilespmem:s8], [sflag:$0x3], $0x80, v11, vm0, $0xb8;
	[tilespmem:$0x1A500] =	vst v63  }
0x2a7: {  	_ = 	snop  }
0x2a8: {  	[hbm4b:s17+s2] =	stream.indirect_vreg.scatter [tilespmem:s9], [sflag:$0x3], $0x80, v11, vm0, $0xb8;
	[tilespmem:$0x1A500] =	vst v63  }
0x2a9: {  	_ = 	snop  }
0x2aa: {  	[hbm4b:s18+s2] =	stream.indirect_vreg.scatter [tilespmem:s22], [sflag:$0x3], $0x80, v11, vm0, $0xb8;
	[tilespmem:$0x1A500] =	vst v63  }
0x2ab: {  	v11 =	vld [tilespmem:$0x1A2A0];
	_ =	sdelay $0x4  }
0x2ac: {  	v62 =	vshrl.u32 v11, $0x3  }
0x2ad: {  	v12 =	vmul.u32 $0x30, v62  }
0x2ae: {  	v11 =	vand.u32 $0x7, v11  }
0x2af: {  	v11 =	vor.u32 v11, v12  }
0x2b0: {  	v12 =	vperm.xlane v11, v8;
	_ =	sdelay $0x1  }
0x2b1: {  	v12 =	vadd.s32 v9, v12;
	_ =	sdelay $0x3  }
0x2b2: {  	v11 =	vperm.xlane v11, v10  }
0x2b3: {  	[hbm4b:s3+s2] =	stream.indirect_vreg.scatter [tilespmem:s23], [sflag:$0x3], $0x80, v12, vm0, $0xb8;
	[tilespmem:$0x1A500] =	vst v63  }
0x2b4: {  	v11 =	vadd.s32 v9, v11  }
0x2b5: {  	[hbm4b:s17+s2] =	stream.indirect_vreg.scatter [tilespmem:s10], [sflag:$0x3], $0x80, v12, vm0, $0xb8;
	[tilespmem:$0x1A500] =	vst v63  }
0x2b6: {  	_ = 	snop  }
0x2b7: {  	[hbm4b:s18+s2] =	stream.indirect_vreg.scatter [tilespmem:s11], [sflag:$0x3], $0x80, v12, vm0, $0xb8;
	[tilespmem:$0x1A500] =	vst v63  }
0x2b8: {  	_ = 	snop  }
0x2b9: {  	[hbm4b:s3+s2] =	stream.indirect_vreg.scatter [tilespmem:s12], [sflag:$0x3], $0x80, v11, vm0, $0xb8;
	[tilespmem:$0x1A500] =	vst v63  }
0x2ba: {  	_ = 	snop  }
0x2bb: {  	[hbm4b:s17+s2] =	stream.indirect_vreg.scatter [tilespmem:s13], [sflag:$0x3], $0x80, v11, vm0, $0xb8;
	[tilespmem:$0x1A500] =	vst v63  }
0x2bc: {  	_ = 	snop  }
0x2bd: {  	[hbm4b:s18+s2] =	stream.indirect_vreg.scatter [tilespmem:s24], [sflag:$0x3], $0x80, v11, vm0, $0xb8;
	[tilespmem:$0x1A500] =	vst v63  }
0x2be: {  	v11 =	vld [tilespmem:$0x1A2B0];
	_ =	sdelay $0x4  }
0x2bf: {  	v63 =	vshrl.u32 v11, $0x3  }
0x2c0: {  	v12 =	vmul.u32 $0x30, v63  }
0x2c1: {  	v11 =	vand.u32 $0x7, v11  }
0x2c2: {  	v11 =	vor.u32 v11, v12  }
0x2c3: {  	v12 =	vperm.xlane v11, v8;
	_ =	sdelay $0x1  }
0x2c4: {  	v12 =	vadd.s32 v9, v12;
	_ =	sdelay $0x3  }
0x2c5: {  	v11 =	vperm.xlane v11, v10  }
0x2c6: {  	[hbm4b:s3+s2] =	stream.indirect_vreg.scatter [tilespmem:s29], [sflag:$0x3], $0x80, v12, vm0, $0xb8;
	[tilespmem:$0x1A500] =	vst v63  }
0x2c7: {  	v11 =	vadd.s32 v9, v11  }
0x2c8: {  	[hbm4b:s17+s2] =	stream.indirect_vreg.scatter [tilespmem:s14], [sflag:$0x3], $0x80, v12, vm0, $0xb8;
	[tilespmem:$0x1A500] =	vst v63  }
0x2c9: {  	_ = 	snop  }
0x2ca: {  	[hbm4b:s18+s2] =	stream.indirect_vreg.scatter [tilespmem:s15], [sflag:$0x3], $0x80, v12, vm0, $0xb8;
	[tilespmem:$0x1A500] =	vst v63  }
0x2cb: {  	_ = 	snop  }
0x2cc: {  	[hbm4b:s3+s2] =	stream.indirect_vreg.scatter [tilespmem:s16], [sflag:$0x3], $0x80, v11, vm0, $0xb8;
	[tilespmem:$0x1A500] =	vst v63  }
0x2cd: {  	_ = 	snop  }
0x2ce: {  	[hbm4b:s17+s2] =	stream.indirect_vreg.scatter [tilespmem:s19], [sflag:$0x3], $0x80, v11, vm0, $0xb8;
	[tilespmem:$0x1A500] =	vst v63  }
0x2cf: {  	_ = 	snop  }
0x2d0: {  	[hbm4b:s18+s2] =	stream.indirect_vreg.scatter [tilespmem:s31], [sflag:$0x3], $0x80, v11, vm0, $0xb8;
	[tilespmem:$0x1A500] =	vst v63  }
0x2d1: {  	s31 =	simm.s32 $0x4  }
0x2d2: {  	_ =	swait.ge [sflag:s31], $0xC000  }
.Ltmp2:
0x2d3: {  	[sflag:s31] =	ssyncset.done $0x0;
	(pc) =	sbr.rel @p0 .LBB2_3-.Ltmp2, $4  }
0x2d4: {  	[sflag:s31] =	ssyncadd.s32 $0xFFFF4000  }
0x2d5: {  	_ =	swait.ge [sflag:s31], $0xC000  }
0x2d6: {  	[sflag:s31] =	ssyncset.done $0x0  }
0x2d7: {  	[sflag:s31] =	ssyncadd.s32 $0xFFFF4000  }
0x2d8: {  	s29 =	rddreg [dreg:$0x10];
	s0 =	simm.s32 $0xC000  }
0x2d9: {  	[tilespmem:s0], [sflag:$0x5] =	stream.linear.gather [hbm4b:s29+s2], $0xC000, $0x38;
	[tilespmem:$0x1A500] =	vst v63  }
0x2da: {  	_ =	swait.ge [sflag:s25], $0xC000  }
0x2db: {  	[sflag:s25] =	ssyncset.done $0x0  }
0x2dc: {  	s20 =	rddreg [dreg:$0x11];
	[sflag:s25] =	ssyncadd.s32 $0xFFFF4000  }
0x2dd: {  	[tilespmem:s26], [sflag:$0x5] =	stream.linear.gather [hbm4b:s20+s2], $0x2000, $0x38;
	[tilespmem:$0x1A500] =	vst v63  }
0x2de: {  	_ =	swait.ge [sflag:s25], $0x2000  }
0x2df: {  	[sflag:s25] =	ssyncset.done $0x0  }
0x2e0: {  	[sflag:s25] =	ssyncadd.s32 $0xFFFFE000  }
0x2e1: {  	v11 =	vld.idx.msk [tilespmem:v0+s26+$0x0], $0xffff;
	_ =	sdelay $0x4  }
0x2e2: {  	v12 =	vand.u32 $0xF, v11;
	_ =	sdelay $0x4  }
0x2e3: {  	v12 =	vld.idx.msk [tilespmem:v12+s28+$0x0], $0xffff;
	_ =	sdelay $0x3  }
0x2e4: {  	v11 =	vshrl.u32 v11, $0x4  }
0x2e5: {  	v11 =	vadd.s32 v11, v12  }
0x2e6: {  	[tilespmem:$0x1A300] =	vst v11  }
0x2e7: {  	v11 =	vld.idx.msk [tilespmem:v1+s26+$0x0], $0xffff;
	_ =	sdelay $0x4  }
0x2e8: {  	v49 =	vand.u32 $0xF, v11;
	_ =	sdelay $0x4  }
0x2e9: {  	v12 =	vld.idx.msk [tilespmem:v49+s28+$0x0], $0xffff;
	_ =	sdelay $0x3  }
0x2ea: {  	v11 =	vshrl.u32 v11, $0x4  }
0x2eb: {  	v11 =	vadd.s32 v11, v12  }
0x2ec: {  	[tilespmem:$0x1A310] =	vst v11  }
0x2ed: {  	v11 =	vld.idx.msk [tilespmem:v2+s26+$0x0], $0xffff;
	_ =	sdelay $0x4  }
0x2ee: {  	v50 =	vand.u32 $0xF, v11;
	_ =	sdelay $0x4  }
0x2ef: {  	v12 =	vld.idx.msk [tilespmem:v50+s28+$0x0], $0xffff;
	_ =	sdelay $0x3  }
0x2f0: {  	v11 =	vshrl.u32 v11, $0x4  }
0x2f1: {  	v11 =	vadd.s32 v11, v12  }
0x2f2: {  	[tilespmem:$0x1A320] =	vst v11  }
0x2f3: {  	v11 =	vld.idx.msk [tilespmem:v3+s26+$0x0], $0xffff;
	_ =	sdelay $0x4  }
0x2f4: {  	v51 =	vand.u32 $0xF, v11;
	_ =	sdelay $0x4  }
0x2f5: {  	v12 =	vld.idx.msk [tilespmem:v51+s28+$0x0], $0xffff;
	_ =	sdelay $0x3  }
0x2f6: {  	v11 =	vshrl.u32 v11, $0x4  }
0x2f7: {  	v11 =	vadd.s32 v11, v12  }
0x2f8: {  	[tilespmem:$0x1A330] =	vst v11  }
0x2f9: {  	v11 =	vld.idx.msk [tilespmem:v4+s26+$0x0], $0xffff;
	_ =	sdelay $0x4  }
0x2fa: {  	v52 =	vand.u32 $0xF, v11  }
0x2fb: {  	v12 =	vor.u32 $0x80, v52;
	_ =	sdelay $0x4  }
0x2fc: {  	v12 =	vld.idx.msk [tilespmem:v12+s28+$0x0], $0xffff;
	_ =	sdelay $0x3  }
0x2fd: {  	v11 =	vshrl.u32 v11, $0x4  }
0x2fe: {  	v11 =	vadd.s32 v11, v12  }
0x2ff: {  	[tilespmem:$0x1A380] =	vst v11  }
0x300: {  	v11 =	vld.idx.msk [tilespmem:v5+s26+$0x0], $0xffff;
	_ =	sdelay $0x4  }
0x301: {  	v53 =	vand.u32 $0xF, v11  }
0x302: {  	v12 =	vor.u32 $0x80, v53;
	_ =	sdelay $0x4  }
0x303: {  	v12 =	vld.idx.msk [tilespmem:v12+s28+$0x0], $0xffff;
	_ =	sdelay $0x3  }
0x304: {  	v11 =	vshrl.u32 v11, $0x4  }
0x305: {  	v11 =	vadd.s32 v11, v12  }
0x306: {  	[tilespmem:$0x1A390] =	vst v11  }
0x307: {  	v11 =	vld.idx.msk [tilespmem:v6+s26+$0x0], $0xffff;
	_ =	sdelay $0x4  }
0x308: {  	v54 =	vand.u32 $0xF, v11  }
0x309: {  	v12 =	vor.u32 $0x80, v54;
	_ =	sdelay $0x4  }
0x30a: {  	v12 =	vld.idx.msk [tilespmem:v12+s28+$0x0], $0xffff;
	_ =	sdelay $0x3  }
0x30b: {  	v11 =	vshrl.u32 v11, $0x4  }
0x30c: {  	v11 =	vadd.s32 v11, v12  }
0x30d: {  	[tilespmem:$0x1A3A0] =	vst v11  }
0x30e: {  	v11 =	vld.idx.msk [tilespmem:v7+s26+$0x0], $0xffff;
	_ =	sdelay $0x4  }
0x30f: {  	v55 =	vand.u32 $0xF, v11  }
0x310: {  	v12 =	vor.u32 $0x80, v55;
	_ =	sdelay $0x4  }
0x311: {  	v12 =	vld.idx.msk [tilespmem:v12+s28+$0x0], $0xffff;
	_ =	sdelay $0x3  }
0x312: {  	v11 =	vshrl.u32 v11, $0x4  }
0x313: {  	v11 =	vadd.s32 v11, v12  }
0x314: {  	s22 =	simm.s32 $0x1A300;
	s21 =	rddreg [dreg:$0x12];
	[tilespmem:$0x1A3B0] =	vst v11  }
0x315: {  	[hbm4b:s21+s2] =	stream.linear.scatter [tilespmem:s22], [sflag:$0x5], $0x40, $0x38;
	[tilespmem:$0x1A500] =	vst v63  }
0x316: {  	_ =	swait.ge [sflag:s25], $0x40  }
0x317: {  	[sflag:s25] =	ssyncset.done $0x0  }
0x318: {  	s24 =	simm.s32 $0x1A380;
	s23 =	rddreg [dreg:$0x13];
	[sflag:s25] =	ssyncadd.s32 $0xFFFFFFC0  }
0x319: {  	[hbm4b:s23+s2] =	stream.linear.scatter [tilespmem:s24], [sflag:$0x5], $0x40, $0x38;
	[tilespmem:$0x1A500] =	vst v63  }
0x31a: {  	_ =	swait.ge [sflag:s25], $0x40  }
0x31b: {  	[sflag:s25] =	ssyncset.done $0x0  }
0x31c: {  	[sflag:s25] =	ssyncadd.s32 $0xFFFFFFC0  }
0x31d: {  	v11 =	vld [tilespmem:$0x1A300];
	_ =	sdelay $0x4  }
0x31e: {  	v56 =	vshrl.u32 v11, $0x3  }
0x31f: {  	v12 =	vmul.u32 $0x30, v56  }
0x320: {  	v11 =	vand.u32 $0x7, v11  }
0x321: {  	v11 =	vor.u32 v11, v12  }
0x322: {  	v12 =	vperm.xlane v11, v8;
	_ =	sdelay $0x1  }
0x323: {  	v12 =	vadd.s32 v9, v12;
	_ =	sdelay $0x3  }
0x324: {  	s1 =	simm.s32 $0xC000;
	v11 =	vperm.xlane v11, v10  }
0x325: {  	[hbm4b:s3+s2] =	stream.indirect_vreg.scatter [tilespmem:s1], [sflag:$0x5], $0x80, v12, vm0, $0xb8;
	[tilespmem:$0x1A500] =	vst v63  }
0x326: {  	v11 =	vadd.s32 v9, v11;
	s1 =	simm.s32 $0xC800  }
0x327: {  	[hbm4b:s17+s2] =	stream.indirect_vreg.scatter [tilespmem:s1], [sflag:$0x5], $0x80, v12, vm0, $0xb8;
	[tilespmem:$0x1A500] =	vst v63  }
0x328: {  	s4 =	simm.s32 $0xD000  }
0x329: {  	[hbm4b:s18+s2] =	stream.indirect_vreg.scatter [tilespmem:s4], [sflag:$0x5], $0x80, v12, vm0, $0xb8;
	[tilespmem:$0x1A500] =	vst v63  }
0x32a: {  	s5 =	simm.s32 $0xD800  }
0x32b: {  	[hbm4b:s3+s2] =	stream.indirect_vreg.scatter [tilespmem:s5], [sflag:$0x5], $0x80, v11, vm0, $0xb8;
	[tilespmem:$0x1A500] =	vst v63  }
0x32c: {  	s6 =	simm.s32 $0xE000  }
0x32d: {  	[hbm4b:s17+s2] =	stream.indirect_vreg.scatter [tilespmem:s6], [sflag:$0x5], $0x80, v11, vm0, $0xb8;
	[tilespmem:$0x1A500] =	vst v63  }
0x32e: {  	s7 =	simm.s32 $0xE800  }
0x32f: {  	[hbm4b:s18+s2] =	stream.indirect_vreg.scatter [tilespmem:s7], [sflag:$0x5], $0x80, v11, vm0, $0xb8;
	[tilespmem:$0x1A500] =	vst v63  }
0x330: {  	v11 =	vld [tilespmem:$0x1A310];
	_ =	sdelay $0x4  }
0x331: {  	v57 =	vshrl.u32 v11, $0x3  }
0x332: {  	v12 =	vmul.u32 $0x30, v57  }
0x333: {  	v11 =	vand.u32 $0x7, v11  }
0x334: {  	v11 =	vor.u32 v11, v12  }
0x335: {  	v12 =	vperm.xlane v11, v8;
	_ =	sdelay $0x1  }
0x336: {  	v12 =	vadd.s32 v9, v12;
	_ =	sdelay $0x3  }
0x337: {  	s8 =	simm.s32 $0xF000;
	v11 =	vperm.xlane v11, v10  }
0x338: {  	[hbm4b:s3+s2] =	stream.indirect_vreg.scatter [tilespmem:s8], [sflag:$0x5], $0x80, v12, vm0, $0xb8;
	[tilespmem:$0x1A500] =	vst v63  }
0x339: {  	s9 =	simm.s32 $0xF800;
	v11 =	vadd.s32 v9, v11  }
0x33a: {  	[hbm4b:s17+s2] =	stream.indirect_vreg.scatter [tilespmem:s9], [sflag:$0x5], $0x80, v12, vm0, $0xb8;
	[tilespmem:$0x1A500] =	vst v63  }
0x33b: {  	s10 =	simm.s32 $0x10000  }
0x33c: {  	[hbm4b:s18+s2] =	stream.indirect_vreg.scatter [tilespmem:s10], [sflag:$0x5], $0x80, v12, vm0, $0xb8;
	[tilespmem:$0x1A500] =	vst v63  }
0x33d: {  	s11 =	simm.s32 $0x10800  }
0x33e: {  	[hbm4b:s3+s2] =	stream.indirect_vreg.scatter [tilespmem:s11], [sflag:$0x5], $0x80, v11, vm0, $0xb8;
	[tilespmem:$0x1A500] =	vst v63  }
0x33f: {  	s12 =	simm.s32 $0x11000  }
0x340: {  	[hbm4b:s17+s2] =	stream.indirect_vreg.scatter [tilespmem:s12], [sflag:$0x5], $0x80, v11, vm0, $0xb8;
	[tilespmem:$0x1A500] =	vst v63  }
0x341: {  	s13 =	simm.s32 $0x11800  }
0x342: {  	[hbm4b:s18+s2] =	stream.indirect_vreg.scatter [tilespmem:s13], [sflag:$0x5], $0x80, v11, vm0, $0xb8;
	[tilespmem:$0x1A500] =	vst v63  }
0x343: {  	v11 =	vld [tilespmem:$0x1A320];
	_ =	sdelay $0x4  }
0x344: {  	v58 =	vshrl.u32 v11, $0x3  }
0x345: {  	v12 =	vmul.u32 $0x30, v58  }
0x346: {  	v11 =	vand.u32 $0x7, v11  }
0x347: {  	v11 =	vor.u32 v11, v12  }
0x348: {  	v12 =	vperm.xlane v11, v8;
	_ =	sdelay $0x1  }
0x349: {  	v12 =	vadd.s32 v9, v12;
	_ =	sdelay $0x3  }
0x34a: {  	s14 =	simm.s32 $0x12000;
	v11 =	vperm.xlane v11, v10  }
0x34b: {  	[hbm4b:s3+s2] =	stream.indirect_vreg.scatter [tilespmem:s14], [sflag:$0x5], $0x80, v12, vm0, $0xb8;
	[tilespmem:$0x1A500] =	vst v63  }
0x34c: {  	s15 =	simm.s32 $0x12800;
	v11 =	vadd.s32 v9, v11  }
0x34d: {  	[hbm4b:s17+s2] =	stream.indirect_vreg.scatter [tilespmem:s15], [sflag:$0x5], $0x80, v12, vm0, $0xb8;
	[tilespmem:$0x1A500] =	vst v63  }
0x34e: {  	s16 =	simm.s32 $0x13000  }
0x34f: {  	[hbm4b:s18+s2] =	stream.indirect_vreg.scatter [tilespmem:s16], [sflag:$0x5], $0x80, v12, vm0, $0xb8;
	[tilespmem:$0x1A500] =	vst v63  }
0x350: {  	s19 =	simm.s32 $0x13800  }
0x351: {  	[hbm4b:s3+s2] =	stream.indirect_vreg.scatter [tilespmem:s19], [sflag:$0x5], $0x80, v11, vm0, $0xb8;
	[tilespmem:$0x1A500] =	vst v63  }
0x352: {  	s20 =	simm.s32 $0x14000  }
0x353: {  	[hbm4b:s17+s2] =	stream.indirect_vreg.scatter [tilespmem:s20], [sflag:$0x5], $0x80, v11, vm0, $0xb8;
	[tilespmem:$0x1A500] =	vst v63  }
0x354: {  	s21 =	simm.s32 $0x14800  }
0x355: {  	[hbm4b:s18+s2] =	stream.indirect_vreg.scatter [tilespmem:s21], [sflag:$0x5], $0x80, v11, vm0, $0xb8;
	[tilespmem:$0x1A500] =	vst v63  }
0x356: {  	v11 =	vld [tilespmem:$0x1A330];
	_ =	sdelay $0x4  }
0x357: {  	v59 =	vshrl.u32 v11, $0x3  }
0x358: {  	v12 =	vmul.u32 $0x30, v59  }
0x359: {  	v11 =	vand.u32 $0x7, v11  }
0x35a: {  	v11 =	vor.u32 v11, v12  }
0x35b: {  	v12 =	vperm.xlane v11, v8;
	_ =	sdelay $0x1  }
0x35c: {  	v12 =	vadd.s32 v9, v12;
	_ =	sdelay $0x3  }
0x35d: {  	s22 =	simm.s32 $0x15000;
	v11 =	vperm.xlane v11, v10  }
0x35e: {  	[hbm4b:s3+s2] =	stream.indirect_vreg.scatter [tilespmem:s22], [sflag:$0x5], $0x80, v12, vm0, $0xb8;
	[tilespmem:$0x1A500] =	vst v63  }
0x35f: {  	s24 =	simm.s32 $0x15800;
	v11 =	vadd.s32 v9, v11  }
0x360: {  	[hbm4b:s17+s2] =	stream.indirect_vreg.scatter [tilespmem:s24], [sflag:$0x5], $0x80, v12, vm0, $0xb8;
	[tilespmem:$0x1A500] =	vst v63  }
0x361: {  	s29 =	simm.s32 $0x16000  }
0x362: {  	[hbm4b:s18+s2] =	stream.indirect_vreg.scatter [tilespmem:s29], [sflag:$0x5], $0x80, v12, vm0, $0xb8;
	[tilespmem:$0x1A500] =	vst v63  }
0x363: {  	s31 =	simm.s32 $0x16800  }
0x364: {  	[hbm4b:s3+s2] =	stream.indirect_vreg.scatter [tilespmem:s31], [sflag:$0x5], $0x80, v11, vm0, $0xb8;
	[tilespmem:$0x1A500] =	vst v63  }
0x365: {  	s23 =	simm.s32 $0x17000  }
0x366: {  	[hbm4b:s17+s2] =	stream.indirect_vreg.scatter [tilespmem:s23], [sflag:$0x5], $0x80, v11, vm0, $0xb8;
	[tilespmem:$0x1A500] =	vst v63  }
0x367: {  	s0 =	simm.s32 $0x17800  }
0x368: {  	[hbm4b:s18+s2] =	stream.indirect_vreg.scatter [tilespmem:s0], [sflag:$0x5], $0x80, v11, vm0, $0xb8;
	[tilespmem:$0x1A500] =	vst v63  }
0x369: {  	_ =	swait.ge [sflag:s25], $0xC000  }
0x36a: {  	[sflag:s25] =	ssyncset.done $0x0  }
0x36b: {  	[sflag:s25] =	ssyncadd.s32 $0xFFFF4000  }
0x36c: {  	v11 =	vld [tilespmem:$0x1A380];
	_ =	sdelay $0x4  }
0x36d: {  	v60 =	vshrl.u32 v11, $0x3  }
0x36e: {  	v12 =	vmul.u32 $0x30, v60  }
0x36f: {  	v11 =	vand.u32 $0x7, v11  }
0x370: {  	v11 =	vor.u32 v11, v12  }
0x371: {  	v12 =	vperm.xlane v11, v8;
	_ =	sdelay $0x1  }
0x372: {  	v12 =	vadd.s32 v9, v12;
	_ =	sdelay $0x3  }
0x373: {  	s0 =	simm.s32 $0xC000;
	v11 =	vperm.xlane v11, v10  }
0x374: {  	[hbm4b:s3+s2] =	stream.indirect_vreg.scatter [tilespmem:s0], [sflag:$0x5], $0x80, v12, vm0, $0xb8;
	[tilespmem:$0x1A500] =	vst v63  }
0x375: {  	v11 =	vadd.s32 v9, v11  }
0x376: {  	[hbm4b:s17+s2] =	stream.indirect_vreg.scatter [tilespmem:s1], [sflag:$0x5], $0x80, v12, vm0, $0xb8;
	[tilespmem:$0x1A500] =	vst v63  }
0x377: {  	_ = 	snop  }
0x378: {  	[hbm4b:s18+s2] =	stream.indirect_vreg.scatter [tilespmem:s4], [sflag:$0x5], $0x80, v12, vm0, $0xb8;
	[tilespmem:$0x1A500] =	vst v63  }
0x379: {  	_ = 	snop  }
0x37a: {  	[hbm4b:s3+s2] =	stream.indirect_vreg.scatter [tilespmem:s5], [sflag:$0x5], $0x80, v11, vm0, $0xb8;
	[tilespmem:$0x1A500] =	vst v63  }
0x37b: {  	_ = 	snop  }
0x37c: {  	[hbm4b:s17+s2] =	stream.indirect_vreg.scatter [tilespmem:s6], [sflag:$0x5], $0x80, v11, vm0, $0xb8;
	[tilespmem:$0x1A500] =	vst v63  }
0x37d: {  	_ = 	snop  }
0x37e: {  	[hbm4b:s18+s2] =	stream.indirect_vreg.scatter [tilespmem:s7], [sflag:$0x5], $0x80, v11, vm0, $0xb8;
	[tilespmem:$0x1A500] =	vst v63  }
0x37f: {  	v11 =	vld [tilespmem:$0x1A390];
	_ =	sdelay $0x4  }
0x380: {  	v61 =	vshrl.u32 v11, $0x3  }
0x381: {  	v12 =	vmul.u32 $0x30, v61  }
0x382: {  	v11 =	vand.u32 $0x7, v11  }
0x383: {  	v11 =	vor.u32 v11, v12  }
0x384: {  	v12 =	vperm.xlane v11, v8;
	_ =	sdelay $0x1  }
0x385: {  	v12 =	vadd.s32 v9, v12;
	_ =	sdelay $0x3  }
0x386: {  	v11 =	vperm.xlane v11, v10  }
0x387: {  	[hbm4b:s3+s2] =	stream.indirect_vreg.scatter [tilespmem:s8], [sflag:$0x5], $0x80, v12, vm0, $0xb8;
	[tilespmem:$0x1A500] =	vst v63  }
0x388: {  	v11 =	vadd.s32 v9, v11  }
0x389: {  	[hbm4b:s17+s2] =	stream.indirect_vreg.scatter [tilespmem:s9], [sflag:$0x5], $0x80, v12, vm0, $0xb8;
	[tilespmem:$0x1A500] =	vst v63  }
0x38a: {  	_ = 	snop  }
0x38b: {  	[hbm4b:s18+s2] =	stream.indirect_vreg.scatter [tilespmem:s10], [sflag:$0x5], $0x80, v12, vm0, $0xb8;
	[tilespmem:$0x1A500] =	vst v63  }
0x38c: {  	_ = 	snop  }
0x38d: {  	[hbm4b:s3+s2] =	stream.indirect_vreg.scatter [tilespmem:s11], [sflag:$0x5], $0x80, v11, vm0, $0xb8;
	[tilespmem:$0x1A500] =	vst v63  }
0x38e: {  	_ = 	snop  }
0x38f: {  	[hbm4b:s17+s2] =	stream.indirect_vreg.scatter [tilespmem:s12], [sflag:$0x5], $0x80, v11, vm0, $0xb8;
	[tilespmem:$0x1A500] =	vst v63  }
0x390: {  	_ = 	snop  }
0x391: {  	[hbm4b:s18+s2] =	stream.indirect_vreg.scatter [tilespmem:s13], [sflag:$0x5], $0x80, v11, vm0, $0xb8;
	[tilespmem:$0x1A500] =	vst v63  }
0x392: {  	v11 =	vld [tilespmem:$0x1A3A0];
	_ =	sdelay $0x4  }
0x393: {  	v62 =	vshrl.u32 v11, $0x3  }
0x394: {  	v12 =	vmul.u32 $0x30, v62  }
0x395: {  	v11 =	vand.u32 $0x7, v11  }
0x396: {  	v11 =	vor.u32 v11, v12  }
0x397: {  	v12 =	vperm.xlane v11, v8;
	_ =	sdelay $0x1  }
0x398: {  	v12 =	vadd.s32 v9, v12;
	_ =	sdelay $0x3  }
0x399: {  	v11 =	vperm.xlane v11, v10  }
0x39a: {  	[hbm4b:s3+s2] =	stream.indirect_vreg.scatter [tilespmem:s14], [sflag:$0x5], $0x80, v12, vm0, $0xb8;
	[tilespmem:$0x1A500] =	vst v63  }
0x39b: {  	v11 =	vadd.s32 v9, v11  }
0x39c: {  	[hbm4b:s17+s2] =	stream.indirect_vreg.scatter [tilespmem:s15], [sflag:$0x5], $0x80, v12, vm0, $0xb8;
	[tilespmem:$0x1A500] =	vst v63  }
0x39d: {  	_ = 	snop  }
0x39e: {  	[hbm4b:s18+s2] =	stream.indirect_vreg.scatter [tilespmem:s16], [sflag:$0x5], $0x80, v12, vm0, $0xb8;
	[tilespmem:$0x1A500] =	vst v63  }
0x39f: {  	_ = 	snop  }
0x3a0: {  	[hbm4b:s3+s2] =	stream.indirect_vreg.scatter [tilespmem:s19], [sflag:$0x5], $0x80, v11, vm0, $0xb8;
	[tilespmem:$0x1A500] =	vst v63  }
0x3a1: {  	_ = 	snop  }
0x3a2: {  	[hbm4b:s17+s2] =	stream.indirect_vreg.scatter [tilespmem:s20], [sflag:$0x5], $0x80, v11, vm0, $0xb8;
	[tilespmem:$0x1A500] =	vst v63  }
0x3a3: {  	_ = 	snop  }
0x3a4: {  	[hbm4b:s18+s2] =	stream.indirect_vreg.scatter [tilespmem:s21], [sflag:$0x5], $0x80, v11, vm0, $0xb8;
	[tilespmem:$0x1A500] =	vst v63  }
0x3a5: {  	v11 =	vld [tilespmem:$0x1A3B0];
	_ =	sdelay $0x4  }
0x3a6: {  	v63 =	vshrl.u32 v11, $0x3  }
0x3a7: {  	v12 =	vmul.u32 $0x30, v63  }
0x3a8: {  	v11 =	vand.u32 $0x7, v11  }
0x3a9: {  	v11 =	vor.u32 v11, v12  }
0x3aa: {  	v12 =	vperm.xlane v11, v8;
	_ =	sdelay $0x1  }
0x3ab: {  	v12 =	vadd.s32 v9, v12;
	_ =	sdelay $0x3  }
0x3ac: {  	v11 =	vperm.xlane v11, v10  }
0x3ad: {  	[hbm4b:s3+s2] =	stream.indirect_vreg.scatter [tilespmem:s22], [sflag:$0x5], $0x80, v12, vm0, $0xb8;
	[tilespmem:$0x1A500] =	vst v63  }
0x3ae: {  	v11 =	vadd.s32 v9, v11  }
0x3af: {  	[hbm4b:s17+s2] =	stream.indirect_vreg.scatter [tilespmem:s24], [sflag:$0x5], $0x80, v12, vm0, $0xb8;
	[tilespmem:$0x1A500] =	vst v63  }
0x3b0: {  	_ = 	snop  }
0x3b1: {  	[hbm4b:s18+s2] =	stream.indirect_vreg.scatter [tilespmem:s29], [sflag:$0x5], $0x80, v12, vm0, $0xb8;
	[tilespmem:$0x1A500] =	vst v63  }
0x3b2: {  	_ = 	snop  }
0x3b3: {  	[hbm4b:s3+s2] =	stream.indirect_vreg.scatter [tilespmem:s31], [sflag:$0x5], $0x80, v11, vm0, $0xb8;
	[tilespmem:$0x1A500] =	vst v63  }
0x3b4: {  	_ = 	snop  }
0x3b5: {  	[hbm4b:s17+s2] =	stream.indirect_vreg.scatter [tilespmem:s23], [sflag:$0x5], $0x80, v11, vm0, $0xb8;
	[tilespmem:$0x1A500] =	vst v63  }
.Ltmp3:
0x3b6: {  	s31 =	simm.s32 $0x17800;
	(pc) =	sbr.rel .LBB2_3-.Ltmp3, $4  }
0x3b7: {  	[hbm4b:s18+s2] =	stream.indirect_vreg.scatter [tilespmem:s31], [sflag:$0x5], $0x80, v11, vm0, $0xb8;
	[tilespmem:$0x1A500] =	vst v63  }
0x3b8: {  	_ =	swait.ge [sflag:s25], $0xC000  }
0x3b9: {  	[sflag:s25] =	ssyncset.done $0x0  }
0x3ba: {  	[sflag:s25] =	ssyncadd.s32 $0xFFFF4000  }
.LBB2_4:
0x3bb: {  	_ =	sfence.sel $0x180000  }
0x3bc: {  	[bflag:$0x0] =	sbarrier.arrive $0xFFFF  }
0x3bd: {  	_ =	strace $0x90000047  }
0x3be: {  	[bflag:$0x2] =	sbarrier.arrive $0xFFFF  }
0x3bf: {  	s0 =	rddreg [dreg:$0x3]  }
0x3c0: {  	s0 =	sadd.s32 @!p0 $0x100000, s0  }
0x3c1: {  	[sflag:s0] =	ssyncadd.tile.s32 @!p0 $0x1;
	_ =	shalt  }
.Lfunc_end2:
_tile_overlayer_lowered:
.L_overlay_start_2:
0x3c2: {  	(tag) =	ssettag $0x2  }
0x3c3: {  	s0 =	rddreg [dreg:$0x0];
	s2 =	stileid.u32  }
0x3c4: {  	s1 =	rddreg [dreg:$0x1];
	p0 =	sne.s32 s2, $0x0  }
0x3c5: {  	s3 =	rddreg [dreg:$0x2];
	[bflag:$0x3] =	sbarrier.arrive $0xFFFF;
	s2 =	simm.s32 @!p0 $0x1C05  }
0x3c6: {  	[timem:s3], [sflag:s2] =	dma.local @!p0 [hbm:s0], s1  }
0x3c7: {  	s0 =	simm.s32 @!p0 $0x5  }
0x3c8: {  	_ =	swait.ge @!p0 [sflag:s0], s1  }
0x3c9: {  	s1 =	ssub.s32 @!p0 $0x0, s1;
	[sflag:s0] =	ssyncset.done @!p0 $0x0  }
0x3ca: {  	[sflag:s0] =	ssyncadd.s32 @!p0 s1  }
0x3cb: {  	[bflag:$0x3] =	sbarrier.arrive $0xFFFF  }
0x3cc: {  	_ =	shalt  }

</sc_bundles>
